<compile_context>
chip_gen: v7x
topology: tpu7x:2x2x1
jax: 0.10.2.dev20260603
libtpu: 0.0.44.dev20260713+nightly
codegen_flags: <defaults>
</compile_context>

<pallas_src>
import functools

import jax
import jax.numpy as jnp
import numpy as np
from jax import lax
from jax.experimental import pallas as pl
from jax.experimental.pallas import tpu as pltpu
from jax.experimental.pallas import tpu_sc as plsc

N = 10000
E = 320000
NC = 2
NS = 16
NW = NC * NS
K = 128
NCH = 80
EP = NW * NCH * K
NBUF = 8
GA = 4
D1 = 64
D2 = 16

_mesh = plsc.VectorSubcoreMesh(core_axis_name="c", subcore_axis_name="s")

NP = 10240
_DUM2 = np.stack([
    np.arange(EP - E, dtype=np.int32) % N,
    N + np.arange(EP - E, dtype=np.int32) % (NP - N),
])


def _deg_call(ei4):

    @functools.partial(
        pl.kernel,
        out_type=jax.ShapeDtypeStruct((NC, NP), jnp.float32),
        mesh=_mesh,
        scratch_types=[
            pltpu.VMEM((NCH, K), jnp.int32),
            pltpu.VMEM((K,), jnp.float32),
            pltpu.VMEM((640,), jnp.float32),
            pltpu.VMEM_SHARED((NP,), jnp.float32),
            pltpu.SemaphoreType.DMA,
        ],
        compiler_params=pltpu.CompilerParams(use_tc_tiling_on_sc=False),
    )
    def k(ei_hbm, out_hbm, idx_v, ones_v, blk_v, acc_s, sem):
        c = lax.axis_index("c")
        s = lax.axis_index("s")
        wid = c * NS + s
        one16 = jnp.ones((16,), jnp.float32)
        zero16 = jnp.zeros((16,), jnp.float32)
        for i in range(K // 16):
            ones_v[pl.ds(i * 16, 16)] = one16
        for i in range(640 // 16):
            blk_v[pl.ds(i * 16, 16)] = zero16
        pltpu.sync_copy(blk_v, acc_s.at[pl.ds(s * 640, 640)])
        plsc.subcore_barrier()
        pltpu.sync_copy(ei_hbm.at[1, wid], idx_v)

        W = 8

        def body(j, carry):
            pltpu.async_copy(ones_v, acc_s.at[idx_v.at[j]], sem, add=True)

            @pl.when(j >= W)
            def _():
                pltpu.make_async_copy(ones_v, acc_s.at[idx_v.at[j - W]], sem).wait()

            return carry

        lax.fori_loop(0, NCH, body, 0)
        for t in range(W):
            pltpu.make_async_copy(ones_v, acc_s.at[idx_v.at[NCH - W + t]], sem).wait()
        plsc.subcore_barrier()
        pltpu.sync_copy(acc_s.at[pl.ds(s * 640, 640)], blk_v)
        pltpu.sync_copy(blk_v, out_hbm.at[c, pl.ds(s * 640, 640)])

    return k(ei4)


def _agg_call(y, ei4, dp):

    @functools.partial(
        pl.kernel,
        out_type=jax.ShapeDtypeStruct((NC, NP, 128), jnp.float32),
        mesh=_mesh,
        scratch_types=[
            pltpu.VMEM((NCH, K), jnp.int32),
            pltpu.VMEM((NCH, K), jnp.int32),
            [pltpu.VMEM((K, dp), jnp.float32) for _ in range(NBUF)],
            pltpu.VMEM_SHARED((NP, dp), jnp.float32),
            [pltpu.SemaphoreType.DMA for _ in range(NBUF)],
            [pltpu.SemaphoreType.DMA for _ in range(NBUF)],
        ],
        compiler_params=pltpu.CompilerParams(use_tc_tiling_on_sc=False),
    )
    def k(y_hbm, ei_hbm, out_hbm, si_v, di_v, rows, acc_s, gsem, ssem):
        blk_v = rows[0]
        c = lax.axis_index("c")
        s = lax.axis_index("s")
        wid = c * NS + s
        zero16 = jnp.zeros((16,), jnp.float32)

        def zbody(j, carry):
            for t in range(dp // 16):
                blk_v[j, pl.ds(t * 16, 16)] = zero16
            return carry

        lax.fori_loop(0, K, zbody, 0)
        r0 = s * 640
        for t in range(640 // K):
            pltpu.sync_copy(blk_v, acc_s.at[pl.ds(r0 + t * K, K)])
        plsc.subcore_barrier()

        pltpu.sync_copy(ei_hbm.at[0, wid], si_v)
        pltpu.sync_copy(ei_hbm.at[1, wid], di_v)

        def gstart(j, b):
            pltpu.async_copy(y_hbm.at[si_v.at[j]], rows[b], gsem[b])

        def gwait(j, b):
            pltpu.make_async_copy(y_hbm.at[si_v.at[j]], rows[b], gsem[b]).wait()

        def sstart(j, b):
            pltpu.async_copy(rows[b], acc_s.at[di_v.at[j]], ssem[b], add=True)

        def swait(j, b):
            pltpu.make_async_copy(rows[b], acc_s.at[di_v.at[j]], ssem[b]).wait()

        NR = NCH // NBUF
        for b in range(GA):
            gstart(b, b)

        def round_body(g, carry):
            j0 = g * NBUF
            for b in range(NBUF):
                j = j0 + b
                bp = (b + GA) % NBUF
                if b < NBUF - GA:
                    @pl.when(g >= 1)
                    def _():
                        swait(j + GA - NBUF, bp)

                    gstart(j + GA, bp)
                else:
                    @pl.when(g < NR - 1)
                    def _():
                        swait(j + GA - NBUF, bp)
                        gstart(j + GA, bp)

                gwait(j, b)
                sstart(j, b)
            return carry

        lax.fori_loop(0, NR, round_body, 0)
        for j in range(NCH - NBUF, NCH):
            swait(j, j % NBUF)
        plsc.subcore_barrier()

        for t in range(640 // K):
            pltpu.sync_copy(acc_s.at[pl.ds(r0 + t * K, K)], blk_v)
            pltpu.sync_copy(blk_v, out_hbm.at[c, pl.ds(r0 + t * K, K), pl.ds(0, dp)])

    return k(y, ei4)


BR = 2000


def _mm1_body(x_ref, w_ref, d0_ref, d1_ref, y_ref, dinv_ref):
    dinv = lax.rsqrt(d0_ref[...] + d1_ref[...] + 1.0)
    xw = jnp.dot(x_ref[...], w_ref[...], preferred_element_type=jnp.float32)
    y_ref[...] = xw * dinv
    dinv_ref[...] = dinv


def _mm1_call(x, w1p, d0, d1):
    return pl.pallas_call(
        _mm1_body,
        grid=(N // BR,),
        in_specs=[
            pl.BlockSpec((BR, 128), lambda i: (i, 0)),
            pl.BlockSpec((128, D1), lambda i: (0, 0)),
            pl.BlockSpec((BR, 1), lambda i: (i, 0)),
            pl.BlockSpec((BR, 1), lambda i: (i, 0)),
        ],
        out_specs=[
            pl.BlockSpec((BR, D1), lambda i: (i, 0)),
            pl.BlockSpec((BR, 1), lambda i: (i, 0)),
        ],
        out_shape=[
            jax.ShapeDtypeStruct((N, D1), jnp.float32),
            jax.ShapeDtypeStruct((N, 1), jnp.float32),
        ],
    )(x, w1p, d0, d1)


def _mid_body(acc_ref, y1_ref, dinv_ref, b1_ref, w2_ref, y2_ref):
    dinv = dinv_ref[...]
    acc = acc_ref[0][:, :D1] + acc_ref[1][:, :D1]
    pre = dinv * (acc + y1_ref[...]) + b1_ref[...]
    h = jnp.maximum(pre, 0.0)
    y2_ref[...] = dinv * jnp.dot(h, w2_ref[...], preferred_element_type=jnp.float32)


def _mid_call(acc1, y1, dinv, b1p, w2p):
    return pl.pallas_call(
        _mid_body,
        grid=(N // BR,),
        in_specs=[
            pl.BlockSpec((NC, BR, 128), lambda i: (0, i, 0)),
            pl.BlockSpec((BR, D1), lambda i: (i, 0)),
            pl.BlockSpec((BR, 1), lambda i: (i, 0)),
            pl.BlockSpec((1, D1), lambda i: (0, 0)),
            pl.BlockSpec((D1, D2), lambda i: (0, 0)),
        ],
        out_specs=pl.BlockSpec((BR, D2), lambda i: (i, 0)),
        out_shape=jax.ShapeDtypeStruct((N, D2), jnp.float32),
    )(acc1, y1, dinv, b1p, w2p)


def _fin_body(acc_ref, y2_ref, dinv_ref, b2_ref, z_ref):
    acc = acc_ref[0][:, :D2] + acc_ref[1][:, :D2]
    z = dinv_ref[...] * (acc + y2_ref[...]) + b2_ref[...]
    z_ref[...] = z[:, :10]


def _fin_call(acc2, y2, dinv, b2p):
    return pl.pallas_call(
        _fin_body,
        grid=(N // BR,),
        in_specs=[
            pl.BlockSpec((NC, BR, 128), lambda i: (0, i, 0)),
            pl.BlockSpec((BR, D2), lambda i: (i, 0)),
            pl.BlockSpec((BR, 1), lambda i: (i, 0)),
            pl.BlockSpec((1, D2), lambda i: (0, 0)),
        ],
        out_specs=pl.BlockSpec((BR, 10), lambda i: (i, 0)),
        out_shape=jax.ShapeDtypeStruct((N, 10), jnp.float32),
    )(acc2, y2, dinv, b2p)


def kernel(x, edge_index, W1, b1, W2, b2):
    ei4 = jnp.concatenate([edge_index, _DUM2], axis=1).reshape(2, NW, NCH, K)
    w1p = jnp.pad(W1, ((0, 0), (0, D1 - W1.shape[1])))
    b1p = jnp.pad(b1, (0, D1 - b1.shape[0])).reshape(1, D1)
    w2p = jnp.pad(W2, ((0, D1 - W2.shape[0]), (0, D2 - W2.shape[1])))
    b2p = jnp.pad(b2, (0, D2 - b2.shape[0])).reshape(1, D2)

    degp = _deg_call(ei4)
    d0 = degp[0, :N][:, None]
    d1 = degp[1, :N][:, None]
    y1, dinv = _mm1_call(x, w1p, d0, d1)
    acc1 = _agg_call(y1, ei4, D1)
    y2 = _mid_call(acc1, y1, dinv, b1p, w2p)
    acc2 = _agg_call(y2, ei4, D2)
    return _fin_call(acc2, y2, dinv, b2p)

# --- scband reference (transcript-rebuilt; emitter-appended) ---
"""Pipeline reference for scband-net-23072564314311 (READ-ONLY COPY).

The authoritative reference and input builder live on the scoring server;
editing this copy changes nothing except your own understanding.
"""

import jax, jax.numpy as jnp
import numpy as np

N_NODES = 10000
N_EDGES = 320000
D_FEAT = 128
D_HID = 50
D_OUT = 10


def setup_inputs(seed: int = 0) -> dict:
    key = jax.random.key(seed)
    k1, k2, k3, k4 = jax.random.split(key, 4)
    x = jax.random.normal(k1, (N_NODES, D_FEAT), dtype=jnp.float32)
    edge_index = jax.random.randint(k2, (2, N_EDGES), 0, N_NODES, dtype=jnp.int32)
    # Learned parameters for the two GCNConv layers (weight + bias)
    W1 = jax.random.normal(k3, (D_FEAT, D_HID), dtype=jnp.float32) * (1.0 / np.sqrt(D_FEAT))
    b1 = jnp.zeros((D_HID,), dtype=jnp.float32)
    W2 = jax.random.normal(k4, (D_HID, D_OUT), dtype=jnp.float32) * (1.0 / np.sqrt(D_HID))
    b2 = jnp.zeros((D_OUT,), dtype=jnp.float32)
    return {"x": x, "edge_index": edge_index, "W1": W1, "b1": b1, "W2": W2, "b2": b2}


def _gcn_conv(x, edge_index, W, b, num_nodes):
    # PyG GCNConv semantics: add self loops, symmetric deg normalization,
    # linear transform, scatter-add aggregation, bias.
    src = edge_index[0]
    dst = edge_index[1]
    loop = jnp.arange(num_nodes, dtype=src.dtype)
    src = jnp.concatenate([src, loop], axis=0)
    dst = jnp.concatenate([dst, loop], axis=0)
    ones = jnp.ones(src.shape[0], dtype=x.dtype)
    deg = jax.ops.segment_sum(ones, dst, num_segments=num_nodes)
    deg_inv_sqrt = jnp.where(deg > 0, jax.lax.rsqrt(deg), 0.0)
    norm = deg_inv_sqrt[src] * deg_inv_sqrt[dst]
    xw = x @ W
    msg = xw[src] * norm[:, None]
    out = jax.ops.segment_sum(msg, dst, num_segments=num_nodes)
    return out + b


def reference(x, edge_index, W1, b1, W2, b2):
    # encode(): conv1 -> relu -> conv2
    num_nodes = x.shape[0]
    h = _gcn_conv(x, edge_index, W1, b1, num_nodes)
    h = jax.nn.relu(h)
    z = _gcn_conv(h, edge_index, W2, b2, num_nodes)
    return z

if __name__ == "__main__":
    import jax
    _d = setup_inputs()
    print(jax.jit(kernel)(*tuple(_d.values())))

</pallas_src>

<mosaic_0001>
#map = affine_map<(d0, d1) -> (0, 0, 0, 0)>
#map1 = affine_map<(d0, d1) -> (0, 0)>
module attributes {stable_mosaic.version = 14 : i64} {
  func.func @k(%arg0: i32, %arg1: i32, %arg2: memref<2x32x80x128xi32, #tpu.memory_space<hbm>>, %arg3: memref<2x10240xf32, #tpu.memory_space<hbm>>, %arg4: memref<80x128xi32, #tpu.memory_space<vmem>>, %arg5: memref<128xf32, #tpu.memory_space<vmem>>, %arg6: memref<640xf32, #tpu.memory_space<vmem>>, %arg7: memref<10240xf32, #tpu.memory_space<vmem_shared>>, %arg8: memref<!tpu.dma_semaphore, #tpu.memory_space<semaphore_mem>>) attributes {dimension_semantics = [#tpu.dimension_semantics<core_parallel>, #tpu.dimension_semantics<subcore_parallel>], iteration_bounds = array<i64: 2, 16>, scalar_prefetch = 0 : i64, scratch_operands = 5 : i64, tpu.core_type = #tpu.core_type<sc_vector_subcore>, window_params = [{transform_indices = #map}, {transform_indices = #map1}]} {
    %mul3A = arith.constant 16 : i32
    %mul3A_0 = arith.muli %arg0, %mul3A : i32
    %add3A = arith.addi %mul3A_0, %arg1 : i32
    %broadcast_in_dim3A = arith.constant 1.000000e+00 : f32
    %broadcast_in_dim3A_1 = vector.broadcast %broadcast_in_dim3A : f32 to vector<16xf32>
    %broadcast_in_dim3A_2 = arith.constant 0.000000e+00 : f32
    %broadcast_in_dim3A_3 = vector.broadcast %broadcast_in_dim3A_2 : f32 to vector<16xf32>
    %swap3A = arith.constant 0 : index
    %swap3A_4 = tpu.vector_load %arg5[%swap3A] {strides = array<i32>} : memref<128xf32, #tpu.memory_space<vmem>>, vector<16xf32>,
    %swap3A_5 = vector.shape_cast %swap3A_4 : vector<16xf32> to vector<16xf32>
    %swap3A_6 = vector.shape_cast %broadcast_in_dim3A_1 : vector<16xf32> to vector<16xf32>
    tpu.vector_store %arg5[%swap3A], %swap3A_6 {strides = array<i32>} : memref<128xf32, #tpu.memory_space<vmem>>, vector<16xf32>,
    %swap3A_7 = arith.constant 16 : index
    %swap3A_8 = tpu.vector_load %arg5[%swap3A_7] {strides = array<i32>} : memref<128xf32, #tpu.memory_space<vmem>>, vector<16xf32>,
    %swap3A_9 = vector.shape_cast %swap3A_8 : vector<16xf32> to vector<16xf32>
    %swap3A_10 = vector.shape_cast %broadcast_in_dim3A_1 : vector<16xf32> to vector<16xf32>
    tpu.vector_store %arg5[%swap3A_7], %swap3A_10 {strides = array<i32>} : memref<128xf32, #tpu.memory_space<vmem>>, vector<16xf32>,
    %swap3A_11 = arith.constant 32 : index
    %swap3A_12 = tpu.vector_load %arg5[%swap3A_11] {strides = array<i32>} : memref<128xf32, #tpu.memory_space<vmem>>, vector<16xf32>,
    %swap3A_13 = vector.shape_cast %swap3A_12 : vector<16xf32> to vector<16xf32>
    %swap3A_14 = vector.shape_cast %broadcast_in_dim3A_1 : vector<16xf32> to vector<16xf32>
    tpu.vector_store %arg5[%swap3A_11], %swap3A_14 {strides = array<i32>} : memref<128xf32, #tpu.memory_space<vmem>>, vector<16xf32>,
    %swap3A_15 = arith.constant 48 : index
    %swap3A_16 = tpu.vector_load %arg5[%swap3A_15] {strides = array<i32>} : memref<128xf32, #tpu.memory_space<vmem>>, vector<16xf32>,
    %swap3A_17 = vector.shape_cast %swap3A_16 : vector<16xf32> to vector<16xf32>
    %swap3A_18 = vector.shape_cast %broadcast_in_dim3A_1 : vector<16xf32> to vector<16xf32>
    tpu.vector_store %arg5[%swap3A_15], %swap3A_18 {strides = array<i32>} : memref<128xf32, #tpu.memory_space<vmem>>, vector<16xf32>,
    %swap3A_19 = arith.constant 64 : index
    %swap3A_20 = tpu.vector_load %arg5[%swap3A_19] {strides = array<i32>} : memref<128xf32, #tpu.memory_space<vmem>>, vector<16xf32>,
    %swap3A_21 = vector.shape_cast %swap3A_20 : vector<16xf32> to vector<16xf32>
    %swap3A_22 = vector.shape_cast %broadcast_in_dim3A_1 : vector<16xf32> to vector<16xf32>
    tpu.vector_store %arg5[%swap3A_19], %swap3A_22 {strides = array<i32>} : memref<128xf32, #tpu.memory_space<vmem>>, vector<16xf32>,
    %swap3A_23 = arith.constant 80 : index
    %swap3A_24 = tpu.vector_load %arg5[%swap3A_23] {strides = array<i32>} : memref<128xf32, #tpu.memory_space<vmem>>, vector<16xf32>,
    %swap3A_25 = vector.shape_cast %swap3A_24 : vector<16xf32> to vector<16xf32>
    %swap3A_26 = vector.shape_cast %broadcast_in_dim3A_1 : vector<16xf32> to vector<16xf32>
    tpu.vector_store %arg5[%swap3A_23], %swap3A_26 {strides = array<i32>} : memref<128xf32, #tpu.memory_space<vmem>>, vector<16xf32>,
    %swap3A_27 = arith.constant 96 : index
    %swap3A_28 = tpu.vector_load %arg5[%swap3A_27] {strides = array<i32>} : memref<128xf32, #tpu.memory_space<vmem>>, vector<16xf32>,
    %swap3A_29 = vector.shape_cast %swap3A_28 : vector<16xf32> to vector<16xf32>
    %swap3A_30 = vector.shape_cast %broadcast_in_dim3A_1 : vector<16xf32> to vector<16xf32>
    tpu.vector_store %arg5[%swap3A_27], %swap3A_30 {strides = array<i32>} : memref<128xf32, #tpu.memory_space<vmem>>, vector<16xf32>,
    %swap3A_31 = arith.constant 112 : index
    %swap3A_32 = tpu.vector_load %arg5[%swap3A_31] {strides = array<i32>} : memref<128xf32, #tpu.memory_space<vmem>>, vector<16xf32>,
    %swap3A_33 = vector.shape_cast %swap3A_32 : vector<16xf32> to vector<16xf32>
    %swap3A_34 = vector.shape_cast %broadcast_in_dim3A_1 : vector<16xf32> to vector<16xf32>
    tpu.vector_store %arg5[%swap3A_31], %swap3A_34 {strides = array<i32>} : memref<128xf32, #tpu.memory_space<vmem>>, vector<16xf32>,
    %swap3A_35 = arith.constant 0 : index
    %swap3A_36 = tpu.vector_load %arg6[%swap3A_35] {strides = array<i32>} : memref<640xf32, #tpu.memory_space<vmem>>, vector<16xf32>,
    %swap3A_37 = vector.shape_cast %swap3A_36 : vector<16xf32> to vector<16xf32>
    %swap3A_38 = vector.shape_cast %broadcast_in_dim3A_3 : vector<16xf32> to vector<16xf32>
    tpu.vector_store %arg6[%swap3A_35], %swap3A_38 {strides = array<i32>} : memref<640xf32, #tpu.memory_space<vmem>>, vector<16xf32>,
    %swap3A_39 = arith.constant 16 : index
    %swap3A_40 = tpu.vector_load %arg6[%swap3A_39] {strides = array<i32>} : memref<640xf32, #tpu.memory_space<vmem>>, vector<16xf32>,
    %swap3A_41 = vector.shape_cast %swap3A_40 : vector<16xf32> to vector<16xf32>
    %swap3A_42 = vector.shape_cast %broadcast_in_dim3A_3 : vector<16xf32> to vector<16xf32>
    tpu.vector_store %arg6[%swap3A_39], %swap3A_42 {strides = array<i32>} : memref<640xf32, #tpu.memory_space<vmem>>, vector<16xf32>,
    %swap3A_43 = arith.constant 32 : index
    %swap3A_44 = tpu.vector_load %arg6[%swap3A_43] {strides = array<i32>} : memref<640xf32, #tpu.memory_space<vmem>>, vector<16xf32>,
    %swap3A_45 = vector.shape_cast %swap3A_44 : vector<16xf32> to vector<16xf32>
    %swap3A_46 = vector.shape_cast %broadcast_in_dim3A_3 : vector<16xf32> to vector<16xf32>
    tpu.vector_store %arg6[%swap3A_43], %swap3A_46 {strides = array<i32>} : memref<640xf32, #tpu.memory_space<vmem>>, vector<16xf32>,
    %swap3A_47 = arith.constant 48 : index
    %swap3A_48 = tpu.vector_load %arg6[%swap3A_47] {strides = array<i32>} : memref<640xf32, #tpu.memory_space<vmem>>, vector<16xf32>,
    %swap3A_49 = vector.shape_cast %swap3A_48 : vector<16xf32> to vector<16xf32>
    %swap3A_50 = vector.shape_cast %broadcast_in_dim3A_3 : vector<16xf32> to vector<16xf32>
    tpu.vector_store %arg6[%swap3A_47], %swap3A_50 {strides = array<i32>} : memref<640xf32, #tpu.memory_space<vmem>>, vector<16xf32>,
    %swap3A_51 = arith.constant 64 : index
    %swap3A_52 = tpu.vector_load %arg6[%swap3A_51] {strides = array<i32>} : memref<640xf32, #tpu.memory_space<vmem>>, vector<16xf32>,
    %swap3A_53 = vector.shape_cast %swap3A_52 : vector<16xf32> to vector<16xf32>
    %swap3A_54 = vector.shape_cast %broadcast_in_dim3A_3 : vector<16xf32> to vector<16xf32>
    tpu.vector_store %arg6[%swap3A_51], %swap3A_54 {strides = array<i32>} : memref<640xf32, #tpu.memory_space<vmem>>, vector<16xf32>,
    %swap3A_55 = arith.constant 80 : index
    %swap3A_56 = tpu.vector_load %arg6[%swap3A_55] {strides = array<i32>} : memref<640xf32, #tpu.memory_space<vmem>>, vector<16xf32>,
    %swap3A_57 = vector.shape_cast %swap3A_56 : vector<16xf32> to vector<16xf32>
    %swap3A_58 = vector.shape_cast %broadcast_in_dim3A_3 : vector<16xf32> to vector<16xf32>
    tpu.vector_store %arg6[%swap3A_55], %swap3A_58 {strides = array<i32>} : memref<640xf32, #tpu.memory_space<vmem>>, vector<16xf32>,
    %swap3A_59 = arith.constant 96 : index
    %swap3A_60 = tpu.vector_load %arg6[%swap3A_59] {strides = array<i32>} : memref<640xf32, #tpu.memory_space<vmem>>, vector<16xf32>,
    %swap3A_61 = vector.shape_cast %swap3A_60 : vector<16xf32> to vector<16xf32>
    %swap3A_62 = vector.shape_cast %broadcast_in_dim3A_3 : vector<16xf32> to vector<16xf32>
    tpu.vector_store %arg6[%swap3A_59], %swap3A_62 {strides = array<i32>} : memref<640xf32, #tpu.memory_space<vmem>>, vector<16xf32>,
    %swap3A_63 = arith.constant 112 : index
    %swap3A_64 = tpu.vector_load %arg6[%swap3A_63] {strides = array<i32>} : memref<640xf32, #tpu.memory_space<vmem>>, vector<16xf32>,
    %swap3A_65 = vector.shape_cast %swap3A_64 : vector<16xf32> to vector<16xf32>
    %swap3A_66 = vector.shape_cast %broadcast_in_dim3A_3 : vector<16xf32> to vector<16xf32>
    tpu.vector_store %arg6[%swap3A_63], %swap3A_66 {strides = array<i32>} : memref<640xf32, #tpu.memory_space<vmem>>, vector<16xf32>,
    %swap3A_67 = arith.constant 128 : index
    %swap3A_68 = tpu.vector_load %arg6[%swap3A_67] {strides = array<i32>} : memref<640xf32, #tpu.memory_space<vmem>>, vector<16xf32>,
    %swap3A_69 = vector.shape_cast %swap3A_68 : vector<16xf32> to vector<16xf32>
    %swap3A_70 = vector.shape_cast %broadcast_in_dim3A_3 : vector<16xf32> to vector<16xf32>
    tpu.vector_store %arg6[%swap3A_67], %swap3A_70 {strides = array<i32>} : memref<640xf32, #tpu.memory_space<vmem>>, vector<16xf32>,
    %swap3A_71 = arith.constant 144 : index
    %swap3A_72 = tpu.vector_load %arg6[%swap3A_71] {strides = array<i32>} : memref<640xf32, #tpu.memory_space<vmem>>, vector<16xf32>,
    %swap3A_73 = vector.shape_cast %swap3A_72 : vector<16xf32> to vector<16xf32>
    %swap3A_74 = vector.shape_cast %broadcast_in_dim3A_3 : vector<16xf32> to vector<16xf32>
    tpu.vector_store %arg6[%swap3A_71], %swap3A_74 {strides = array<i32>} : memref<640xf32, #tpu.memory_space<vmem>>, vector<16xf32>,
    %swap3A_75 = arith.constant 160 : index
    %swap3A_76 = tpu.vector_load %arg6[%swap3A_75] {strides = array<i32>} : memref<640xf32, #tpu.memory_space<vmem>>, vector<16xf32>,
    %swap3A_77 = vector.shape_cast %swap3A_76 : vector<16xf32> to vector<16xf32>
    %swap3A_78 = vector.shape_cast %broadcast_in_dim3A_3 : vector<16xf32> to vector<16xf32>
    tpu.vector_store %arg6[%swap3A_75], %swap3A_78 {strides = array<i32>} : memref<640xf32, #tpu.memory_space<vmem>>, vector<16xf32>,
    %swap3A_79 = arith.constant 176 : index
    %swap3A_80 = tpu.vector_load %arg6[%swap3A_79] {strides = array<i32>} : memref<640xf32, #tpu.memory_space<vmem>>, vector<16xf32>,
    %swap3A_81 = vector.shape_cast %swap3A_80 : vector<16xf32> to vector<16xf32>
    %swap3A_82 = vector.shape_cast %broadcast_in_dim3A_3 : vector<16xf32> to vector<16xf32>
    tpu.vector_store %arg6[%swap3A_79], %swap3A_82 {strides = array<i32>} : memref<640xf32, #tpu.memory_space<vmem>>, vector<16xf32>,
    %swap3A_83 = arith.constant 192 : index
    %swap3A_84 = tpu.vector_load %arg6[%swap3A_83] {strides = array<i32>} : memref<640xf32, #tpu.memory_space<vmem>>, vector<16xf32>,
    %swap3A_85 = vector.shape_cast %swap3A_84 : vector<16xf32> to vector<16xf32>
    %swap3A_86 = vector.shape_cast %broadcast_in_dim3A_3 : vector<16xf32> to vector<16xf32>
    tpu.vector_store %arg6[%swap3A_83], %swap3A_86 {strides = array<i32>} : memref<640xf32, #tpu.memory_space<vmem>>, vector<16xf32>,
    %swap3A_87 = arith.constant 208 : index
    %swap3A_88 = tpu.vector_load %arg6[%swap3A_87] {strides = array<i32>} : memref<640xf32, #tpu.memory_space<vmem>>, vector<16xf32>,
    %swap3A_89 = vector.shape_cast %swap3A_88 : vector<16xf32> to vector<16xf32>
    %swap3A_90 = vector.shape_cast %broadcast_in_dim3A_3 : vector<16xf32> to vector<16xf32>
    tpu.vector_store %arg6[%swap3A_87], %swap3A_90 {strides = array<i32>} : memref<640xf32, #tpu.memory_space<vmem>>, vector<16xf32>,
    %swap3A_91 = arith.constant 224 : index
    %swap3A_92 = tpu.vector_load %arg6[%swap3A_91] {strides = array<i32>} : memref<640xf32, #tpu.memory_space<vmem>>, vector<16xf32>,
    %swap3A_93 = vector.shape_cast %swap3A_92 : vector<16xf32> to vector<16xf32>
    %swap3A_94 = vector.shape_cast %broadcast_in_dim3A_3 : vector<16xf32> to vector<16xf32>
    tpu.vector_store %arg6[%swap3A_91], %swap3A_94 {strides = array<i32>} : memref<640xf32, #tpu.memory_space<vmem>>, vector<16xf32>,
    %swap3A_95 = arith.constant 240 : index
    %swap3A_96 = tpu.vector_load %arg6[%swap3A_95] {strides = array<i32>} : memref<640xf32, #tpu.memory_space<vmem>>, vector<16xf32>,
    %swap3A_97 = vector.shape_cast %swap3A_96 : vector<16xf32> to vector<16xf32>
    %swap3A_98 = vector.shape_cast %broadcast_in_dim3A_3 : vector<16xf32> to vector<16xf32>
    tpu.vector_store %arg6[%swap3A_95], %swap3A_98 {strides = array<i32>} : memref<640xf32, #tpu.memory_space<vmem>>, vector<16xf32>,
    %swap3A_99 = arith.constant 256 : index
    %swap3A_100 = tpu.vector_load %arg6[%swap3A_99] {strides = array<i32>} : memref<640xf32, #tpu.memory_space<vmem>>, vector<16xf32>,
    %swap3A_101 = vector.shape_cast %swap3A_100 : vector<16xf32> to vector<16xf32>
    %swap3A_102 = vector.shape_cast %broadcast_in_dim3A_3 : vector<16xf32> to vector<16xf32>
    tpu.vector_store %arg6[%swap3A_99], %swap3A_102 {strides = array<i32>} : memref<640xf32, #tpu.memory_space<vmem>>, vector<16xf32>,
    %swap3A_103 = arith.constant 272 : index
    %swap3A_104 = tpu.vector_load %arg6[%swap3A_103] {strides = array<i32>} : memref<640xf32, #tpu.memory_space<vmem>>, vector<16xf32>,
    %swap3A_105 = vector.shape_cast %swap3A_104 : vector<16xf32> to vector<16xf32>
    %swap3A_106 = vector.shape_cast %broadcast_in_dim3A_3 : vector<16xf32> to vector<16xf32>
    tpu.vector_store %arg6[%swap3A_103], %swap3A_106 {strides = array<i32>} : memref<640xf32, #tpu.memory_space<vmem>>, vector<16xf32>,
    %swap3A_107 = arith.constant 288 : index
    %swap3A_108 = tpu.vector_load %arg6[%swap3A_107] {strides = array<i32>} : memref<640xf32, #tpu.memory_space<vmem>>, vector<16xf32>,
    %swap3A_109 = vector.shape_cast %swap3A_108 : vector<16xf32> to vector<16xf32>
    %swap3A_110 = vector.shape_cast %broadcast_in_dim3A_3 : vector<16xf32> to vector<16xf32>
    tpu.vector_store %arg6[%swap3A_107], %swap3A_110 {strides = array<i32>} : memref<640xf32, #tpu.memory_space<vmem>>, vector<16xf32>,
    %swap3A_111 = arith.constant 304 : index
    %swap3A_112 = tpu.vector_load %arg6[%swap3A_111] {strides = array<i32>} : memref<640xf32, #tpu.memory_space<vmem>>, vector<16xf32>,
    %swap3A_113 = vector.shape_cast %swap3A_112 : vector<16xf32> to vector<16xf32>
    %swap3A_114 = vector.shape_cast %broadcast_in_dim3A_3 : vector<16xf32> to vector<16xf32>
    tpu.vector_store %arg6[%swap3A_111], %swap3A_114 {strides = array<i32>} : memref<640xf32, #tpu.memory_space<vmem>>, vector<16xf32>,
    %swap3A_115 = arith.constant 320 : index
    %swap3A_116 = tpu.vector_load %arg6[%swap3A_115] {strides = array<i32>} : memref<640xf32, #tpu.memory_space<vmem>>, vector<16xf32>,
    %swap3A_117 = vector.shape_cast %swap3A_116 : vector<16xf32> to vector<16xf32>
    %swap3A_118 = vector.shape_cast %broadcast_in_dim3A_3 : vector<16xf32> to vector<16xf32>
    tpu.vector_store %arg6[%swap3A_115], %swap3A_118 {strides = array<i32>} : memref<640xf32, #tpu.memory_space<vmem>>, vector<16xf32>,
    %swap3A_119 = arith.constant 336 : index
    %swap3A_120 = tpu.vector_load %arg6[%swap3A_119] {strides = array<i32>} : memref<640xf32, #tpu.memory_space<vmem>>, vector<16xf32>,
    %swap3A_121 = vector.shape_cast %swap3A_120 : vector<16xf32> to vector<16xf32>
    %swap3A_122 = vector.shape_cast %broadcast_in_dim3A_3 : vector<16xf32> to vector<16xf32>
    tpu.vector_store %arg6[%swap3A_119], %swap3A_122 {strides = array<i32>} : memref<640xf32, #tpu.memory_space<vmem>>, vector<16xf32>,
    %swap3A_123 = arith.constant 352 : index
    %swap3A_124 = tpu.vector_load %arg6[%swap3A_123] {strides = array<i32>} : memref<640xf32, #tpu.memory_space<vmem>>, vector<16xf32>,
    %swap3A_125 = vector.shape_cast %swap3A_124 : vector<16xf32> to vector<16xf32>
    %swap3A_126 = vector.shape_cast %broadcast_in_dim3A_3 : vector<16xf32> to vector<16xf32>
    tpu.vector_store %arg6[%swap3A_123], %swap3A_126 {strides = array<i32>} : memref<640xf32, #tpu.memory_space<vmem>>, vector<16xf32>,
    %swap3A_127 = arith.constant 368 : index
    %swap3A_128 = tpu.vector_load %arg6[%swap3A_127] {strides = array<i32>} : memref<640xf32, #tpu.memory_space<vmem>>, vector<16xf32>,
    %swap3A_129 = vector.shape_cast %swap3A_128 : vector<16xf32> to vector<16xf32>
    %swap3A_130 = vector.shape_cast %broadcast_in_dim3A_3 : vector<16xf32> to vector<16xf32>
    tpu.vector_store %arg6[%swap3A_127], %swap3A_130 {strides = array<i32>} : memref<640xf32, #tpu.memory_space<vmem>>, vector<16xf32>,
    %swap3A_131 = arith.constant 384 : index
    %swap3A_132 = tpu.vector_load %arg6[%swap3A_131] {strides = array<i32>} : memref<640xf32, #tpu.memory_space<vmem>>, vector<16xf32>,
    %swap3A_133 = vector.shape_cast %swap3A_132 : vector<16xf32> to vector<16xf32>
    %swap3A_134 = vector.shape_cast %broadcast_in_dim3A_3 : vector<16xf32> to vector<16xf32>
    tpu.vector_store %arg6[%swap3A_131], %swap3A_134 {strides = array<i32>} : memref<640xf32, #tpu.memory_space<vmem>>, vector<16xf32>,
    %swap3A_135 = arith.constant 400 : index
    %swap3A_136 = tpu.vector_load %arg6[%swap3A_135] {strides = array<i32>} : memref<640xf32, #tpu.memory_space<vmem>>, vector<16xf32>,
    %swap3A_137 = vector.shape_cast %swap3A_136 : vector<16xf32> to vector<16xf32>
    %swap3A_138 = vector.shape_cast %broadcast_in_dim3A_3 : vector<16xf32> to vector<16xf32>
    tpu.vector_store %arg6[%swap3A_135], %swap3A_138 {strides = array<i32>} : memref<640xf32, #tpu.memory_space<vmem>>, vector<16xf32>,
    %swap3A_139 = arith.constant 416 : index
    %swap3A_140 = tpu.vector_load %arg6[%swap3A_139] {strides = array<i32>} : memref<640xf32, #tpu.memory_space<vmem>>, vector<16xf32>,
    %swap3A_141 = vector.shape_cast %swap3A_140 : vector<16xf32> to vector<16xf32>
    %swap3A_142 = vector.shape_cast %broadcast_in_dim3A_3 : vector<16xf32> to vector<16xf32>
    tpu.vector_store %arg6[%swap3A_139], %swap3A_142 {strides = array<i32>} : memref<640xf32, #tpu.memory_space<vmem>>, vector<16xf32>,
    %swap3A_143 = arith.constant 432 : index
    %swap3A_144 = tpu.vector_load %arg6[%swap3A_143] {strides = array<i32>} : memref<640xf32, #tpu.memory_space<vmem>>, vector<16xf32>,
    %swap3A_145 = vector.shape_cast %swap3A_144 : vector<16xf32> to vector<16xf32>
    %swap3A_146 = vector.shape_cast %broadcast_in_dim3A_3 : vector<16xf32> to vector<16xf32>
    tpu.vector_store %arg6[%swap3A_143], %swap3A_146 {strides = array<i32>} : memref<640xf32, #tpu.memory_space<vmem>>, vector<16xf32>,
    %swap3A_147 = arith.constant 448 : index
    %swap3A_148 = tpu.vector_load %arg6[%swap3A_147] {strides = array<i32>} : memref<640xf32, #tpu.memory_space<vmem>>, vector<16xf32>,
    %swap3A_149 = vector.shape_cast %swap3A_148 : vector<16xf32> to vector<16xf32>
    %swap3A_150 = vector.shape_cast %broadcast_in_dim3A_3 : vector<16xf32> to vector<16xf32>
    tpu.vector_store %arg6[%swap3A_147], %swap3A_150 {strides = array<i32>} : memref<640xf32, #tpu.memory_space<vmem>>, vector<16xf32>,
    %swap3A_151 = arith.constant 464 : index
    %swap3A_152 = tpu.vector_load %arg6[%swap3A_151] {strides = array<i32>} : memref<640xf32, #tpu.memory_space<vmem>>, vector<16xf32>,
    %swap3A_153 = vector.shape_cast %swap3A_152 : vector<16xf32> to vector<16xf32>
    %swap3A_154 = vector.shape_cast %broadcast_in_dim3A_3 : vector<16xf32> to vector<16xf32>
    tpu.vector_store %arg6[%swap3A_151], %swap3A_154 {strides = array<i32>} : memref<640xf32, #tpu.memory_space<vmem>>, vector<16xf32>,
    %swap3A_155 = arith.constant 480 : index
    %swap3A_156 = tpu.vector_load %arg6[%swap3A_155] {strides = array<i32>} : memref<640xf32, #tpu.memory_space<vmem>>, vector<16xf32>,
    %swap3A_157 = vector.shape_cast %swap3A_156 : vector<16xf32> to vector<16xf32>
    %swap3A_158 = vector.shape_cast %broadcast_in_dim3A_3 : vector<16xf32> to vector<16xf32>
    tpu.vector_store %arg6[%swap3A_155], %swap3A_158 {strides = array<i32>} : memref<640xf32, #tpu.memory_space<vmem>>, vector<16xf32>,
    %swap3A_159 = arith.constant 496 : index
    %swap3A_160 = tpu.vector_load %arg6[%swap3A_159] {strides = array<i32>} : memref<640xf32, #tpu.memory_space<vmem>>, vector<16xf32>,
    %swap3A_161 = vector.shape_cast %swap3A_160 : vector<16xf32> to vector<16xf32>
    %swap3A_162 = vector.shape_cast %broadcast_in_dim3A_3 : vector<16xf32> to vector<16xf32>
    tpu.vector_store %arg6[%swap3A_159], %swap3A_162 {strides = array<i32>} : memref<640xf32, #tpu.memory_space<vmem>>, vector<16xf32>,
    %swap3A_163 = arith.constant 512 : index
    %swap3A_164 = tpu.vector_load %arg6[%swap3A_163] {strides = array<i32>} : memref<640xf32, #tpu.memory_space<vmem>>, vector<16xf32>,
    %swap3A_165 = vector.shape_cast %swap3A_164 : vector<16xf32> to vector<16xf32>
    %swap3A_166 = vector.shape_cast %broadcast_in_dim3A_3 : vector<16xf32> to vector<16xf32>
    tpu.vector_store %arg6[%swap3A_163], %swap3A_166 {strides = array<i32>} : memref<640xf32, #tpu.memory_space<vmem>>, vector<16xf32>,
    %swap3A_167 = arith.constant 528 : index
    %swap3A_168 = tpu.vector_load %arg6[%swap3A_167] {strides = array<i32>} : memref<640xf32, #tpu.memory_space<vmem>>, vector<16xf32>,
    %swap3A_169 = vector.shape_cast %swap3A_168 : vector<16xf32> to vector<16xf32>
    %swap3A_170 = vector.shape_cast %broadcast_in_dim3A_3 : vector<16xf32> to vector<16xf32>
    tpu.vector_store %arg6[%swap3A_167], %swap3A_170 {strides = array<i32>} : memref<640xf32, #tpu.memory_space<vmem>>, vector<16xf32>,
    %swap3A_171 = arith.constant 544 : index
    %swap3A_172 = tpu.vector_load %arg6[%swap3A_171] {strides = array<i32>} : memref<640xf32, #tpu.memory_space<vmem>>, vector<16xf32>,
    %swap3A_173 = vector.shape_cast %swap3A_172 : vector<16xf32> to vector<16xf32>
    %swap3A_174 = vector.shape_cast %broadcast_in_dim3A_3 : vector<16xf32> to vector<16xf32>
    tpu.vector_store %arg6[%swap3A_171], %swap3A_174 {strides = array<i32>} : memref<640xf32, #tpu.memory_space<vmem>>, vector<16xf32>,
    %swap3A_175 = arith.constant 560 : index
    %swap3A_176 = tpu.vector_load %arg6[%swap3A_175] {strides = array<i32>} : memref<640xf32, #tpu.memory_space<vmem>>, vector<16xf32>,
    %swap3A_177 = vector.shape_cast %swap3A_176 : vector<16xf32> to vector<16xf32>
    %swap3A_178 = vector.shape_cast %broadcast_in_dim3A_3 : vector<16xf32> to vector<16xf32>
    tpu.vector_store %arg6[%swap3A_175], %swap3A_178 {strides = array<i32>} : memref<640xf32, #tpu.memory_space<vmem>>, vector<16xf32>,
    %swap3A_179 = arith.constant 576 : index
    %swap3A_180 = tpu.vector_load %arg6[%swap3A_179] {strides = array<i32>} : memref<640xf32, #tpu.memory_space<vmem>>, vector<16xf32>,
    %swap3A_181 = vector.shape_cast %swap3A_180 : vector<16xf32> to vector<16xf32>
    %swap3A_182 = vector.shape_cast %broadcast_in_dim3A_3 : vector<16xf32> to vector<16xf32>
    tpu.vector_store %arg6[%swap3A_179], %swap3A_182 {strides = array<i32>} : memref<640xf32, #tpu.memory_space<vmem>>, vector<16xf32>,
    %swap3A_183 = arith.constant 592 : index
    %swap3A_184 = tpu.vector_load %arg6[%swap3A_183] {strides = array<i32>} : memref<640xf32, #tpu.memory_space<vmem>>, vector<16xf32>,
    %swap3A_185 = vector.shape_cast %swap3A_184 : vector<16xf32> to vector<16xf32>
    %swap3A_186 = vector.shape_cast %broadcast_in_dim3A_3 : vector<16xf32> to vector<16xf32>
    tpu.vector_store %arg6[%swap3A_183], %swap3A_186 {strides = array<i32>} : memref<640xf32, #tpu.memory_space<vmem>>, vector<16xf32>,
    %swap3A_187 = arith.constant 608 : index
    %swap3A_188 = tpu.vector_load %arg6[%swap3A_187] {strides = array<i32>} : memref<640xf32, #tpu.memory_space<vmem>>, vector<16xf32>,
    %swap3A_189 = vector.shape_cast %swap3A_188 : vector<16xf32> to vector<16xf32>
    %swap3A_190 = vector.shape_cast %broadcast_in_dim3A_3 : vector<16xf32> to vector<16xf32>
    tpu.vector_store %arg6[%swap3A_187], %swap3A_190 {strides = array<i32>} : memref<640xf32, #tpu.memory_space<vmem>>, vector<16xf32>,
    %swap3A_191 = arith.constant 624 : index
    %swap3A_192 = tpu.vector_load %arg6[%swap3A_191] {strides = array<i32>} : memref<640xf32, #tpu.memory_space<vmem>>, vector<16xf32>,
    %swap3A_193 = vector.shape_cast %swap3A_192 : vector<16xf32> to vector<16xf32>
    %swap3A_194 = vector.shape_cast %broadcast_in_dim3A_3 : vector<16xf32> to vector<16xf32>
    tpu.vector_store %arg6[%swap3A_191], %swap3A_194 {strides = array<i32>} : memref<640xf32, #tpu.memory_space<vmem>>, vector<16xf32>,
    %mul3A_195 = arith.constant 640 : i32
    %mul3A_196 = arith.muli %arg1, %mul3A_195 : i32
    "tpu.region"() ({
      %run_scoped3A_254 = tpu.sem_alloc : memref<!tpu.dma_semaphore, #tpu.memory_space<semaphore_mem>>
      %dma_start3A = tpu.memref_slice %arg7[%mul3A_196] : memref<10240xf32, #tpu.memory_space<vmem_shared>> -> memref<640xf32, #tpu.memory_space<vmem_shared>>
      %dma_start3A_255 = tpu.memref_slice %arg7[%mul3A_196] : memref<10240xf32, #tpu.memory_space<vmem_shared>> -> memref<640xf32, #tpu.memory_space<vmem_shared>>
      tpu.enqueue_dma source(%arg6 : memref<640xf32, #tpu.memory_space<vmem>>) target(%dma_start3A_255 : memref<640xf32, #tpu.memory_space<vmem_shared>>) target_semaphore(%run_scoped3A_254 : memref<!tpu.dma_semaphore, #tpu.memory_space<semaphore_mem>>)
      %dma_wait3A_256 = tpu.memref_slice %arg7[%mul3A_196] : memref<10240xf32, #tpu.memory_space<vmem_shared>> -> memref<640xf32, #tpu.memory_space<vmem_shared>>
      %dma_wait3A_257 = tpu.memref_slice %arg7[%mul3A_196] : memref<10240xf32, #tpu.memory_space<vmem_shared>> -> memref<640xf32, #tpu.memory_space<vmem_shared>>
      tpu.wait_dma2 semaphore(%run_scoped3A_254 : memref<!tpu.dma_semaphore, #tpu.memory_space<semaphore_mem>>) src(%arg6 : memref<640xf32, #tpu.memory_space<vmem>>) dst(%dma_wait3A_257 : memref<640xf32, #tpu.memory_space<vmem_shared>>)
      tpu.yield
    }) : () -> ()
    %barrier3A = arith.constant 0 : index
    tpu.barrier barrier_id(%barrier3A)
    %run_scoped3A = arith.constant 1 : i32
    "tpu.region"() ({
      %run_scoped3A_254 = tpu.sem_alloc : memref<!tpu.dma_semaphore, #tpu.memory_space<semaphore_mem>>
      %dma_start3A = arith.constant 0 : i32
      %dma_start3A_255 = arith.constant 0 : i32
      %dma_start3A_256 = tpu.memref_slice %arg2[%run_scoped3A, %add3A, %dma_start3A, %dma_start3A_255] : memref<2x32x80x128xi32, #tpu.memory_space<hbm>> -> memref<1x1x80x128xi32, #tpu.memory_space<hbm>>
      %dma_start3A_257 = tpu.memref_squeeze %dma_start3A_256 : memref<1x1x80x128xi32, #tpu.memory_space<hbm>> -> memref<80x128xi32, #tpu.memory_space<hbm>>
      %dma_start3A_258 = arith.constant 0 : i32
      %dma_start3A_259 = arith.constant 0 : i32
      %dma_start3A_260 = tpu.memref_slice %arg2[%run_scoped3A, %add3A, %dma_start3A_258, %dma_start3A_259] : memref<2x32x80x128xi32, #tpu.memory_space<hbm>> -> memref<1x1x80x128xi32, #tpu.memory_space<hbm>>
      %dma_start3A_261 = tpu.memref_squeeze %dma_start3A_260 : memref<1x1x80x128xi32, #tpu.memory_space<hbm>> -> memref<80x128xi32, #tpu.memory_space<hbm>>
      tpu.enqueue_dma source(%dma_start3A_261 : memref<80x128xi32, #tpu.memory_space<hbm>>) target(%arg4 : memref<80x128xi32, #tpu.memory_space<vmem>>) target_semaphore(%run_scoped3A_254 : memref<!tpu.dma_semaphore, #tpu.memory_space<semaphore_mem>>)
      %dma_wait3A_262 = arith.constant 0 : i32
      %dma_wait3A_263 = arith.constant 0 : i32
      %dma_wait3A_264 = tpu.memref_slice %arg2[%run_scoped3A, %add3A, %dma_wait3A_262, %dma_wait3A_263] : memref<2x32x80x128xi32, #tpu.memory_space<hbm>> -> memref<1x1x80x128xi32, #tpu.memory_space<hbm>>
      %dma_wait3A_265 = tpu.memref_squeeze %dma_wait3A_264 : memref<1x1x80x128xi32, #tpu.memory_space<hbm>> -> memref<80x128xi32, #tpu.memory_space<hbm>>
      %dma_wait3A_266 = arith.constant 0 : i32
      %dma_wait3A_267 = arith.constant 0 : i32
      %dma_wait3A_268 = tpu.memref_slice %arg2[%run_scoped3A, %add3A, %dma_wait3A_266, %dma_wait3A_267] : memref<2x32x80x128xi32, #tpu.memory_space<hbm>> -> memref<1x1x80x128xi32, #tpu.memory_space<hbm>>
      %dma_wait3A_269 = tpu.memref_squeeze %dma_wait3A_268 : memref<1x1x80x128xi32, #tpu.memory_space<hbm>> -> memref<80x128xi32, #tpu.memory_space<hbm>>
      tpu.wait_dma2 semaphore(%run_scoped3A_254 : memref<!tpu.dma_semaphore, #tpu.memory_space<semaphore_mem>>) src(%dma_wait3A_269 : memref<80x128xi32, #tpu.memory_space<hbm>>) dst(%arg4 : memref<80x128xi32, #tpu.memory_space<vmem>>)
      tpu.yield
    }) : () -> ()
    %scan3A = arith.constant 0 : i32
    %scan3A_197 = arith.constant 0 : i32
    %scan3A_198 = arith.constant 80 : i32
    %scan3A_199 = arith.addi %scan3A_197, %scan3A_198 : i32
    %scan3A_200 = arith.constant 1 : i32
    scf.for %scan3A_254 = %scan3A_197 to %scan3A_199 step %scan3A_200  : i32 {
      %dma_start3A = arith.constant 0 : i32
      %dma_start3A_255 = tpu.memref_slice %arg4[%scan3A_254, %dma_start3A] : memref<80x128xi32, #tpu.memory_space<vmem>> -> memref<1x128xi32, #tpu.memory_space<vmem>>
      %dma_start3A_256 = tpu.memref_squeeze %dma_start3A_255 : memref<1x128xi32, #tpu.memory_space<vmem>> -> memref<128xi32, #tpu.memory_space<vmem>>
      %dma_start3A_257 = arith.constant 0 : i32
      %dma_start3A_258 = tpu.memref_slice %arg7[%dma_start3A_257] : memref<10240xf32, #tpu.memory_space<vmem_shared>> -> memref<10240xf32, #tpu.memory_space<vmem_shared>>
      tpu.enqueue_indirect_dma source(%arg5 : memref<128xf32, #tpu.memory_space<vmem>>) target(%dma_start3A_258 : memref<10240xf32, #tpu.memory_space<vmem_shared>>) offsets(%dma_start3A_256 : memref<128xi32, #tpu.memory_space<vmem>>) semaphore(%arg8 : memref<!tpu.dma_semaphore, #tpu.memory_space<semaphore_mem>>) {add = true}
      %ge3A = arith.constant 8 : i32
      %ge3A_259 = arith.cmpi sge, %scan3A_254, %ge3A : i32
      %convert_element_type3A = arith.extui %ge3A_259 : i1 to i32
      %cond3A = arith.constant 0 : i32
      %cond3A_260 = arith.cmpi ne, %convert_element_type3A, %cond3A : i32
      scf.if %cond3A_260 {
        %sub3A = arith.constant 8 : i32
        %sub3A_261 = arith.subi %scan3A_254, %sub3A : i32
        %dma_wait3A_262 = arith.constant 0 : i32
        %dma_wait3A_263 = tpu.memref_slice %arg4[%sub3A_261, %dma_wait3A_262] : memref<80x128xi32, #tpu.memory_space<vmem>> -> memref<1x128xi32, #tpu.memory_space<vmem>>
        %dma_wait3A_264 = tpu.memref_squeeze %dma_wait3A_263 : memref<1x128xi32, #tpu.memory_space<vmem>> -> memref<128xi32, #tpu.memory_space<vmem>>
        %dma_wait3A_265 = arith.constant 0 : i32
        %dma_wait3A_266 = tpu.memref_slice %arg7[%dma_wait3A_265] : memref<10240xf32, #tpu.memory_space<vmem_shared>> -> memref<10240xf32, #tpu.memory_space<vmem_shared>>
        tpu.wait_indirect_dma semaphore(%arg8 : memref<!tpu.dma_semaphore, #tpu.memory_space<semaphore_mem>>) src(%arg5 : memref<128xf32, #tpu.memory_space<vmem>>) dst(%dma_wait3A_266 : memref<10240xf32, #tpu.memory_space<vmem_shared>>)
      } else {
      }
    }
    %scan3A_201 = arith.constant 80 : i32
    %dma_wait3A = arith.constant 72 : i32
    %dma_wait3A_202 = arith.constant 0 : i32
    %dma_wait3A_203 = tpu.memref_slice %arg4[%dma_wait3A, %dma_wait3A_202] : memref<80x128xi32, #tpu.memory_space<vmem>> -> memref<1x128xi32, #tpu.memory_space<vmem>>
    %dma_wait3A_204 = tpu.memref_squeeze %dma_wait3A_203 : memref<1x128xi32, #tpu.memory_space<vmem>> -> memref<128xi32, #tpu.memory_space<vmem>>
    %dma_wait3A_205 = arith.constant 0 : i32
    %dma_wait3A_206 = tpu.memref_slice %arg7[%dma_wait3A_205] : memref<10240xf32, #tpu.memory_space<vmem_shared>> -> memref<10240xf32, #tpu.memory_space<vmem_shared>>
    tpu.wait_indirect_dma semaphore(%arg8 : memref<!tpu.dma_semaphore, #tpu.memory_space<semaphore_mem>>) src(%arg5 : memref<128xf32, #tpu.memory_space<vmem>>) dst(%dma_wait3A_206 : memref<10240xf32, #tpu.memory_space<vmem_shared>>)
    %dma_wait3A_207 = arith.constant 73 : i32
    %dma_wait3A_208 = arith.constant 0 : i32
    %dma_wait3A_209 = tpu.memref_slice %arg4[%dma_wait3A_207, %dma_wait3A_208] : memref<80x128xi32, #tpu.memory_space<vmem>> -> memref<1x128xi32, #tpu.memory_space<vmem>>
    %dma_wait3A_210 = tpu.memref_squeeze %dma_wait3A_209 : memref<1x128xi32, #tpu.memory_space<vmem>> -> memref<128xi32, #tpu.memory_space<vmem>>
    %dma_wait3A_211 = arith.constant 0 : i32
    %dma_wait3A_212 = tpu.memref_slice %arg7[%dma_wait3A_211] : memref<10240xf32, #tpu.memory_space<vmem_shared>> -> memref<10240xf32, #tpu.memory_space<vmem_shared>>
    tpu.wait_indirect_dma semaphore(%arg8 : memref<!tpu.dma_semaphore, #tpu.memory_space<semaphore_mem>>) src(%arg5 : memref<128xf32, #tpu.memory_space<vmem>>) dst(%dma_wait3A_212 : memref<10240xf32, #tpu.memory_space<vmem_shared>>)
    %dma_wait3A_213 = arith.constant 74 : i32
    %dma_wait3A_214 = arith.constant 0 : i32
    %dma_wait3A_215 = tpu.memref_slice %arg4[%dma_wait3A_213, %dma_wait3A_214] : memref<80x128xi32, #tpu.memory_space<vmem>> -> memref<1x128xi32, #tpu.memory_space<vmem>>
    %dma_wait3A_216 = tpu.memref_squeeze %dma_wait3A_215 : memref<1x128xi32, #tpu.memory_space<vmem>> -> memref<128xi32, #tpu.memory_space<vmem>>
    %dma_wait3A_217 = arith.constant 0 : i32
    %dma_wait3A_218 = tpu.memref_slice %arg7[%dma_wait3A_217] : memref<10240xf32, #tpu.memory_space<vmem_shared>> -> memref<10240xf32, #tpu.memory_space<vmem_shared>>
    tpu.wait_indirect_dma semaphore(%arg8 : memref<!tpu.dma_semaphore, #tpu.memory_space<semaphore_mem>>) src(%arg5 : memref<128xf32, #tpu.memory_space<vmem>>) dst(%dma_wait3A_218 : memref<10240xf32, #tpu.memory_space<vmem_shared>>)
    %dma_wait3A_219 = arith.constant 75 : i32
    %dma_wait3A_220 = arith.constant 0 : i32
    %dma_wait3A_221 = tpu.memref_slice %arg4[%dma_wait3A_219, %dma_wait3A_220] : memref<80x128xi32, #tpu.memory_space<vmem>> -> memref<1x128xi32, #tpu.memory_space<vmem>>
    %dma_wait3A_222 = tpu.memref_squeeze %dma_wait3A_221 : memref<1x128xi32, #tpu.memory_space<vmem>> -> memref<128xi32, #tpu.memory_space<vmem>>
    %dma_wait3A_223 = arith.constant 0 : i32
    %dma_wait3A_224 = tpu.memref_slice %arg7[%dma_wait3A_223] : memref<10240xf32, #tpu.memory_space<vmem_shared>> -> memref<10240xf32, #tpu.memory_space<vmem_shared>>
    tpu.wait_indirect_dma semaphore(%arg8 : memref<!tpu.dma_semaphore, #tpu.memory_space<semaphore_mem>>) src(%arg5 : memref<128xf32, #tpu.memory_space<vmem>>) dst(%dma_wait3A_224 : memref<10240xf32, #tpu.memory_space<vmem_shared>>)
    %dma_wait3A_225 = arith.constant 76 : i32
    %dma_wait3A_226 = arith.constant 0 : i32
    %dma_wait3A_227 = tpu.memref_slice %arg4[%dma_wait3A_225, %dma_wait3A_226] : memref<80x128xi32, #tpu.memory_space<vmem>> -> memref<1x128xi32, #tpu.memory_space<vmem>>
    %dma_wait3A_228 = tpu.memref_squeeze %dma_wait3A_227 : memref<1x128xi32, #tpu.memory_space<vmem>> -> memref<128xi32, #tpu.memory_space<vmem>>
    %dma_wait3A_229 = arith.constant 0 : i32
    %dma_wait3A_230 = tpu.memref_slice %arg7[%dma_wait3A_229] : memref<10240xf32, #tpu.memory_space<vmem_shared>> -> memref<10240xf32, #tpu.memory_space<vmem_shared>>
    tpu.wait_indirect_dma semaphore(%arg8 : memref<!tpu.dma_semaphore, #tpu.memory_space<semaphore_mem>>) src(%arg5 : memref<128xf32, #tpu.memory_space<vmem>>) dst(%dma_wait3A_230 : memref<10240xf32, #tpu.memory_space<vmem_shared>>)
    %dma_wait3A_231 = arith.constant 77 : i32
    %dma_wait3A_232 = arith.constant 0 : i32
    %dma_wait3A_233 = tpu.memref_slice %arg4[%dma_wait3A_231, %dma_wait3A_232] : memref<80x128xi32, #tpu.memory_space<vmem>> -> memref<1x128xi32, #tpu.memory_space<vmem>>
    %dma_wait3A_234 = tpu.memref_squeeze %dma_wait3A_233 : memref<1x128xi32, #tpu.memory_space<vmem>> -> memref<128xi32, #tpu.memory_space<vmem>>
    %dma_wait3A_235 = arith.constant 0 : i32
    %dma_wait3A_236 = tpu.memref_slice %arg7[%dma_wait3A_235] : memref<10240xf32, #tpu.memory_space<vmem_shared>> -> memref<10240xf32, #tpu.memory_space<vmem_shared>>
    tpu.wait_indirect_dma semaphore(%arg8 : memref<!tpu.dma_semaphore, #tpu.memory_space<semaphore_mem>>) src(%arg5 : memref<128xf32, #tpu.memory_space<vmem>>) dst(%dma_wait3A_236 : memref<10240xf32, #tpu.memory_space<vmem_shared>>)
    %dma_wait3A_237 = arith.constant 78 : i32
    %dma_wait3A_238 = arith.constant 0 : i32
    %dma_wait3A_239 = tpu.memref_slice %arg4[%dma_wait3A_237, %dma_wait3A_238] : memref<80x128xi32, #tpu.memory_space<vmem>> -> memref<1x128xi32, #tpu.memory_space<vmem>>
    %dma_wait3A_240 = tpu.memref_squeeze %dma_wait3A_239 : memref<1x128xi32, #tpu.memory_space<vmem>> -> memref<128xi32, #tpu.memory_space<vmem>>
    %dma_wait3A_241 = arith.constant 0 : i32
    %dma_wait3A_242 = tpu.memref_slice %arg7[%dma_wait3A_241] : memref<10240xf32, #tpu.memory_space<vmem_shared>> -> memref<10240xf32, #tpu.memory_space<vmem_shared>>
    tpu.wait_indirect_dma semaphore(%arg8 : memref<!tpu.dma_semaphore, #tpu.memory_space<semaphore_mem>>) src(%arg5 : memref<128xf32, #tpu.memory_space<vmem>>) dst(%dma_wait3A_242 : memref<10240xf32, #tpu.memory_space<vmem_shared>>)
    %dma_wait3A_243 = arith.constant 79 : i32
    %dma_wait3A_244 = arith.constant 0 : i32
    %dma_wait3A_245 = tpu.memref_slice %arg4[%dma_wait3A_243, %dma_wait3A_244] : memref<80x128xi32, #tpu.memory_space<vmem>> -> memref<1x128xi32, #tpu.memory_space<vmem>>
    %dma_wait3A_246 = tpu.memref_squeeze %dma_wait3A_245 : memref<1x128xi32, #tpu.memory_space<vmem>> -> memref<128xi32, #tpu.memory_space<vmem>>
    %dma_wait3A_247 = arith.constant 0 : i32
    %dma_wait3A_248 = tpu.memref_slice %arg7[%dma_wait3A_247] : memref<10240xf32, #tpu.memory_space<vmem_shared>> -> memref<10240xf32, #tpu.memory_space<vmem_shared>>
    tpu.wait_indirect_dma semaphore(%arg8 : memref<!tpu.dma_semaphore, #tpu.memory_space<semaphore_mem>>) src(%arg5 : memref<128xf32, #tpu.memory_space<vmem>>) dst(%dma_wait3A_248 : memref<10240xf32, #tpu.memory_space<vmem_shared>>)
    %barrier3A_249 = arith.constant 0 : index
    tpu.barrier barrier_id(%barrier3A_249)
    %mul3A_250 = arith.constant 640 : i32
    %mul3A_251 = arith.muli %arg1, %mul3A_250 : i32
    "tpu.region"() ({
      %run_scoped3A_254 = tpu.sem_alloc : memref<!tpu.dma_semaphore, #tpu.memory_space<semaphore_mem>>
      %dma_start3A = tpu.memref_slice %arg7[%mul3A_251] : memref<10240xf32, #tpu.memory_space<vmem_shared>> -> memref<640xf32, #tpu.memory_space<vmem_shared>>
      %dma_start3A_255 = tpu.memref_slice %arg7[%mul3A_251] : memref<10240xf32, #tpu.memory_space<vmem_shared>> -> memref<640xf32, #tpu.memory_space<vmem_shared>>
      tpu.enqueue_dma source(%dma_start3A_255 : memref<640xf32, #tpu.memory_space<vmem_shared>>) target(%arg6 : memref<640xf32, #tpu.memory_space<vmem>>) target_semaphore(%run_scoped3A_254 : memref<!tpu.dma_semaphore, #tpu.memory_space<semaphore_mem>>)
      %dma_wait3A_256 = tpu.memref_slice %arg7[%mul3A_251] : memref<10240xf32, #tpu.memory_space<vmem_shared>> -> memref<640xf32, #tpu.memory_space<vmem_shared>>
      %dma_wait3A_257 = tpu.memref_slice %arg7[%mul3A_251] : memref<10240xf32, #tpu.memory_space<vmem_shared>> -> memref<640xf32, #tpu.memory_space<vmem_shared>>
      tpu.wait_dma2 semaphore(%run_scoped3A_254 : memref<!tpu.dma_semaphore, #tpu.memory_space<semaphore_mem>>) src(%dma_wait3A_257 : memref<640xf32, #tpu.memory_space<vmem_shared>>) dst(%arg6 : memref<640xf32, #tpu.memory_space<vmem>>)
      tpu.yield
    }) : () -> ()
    %mul3A_252 = arith.constant 640 : i32
    %mul3A_253 = arith.muli %arg1, %mul3A_252 : i32
    "tpu.region"() ({
      %run_scoped3A_254 = tpu.sem_alloc : memref<!tpu.dma_semaphore, #tpu.memory_space<semaphore_mem>>
      %dma_start3A = tpu.memref_slice %arg3[%arg0, %mul3A_253] : memref<2x10240xf32, #tpu.memory_space<hbm>> -> memref<1x640xf32, #tpu.memory_space<hbm>>
      %dma_start3A_255 = tpu.memref_squeeze %dma_start3A : memref<1x640xf32, #tpu.memory_space<hbm>> -> memref<640xf32, #tpu.memory_space<hbm>>
      %dma_start3A_256 = tpu.memref_slice %arg3[%arg0, %mul3A_253] : memref<2x10240xf32, #tpu.memory_space<hbm>> -> memref<1x640xf32, #tpu.memory_space<hbm>>
      %dma_start3A_257 = tpu.memref_squeeze %dma_start3A_256 : memref<1x640xf32, #tpu.memory_space<hbm>> -> memref<640xf32, #tpu.memory_space<hbm>>
      tpu.enqueue_dma source(%arg6 : memref<640xf32, #tpu.memory_space<vmem>>) target(%dma_start3A_257 : memref<640xf32, #tpu.memory_space<hbm>>) target_semaphore(%run_scoped3A_254 : memref<!tpu.dma_semaphore, #tpu.memory_space<semaphore_mem>>)
      %dma_wait3A_258 = tpu.memref_slice %arg3[%arg0, %mul3A_253] : memref<2x10240xf32, #tpu.memory_space<hbm>> -> memref<1x640xf32, #tpu.memory_space<hbm>>
      %dma_wait3A_259 = tpu.memref_squeeze %dma_wait3A_258 : memref<1x640xf32, #tpu.memory_space<hbm>> -> memref<640xf32, #tpu.memory_space<hbm>>
      %dma_wait3A_260 = tpu.memref_slice %arg3[%arg0, %mul3A_253] : memref<2x10240xf32, #tpu.memory_space<hbm>> -> memref<1x640xf32, #tpu.memory_space<hbm>>
      %dma_wait3A_261 = tpu.memref_squeeze %dma_wait3A_260 : memref<1x640xf32, #tpu.memory_space<hbm>> -> memref<640xf32, #tpu.memory_space<hbm>>
      tpu.wait_dma2 semaphore(%run_scoped3A_254 : memref<!tpu.dma_semaphore, #tpu.memory_space<semaphore_mem>>) src(%arg6 : memref<640xf32, #tpu.memory_space<vmem>>) dst(%dma_wait3A_261 : memref<640xf32, #tpu.memory_space<hbm>>)
      tpu.yield
    }) : () -> ()
    return
  }
}

#map = affine_map<(d0, d1) -> (0, 0)>
#map1 = affine_map<(d0, d1) -> (0, 0, 0, 0)>
#map2 = affine_map<(d0, d1) -> (0, 0, 0)>
module attributes {stable_mosaic.version = 14 : i64} {
  func.func @k(%arg0: i32, %arg1: i32, %arg2: memref<10000x64xf32, #tpu.memory_space<hbm>>, %arg3: memref<2x32x80x128xi32, #tpu.memory_space<hbm>>, %arg4: memref<2x10240x128xf32, #tpu.memory_space<hbm>>, %arg5: memref<80x128xi32, #tpu.memory_space<vmem>>, %arg6: memref<80x128xi32, #tpu.memory_space<vmem>>, %arg7: memref<128x64xf32, #tpu.memory_space<vmem>>, %arg8: memref<128x64xf32, #tpu.memory_space<vmem>>, %arg9: memref<128x64xf32, #tpu.memory_space<vmem>>, %arg10: memref<128x64xf32, #tpu.memory_space<vmem>>, %arg11: memref<128x64xf32, #tpu.memory_space<vmem>>, %arg12: memref<128x64xf32, #tpu.memory_space<vmem>>, %arg13: memref<128x64xf32, #tpu.memory_space<vmem>>, %arg14: memref<128x64xf32, #tpu.memory_space<vmem>>, %arg15: memref<10240x64xf32, #tpu.memory_space<vmem_shared>>, %arg16: memref<!tpu.dma_semaphore, #tpu.memory_space<semaphore_mem>>, %arg17: memref<!tpu.dma_semaphore, #tpu.memory_space<semaphore_mem>>, %arg18: memref<!tpu.dma_semaphore, #tpu.memory_space<semaphore_mem>>, %arg19: memref<!tpu.dma_semaphore, #tpu.memory_space<semaphore_mem>>, %arg20: memref<!tpu.dma_semaphore, #tpu.memory_space<semaphore_mem>>, %arg21: memref<!tpu.dma_semaphore, #tpu.memory_space<semaphore_mem>>, %arg22: memref<!tpu.dma_semaphore, #tpu.memory_space<semaphore_mem>>, %arg23: memref<!tpu.dma_semaphore, #tpu.memory_space<semaphore_mem>>, %arg24: memref<!tpu.dma_semaphore, #tpu.memory_space<semaphore_mem>>, %arg25: memref<!tpu.dma_semaphore, #tpu.memory_space<semaphore_mem>>, %arg26: memref<!tpu.dma_semaphore, #tpu.memory_space<semaphore_mem>>, %arg27: memref<!tpu.dma_semaphore, #tpu.memory_space<semaphore_mem>>, %arg28: memref<!tpu.dma_semaphore, #tpu.memory_space<semaphore_mem>>, %arg29: memref<!tpu.dma_semaphore, #tpu.memory_space<semaphore_mem>>, %arg30: memref<!tpu.dma_semaphore, #tpu.memory_space<semaphore_mem>>, %arg31: memref<!tpu.dma_semaphore, #tpu.memory_space<semaphore_mem>>) attributes {dimension_semantics = [#tpu.dimension_semantics<core_parallel>, #tpu.dimension_semantics<subcore_parallel>], iteration_bounds = array<i64: 2, 16>, scalar_prefetch = 0 : i64, scratch_operands = 27 : i64, tpu.core_type = #tpu.core_type<sc_vector_subcore>, window_params = [{transform_indices = #map}, {transform_indices = #map1}, {transform_indices = #map2}]} {
    %mul3A = arith.constant 16 : i32
    %mul3A_0 = arith.muli %arg0, %mul3A : i32
    %add3A = arith.addi %mul3A_0, %arg1 : i32
    %broadcast_in_dim3A = arith.constant 0.000000e+00 : f32
    %broadcast_in_dim3A_1 = vector.broadcast %broadcast_in_dim3A : f32 to vector<16xf32>
    %scan3A = arith.constant 0 : i32
    %scan3A_2 = arith.constant 0 : i32
    %scan3A_3 = arith.constant 128 : i32
    %scan3A_4 = arith.addi %scan3A_2, %scan3A_3 : i32
    %scan3A_5 = arith.constant 1 : i32
    scf.for %scan3A_129 = %scan3A_2 to %scan3A_4 step %scan3A_5  : i32 {
      %swap3A = arith.index_cast %scan3A_129 : i32 to index
      %swap3A_130 = arith.constant 0 : index
      %swap3A_131 = tpu.vector_load %arg7[%swap3A, %swap3A_130] {strides = array<i32>} : memref<128x64xf32, #tpu.memory_space<vmem>>, vector<1x16xf32>,
      %swap3A_132 = vector.shape_cast %swap3A_131 : vector<1x16xf32> to vector<16xf32>
      %swap3A_133 = vector.shape_cast %broadcast_in_dim3A_1 : vector<16xf32> to vector<1x16xf32>
      tpu.vector_store %arg7[%swap3A, %swap3A_130], %swap3A_133 {strides = array<i32>} : memref<128x64xf32, #tpu.memory_space<vmem>>, vector<1x16xf32>,
      %swap3A_134 = arith.index_cast %scan3A_129 : i32 to index
      %swap3A_135 = arith.constant 16 : index
      %swap3A_136 = tpu.vector_load %arg7[%swap3A_134, %swap3A_135] {strides = array<i32>} : memref<128x64xf32, #tpu.memory_space<vmem>>, vector<1x16xf32>,
      %swap3A_137 = vector.shape_cast %swap3A_136 : vector<1x16xf32> to vector<16xf32>
      %swap3A_138 = vector.shape_cast %broadcast_in_dim3A_1 : vector<16xf32> to vector<1x16xf32>
      tpu.vector_store %arg7[%swap3A_134, %swap3A_135], %swap3A_138 {strides = array<i32>} : memref<128x64xf32, #tpu.memory_space<vmem>>, vector<1x16xf32>,
      %swap3A_139 = arith.index_cast %scan3A_129 : i32 to index
      %swap3A_140 = arith.constant 32 : index
      %swap3A_141 = tpu.vector_load %arg7[%swap3A_139, %swap3A_140] {strides = array<i32>} : memref<128x64xf32, #tpu.memory_space<vmem>>, vector<1x16xf32>,
      %swap3A_142 = vector.shape_cast %swap3A_141 : vector<1x16xf32> to vector<16xf32>
      %swap3A_143 = vector.shape_cast %broadcast_in_dim3A_1 : vector<16xf32> to vector<1x16xf32>
      tpu.vector_store %arg7[%swap3A_139, %swap3A_140], %swap3A_143 {strides = array<i32>} : memref<128x64xf32, #tpu.memory_space<vmem>>, vector<1x16xf32>,
      %swap3A_144 = arith.index_cast %scan3A_129 : i32 to index
      %swap3A_145 = arith.constant 48 : index
      %swap3A_146 = tpu.vector_load %arg7[%swap3A_144, %swap3A_145] {strides = array<i32>} : memref<128x64xf32, #tpu.memory_space<vmem>>, vector<1x16xf32>,
      %swap3A_147 = vector.shape_cast %swap3A_146 : vector<1x16xf32> to vector<16xf32>
      %swap3A_148 = vector.shape_cast %broadcast_in_dim3A_1 : vector<16xf32> to vector<1x16xf32>
      tpu.vector_store %arg7[%swap3A_144, %swap3A_145], %swap3A_148 {strides = array<i32>} : memref<128x64xf32, #tpu.memory_space<vmem>>, vector<1x16xf32>,
    }
    %scan3A_6 = arith.constant 128 : i32
    %mul3A_7 = arith.constant 640 : i32
    %mul3A_8 = arith.muli %arg1, %mul3A_7 : i32
    %add3A_9 = arith.constant 0 : i32
    %add3A_10 = arith.addi %mul3A_8, %add3A_9 : i32
    "tpu.region"() ({
      %run_scoped3A_129 = tpu.sem_alloc : memref<!tpu.dma_semaphore, #tpu.memory_space<semaphore_mem>>
      %dma_start3A_130 = arith.constant 0 : i32
      %dma_start3A_131 = tpu.memref_slice %arg15[%add3A_10, %dma_start3A_130] : memref<10240x64xf32, #tpu.memory_space<vmem_shared>> -> memref<128x64xf32, #tpu.memory_space<vmem_shared>>
      %dma_start3A_132 = arith.constant 0 : i32
      %dma_start3A_133 = tpu.memref_slice %arg15[%add3A_10, %dma_start3A_132] : memref<10240x64xf32, #tpu.memory_space<vmem_shared>> -> memref<128x64xf32, #tpu.memory_space<vmem_shared>>
      tpu.enqueue_dma source(%arg7 : memref<128x64xf32, #tpu.memory_space<vmem>>) target(%dma_start3A_133 : memref<128x64xf32, #tpu.memory_space<vmem_shared>>) target_semaphore(%run_scoped3A_129 : memref<!tpu.dma_semaphore, #tpu.memory_space<semaphore_mem>>)
      %dma_wait3A_134 = arith.constant 0 : i32
      %dma_wait3A_135 = tpu.memref_slice %arg15[%add3A_10, %dma_wait3A_134] : memref<10240x64xf32, #tpu.memory_space<vmem_shared>> -> memref<128x64xf32, #tpu.memory_space<vmem_shared>>
      %dma_wait3A_136 = arith.constant 0 : i32
      %dma_wait3A_137 = tpu.memref_slice %arg15[%add3A_10, %dma_wait3A_136] : memref<10240x64xf32, #tpu.memory_space<vmem_shared>> -> memref<128x64xf32, #tpu.memory_space<vmem_shared>>
      tpu.wait_dma2 semaphore(%run_scoped3A_129 : memref<!tpu.dma_semaphore, #tpu.memory_space<semaphore_mem>>) src(%arg7 : memref<128x64xf32, #tpu.memory_space<vmem>>) dst(%dma_wait3A_137 : memref<128x64xf32, #tpu.memory_space<vmem_shared>>)
      tpu.yield
    }) : () -> ()
    %add3A_11 = arith.constant 128 : i32
    %add3A_12 = arith.addi %mul3A_8, %add3A_11 : i32
    "tpu.region"() ({
      %run_scoped3A_129 = tpu.sem_alloc : memref<!tpu.dma_semaphore, #tpu.memory_space<semaphore_mem>>
      %dma_start3A_130 = arith.constant 0 : i32
      %dma_start3A_131 = tpu.memref_slice %arg15[%add3A_12, %dma_start3A_130] : memref<10240x64xf32, #tpu.memory_space<vmem_shared>> -> memref<128x64xf32, #tpu.memory_space<vmem_shared>>
      %dma_start3A_132 = arith.constant 0 : i32
      %dma_start3A_133 = tpu.memref_slice %arg15[%add3A_12, %dma_start3A_132] : memref<10240x64xf32, #tpu.memory_space<vmem_shared>> -> memref<128x64xf32, #tpu.memory_space<vmem_shared>>
      tpu.enqueue_dma source(%arg7 : memref<128x64xf32, #tpu.memory_space<vmem>>) target(%dma_start3A_133 : memref<128x64xf32, #tpu.memory_space<vmem_shared>>) target_semaphore(%run_scoped3A_129 : memref<!tpu.dma_semaphore, #tpu.memory_space<semaphore_mem>>)
      %dma_wait3A_134 = arith.constant 0 : i32
      %dma_wait3A_135 = tpu.memref_slice %arg15[%add3A_12, %dma_wait3A_134] : memref<10240x64xf32, #tpu.memory_space<vmem_shared>> -> memref<128x64xf32, #tpu.memory_space<vmem_shared>>
      %dma_wait3A_136 = arith.constant 0 : i32
      %dma_wait3A_137 = tpu.memref_slice %arg15[%add3A_12, %dma_wait3A_136] : memref<10240x64xf32, #tpu.memory_space<vmem_shared>> -> memref<128x64xf32, #tpu.memory_space<vmem_shared>>
      tpu.wait_dma2 semaphore(%run_scoped3A_129 : memref<!tpu.dma_semaphore, #tpu.memory_space<semaphore_mem>>) src(%arg7 : memref<128x64xf32, #tpu.memory_space<vmem>>) dst(%dma_wait3A_137 : memref<128x64xf32, #tpu.memory_space<vmem_shared>>)
      tpu.yield
    }) : () -> ()
    %add3A_13 = arith.constant 256 : i32
    %add3A_14 = arith.addi %mul3A_8, %add3A_13 : i32
    "tpu.region"() ({
      %run_scoped3A_129 = tpu.sem_alloc : memref<!tpu.dma_semaphore, #tpu.memory_space<semaphore_mem>>
      %dma_start3A_130 = arith.constant 0 : i32
      %dma_start3A_131 = tpu.memref_slice %arg15[%add3A_14, %dma_start3A_130] : memref<10240x64xf32, #tpu.memory_space<vmem_shared>> -> memref<128x64xf32, #tpu.memory_space<vmem_shared>>
      %dma_start3A_132 = arith.constant 0 : i32
      %dma_start3A_133 = tpu.memref_slice %arg15[%add3A_14, %dma_start3A_132] : memref<10240x64xf32, #tpu.memory_space<vmem_shared>> -> memref<128x64xf32, #tpu.memory_space<vmem_shared>>
      tpu.enqueue_dma source(%arg7 : memref<128x64xf32, #tpu.memory_space<vmem>>) target(%dma_start3A_133 : memref<128x64xf32, #tpu.memory_space<vmem_shared>>) target_semaphore(%run_scoped3A_129 : memref<!tpu.dma_semaphore, #tpu.memory_space<semaphore_mem>>)
      %dma_wait3A_134 = arith.constant 0 : i32
      %dma_wait3A_135 = tpu.memref_slice %arg15[%add3A_14, %dma_wait3A_134] : memref<10240x64xf32, #tpu.memory_space<vmem_shared>> -> memref<128x64xf32, #tpu.memory_space<vmem_shared>>
      %dma_wait3A_136 = arith.constant 0 : i32
      %dma_wait3A_137 = tpu.memref_slice %arg15[%add3A_14, %dma_wait3A_136] : memref<10240x64xf32, #tpu.memory_space<vmem_shared>> -> memref<128x64xf32, #tpu.memory_space<vmem_shared>>
      tpu.wait_dma2 semaphore(%run_scoped3A_129 : memref<!tpu.dma_semaphore, #tpu.memory_space<semaphore_mem>>) src(%arg7 : memref<128x64xf32, #tpu.memory_space<vmem>>) dst(%dma_wait3A_137 : memref<128x64xf32, #tpu.memory_space<vmem_shared>>)
      tpu.yield
    }) : () -> ()
    %add3A_15 = arith.constant 384 : i32
    %add3A_16 = arith.addi %mul3A_8, %add3A_15 : i32
    "tpu.region"() ({
      %run_scoped3A_129 = tpu.sem_alloc : memref<!tpu.dma_semaphore, #tpu.memory_space<semaphore_mem>>
      %dma_start3A_130 = arith.constant 0 : i32
      %dma_start3A_131 = tpu.memref_slice %arg15[%add3A_16, %dma_start3A_130] : memref<10240x64xf32, #tpu.memory_space<vmem_shared>> -> memref<128x64xf32, #tpu.memory_space<vmem_shared>>
      %dma_start3A_132 = arith.constant 0 : i32
      %dma_start3A_133 = tpu.memref_slice %arg15[%add3A_16, %dma_start3A_132] : memref<10240x64xf32, #tpu.memory_space<vmem_shared>> -> memref<128x64xf32, #tpu.memory_space<vmem_shared>>
      tpu.enqueue_dma source(%arg7 : memref<128x64xf32, #tpu.memory_space<vmem>>) target(%dma_start3A_133 : memref<128x64xf32, #tpu.memory_space<vmem_shared>>) target_semaphore(%run_scoped3A_129 : memref<!tpu.dma_semaphore, #tpu.memory_space<semaphore_mem>>)
      %dma_wait3A_134 = arith.constant 0 : i32
      %dma_wait3A_135 = tpu.memref_slice %arg15[%add3A_16, %dma_wait3A_134] : memref<10240x64xf32, #tpu.memory_space<vmem_shared>> -> memref<128x64xf32, #tpu.memory_space<vmem_shared>>
      %dma_wait3A_136 = arith.constant 0 : i32
      %dma_wait3A_137 = tpu.memref_slice %arg15[%add3A_16, %dma_wait3A_136] : memref<10240x64xf32, #tpu.memory_space<vmem_shared>> -> memref<128x64xf32, #tpu.memory_space<vmem_shared>>
      tpu.wait_dma2 semaphore(%run_scoped3A_129 : memref<!tpu.dma_semaphore, #tpu.memory_space<semaphore_mem>>) src(%arg7 : memref<128x64xf32, #tpu.memory_space<vmem>>) dst(%dma_wait3A_137 : memref<128x64xf32, #tpu.memory_space<vmem_shared>>)
      tpu.yield
    }) : () -> ()
    %add3A_17 = arith.constant 512 : i32
    %add3A_18 = arith.addi %mul3A_8, %add3A_17 : i32
    "tpu.region"() ({
      %run_scoped3A_129 = tpu.sem_alloc : memref<!tpu.dma_semaphore, #tpu.memory_space<semaphore_mem>>
      %dma_start3A_130 = arith.constant 0 : i32
      %dma_start3A_131 = tpu.memref_slice %arg15[%add3A_18, %dma_start3A_130] : memref<10240x64xf32, #tpu.memory_space<vmem_shared>> -> memref<128x64xf32, #tpu.memory_space<vmem_shared>>
      %dma_start3A_132 = arith.constant 0 : i32
      %dma_start3A_133 = tpu.memref_slice %arg15[%add3A_18, %dma_start3A_132] : memref<10240x64xf32, #tpu.memory_space<vmem_shared>> -> memref<128x64xf32, #tpu.memory_space<vmem_shared>>
      tpu.enqueue_dma source(%arg7 : memref<128x64xf32, #tpu.memory_space<vmem>>) target(%dma_start3A_133 : memref<128x64xf32, #tpu.memory_space<vmem_shared>>) target_semaphore(%run_scoped3A_129 : memref<!tpu.dma_semaphore, #tpu.memory_space<semaphore_mem>>)
      %dma_wait3A_134 = arith.constant 0 : i32
      %dma_wait3A_135 = tpu.memref_slice %arg15[%add3A_18, %dma_wait3A_134] : memref<10240x64xf32, #tpu.memory_space<vmem_shared>> -> memref<128x64xf32, #tpu.memory_space<vmem_shared>>
      %dma_wait3A_136 = arith.constant 0 : i32
      %dma_wait3A_137 = tpu.memref_slice %arg15[%add3A_18, %dma_wait3A_136] : memref<10240x64xf32, #tpu.memory_space<vmem_shared>> -> memref<128x64xf32, #tpu.memory_space<vmem_shared>>
      tpu.wait_dma2 semaphore(%run_scoped3A_129 : memref<!tpu.dma_semaphore, #tpu.memory_space<semaphore_mem>>) src(%arg7 : memref<128x64xf32, #tpu.memory_space<vmem>>) dst(%dma_wait3A_137 : memref<128x64xf32, #tpu.memory_space<vmem_shared>>)
      tpu.yield
    }) : () -> ()
    %barrier3A = arith.constant 0 : index
    tpu.barrier barrier_id(%barrier3A)
    %run_scoped3A = arith.constant 0 : i32
    "tpu.region"() ({
      %run_scoped3A_129 = tpu.sem_alloc : memref<!tpu.dma_semaphore, #tpu.memory_space<semaphore_mem>>
      %dma_start3A_130 = arith.constant 0 : i32
      %dma_start3A_131 = arith.constant 0 : i32
      %dma_start3A_132 = tpu.memref_slice %arg3[%run_scoped3A, %add3A, %dma_start3A_130, %dma_start3A_131] : memref<2x32x80x128xi32, #tpu.memory_space<hbm>> -> memref<1x1x80x128xi32, #tpu.memory_space<hbm>>
      %dma_start3A_133 = tpu.memref_squeeze %dma_start3A_132 : memref<1x1x80x128xi32, #tpu.memory_space<hbm>> -> memref<80x128xi32, #tpu.memory_space<hbm>>
      %dma_start3A_134 = arith.constant 0 : i32
      %dma_start3A_135 = arith.constant 0 : i32
      %dma_start3A_136 = tpu.memref_slice %arg3[%run_scoped3A, %add3A, %dma_start3A_134, %dma_start3A_135] : memref<2x32x80x128xi32, #tpu.memory_space<hbm>> -> memref<1x1x80x128xi32, #tpu.memory_space<hbm>>
      %dma_start3A_137 = tpu.memref_squeeze %dma_start3A_136 : memref<1x1x80x128xi32, #tpu.memory_space<hbm>> -> memref<80x128xi32, #tpu.memory_space<hbm>>
      tpu.enqueue_dma source(%dma_start3A_137 : memref<80x128xi32, #tpu.memory_space<hbm>>) target(%arg5 : memref<80x128xi32, #tpu.memory_space<vmem>>) target_semaphore(%run_scoped3A_129 : memref<!tpu.dma_semaphore, #tpu.memory_space<semaphore_mem>>)
      %dma_wait3A_138 = arith.constant 0 : i32
      %dma_wait3A_139 = arith.constant 0 : i32
      %dma_wait3A_140 = tpu.memref_slice %arg3[%run_scoped3A, %add3A, %dma_wait3A_138, %dma_wait3A_139] : memref<2x32x80x128xi32, #tpu.memory_space<hbm>> -> memref<1x1x80x128xi32, #tpu.memory_space<hbm>>
      %dma_wait3A_141 = tpu.memref_squeeze %dma_wait3A_140 : memref<1x1x80x128xi32, #tpu.memory_space<hbm>> -> memref<80x128xi32, #tpu.memory_space<hbm>>
      %dma_wait3A_142 = arith.constant 0 : i32
      %dma_wait3A_143 = arith.constant 0 : i32
      %dma_wait3A_144 = tpu.memref_slice %arg3[%run_scoped3A, %add3A, %dma_wait3A_142, %dma_wait3A_143] : memref<2x32x80x128xi32, #tpu.memory_space<hbm>> -> memref<1x1x80x128xi32, #tpu.memory_space<hbm>>
      %dma_wait3A_145 = tpu.memref_squeeze %dma_wait3A_144 : memref<1x1x80x128xi32, #tpu.memory_space<hbm>> -> memref<80x128xi32, #tpu.memory_space<hbm>>
      tpu.wait_dma2 semaphore(%run_scoped3A_129 : memref<!tpu.dma_semaphore, #tpu.memory_space<semaphore_mem>>) src(%dma_wait3A_145 : memref<80x128xi32, #tpu.memory_space<hbm>>) dst(%arg5 : memref<80x128xi32, #tpu.memory_space<vmem>>)
      tpu.yield
    }) : () -> ()
    %run_scoped3A_19 = arith.constant 1 : i32
    "tpu.region"() ({
      %run_scoped3A_129 = tpu.sem_alloc : memref<!tpu.dma_semaphore, #tpu.memory_space<semaphore_mem>>
      %dma_start3A_130 = arith.constant 0 : i32
      %dma_start3A_131 = arith.constant 0 : i32
      %dma_start3A_132 = tpu.memref_slice %arg3[%run_scoped3A_19, %add3A, %dma_start3A_130, %dma_start3A_131] : memref<2x32x80x128xi32, #tpu.memory_space<hbm>> -> memref<1x1x80x128xi32, #tpu.memory_space<hbm>>
      %dma_start3A_133 = tpu.memref_squeeze %dma_start3A_132 : memref<1x1x80x128xi32, #tpu.memory_space<hbm>> -> memref<80x128xi32, #tpu.memory_space<hbm>>
      %dma_start3A_134 = arith.constant 0 : i32
      %dma_start3A_135 = arith.constant 0 : i32
      %dma_start3A_136 = tpu.memref_slice %arg3[%run_scoped3A_19, %add3A, %dma_start3A_134, %dma_start3A_135] : memref<2x32x80x128xi32, #tpu.memory_space<hbm>> -> memref<1x1x80x128xi32, #tpu.memory_space<hbm>>
      %dma_start3A_137 = tpu.memref_squeeze %dma_start3A_136 : memref<1x1x80x128xi32, #tpu.memory_space<hbm>> -> memref<80x128xi32, #tpu.memory_space<hbm>>
      tpu.enqueue_dma source(%dma_start3A_137 : memref<80x128xi32, #tpu.memory_space<hbm>>) target(%arg6 : memref<80x128xi32, #tpu.memory_space<vmem>>) target_semaphore(%run_scoped3A_129 : memref<!tpu.dma_semaphore, #tpu.memory_space<semaphore_mem>>)
      %dma_wait3A_138 = arith.constant 0 : i32
      %dma_wait3A_139 = arith.constant 0 : i32
      %dma_wait3A_140 = tpu.memref_slice %arg3[%run_scoped3A_19, %add3A, %dma_wait3A_138, %dma_wait3A_139] : memref<2x32x80x128xi32, #tpu.memory_space<hbm>> -> memref<1x1x80x128xi32, #tpu.memory_space<hbm>>
      %dma_wait3A_141 = tpu.memref_squeeze %dma_wait3A_140 : memref<1x1x80x128xi32, #tpu.memory_space<hbm>> -> memref<80x128xi32, #tpu.memory_space<hbm>>
      %dma_wait3A_142 = arith.constant 0 : i32
      %dma_wait3A_143 = arith.constant 0 : i32
      %dma_wait3A_144 = tpu.memref_slice %arg3[%run_scoped3A_19, %add3A, %dma_wait3A_142, %dma_wait3A_143] : memref<2x32x80x128xi32, #tpu.memory_space<hbm>> -> memref<1x1x80x128xi32, #tpu.memory_space<hbm>>
      %dma_wait3A_145 = tpu.memref_squeeze %dma_wait3A_144 : memref<1x1x80x128xi32, #tpu.memory_space<hbm>> -> memref<80x128xi32, #tpu.memory_space<hbm>>
      tpu.wait_dma2 semaphore(%run_scoped3A_129 : memref<!tpu.dma_semaphore, #tpu.memory_space<semaphore_mem>>) src(%dma_wait3A_145 : memref<80x128xi32, #tpu.memory_space<hbm>>) dst(%arg6 : memref<80x128xi32, #tpu.memory_space<vmem>>)
      tpu.yield
    }) : () -> ()
    %dma_start3A = arith.constant 0 : i32
    %dma_start3A_20 = arith.constant 0 : i32
    %dma_start3A_21 = tpu.memref_slice %arg5[%dma_start3A, %dma_start3A_20] : memref<80x128xi32, #tpu.memory_space<vmem>> -> memref<1x128xi32, #tpu.memory_space<vmem>>
    %dma_start3A_22 = tpu.memref_squeeze %dma_start3A_21 : memref<1x128xi32, #tpu.memory_space<vmem>> -> memref<128xi32, #tpu.memory_space<vmem>>
    %dma_start3A_23 = arith.constant 0 : i32
    %dma_start3A_24 = arith.constant 0 : i32
    %dma_start3A_25 = tpu.memref_slice %arg2[%dma_start3A_23, %dma_start3A_24] : memref<10000x64xf32, #tpu.memory_space<hbm>> -> memref<10000x64xf32, #tpu.memory_space<hbm>>
    tpu.enqueue_indirect_dma source(%dma_start3A_25 : memref<10000x64xf32, #tpu.memory_space<hbm>>) target(%arg7 : memref<128x64xf32, #tpu.memory_space<vmem>>) offsets(%dma_start3A_22 : memref<128xi32, #tpu.memory_space<vmem>>) semaphore(%arg16 : memref<!tpu.dma_semaphore, #tpu.memory_space<semaphore_mem>>)
    %dma_start3A_26 = arith.constant 1 : i32
    %dma_start3A_27 = arith.constant 0 : i32
    %dma_start3A_28 = tpu.memref_slice %arg5[%dma_start3A_26, %dma_start3A_27] : memref<80x128xi32, #tpu.memory_space<vmem>> -> memref<1x128xi32, #tpu.memory_space<vmem>>
    %dma_start3A_29 = tpu.memref_squeeze %dma_start3A_28 : memref<1x128xi32, #tpu.memory_space<vmem>> -> memref<128xi32, #tpu.memory_space<vmem>>
    %dma_start3A_30 = arith.constant 0 : i32
    %dma_start3A_31 = arith.constant 0 : i32
    %dma_start3A_32 = tpu.memref_slice %arg2[%dma_start3A_30, %dma_start3A_31] : memref<10000x64xf32, #tpu.memory_space<hbm>> -> memref<10000x64xf32, #tpu.memory_space<hbm>>
    tpu.enqueue_indirect_dma source(%dma_start3A_32 : memref<10000x64xf32, #tpu.memory_space<hbm>>) target(%arg8 : memref<128x64xf32, #tpu.memory_space<vmem>>) offsets(%dma_start3A_29 : memref<128xi32, #tpu.memory_space<vmem>>) semaphore(%arg17 : memref<!tpu.dma_semaphore, #tpu.memory_space<semaphore_mem>>)
    %dma_start3A_33 = arith.constant 2 : i32
    %dma_start3A_34 = arith.constant 0 : i32
    %dma_start3A_35 = tpu.memref_slice %arg5[%dma_start3A_33, %dma_start3A_34] : memref<80x128xi32, #tpu.memory_space<vmem>> -> memref<1x128xi32, #tpu.memory_space<vmem>>
    %dma_start3A_36 = tpu.memref_squeeze %dma_start3A_35 : memref<1x128xi32, #tpu.memory_space<vmem>> -> memref<128xi32, #tpu.memory_space<vmem>>
    %dma_start3A_37 = arith.constant 0 : i32
    %dma_start3A_38 = arith.constant 0 : i32
    %dma_start3A_39 = tpu.memref_slice %arg2[%dma_start3A_37, %dma_start3A_38] : memref<10000x64xf32, #tpu.memory_space<hbm>> -> memref<10000x64xf32, #tpu.memory_space<hbm>>
    tpu.enqueue_indirect_dma source(%dma_start3A_39 : memref<10000x64xf32, #tpu.memory_space<hbm>>) target(%arg9 : memref<128x64xf32, #tpu.memory_space<vmem>>) offsets(%dma_start3A_36 : memref<128xi32, #tpu.memory_space<vmem>>) semaphore(%arg18 : memref<!tpu.dma_semaphore, #tpu.memory_space<semaphore_mem>>)
    %dma_start3A_40 = arith.constant 3 : i32
    %dma_start3A_41 = arith.constant 0 : i32
    %dma_start3A_42 = tpu.memref_slice %arg5[%dma_start3A_40, %dma_start3A_41] : memref<80x128xi32, #tpu.memory_space<vmem>> -> memref<1x128xi32, #tpu.memory_space<vmem>>
    %dma_start3A_43 = tpu.memref_squeeze %dma_start3A_42 : memref<1x128xi32, #tpu.memory_space<vmem>> -> memref<128xi32, #tpu.memory_space<vmem>>
    %dma_start3A_44 = arith.constant 0 : i32
    %dma_start3A_45 = arith.constant 0 : i32
    %dma_start3A_46 = tpu.memref_slice %arg2[%dma_start3A_44, %dma_start3A_45] : memref<10000x64xf32, #tpu.memory_space<hbm>> -> memref<10000x64xf32, #tpu.memory_space<hbm>>
    tpu.enqueue_indirect_dma source(%dma_start3A_46 : memref<10000x64xf32, #tpu.memory_space<hbm>>) target(%arg10 : memref<128x64xf32, #tpu.memory_space<vmem>>) offsets(%dma_start3A_43 : memref<128xi32, #tpu.memory_space<vmem>>) semaphore(%arg19 : memref<!tpu.dma_semaphore, #tpu.memory_space<semaphore_mem>>)
    %scan3A_47 = arith.constant 0 : i32
    %scan3A_48 = arith.constant 0 : i32
    %scan3A_49 = arith.constant 10 : i32
    %scan3A_50 = arith.addi %scan3A_48, %scan3A_49 : i32
    %scan3A_51 = arith.constant 1 : i32
    scf.for %scan3A_129 = %scan3A_48 to %scan3A_50 step %scan3A_51  : i32 {
      %mul3A_130 = arith.constant 8 : i32
      %mul3A_131 = arith.muli %scan3A_129, %mul3A_130 : i32
      %add3A_132 = arith.constant 0 : i32
      %add3A_133 = arith.addi %mul3A_131, %add3A_132 : i32
      %ge3A = arith.constant 1 : i32
      %ge3A_134 = arith.cmpi sge, %scan3A_129, %ge3A : i32
      %convert_element_type3A = arith.extui %ge3A_134 : i1 to i32
      %cond3A = arith.constant 0 : i32
      %cond3A_135 = arith.cmpi ne, %convert_element_type3A, %cond3A : i32
      scf.if %cond3A_135 {
        %add3A_312 = arith.constant 4 : i32
        %add3A_313 = arith.addi %add3A_133, %add3A_312 : i32
        %sub3A = arith.constant 8 : i32
        %sub3A_314 = arith.subi %add3A_313, %sub3A : i32
        %dma_wait3A_315 = arith.constant 0 : i32
        %dma_wait3A_316 = tpu.memref_slice %arg6[%sub3A_314, %dma_wait3A_315] : memref<80x128xi32, #tpu.memory_space<vmem>> -> memref<1x128xi32, #tpu.memory_space<vmem>>
        %dma_wait3A_317 = tpu.memref_squeeze %dma_wait3A_316 : memref<1x128xi32, #tpu.memory_space<vmem>> -> memref<128xi32, #tpu.memory_space<vmem>>
        %dma_wait3A_318 = arith.constant 0 : i32
        %dma_wait3A_319 = arith.constant 0 : i32
        %dma_wait3A_320 = tpu.memref_slice %arg15[%dma_wait3A_318, %dma_wait3A_319] : memref<10240x64xf32, #tpu.memory_space<vmem_shared>> -> memref<10240x64xf32, #tpu.memory_space<vmem_shared>>
        tpu.wait_indirect_dma semaphore(%arg28 : memref<!tpu.dma_semaphore, #tpu.memory_space<semaphore_mem>>) src(%arg11 : memref<128x64xf32, #tpu.memory_space<vmem>>) dst(%dma_wait3A_320 : memref<10240x64xf32, #tpu.memory_space<vmem_shared>>)
      } else {
      }
      %add3A_136 = arith.constant 4 : i32
      %add3A_137 = arith.addi %add3A_133, %add3A_136 : i32
      %dma_start3A_138 = arith.constant 0 : i32
      %dma_start3A_139 = tpu.memref_slice %arg5[%add3A_137, %dma_start3A_138] : memref<80x128xi32, #tpu.memory_space<vmem>> -> memref<1x128xi32, #tpu.memory_space<vmem>>
      %dma_start3A_140 = tpu.memref_squeeze %dma_start3A_139 : memref<1x128xi32, #tpu.memory_space<vmem>> -> memref<128xi32, #tpu.memory_space<vmem>>
      %dma_start3A_141 = arith.constant 0 : i32
      %dma_start3A_142 = arith.constant 0 : i32
      %dma_start3A_143 = tpu.memref_slice %arg2[%dma_start3A_141, %dma_start3A_142] : memref<10000x64xf32, #tpu.memory_space<hbm>> -> memref<10000x64xf32, #tpu.memory_space<hbm>>
      tpu.enqueue_indirect_dma source(%dma_start3A_143 : memref<10000x64xf32, #tpu.memory_space<hbm>>) target(%arg11 : memref<128x64xf32, #tpu.memory_space<vmem>>) offsets(%dma_start3A_140 : memref<128xi32, #tpu.memory_space<vmem>>) semaphore(%arg20 : memref<!tpu.dma_semaphore, #tpu.memory_space<semaphore_mem>>)
      %dma_wait3A_144 = arith.constant 0 : i32
      %dma_wait3A_145 = tpu.memref_slice %arg5[%add3A_133, %dma_wait3A_144] : memref<80x128xi32, #tpu.memory_space<vmem>> -> memref<1x128xi32, #tpu.memory_space<vmem>>
      %dma_wait3A_146 = tpu.memref_squeeze %dma_wait3A_145 : memref<1x128xi32, #tpu.memory_space<vmem>> -> memref<128xi32, #tpu.memory_space<vmem>>
      %dma_wait3A_147 = arith.constant 0 : i32
      %dma_wait3A_148 = arith.constant 0 : i32
      %dma_wait3A_149 = tpu.memref_slice %arg2[%dma_wait3A_147, %dma_wait3A_148] : memref<10000x64xf32, #tpu.memory_space<hbm>> -> memref<10000x64xf32, #tpu.memory_space<hbm>>
      tpu.wait_indirect_dma semaphore(%arg16 : memref<!tpu.dma_semaphore, #tpu.memory_space<semaphore_mem>>) src(%dma_wait3A_149 : memref<10000x64xf32, #tpu.memory_space<hbm>>) dst(%arg7 : memref<128x64xf32, #tpu.memory_space<vmem>>)
      %dma_start3A_150 = arith.constant 0 : i32
      %dma_start3A_151 = tpu.memref_slice %arg6[%add3A_133, %dma_start3A_150] : memref<80x128xi32, #tpu.memory_space<vmem>> -> memref<1x128xi32, #tpu.memory_space<vmem>>
      %dma_start3A_152 = tpu.memref_squeeze %dma_start3A_151 : memref<1x128xi32, #tpu.memory_space<vmem>> -> memref<128xi32, #tpu.memory_space<vmem>>
      %dma_start3A_153 = arith.constant 0 : i32
      %dma_start3A_154 = arith.constant 0 : i32
      %dma_start3A_155 = tpu.memref_slice %arg15[%dma_start3A_153, %dma_start3A_154] : memref<10240x64xf32, #tpu.memory_space<vmem_shared>> -> memref<10240x64xf32, #tpu.memory_space<vmem_shared>>
      tpu.enqueue_indirect_dma source(%arg7 : memref<128x64xf32, #tpu.memory_space<vmem>>) target(%dma_start3A_155 : memref<10240x64xf32, #tpu.memory_space<vmem_shared>>) offsets(%dma_start3A_152 : memref<128xi32, #tpu.memory_space<vmem>>) semaphore(%arg24 : memref<!tpu.dma_semaphore, #tpu.memory_space<semaphore_mem>>) {add = true}
      %add3A_156 = arith.constant 1 : i32
      %add3A_157 = arith.addi %mul3A_131, %add3A_156 : i32
      %ge3A_158 = arith.constant 1 : i32
      %ge3A_159 = arith.cmpi sge, %scan3A_129, %ge3A_158 : i32
      %convert_element_type3A_160 = arith.extui %ge3A_159 : i1 to i32
      %cond3A_161 = arith.constant 0 : i32
      %cond3A_162 = arith.cmpi ne, %convert_element_type3A_160, %cond3A_161 : i32
      scf.if %cond3A_162 {
        %add3A_312 = arith.constant 4 : i32
        %add3A_313 = arith.addi %add3A_157, %add3A_312 : i32
        %sub3A = arith.constant 8 : i32
        %sub3A_314 = arith.subi %add3A_313, %sub3A : i32
        %dma_wait3A_315 = arith.constant 0 : i32
        %dma_wait3A_316 = tpu.memref_slice %arg6[%sub3A_314, %dma_wait3A_315] : memref<80x128xi32, #tpu.memory_space<vmem>> -> memref<1x128xi32, #tpu.memory_space<vmem>>
        %dma_wait3A_317 = tpu.memref_squeeze %dma_wait3A_316 : memref<1x128xi32, #tpu.memory_space<vmem>> -> memref<128xi32, #tpu.memory_space<vmem>>
        %dma_wait3A_318 = arith.constant 0 : i32
        %dma_wait3A_319 = arith.constant 0 : i32
        %dma_wait3A_320 = tpu.memref_slice %arg15[%dma_wait3A_318, %dma_wait3A_319] : memref<10240x64xf32, #tpu.memory_space<vmem_shared>> -> memref<10240x64xf32, #tpu.memory_space<vmem_shared>>
        tpu.wait_indirect_dma semaphore(%arg29 : memref<!tpu.dma_semaphore, #tpu.memory_space<semaphore_mem>>) src(%arg12 : memref<128x64xf32, #tpu.memory_space<vmem>>) dst(%dma_wait3A_320 : memref<10240x64xf32, #tpu.memory_space<vmem_shared>>)
      } else {
      }
      %add3A_163 = arith.constant 4 : i32
      %add3A_164 = arith.addi %add3A_157, %add3A_163 : i32
      %dma_start3A_165 = arith.constant 0 : i32
      %dma_start3A_166 = tpu.memref_slice %arg5[%add3A_164, %dma_start3A_165] : memref<80x128xi32, #tpu.memory_space<vmem>> -> memref<1x128xi32, #tpu.memory_space<vmem>>
      %dma_start3A_167 = tpu.memref_squeeze %dma_start3A_166 : memref<1x128xi32, #tpu.memory_space<vmem>> -> memref<128xi32, #tpu.memory_space<vmem>>
      %dma_start3A_168 = arith.constant 0 : i32
      %dma_start3A_169 = arith.constant 0 : i32
      %dma_start3A_170 = tpu.memref_slice %arg2[%dma_start3A_168, %dma_start3A_169] : memref<10000x64xf32, #tpu.memory_space<hbm>> -> memref<10000x64xf32, #tpu.memory_space<hbm>>
      tpu.enqueue_indirect_dma source(%dma_start3A_170 : memref<10000x64xf32, #tpu.memory_space<hbm>>) target(%arg12 : memref<128x64xf32, #tpu.memory_space<vmem>>) offsets(%dma_start3A_167 : memref<128xi32, #tpu.memory_space<vmem>>) semaphore(%arg21 : memref<!tpu.dma_semaphore, #tpu.memory_space<semaphore_mem>>)
      %dma_wait3A_171 = arith.constant 0 : i32
      %dma_wait3A_172 = tpu.memref_slice %arg5[%add3A_157, %dma_wait3A_171] : memref<80x128xi32, #tpu.memory_space<vmem>> -> memref<1x128xi32, #tpu.memory_space<vmem>>
      %dma_wait3A_173 = tpu.memref_squeeze %dma_wait3A_172 : memref<1x128xi32, #tpu.memory_space<vmem>> -> memref<128xi32, #tpu.memory_space<vmem>>
      %dma_wait3A_174 = arith.constant 0 : i32
      %dma_wait3A_175 = arith.constant 0 : i32
      %dma_wait3A_176 = tpu.memref_slice %arg2[%dma_wait3A_174, %dma_wait3A_175] : memref<10000x64xf32, #tpu.memory_space<hbm>> -> memref<10000x64xf32, #tpu.memory_space<hbm>>
      tpu.wait_indirect_dma semaphore(%arg17 : memref<!tpu.dma_semaphore, #tpu.memory_space<semaphore_mem>>) src(%dma_wait3A_176 : memref<10000x64xf32, #tpu.memory_space<hbm>>) dst(%arg8 : memref<128x64xf32, #tpu.memory_space<vmem>>)
      %dma_start3A_177 = arith.constant 0 : i32
      %dma_start3A_178 = tpu.memref_slice %arg6[%add3A_157, %dma_start3A_177] : memref<80x128xi32, #tpu.memory_space<vmem>> -> memref<1x128xi32, #tpu.memory_space<vmem>>
      %dma_start3A_179 = tpu.memref_squeeze %dma_start3A_178 : memref<1x128xi32, #tpu.memory_space<vmem>> -> memref<128xi32, #tpu.memory_space<vmem>>
      %dma_start3A_180 = arith.constant 0 : i32
      %dma_start3A_181 = arith.constant 0 : i32
      %dma_start3A_182 = tpu.memref_slice %arg15[%dma_start3A_180, %dma_start3A_181] : memref<10240x64xf32, #tpu.memory_space<vmem_shared>> -> memref<10240x64xf32, #tpu.memory_space<vmem_shared>>
      tpu.enqueue_indirect_dma source(%arg8 : memref<128x64xf32, #tpu.memory_space<vmem>>) target(%dma_start3A_182 : memref<10240x64xf32, #tpu.memory_space<vmem_shared>>) offsets(%dma_start3A_179 : memref<128xi32, #tpu.memory_space<vmem>>) semaphore(%arg25 : memref<!tpu.dma_semaphore, #tpu.memory_space<semaphore_mem>>) {add = true}
      %add3A_183 = arith.constant 2 : i32
      %add3A_184 = arith.addi %mul3A_131, %add3A_183 : i32
      %ge3A_185 = arith.constant 1 : i32
      %ge3A_186 = arith.cmpi sge, %scan3A_129, %ge3A_185 : i32
      %convert_element_type3A_187 = arith.extui %ge3A_186 : i1 to i32
      %cond3A_188 = arith.constant 0 : i32
      %cond3A_189 = arith.cmpi ne, %convert_element_type3A_187, %cond3A_188 : i32
      scf.if %cond3A_189 {
        %add3A_312 = arith.constant 4 : i32
        %add3A_313 = arith.addi %add3A_184, %add3A_312 : i32
        %sub3A = arith.constant 8 : i32
        %sub3A_314 = arith.subi %add3A_313, %sub3A : i32
        %dma_wait3A_315 = arith.constant 0 : i32
        %dma_wait3A_316 = tpu.memref_slice %arg6[%sub3A_314, %dma_wait3A_315] : memref<80x128xi32, #tpu.memory_space<vmem>> -> memref<1x128xi32, #tpu.memory_space<vmem>>
        %dma_wait3A_317 = tpu.memref_squeeze %dma_wait3A_316 : memref<1x128xi32, #tpu.memory_space<vmem>> -> memref<128xi32, #tpu.memory_space<vmem>>
        %dma_wait3A_318 = arith.constant 0 : i32
        %dma_wait3A_319 = arith.constant 0 : i32
        %dma_wait3A_320 = tpu.memref_slice %arg15[%dma_wait3A_318, %dma_wait3A_319] : memref<10240x64xf32, #tpu.memory_space<vmem_shared>> -> memref<10240x64xf32, #tpu.memory_space<vmem_shared>>
        tpu.wait_indirect_dma semaphore(%arg30 : memref<!tpu.dma_semaphore, #tpu.memory_space<semaphore_mem>>) src(%arg13 : memref<128x64xf32, #tpu.memory_space<vmem>>) dst(%dma_wait3A_320 : memref<10240x64xf32, #tpu.memory_space<vmem_shared>>)
      } else {
      }
      %add3A_190 = arith.constant 4 : i32
      %add3A_191 = arith.addi %add3A_184, %add3A_190 : i32
      %dma_start3A_192 = arith.constant 0 : i32
      %dma_start3A_193 = tpu.memref_slice %arg5[%add3A_191, %dma_start3A_192] : memref<80x128xi32, #tpu.memory_space<vmem>> -> memref<1x128xi32, #tpu.memory_space<vmem>>
      %dma_start3A_194 = tpu.memref_squeeze %dma_start3A_193 : memref<1x128xi32, #tpu.memory_space<vmem>> -> memref<128xi32, #tpu.memory_space<vmem>>
      %dma_start3A_195 = arith.constant 0 : i32
      %dma_start3A_196 = arith.constant 0 : i32
      %dma_start3A_197 = tpu.memref_slice %arg2[%dma_start3A_195, %dma_start3A_196] : memref<10000x64xf32, #tpu.memory_space<hbm>> -> memref<10000x64xf32, #tpu.memory_space<hbm>>
      tpu.enqueue_indirect_dma source(%dma_start3A_197 : memref<10000x64xf32, #tpu.memory_space<hbm>>) target(%arg13 : memref<128x64xf32, #tpu.memory_space<vmem>>) offsets(%dma_start3A_194 : memref<128xi32, #tpu.memory_space<vmem>>) semaphore(%arg22 : memref<!tpu.dma_semaphore, #tpu.memory_space<semaphore_mem>>)
      %dma_wait3A_198 = arith.constant 0 : i32
      %dma_wait3A_199 = tpu.memref_slice %arg5[%add3A_184, %dma_wait3A_198] : memref<80x128xi32, #tpu.memory_space<vmem>> -> memref<1x128xi32, #tpu.memory_space<vmem>>
      %dma_wait3A_200 = tpu.memref_squeeze %dma_wait3A_199 : memref<1x128xi32, #tpu.memory_space<vmem>> -> memref<128xi32, #tpu.memory_space<vmem>>
      %dma_wait3A_201 = arith.constant 0 : i32
      %dma_wait3A_202 = arith.constant 0 : i32
      %dma_wait3A_203 = tpu.memref_slice %arg2[%dma_wait3A_201, %dma_wait3A_202] : memref<10000x64xf32, #tpu.memory_space<hbm>> -> memref<10000x64xf32, #tpu.memory_space<hbm>>
      tpu.wait_indirect_dma semaphore(%arg18 : memref<!tpu.dma_semaphore, #tpu.memory_space<semaphore_mem>>) src(%dma_wait3A_203 : memref<10000x64xf32, #tpu.memory_space<hbm>>) dst(%arg9 : memref<128x64xf32, #tpu.memory_space<vmem>>)
      %dma_start3A_204 = arith.constant 0 : i32
      %dma_start3A_205 = tpu.memref_slice %arg6[%add3A_184, %dma_start3A_204] : memref<80x128xi32, #tpu.memory_space<vmem>> -> memref<1x128xi32, #tpu.memory_space<vmem>>
      %dma_start3A_206 = tpu.memref_squeeze %dma_start3A_205 : memref<1x128xi32, #tpu.memory_space<vmem>> -> memref<128xi32, #tpu.memory_space<vmem>>
      %dma_start3A_207 = arith.constant 0 : i32
      %dma_start3A_208 = arith.constant 0 : i32
      %dma_start3A_209 = tpu.memref_slice %arg15[%dma_start3A_207, %dma_start3A_208] : memref<10240x64xf32, #tpu.memory_space<vmem_shared>> -> memref<10240x64xf32, #tpu.memory_space<vmem_shared>>
      tpu.enqueue_indirect_dma source(%arg9 : memref<128x64xf32, #tpu.memory_space<vmem>>) target(%dma_start3A_209 : memref<10240x64xf32, #tpu.memory_space<vmem_shared>>) offsets(%dma_start3A_206 : memref<128xi32, #tpu.memory_space<vmem>>) semaphore(%arg26 : memref<!tpu.dma_semaphore, #tpu.memory_space<semaphore_mem>>) {add = true}
      %add3A_210 = arith.constant 3 : i32
      %add3A_211 = arith.addi %mul3A_131, %add3A_210 : i32
      %ge3A_212 = arith.constant 1 : i32
      %ge3A_213 = arith.cmpi sge, %scan3A_129, %ge3A_212 : i32
      %convert_element_type3A_214 = arith.extui %ge3A_213 : i1 to i32
      %cond3A_215 = arith.constant 0 : i32
      %cond3A_216 = arith.cmpi ne, %convert_element_type3A_214, %cond3A_215 : i32
      scf.if %cond3A_216 {
        %add3A_312 = arith.constant 4 : i32
        %add3A_313 = arith.addi %add3A_211, %add3A_312 : i32
        %sub3A = arith.constant 8 : i32
        %sub3A_314 = arith.subi %add3A_313, %sub3A : i32
        %dma_wait3A_315 = arith.constant 0 : i32
        %dma_wait3A_316 = tpu.memref_slice %arg6[%sub3A_314, %dma_wait3A_315] : memref<80x128xi32, #tpu.memory_space<vmem>> -> memref<1x128xi32, #tpu.memory_space<vmem>>
        %dma_wait3A_317 = tpu.memref_squeeze %dma_wait3A_316 : memref<1x128xi32, #tpu.memory_space<vmem>> -> memref<128xi32, #tpu.memory_space<vmem>>
        %dma_wait3A_318 = arith.constant 0 : i32
        %dma_wait3A_319 = arith.constant 0 : i32
        %dma_wait3A_320 = tpu.memref_slice %arg15[%dma_wait3A_318, %dma_wait3A_319] : memref<10240x64xf32, #tpu.memory_space<vmem_shared>> -> memref<10240x64xf32, #tpu.memory_space<vmem_shared>>
        tpu.wait_indirect_dma semaphore(%arg31 : memref<!tpu.dma_semaphore, #tpu.memory_space<semaphore_mem>>) src(%arg14 : memref<128x64xf32, #tpu.memory_space<vmem>>) dst(%dma_wait3A_320 : memref<10240x64xf32, #tpu.memory_space<vmem_shared>>)
      } else {
      }
      %add3A_217 = arith.constant 4 : i32
      %add3A_218 = arith.addi %add3A_211, %add3A_217 : i32
      %dma_start3A_219 = arith.constant 0 : i32
      %dma_start3A_220 = tpu.memref_slice %arg5[%add3A_218, %dma_start3A_219] : memref<80x128xi32, #tpu.memory_space<vmem>> -> memref<1x128xi32, #tpu.memory_space<vmem>>
      %dma_start3A_221 = tpu.memref_squeeze %dma_start3A_220 : memref<1x128xi32, #tpu.memory_space<vmem>> -> memref<128xi32, #tpu.memory_space<vmem>>
      %dma_start3A_222 = arith.constant 0 : i32
      %dma_start3A_223 = arith.constant 0 : i32
      %dma_start3A_224 = tpu.memref_slice %arg2[%dma_start3A_222, %dma_start3A_223] : memref<10000x64xf32, #tpu.memory_space<hbm>> -> memref<10000x64xf32, #tpu.memory_space<hbm>>
      tpu.enqueue_indirect_dma source(%dma_start3A_224 : memref<10000x64xf32, #tpu.memory_space<hbm>>) target(%arg14 : memref<128x64xf32, #tpu.memory_space<vmem>>) offsets(%dma_start3A_221 : memref<128xi32, #tpu.memory_space<vmem>>) semaphore(%arg23 : memref<!tpu.dma_semaphore, #tpu.memory_space<semaphore_mem>>)
      %dma_wait3A_225 = arith.constant 0 : i32
      %dma_wait3A_226 = tpu.memref_slice %arg5[%add3A_211, %dma_wait3A_225] : memref<80x128xi32, #tpu.memory_space<vmem>> -> memref<1x128xi32, #tpu.memory_space<vmem>>
      %dma_wait3A_227 = tpu.memref_squeeze %dma_wait3A_226 : memref<1x128xi32, #tpu.memory_space<vmem>> -> memref<128xi32, #tpu.memory_space<vmem>>
      %dma_wait3A_228 = arith.constant 0 : i32
      %dma_wait3A_229 = arith.constant 0 : i32
      %dma_wait3A_230 = tpu.memref_slice %arg2[%dma_wait3A_228, %dma_wait3A_229] : memref<10000x64xf32, #tpu.memory_space<hbm>> -> memref<10000x64xf32, #tpu.memory_space<hbm>>
      tpu.wait_indirect_dma semaphore(%arg19 : memref<!tpu.dma_semaphore, #tpu.memory_space<semaphore_mem>>) src(%dma_wait3A_230 : memref<10000x64xf32, #tpu.memory_space<hbm>>) dst(%arg10 : memref<128x64xf32, #tpu.memory_space<vmem>>)
      %dma_start3A_231 = arith.constant 0 : i32
      %dma_start3A_232 = tpu.memref_slice %arg6[%add3A_211, %dma_start3A_231] : memref<80x128xi32, #tpu.memory_space<vmem>> -> memref<1x128xi32, #tpu.memory_space<vmem>>
      %dma_start3A_233 = tpu.memref_squeeze %dma_start3A_232 : memref<1x128xi32, #tpu.memory_space<vmem>> -> memref<128xi32, #tpu.memory_space<vmem>>
      %dma_start3A_234 = arith.constant 0 : i32
      %dma_start3A_235 = arith.constant 0 : i32
      %dma_start3A_236 = tpu.memref_slice %arg15[%dma_start3A_234, %dma_start3A_235] : memref<10240x64xf32, #tpu.memory_space<vmem_shared>> -> memref<10240x64xf32, #tpu.memory_space<vmem_shared>>
      tpu.enqueue_indirect_dma source(%arg10 : memref<128x64xf32, #tpu.memory_space<vmem>>) target(%dma_start3A_236 : memref<10240x64xf32, #tpu.memory_space<vmem_shared>>) offsets(%dma_start3A_233 : memref<128xi32, #tpu.memory_space<vmem>>) semaphore(%arg27 : memref<!tpu.dma_semaphore, #tpu.memory_space<semaphore_mem>>) {add = true}
      %add3A_237 = arith.constant 4 : i32
      %add3A_238 = arith.addi %mul3A_131, %add3A_237 : i32
      %lt3A = arith.constant 9 : i32
      %lt3A_239 = arith.cmpi slt, %scan3A_129, %lt3A : i32
      %convert_element_type3A_240 = arith.extui %lt3A_239 : i1 to i32
      %cond3A_241 = arith.constant 0 : i32
      %cond3A_242 = arith.cmpi ne, %convert_element_type3A_240, %cond3A_241 : i32
      scf.if %cond3A_242 {
        %add3A_312 = arith.constant 4 : i32
        %add3A_313 = arith.addi %add3A_238, %add3A_312 : i32
        %sub3A = arith.constant 8 : i32
        %sub3A_314 = arith.subi %add3A_313, %sub3A : i32
        %dma_wait3A_315 = arith.constant 0 : i32
        %dma_wait3A_316 = tpu.memref_slice %arg6[%sub3A_314, %dma_wait3A_315] : memref<80x128xi32, #tpu.memory_space<vmem>> -> memref<1x128xi32, #tpu.memory_space<vmem>>
        %dma_wait3A_317 = tpu.memref_squeeze %dma_wait3A_316 : memref<1x128xi32, #tpu.memory_space<vmem>> -> memref<128xi32, #tpu.memory_space<vmem>>
        %dma_wait3A_318 = arith.constant 0 : i32
        %dma_wait3A_319 = arith.constant 0 : i32
        %dma_wait3A_320 = tpu.memref_slice %arg15[%dma_wait3A_318, %dma_wait3A_319] : memref<10240x64xf32, #tpu.memory_space<vmem_shared>> -> memref<10240x64xf32, #tpu.memory_space<vmem_shared>>
        tpu.wait_indirect_dma semaphore(%arg24 : memref<!tpu.dma_semaphore, #tpu.memory_space<semaphore_mem>>) src(%arg7 : memref<128x64xf32, #tpu.memory_space<vmem>>) dst(%dma_wait3A_320 : memref<10240x64xf32, #tpu.memory_space<vmem_shared>>)
        %add3A_321 = arith.constant 4 : i32
        %add3A_322 = arith.addi %add3A_238, %add3A_321 : i32
        %dma_start3A_323 = arith.constant 0 : i32
        %dma_start3A_324 = tpu.memref_slice %arg5[%add3A_322, %dma_start3A_323] : memref<80x128xi32, #tpu.memory_space<vmem>> -> memref<1x128xi32, #tpu.memory_space<vmem>>
        %dma_start3A_325 = tpu.memref_squeeze %dma_start3A_324 : memref<1x128xi32, #tpu.memory_space<vmem>> -> memref<128xi32, #tpu.memory_space<vmem>>
        %dma_start3A_326 = arith.constant 0 : i32
        %dma_start3A_327 = arith.constant 0 : i32
        %dma_start3A_328 = tpu.memref_slice %arg2[%dma_start3A_326, %dma_start3A_327] : memref<10000x64xf32, #tpu.memory_space<hbm>> -> memref<10000x64xf32, #tpu.memory_space<hbm>>
        tpu.enqueue_indirect_dma source(%dma_start3A_328 : memref<10000x64xf32, #tpu.memory_space<hbm>>) target(%arg7 : memref<128x64xf32, #tpu.memory_space<vmem>>) offsets(%dma_start3A_325 : memref<128xi32, #tpu.memory_space<vmem>>) semaphore(%arg16 : memref<!tpu.dma_semaphore, #tpu.memory_space<semaphore_mem>>)
      } else {
      }
      %dma_wait3A_243 = arith.constant 0 : i32
      %dma_wait3A_244 = tpu.memref_slice %arg5[%add3A_238, %dma_wait3A_243] : memref<80x128xi32, #tpu.memory_space<vmem>> -> memref<1x128xi32, #tpu.memory_space<vmem>>
      %dma_wait3A_245 = tpu.memref_squeeze %dma_wait3A_244 : memref<1x128xi32, #tpu.memory_space<vmem>> -> memref<128xi32, #tpu.memory_space<vmem>>
      %dma_wait3A_246 = arith.constant 0 : i32
      %dma_wait3A_247 = arith.constant 0 : i32
      %dma_wait3A_248 = tpu.memref_slice %arg2[%dma_wait3A_246, %dma_wait3A_247] : memref<10000x64xf32, #tpu.memory_space<hbm>> -> memref<10000x64xf32, #tpu.memory_space<hbm>>
      tpu.wait_indirect_dma semaphore(%arg20 : memref<!tpu.dma_semaphore, #tpu.memory_space<semaphore_mem>>) src(%dma_wait3A_248 : memref<10000x64xf32, #tpu.memory_space<hbm>>) dst(%arg11 : memref<128x64xf32, #tpu.memory_space<vmem>>)
      %dma_start3A_249 = arith.constant 0 : i32
      %dma_start3A_250 = tpu.memref_slice %arg6[%add3A_238, %dma_start3A_249] : memref<80x128xi32, #tpu.memory_space<vmem>> -> memref<1x128xi32, #tpu.memory_space<vmem>>
      %dma_start3A_251 = tpu.memref_squeeze %dma_start3A_250 : memref<1x128xi32, #tpu.memory_space<vmem>> -> memref<128xi32, #tpu.memory_space<vmem>>
      %dma_start3A_252 = arith.constant 0 : i32
      %dma_start3A_253 = arith.constant 0 : i32
      %dma_start3A_254 = tpu.memref_slice %arg15[%dma_start3A_252, %dma_start3A_253] : memref<10240x64xf32, #tpu.memory_space<vmem_shared>> -> memref<10240x64xf32, #tpu.memory_space<vmem_shared>>
      tpu.enqueue_indirect_dma source(%arg11 : memref<128x64xf32, #tpu.memory_space<vmem>>) target(%dma_start3A_254 : memref<10240x64xf32, #tpu.memory_space<vmem_shared>>) offsets(%dma_start3A_251 : memref<128xi32, #tpu.memory_space<vmem>>) semaphore(%arg28 : memref<!tpu.dma_semaphore, #tpu.memory_space<semaphore_mem>>) {add = true}
      %add3A_255 = arith.constant 5 : i32
      %add3A_256 = arith.addi %mul3A_131, %add3A_255 : i32
      %lt3A_257 = arith.constant 9 : i32
      %lt3A_258 = arith.cmpi slt, %scan3A_129, %lt3A_257 : i32
      %convert_element_type3A_259 = arith.extui %lt3A_258 : i1 to i32
      %cond3A_260 = arith.constant 0 : i32
      %cond3A_261 = arith.cmpi ne, %convert_element_type3A_259, %cond3A_260 : i32
      scf.if %cond3A_261 {
        %add3A_312 = arith.constant 4 : i32
        %add3A_313 = arith.addi %add3A_256, %add3A_312 : i32
        %sub3A = arith.constant 8 : i32
        %sub3A_314 = arith.subi %add3A_313, %sub3A : i32
        %dma_wait3A_315 = arith.constant 0 : i32
        %dma_wait3A_316 = tpu.memref_slice %arg6[%sub3A_314, %dma_wait3A_315] : memref<80x128xi32, #tpu.memory_space<vmem>> -> memref<1x128xi32, #tpu.memory_space<vmem>>
        %dma_wait3A_317 = tpu.memref_squeeze %dma_wait3A_316 : memref<1x128xi32, #tpu.memory_space<vmem>> -> memref<128xi32, #tpu.memory_space<vmem>>
        %dma_wait3A_318 = arith.constant 0 : i32
        %dma_wait3A_319 = arith.constant 0 : i32
        %dma_wait3A_320 = tpu.memref_slice %arg15[%dma_wait3A_318, %dma_wait3A_319] : memref<10240x64xf32, #tpu.memory_space<vmem_shared>> -> memref<10240x64xf32, #tpu.memory_space<vmem_shared>>
        tpu.wait_indirect_dma semaphore(%arg25 : memref<!tpu.dma_semaphore, #tpu.memory_space<semaphore_mem>>) src(%arg8 : memref<128x64xf32, #tpu.memory_space<vmem>>) dst(%dma_wait3A_320 : memref<10240x64xf32, #tpu.memory_space<vmem_shared>>)
        %add3A_321 = arith.constant 4 : i32
        %add3A_322 = arith.addi %add3A_256, %add3A_321 : i32
        %dma_start3A_323 = arith.constant 0 : i32
        %dma_start3A_324 = tpu.memref_slice %arg5[%add3A_322, %dma_start3A_323] : memref<80x128xi32, #tpu.memory_space<vmem>> -> memref<1x128xi32, #tpu.memory_space<vmem>>
        %dma_start3A_325 = tpu.memref_squeeze %dma_start3A_324 : memref<1x128xi32, #tpu.memory_space<vmem>> -> memref<128xi32, #tpu.memory_space<vmem>>
        %dma_start3A_326 = arith.constant 0 : i32
        %dma_start3A_327 = arith.constant 0 : i32
        %dma_start3A_328 = tpu.memref_slice %arg2[%dma_start3A_326, %dma_start3A_327] : memref<10000x64xf32, #tpu.memory_space<hbm>> -> memref<10000x64xf32, #tpu.memory_space<hbm>>
        tpu.enqueue_indirect_dma source(%dma_start3A_328 : memref<10000x64xf32, #tpu.memory_space<hbm>>) target(%arg8 : memref<128x64xf32, #tpu.memory_space<vmem>>) offsets(%dma_start3A_325 : memref<128xi32, #tpu.memory_space<vmem>>) semaphore(%arg17 : memref<!tpu.dma_semaphore, #tpu.memory_space<semaphore_mem>>)
      } else {
      }
      %dma_wait3A_262 = arith.constant 0 : i32
      %dma_wait3A_263 = tpu.memref_slice %arg5[%add3A_256, %dma_wait3A_262] : memref<80x128xi32, #tpu.memory_space<vmem>> -> memref<1x128xi32, #tpu.memory_space<vmem>>
      %dma_wait3A_264 = tpu.memref_squeeze %dma_wait3A_263 : memref<1x128xi32, #tpu.memory_space<vmem>> -> memref<128xi32, #tpu.memory_space<vmem>>
      %dma_wait3A_265 = arith.constant 0 : i32
      %dma_wait3A_266 = arith.constant 0 : i32
      %dma_wait3A_267 = tpu.memref_slice %arg2[%dma_wait3A_265, %dma_wait3A_266] : memref<10000x64xf32, #tpu.memory_space<hbm>> -> memref<10000x64xf32, #tpu.memory_space<hbm>>
      tpu.wait_indirect_dma semaphore(%arg21 : memref<!tpu.dma_semaphore, #tpu.memory_space<semaphore_mem>>) src(%dma_wait3A_267 : memref<10000x64xf32, #tpu.memory_space<hbm>>) dst(%arg12 : memref<128x64xf32, #tpu.memory_space<vmem>>)
      %dma_start3A_268 = arith.constant 0 : i32
      %dma_start3A_269 = tpu.memref_slice %arg6[%add3A_256, %dma_start3A_268] : memref<80x128xi32, #tpu.memory_space<vmem>> -> memref<1x128xi32, #tpu.memory_space<vmem>>
      %dma_start3A_270 = tpu.memref_squeeze %dma_start3A_269 : memref<1x128xi32, #tpu.memory_space<vmem>> -> memref<128xi32, #tpu.memory_space<vmem>>
      %dma_start3A_271 = arith.constant 0 : i32
      %dma_start3A_272 = arith.constant 0 : i32
      %dma_start3A_273 = tpu.memref_slice %arg15[%dma_start3A_271, %dma_start3A_272] : memref<10240x64xf32, #tpu.memory_space<vmem_shared>> -> memref<10240x64xf32, #tpu.memory_space<vmem_shared>>
      tpu.enqueue_indirect_dma source(%arg12 : memref<128x64xf32, #tpu.memory_space<vmem>>) target(%dma_start3A_273 : memref<10240x64xf32, #tpu.memory_space<vmem_shared>>) offsets(%dma_start3A_270 : memref<128xi32, #tpu.memory_space<vmem>>) semaphore(%arg29 : memref<!tpu.dma_semaphore, #tpu.memory_space<semaphore_mem>>) {add = true}
      %add3A_274 = arith.constant 6 : i32
      %add3A_275 = arith.addi %mul3A_131, %add3A_274 : i32
      %lt3A_276 = arith.constant 9 : i32
      %lt3A_277 = arith.cmpi slt, %scan3A_129, %lt3A_276 : i32
      %convert_element_type3A_278 = arith.extui %lt3A_277 : i1 to i32
      %cond3A_279 = arith.constant 0 : i32
      %cond3A_280 = arith.cmpi ne, %convert_element_type3A_278, %cond3A_279 : i32
      scf.if %cond3A_280 {
        %add3A_312 = arith.constant 4 : i32
        %add3A_313 = arith.addi %add3A_275, %add3A_312 : i32
        %sub3A = arith.constant 8 : i32
        %sub3A_314 = arith.subi %add3A_313, %sub3A : i32
        %dma_wait3A_315 = arith.constant 0 : i32
        %dma_wait3A_316 = tpu.memref_slice %arg6[%sub3A_314, %dma_wait3A_315] : memref<80x128xi32, #tpu.memory_space<vmem>> -> memref<1x128xi32, #tpu.memory_space<vmem>>
        %dma_wait3A_317 = tpu.memref_squeeze %dma_wait3A_316 : memref<1x128xi32, #tpu.memory_space<vmem>> -> memref<128xi32, #tpu.memory_space<vmem>>
        %dma_wait3A_318 = arith.constant 0 : i32
        %dma_wait3A_319 = arith.constant 0 : i32
        %dma_wait3A_320 = tpu.memref_slice %arg15[%dma_wait3A_318, %dma_wait3A_319] : memref<10240x64xf32, #tpu.memory_space<vmem_shared>> -> memref<10240x64xf32, #tpu.memory_space<vmem_shared>>
        tpu.wait_indirect_dma semaphore(%arg26 : memref<!tpu.dma_semaphore, #tpu.memory_space<semaphore_mem>>) src(%arg9 : memref<128x64xf32, #tpu.memory_space<vmem>>) dst(%dma_wait3A_320 : memref<10240x64xf32, #tpu.memory_space<vmem_shared>>)
        %add3A_321 = arith.constant 4 : i32
        %add3A_322 = arith.addi %add3A_275, %add3A_321 : i32
        %dma_start3A_323 = arith.constant 0 : i32
        %dma_start3A_324 = tpu.memref_slice %arg5[%add3A_322, %dma_start3A_323] : memref<80x128xi32, #tpu.memory_space<vmem>> -> memref<1x128xi32, #tpu.memory_space<vmem>>
        %dma_start3A_325 = tpu.memref_squeeze %dma_start3A_324 : memref<1x128xi32, #tpu.memory_space<vmem>> -> memref<128xi32, #tpu.memory_space<vmem>>
        %dma_start3A_326 = arith.constant 0 : i32
        %dma_start3A_327 = arith.constant 0 : i32
        %dma_start3A_328 = tpu.memref_slice %arg2[%dma_start3A_326, %dma_start3A_327] : memref<10000x64xf32, #tpu.memory_space<hbm>> -> memref<10000x64xf32, #tpu.memory_space<hbm>>
        tpu.enqueue_indirect_dma source(%dma_start3A_328 : memref<10000x64xf32, #tpu.memory_space<hbm>>) target(%arg9 : memref<128x64xf32, #tpu.memory_space<vmem>>) offsets(%dma_start3A_325 : memref<128xi32, #tpu.memory_space<vmem>>) semaphore(%arg18 : memref<!tpu.dma_semaphore, #tpu.memory_space<semaphore_mem>>)
      } else {
      }
      %dma_wait3A_281 = arith.constant 0 : i32
      %dma_wait3A_282 = tpu.memref_slice %arg5[%add3A_275, %dma_wait3A_281] : memref<80x128xi32, #tpu.memory_space<vmem>> -> memref<1x128xi32, #tpu.memory_space<vmem>>
      %dma_wait3A_283 = tpu.memref_squeeze %dma_wait3A_282 : memref<1x128xi32, #tpu.memory_space<vmem>> -> memref<128xi32, #tpu.memory_space<vmem>>
      %dma_wait3A_284 = arith.constant 0 : i32
      %dma_wait3A_285 = arith.constant 0 : i32
      %dma_wait3A_286 = tpu.memref_slice %arg2[%dma_wait3A_284, %dma_wait3A_285] : memref<10000x64xf32, #tpu.memory_space<hbm>> -> memref<10000x64xf32, #tpu.memory_space<hbm>>
      tpu.wait_indirect_dma semaphore(%arg22 : memref<!tpu.dma_semaphore, #tpu.memory_space<semaphore_mem>>) src(%dma_wait3A_286 : memref<10000x64xf32, #tpu.memory_space<hbm>>) dst(%arg13 : memref<128x64xf32, #tpu.memory_space<vmem>>)
      %dma_start3A_287 = arith.constant 0 : i32
      %dma_start3A_288 = tpu.memref_slice %arg6[%add3A_275, %dma_start3A_287] : memref<80x128xi32, #tpu.memory_space<vmem>> -> memref<1x128xi32, #tpu.memory_space<vmem>>
      %dma_start3A_289 = tpu.memref_squeeze %dma_start3A_288 : memref<1x128xi32, #tpu.memory_space<vmem>> -> memref<128xi32, #tpu.memory_space<vmem>>
      %dma_start3A_290 = arith.constant 0 : i32
      %dma_start3A_291 = arith.constant 0 : i32
      %dma_start3A_292 = tpu.memref_slice %arg15[%dma_start3A_290, %dma_start3A_291] : memref<10240x64xf32, #tpu.memory_space<vmem_shared>> -> memref<10240x64xf32, #tpu.memory_space<vmem_shared>>
      tpu.enqueue_indirect_dma source(%arg13 : memref<128x64xf32, #tpu.memory_space<vmem>>) target(%dma_start3A_292 : memref<10240x64xf32, #tpu.memory_space<vmem_shared>>) offsets(%dma_start3A_289 : memref<128xi32, #tpu.memory_space<vmem>>) semaphore(%arg30 : memref<!tpu.dma_semaphore, #tpu.memory_space<semaphore_mem>>) {add = true}
      %add3A_293 = arith.constant 7 : i32
      %add3A_294 = arith.addi %mul3A_131, %add3A_293 : i32
      %lt3A_295 = arith.constant 9 : i32
      %lt3A_296 = arith.cmpi slt, %scan3A_129, %lt3A_295 : i32
      %convert_element_type3A_297 = arith.extui %lt3A_296 : i1 to i32
      %cond3A_298 = arith.constant 0 : i32
      %cond3A_299 = arith.cmpi ne, %convert_element_type3A_297, %cond3A_298 : i32
      scf.if %cond3A_299 {
        %add3A_312 = arith.constant 4 : i32
        %add3A_313 = arith.addi %add3A_294, %add3A_312 : i32
        %sub3A = arith.constant 8 : i32
        %sub3A_314 = arith.subi %add3A_313, %sub3A : i32
        %dma_wait3A_315 = arith.constant 0 : i32
        %dma_wait3A_316 = tpu.memref_slice %arg6[%sub3A_314, %dma_wait3A_315] : memref<80x128xi32, #tpu.memory_space<vmem>> -> memref<1x128xi32, #tpu.memory_space<vmem>>
        %dma_wait3A_317 = tpu.memref_squeeze %dma_wait3A_316 : memref<1x128xi32, #tpu.memory_space<vmem>> -> memref<128xi32, #tpu.memory_space<vmem>>
        %dma_wait3A_318 = arith.constant 0 : i32
        %dma_wait3A_319 = arith.constant 0 : i32
        %dma_wait3A_320 = tpu.memref_slice %arg15[%dma_wait3A_318, %dma_wait3A_319] : memref<10240x64xf32, #tpu.memory_space<vmem_shared>> -> memref<10240x64xf32, #tpu.memory_space<vmem_shared>>
        tpu.wait_indirect_dma semaphore(%arg27 : memref<!tpu.dma_semaphore, #tpu.memory_space<semaphore_mem>>) src(%arg10 : memref<128x64xf32, #tpu.memory_space<vmem>>) dst(%dma_wait3A_320 : memref<10240x64xf32, #tpu.memory_space<vmem_shared>>)
        %add3A_321 = arith.constant 4 : i32
        %add3A_322 = arith.addi %add3A_294, %add3A_321 : i32
        %dma_start3A_323 = arith.constant 0 : i32
        %dma_start3A_324 = tpu.memref_slice %arg5[%add3A_322, %dma_start3A_323] : memref<80x128xi32, #tpu.memory_space<vmem>> -> memref<1x128xi32, #tpu.memory_space<vmem>>
        %dma_start3A_325 = tpu.memref_squeeze %dma_start3A_324 : memref<1x128xi32, #tpu.memory_space<vmem>> -> memref<128xi32, #tpu.memory_space<vmem>>
        %dma_start3A_326 = arith.constant 0 : i32
        %dma_start3A_327 = arith.constant 0 : i32
        %dma_start3A_328 = tpu.memref_slice %arg2[%dma_start3A_326, %dma_start3A_327] : memref<10000x64xf32, #tpu.memory_space<hbm>> -> memref<10000x64xf32, #tpu.memory_space<hbm>>
        tpu.enqueue_indirect_dma source(%dma_start3A_328 : memref<10000x64xf32, #tpu.memory_space<hbm>>) target(%arg10 : memref<128x64xf32, #tpu.memory_space<vmem>>) offsets(%dma_start3A_325 : memref<128xi32, #tpu.memory_space<vmem>>) semaphore(%arg19 : memref<!tpu.dma_semaphore, #tpu.memory_space<semaphore_mem>>)
      } else {
      }
      %dma_wait3A_300 = arith.constant 0 : i32
      %dma_wait3A_301 = tpu.memref_slice %arg5[%add3A_294, %dma_wait3A_300] : memref<80x128xi32, #tpu.memory_space<vmem>> -> memref<1x128xi32, #tpu.memory_space<vmem>>
      %dma_wait3A_302 = tpu.memref_squeeze %dma_wait3A_301 : memref<1x128xi32, #tpu.memory_space<vmem>> -> memref<128xi32, #tpu.memory_space<vmem>>
      %dma_wait3A_303 = arith.constant 0 : i32
      %dma_wait3A_304 = arith.constant 0 : i32
      %dma_wait3A_305 = tpu.memref_slice %arg2[%dma_wait3A_303, %dma_wait3A_304] : memref<10000x64xf32, #tpu.memory_space<hbm>> -> memref<10000x64xf32, #tpu.memory_space<hbm>>
      tpu.wait_indirect_dma semaphore(%arg23 : memref<!tpu.dma_semaphore, #tpu.memory_space<semaphore_mem>>) src(%dma_wait3A_305 : memref<10000x64xf32, #tpu.memory_space<hbm>>) dst(%arg14 : memref<128x64xf32, #tpu.memory_space<vmem>>)
      %dma_start3A_306 = arith.constant 0 : i32
      %dma_start3A_307 = tpu.memref_slice %arg6[%add3A_294, %dma_start3A_306] : memref<80x128xi32, #tpu.memory_space<vmem>> -> memref<1x128xi32, #tpu.memory_space<vmem>>
      %dma_start3A_308 = tpu.memref_squeeze %dma_start3A_307 : memref<1x128xi32, #tpu.memory_space<vmem>> -> memref<128xi32, #tpu.memory_space<vmem>>
      %dma_start3A_309 = arith.constant 0 : i32
      %dma_start3A_310 = arith.constant 0 : i32
      %dma_start3A_311 = tpu.memref_slice %arg15[%dma_start3A_309, %dma_start3A_310] : memref<10240x64xf32, #tpu.memory_space<vmem_shared>> -> memref<10240x64xf32, #tpu.memory_space<vmem_shared>>
      tpu.enqueue_indirect_dma source(%arg14 : memref<128x64xf32, #tpu.memory_space<vmem>>) target(%dma_start3A_311 : memref<10240x64xf32, #tpu.memory_space<vmem_shared>>) offsets(%dma_start3A_308 : memref<128xi32, #tpu.memory_space<vmem>>) semaphore(%arg31 : memref<!tpu.dma_semaphore, #tpu.memory_space<semaphore_mem>>) {add = true}
    }
    %scan3A_52 = arith.constant 10 : i32
    %dma_wait3A = arith.constant 72 : i32
    %dma_wait3A_53 = arith.constant 0 : i32
    %dma_wait3A_54 = tpu.memref_slice %arg6[%dma_wait3A, %dma_wait3A_53] : memref<80x128xi32, #tpu.memory_space<vmem>> -> memref<1x128xi32, #tpu.memory_space<vmem>>
    %dma_wait3A_55 = tpu.memref_squeeze %dma_wait3A_54 : memref<1x128xi32, #tpu.memory_space<vmem>> -> memref<128xi32, #tpu.memory_space<vmem>>
    %dma_wait3A_56 = arith.constant 0 : i32
    %dma_wait3A_57 = arith.constant 0 : i32
    %dma_wait3A_58 = tpu.memref_slice %arg15[%dma_wait3A_56, %dma_wait3A_57] : memref<10240x64xf32, #tpu.memory_space<vmem_shared>> -> memref<10240x64xf32, #tpu.memory_space<vmem_shared>>
    tpu.wait_indirect_dma semaphore(%arg24 : memref<!tpu.dma_semaphore, #tpu.memory_space<semaphore_mem>>) src(%arg7 : memref<128x64xf32, #tpu.memory_space<vmem>>) dst(%dma_wait3A_58 : memref<10240x64xf32, #tpu.memory_space<vmem_shared>>)
    %dma_wait3A_59 = arith.constant 73 : i32
    %dma_wait3A_60 = arith.constant 0 : i32
    %dma_wait3A_61 = tpu.memref_slice %arg6[%dma_wait3A_59, %dma_wait3A_60] : memref<80x128xi32, #tpu.memory_space<vmem>> -> memref<1x128xi32, #tpu.memory_space<vmem>>
    %dma_wait3A_62 = tpu.memref_squeeze %dma_wait3A_61 : memref<1x128xi32, #tpu.memory_space<vmem>> -> memref<128xi32, #tpu.memory_space<vmem>>
    %dma_wait3A_63 = arith.constant 0 : i32
    %dma_wait3A_64 = arith.constant 0 : i32
    %dma_wait3A_65 = tpu.memref_slice %arg15[%dma_wait3A_63, %dma_wait3A_64] : memref<10240x64xf32, #tpu.memory_space<vmem_shared>> -> memref<10240x64xf32, #tpu.memory_space<vmem_shared>>
    tpu.wait_indirect_dma semaphore(%arg25 : memref<!tpu.dma_semaphore, #tpu.memory_space<semaphore_mem>>) src(%arg8 : memref<128x64xf32, #tpu.memory_space<vmem>>) dst(%dma_wait3A_65 : memref<10240x64xf32, #tpu.memory_space<vmem_shared>>)
    %dma_wait3A_66 = arith.constant 74 : i32
    %dma_wait3A_67 = arith.constant 0 : i32
    %dma_wait3A_68 = tpu.memref_slice %arg6[%dma_wait3A_66, %dma_wait3A_67] : memref<80x128xi32, #tpu.memory_space<vmem>> -> memref<1x128xi32, #tpu.memory_space<vmem>>
    %dma_wait3A_69 = tpu.memref_squeeze %dma_wait3A_68 : memref<1x128xi32, #tpu.memory_space<vmem>> -> memref<128xi32, #tpu.memory_space<vmem>>
    %dma_wait3A_70 = arith.constant 0 : i32
    %dma_wait3A_71 = arith.constant 0 : i32
    %dma_wait3A_72 = tpu.memref_slice %arg15[%dma_wait3A_70, %dma_wait3A_71] : memref<10240x64xf32, #tpu.memory_space<vmem_shared>> -> memref<10240x64xf32, #tpu.memory_space<vmem_shared>>
    tpu.wait_indirect_dma semaphore(%arg26 : memref<!tpu.dma_semaphore, #tpu.memory_space<semaphore_mem>>) src(%arg9 : memref<128x64xf32, #tpu.memory_space<vmem>>) dst(%dma_wait3A_72 : memref<10240x64xf32, #tpu.memory_space<vmem_shared>>)
    %dma_wait3A_73 = arith.constant 75 : i32
    %dma_wait3A_74 = arith.constant 0 : i32
    %dma_wait3A_75 = tpu.memref_slice %arg6[%dma_wait3A_73, %dma_wait3A_74] : memref<80x128xi32, #tpu.memory_space<vmem>> -> memref<1x128xi32, #tpu.memory_space<vmem>>
    %dma_wait3A_76 = tpu.memref_squeeze %dma_wait3A_75 : memref<1x128xi32, #tpu.memory_space<vmem>> -> memref<128xi32, #tpu.memory_space<vmem>>
    %dma_wait3A_77 = arith.constant 0 : i32
    %dma_wait3A_78 = arith.constant 0 : i32
    %dma_wait3A_79 = tpu.memref_slice %arg15[%dma_wait3A_77, %dma_wait3A_78] : memref<10240x64xf32, #tpu.memory_space<vmem_shared>> -> memref<10240x64xf32, #tpu.memory_space<vmem_shared>>
    tpu.wait_indirect_dma semaphore(%arg27 : memref<!tpu.dma_semaphore, #tpu.memory_space<semaphore_mem>>) src(%arg10 : memref<128x64xf32, #tpu.memory_space<vmem>>) dst(%dma_wait3A_79 : memref<10240x64xf32, #tpu.memory_space<vmem_shared>>)
    %dma_wait3A_80 = arith.constant 76 : i32
    %dma_wait3A_81 = arith.constant 0 : i32
    %dma_wait3A_82 = tpu.memref_slice %arg6[%dma_wait3A_80, %dma_wait3A_81] : memref<80x128xi32, #tpu.memory_space<vmem>> -> memref<1x128xi32, #tpu.memory_space<vmem>>
    %dma_wait3A_83 = tpu.memref_squeeze %dma_wait3A_82 : memref<1x128xi32, #tpu.memory_space<vmem>> -> memref<128xi32, #tpu.memory_space<vmem>>
    %dma_wait3A_84 = arith.constant 0 : i32
    %dma_wait3A_85 = arith.constant 0 : i32
    %dma_wait3A_86 = tpu.memref_slice %arg15[%dma_wait3A_84, %dma_wait3A_85] : memref<10240x64xf32, #tpu.memory_space<vmem_shared>> -> memref<10240x64xf32, #tpu.memory_space<vmem_shared>>
    tpu.wait_indirect_dma semaphore(%arg28 : memref<!tpu.dma_semaphore, #tpu.memory_space<semaphore_mem>>) src(%arg11 : memref<128x64xf32, #tpu.memory_space<vmem>>) dst(%dma_wait3A_86 : memref<10240x64xf32, #tpu.memory_space<vmem_shared>>)
    %dma_wait3A_87 = arith.constant 77 : i32
    %dma_wait3A_88 = arith.constant 0 : i32
    %dma_wait3A_89 = tpu.memref_slice %arg6[%dma_wait3A_87, %dma_wait3A_88] : memref<80x128xi32, #tpu.memory_space<vmem>> -> memref<1x128xi32, #tpu.memory_space<vmem>>
    %dma_wait3A_90 = tpu.memref_squeeze %dma_wait3A_89 : memref<1x128xi32, #tpu.memory_space<vmem>> -> memref<128xi32, #tpu.memory_space<vmem>>
    %dma_wait3A_91 = arith.constant 0 : i32
    %dma_wait3A_92 = arith.constant 0 : i32
    %dma_wait3A_93 = tpu.memref_slice %arg15[%dma_wait3A_91, %dma_wait3A_92] : memref<10240x64xf32, #tpu.memory_space<vmem_shared>> -> memref<10240x64xf32, #tpu.memory_space<vmem_shared>>
    tpu.wait_indirect_dma semaphore(%arg29 : memref<!tpu.dma_semaphore, #tpu.memory_space<semaphore_mem>>) src(%arg12 : memref<128x64xf32, #tpu.memory_space<vmem>>) dst(%dma_wait3A_93 : memref<10240x64xf32, #tpu.memory_space<vmem_shared>>)
    %dma_wait3A_94 = arith.constant 78 : i32
    %dma_wait3A_95 = arith.constant 0 : i32
    %dma_wait3A_96 = tpu.memref_slice %arg6[%dma_wait3A_94, %dma_wait3A_95] : memref<80x128xi32, #tpu.memory_space<vmem>> -> memref<1x128xi32, #tpu.memory_space<vmem>>
    %dma_wait3A_97 = tpu.memref_squeeze %dma_wait3A_96 : memref<1x128xi32, #tpu.memory_space<vmem>> -> memref<128xi32, #tpu.memory_space<vmem>>
    %dma_wait3A_98 = arith.constant 0 : i32
    %dma_wait3A_99 = arith.constant 0 : i32
    %dma_wait3A_100 = tpu.memref_slice %arg15[%dma_wait3A_98, %dma_wait3A_99] : memref<10240x64xf32, #tpu.memory_space<vmem_shared>> -> memref<10240x64xf32, #tpu.memory_space<vmem_shared>>
    tpu.wait_indirect_dma semaphore(%arg30 : memref<!tpu.dma_semaphore, #tpu.memory_space<semaphore_mem>>) src(%arg13 : memref<128x64xf32, #tpu.memory_space<vmem>>) dst(%dma_wait3A_100 : memref<10240x64xf32, #tpu.memory_space<vmem_shared>>)
    %dma_wait3A_101 = arith.constant 79 : i32
    %dma_wait3A_102 = arith.constant 0 : i32
    %dma_wait3A_103 = tpu.memref_slice %arg6[%dma_wait3A_101, %dma_wait3A_102] : memref<80x128xi32, #tpu.memory_space<vmem>> -> memref<1x128xi32, #tpu.memory_space<vmem>>
    %dma_wait3A_104 = tpu.memref_squeeze %dma_wait3A_103 : memref<1x128xi32, #tpu.memory_space<vmem>> -> memref<128xi32, #tpu.memory_space<vmem>>
    %dma_wait3A_105 = arith.constant 0 : i32
    %dma_wait3A_106 = arith.constant 0 : i32
    %dma_wait3A_107 = tpu.memref_slice %arg15[%dma_wait3A_105, %dma_wait3A_106] : memref<10240x64xf32, #tpu.memory_space<vmem_shared>> -> memref<10240x64xf32, #tpu.memory_space<vmem_shared>>
    tpu.wait_indirect_dma semaphore(%arg31 : memref<!tpu.dma_semaphore, #tpu.memory_space<semaphore_mem>>) src(%arg14 : memref<128x64xf32, #tpu.memory_space<vmem>>) dst(%dma_wait3A_107 : memref<10240x64xf32, #tpu.memory_space<vmem_shared>>)
    %barrier3A_108 = arith.constant 0 : index
    tpu.barrier barrier_id(%barrier3A_108)
    %add3A_109 = arith.constant 0 : i32
    %add3A_110 = arith.addi %mul3A_8, %add3A_109 : i32
    "tpu.region"() ({
      %run_scoped3A_129 = tpu.sem_alloc : memref<!tpu.dma_semaphore, #tpu.memory_space<semaphore_mem>>
      %dma_start3A_130 = arith.constant 0 : i32
      %dma_start3A_131 = tpu.memref_slice %arg15[%add3A_110, %dma_start3A_130] : memref<10240x64xf32, #tpu.memory_space<vmem_shared>> -> memref<128x64xf32, #tpu.memory_space<vmem_shared>>
      %dma_start3A_132 = arith.constant 0 : i32
      %dma_start3A_133 = tpu.memref_slice %arg15[%add3A_110, %dma_start3A_132] : memref<10240x64xf32, #tpu.memory_space<vmem_shared>> -> memref<128x64xf32, #tpu.memory_space<vmem_shared>>
      tpu.enqueue_dma source(%dma_start3A_133 : memref<128x64xf32, #tpu.memory_space<vmem_shared>>) target(%arg7 : memref<128x64xf32, #tpu.memory_space<vmem>>) target_semaphore(%run_scoped3A_129 : memref<!tpu.dma_semaphore, #tpu.memory_space<semaphore_mem>>)
      %dma_wait3A_134 = arith.constant 0 : i32
      %dma_wait3A_135 = tpu.memref_slice %arg15[%add3A_110, %dma_wait3A_134] : memref<10240x64xf32, #tpu.memory_space<vmem_shared>> -> memref<128x64xf32, #tpu.memory_space<vmem_shared>>
      %dma_wait3A_136 = arith.constant 0 : i32
      %dma_wait3A_137 = tpu.memref_slice %arg15[%add3A_110, %dma_wait3A_136] : memref<10240x64xf32, #tpu.memory_space<vmem_shared>> -> memref<128x64xf32, #tpu.memory_space<vmem_shared>>
      tpu.wait_dma2 semaphore(%run_scoped3A_129 : memref<!tpu.dma_semaphore, #tpu.memory_space<semaphore_mem>>) src(%dma_wait3A_137 : memref<128x64xf32, #tpu.memory_space<vmem_shared>>) dst(%arg7 : memref<128x64xf32, #tpu.memory_space<vmem>>)
      tpu.yield
    }) : () -> ()
    %add3A_111 = arith.constant 0 : i32
    %add3A_112 = arith.addi %mul3A_8, %add3A_111 : i32
    "tpu.region"() ({
      %run_scoped3A_129 = tpu.sem_alloc : memref<!tpu.dma_semaphore, #tpu.memory_space<semaphore_mem>>
      %dma_start3A_130 = arith.constant 0 : i32
      %dma_start3A_131 = tpu.memref_slice %arg4[%arg0, %add3A_112, %dma_start3A_130] : memref<2x10240x128xf32, #tpu.memory_space<hbm>> -> memref<1x128x64xf32, #tpu.memory_space<hbm>>
      %dma_start3A_132 = tpu.memref_squeeze %dma_start3A_131 : memref<1x128x64xf32, #tpu.memory_space<hbm>> -> memref<128x64xf32, #tpu.memory_space<hbm>>
      %dma_start3A_133 = arith.constant 0 : i32
      %dma_start3A_134 = tpu.memref_slice %arg4[%arg0, %add3A_112, %dma_start3A_133] : memref<2x10240x128xf32, #tpu.memory_space<hbm>> -> memref<1x128x64xf32, #tpu.memory_space<hbm>>
      %dma_start3A_135 = tpu.memref_squeeze %dma_start3A_134 : memref<1x128x64xf32, #tpu.memory_space<hbm>> -> memref<128x64xf32, #tpu.memory_space<hbm>>
      tpu.enqueue_dma source(%arg7 : memref<128x64xf32, #tpu.memory_space<vmem>>) target(%dma_start3A_135 : memref<128x64xf32, #tpu.memory_space<hbm>>) target_semaphore(%run_scoped3A_129 : memref<!tpu.dma_semaphore, #tpu.memory_space<semaphore_mem>>)
      %dma_wait3A_136 = arith.constant 0 : i32
      %dma_wait3A_137 = tpu.memref_slice %arg4[%arg0, %add3A_112, %dma_wait3A_136] : memref<2x10240x128xf32, #tpu.memory_space<hbm>> -> memref<1x128x64xf32, #tpu.memory_space<hbm>>
      %dma_wait3A_138 = tpu.memref_squeeze %dma_wait3A_137 : memref<1x128x64xf32, #tpu.memory_space<hbm>> -> memref<128x64xf32, #tpu.memory_space<hbm>>
      %dma_wait3A_139 = arith.constant 0 : i32
      %dma_wait3A_140 = tpu.memref_slice %arg4[%arg0, %add3A_112, %dma_wait3A_139] : memref<2x10240x128xf32, #tpu.memory_space<hbm>> -> memref<1x128x64xf32, #tpu.memory_space<hbm>>
      %dma_wait3A_141 = tpu.memref_squeeze %dma_wait3A_140 : memref<1x128x64xf32, #tpu.memory_space<hbm>> -> memref<128x64xf32, #tpu.memory_space<hbm>>
      tpu.wait_dma2 semaphore(%run_scoped3A_129 : memref<!tpu.dma_semaphore, #tpu.memory_space<semaphore_mem>>) src(%arg7 : memref<128x64xf32, #tpu.memory_space<vmem>>) dst(%dma_wait3A_141 : memref<128x64xf32, #tpu.memory_space<hbm>>)
      tpu.yield
    }) : () -> ()
    %add3A_113 = arith.constant 128 : i32
    %add3A_114 = arith.addi %mul3A_8, %add3A_113 : i32
    "tpu.region"() ({
      %run_scoped3A_129 = tpu.sem_alloc : memref<!tpu.dma_semaphore, #tpu.memory_space<semaphore_mem>>
      %dma_start3A_130 = arith.constant 0 : i32
      %dma_start3A_131 = tpu.memref_slice %arg15[%add3A_114, %dma_start3A_130] : memref<10240x64xf32, #tpu.memory_space<vmem_shared>> -> memref<128x64xf32, #tpu.memory_space<vmem_shared>>
      %dma_start3A_132 = arith.constant 0 : i32
      %dma_start3A_133 = tpu.memref_slice %arg15[%add3A_114, %dma_start3A_132] : memref<10240x64xf32, #tpu.memory_space<vmem_shared>> -> memref<128x64xf32, #tpu.memory_space<vmem_shared>>
      tpu.enqueue_dma source(%dma_start3A_133 : memref<128x64xf32, #tpu.memory_space<vmem_shared>>) target(%arg7 : memref<128x64xf32, #tpu.memory_space<vmem>>) target_semaphore(%run_scoped3A_129 : memref<!tpu.dma_semaphore, #tpu.memory_space<semaphore_mem>>)
      %dma_wait3A_134 = arith.constant 0 : i32
      %dma_wait3A_135 = tpu.memref_slice %arg15[%add3A_114, %dma_wait3A_134] : memref<10240x64xf32, #tpu.memory_space<vmem_shared>> -> memref<128x64xf32, #tpu.memory_space<vmem_shared>>
      %dma_wait3A_136 = arith.constant 0 : i32
      %dma_wait3A_137 = tpu.memref_slice %arg15[%add3A_114, %dma_wait3A_136] : memref<10240x64xf32, #tpu.memory_space<vmem_shared>> -> memref<128x64xf32, #tpu.memory_space<vmem_shared>>
      tpu.wait_dma2 semaphore(%run_scoped3A_129 : memref<!tpu.dma_semaphore, #tpu.memory_space<semaphore_mem>>) src(%dma_wait3A_137 : memref<128x64xf32, #tpu.memory_space<vmem_shared>>) dst(%arg7 : memref<128x64xf32, #tpu.memory_space<vmem>>)
      tpu.yield
    }) : () -> ()
    %add3A_115 = arith.constant 128 : i32
    %add3A_116 = arith.addi %mul3A_8, %add3A_115 : i32
    "tpu.region"() ({
      %run_scoped3A_129 = tpu.sem_alloc : memref<!tpu.dma_semaphore, #tpu.memory_space<semaphore_mem>>
      %dma_start3A_130 = arith.constant 0 : i32
      %dma_start3A_131 = tpu.memref_slice %arg4[%arg0, %add3A_116, %dma_start3A_130] : memref<2x10240x128xf32, #tpu.memory_space<hbm>> -> memref<1x128x64xf32, #tpu.memory_space<hbm>>
      %dma_start3A_132 = tpu.memref_squeeze %dma_start3A_131 : memref<1x128x64xf32, #tpu.memory_space<hbm>> -> memref<128x64xf32, #tpu.memory_space<hbm>>
      %dma_start3A_133 = arith.constant 0 : i32
      %dma_start3A_134 = tpu.memref_slice %arg4[%arg0, %add3A_116, %dma_start3A_133] : memref<2x10240x128xf32, #tpu.memory_space<hbm>> -> memref<1x128x64xf32, #tpu.memory_space<hbm>>
      %dma_start3A_135 = tpu.memref_squeeze %dma_start3A_134 : memref<1x128x64xf32, #tpu.memory_space<hbm>> -> memref<128x64xf32, #tpu.memory_space<hbm>>
      tpu.enqueue_dma source(%arg7 : memref<128x64xf32, #tpu.memory_space<vmem>>) target(%dma_start3A_135 : memref<128x64xf32, #tpu.memory_space<hbm>>) target_semaphore(%run_scoped3A_129 : memref<!tpu.dma_semaphore, #tpu.memory_space<semaphore_mem>>)
      %dma_wait3A_136 = arith.constant 0 : i32
      %dma_wait3A_137 = tpu.memref_slice %arg4[%arg0, %add3A_116, %dma_wait3A_136] : memref<2x10240x128xf32, #tpu.memory_space<hbm>> -> memref<1x128x64xf32, #tpu.memory_space<hbm>>
      %dma_wait3A_138 = tpu.memref_squeeze %dma_wait3A_137 : memref<1x128x64xf32, #tpu.memory_space<hbm>> -> memref<128x64xf32, #tpu.memory_space<hbm>>
      %dma_wait3A_139 = arith.constant 0 : i32
      %dma_wait3A_140 = tpu.memref_slice %arg4[%arg0, %add3A_116, %dma_wait3A_139] : memref<2x10240x128xf32, #tpu.memory_space<hbm>> -> memref<1x128x64xf32, #tpu.memory_space<hbm>>
      %dma_wait3A_141 = tpu.memref_squeeze %dma_wait3A_140 : memref<1x128x64xf32, #tpu.memory_space<hbm>> -> memref<128x64xf32, #tpu.memory_space<hbm>>
      tpu.wait_dma2 semaphore(%run_scoped3A_129 : memref<!tpu.dma_semaphore, #tpu.memory_space<semaphore_mem>>) src(%arg7 : memref<128x64xf32, #tpu.memory_space<vmem>>) dst(%dma_wait3A_141 : memref<128x64xf32, #tpu.memory_space<hbm>>)
      tpu.yield
    }) : () -> ()
    %add3A_117 = arith.constant 256 : i32
    %add3A_118 = arith.addi %mul3A_8, %add3A_117 : i32
    "tpu.region"() ({
      %run_scoped3A_129 = tpu.sem_alloc : memref<!tpu.dma_semaphore, #tpu.memory_space<semaphore_mem>>
      %dma_start3A_130 = arith.constant 0 : i32
      %dma_start3A_131 = tpu.memref_slice %arg15[%add3A_118, %dma_start3A_130] : memref<10240x64xf32, #tpu.memory_space<vmem_shared>> -> memref<128x64xf32, #tpu.memory_space<vmem_shared>>
      %dma_start3A_132 = arith.constant 0 : i32
      %dma_start3A_133 = tpu.memref_slice %arg15[%add3A_118, %dma_start3A_132] : memref<10240x64xf32, #tpu.memory_space<vmem_shared>> -> memref<128x64xf32, #tpu.memory_space<vmem_shared>>
      tpu.enqueue_dma source(%dma_start3A_133 : memref<128x64xf32, #tpu.memory_space<vmem_shared>>) target(%arg7 : memref<128x64xf32, #tpu.memory_space<vmem>>) target_semaphore(%run_scoped3A_129 : memref<!tpu.dma_semaphore, #tpu.memory_space<semaphore_mem>>)
      %dma_wait3A_134 = arith.constant 0 : i32
      %dma_wait3A_135 = tpu.memref_slice %arg15[%add3A_118, %dma_wait3A_134] : memref<10240x64xf32, #tpu.memory_space<vmem_shared>> -> memref<128x64xf32, #tpu.memory_space<vmem_shared>>
      %dma_wait3A_136 = arith.constant 0 : i32
      %dma_wait3A_137 = tpu.memref_slice %arg15[%add3A_118, %dma_wait3A_136] : memref<10240x64xf32, #tpu.memory_space<vmem_shared>> -> memref<128x64xf32, #tpu.memory_space<vmem_shared>>
      tpu.wait_dma2 semaphore(%run_scoped3A_129 : memref<!tpu.dma_semaphore, #tpu.memory_space<semaphore_mem>>) src(%dma_wait3A_137 : memref<128x64xf32, #tpu.memory_space<vmem_shared>>) dst(%arg7 : memref<128x64xf32, #tpu.memory_space<vmem>>)
      tpu.yield
    }) : () -> ()
    %add3A_119 = arith.constant 256 : i32
    %add3A_120 = arith.addi %mul3A_8, %add3A_119 : i32
    "tpu.region"() ({
      %run_scoped3A_129 = tpu.sem_alloc : memref<!tpu.dma_semaphore, #tpu.memory_space<semaphore_mem>>
      %dma_start3A_130 = arith.constant 0 : i32
      %dma_start3A_131 = tpu.memref_slice %arg4[%arg0, %add3A_120, %dma_start3A_130] : memref<2x10240x128xf32, #tpu.memory_space<hbm>> -> memref<1x128x64xf32, #tpu.memory_space<hbm>>
      %dma_start3A_132 = tpu.memref_squeeze %dma_start3A_131 : memref<1x128x64xf32, #tpu.memory_space<hbm>> -> memref<128x64xf32, #tpu.memory_space<hbm>>
      %dma_start3A_133 = arith.constant 0 : i32
      %dma_start3A_134 = tpu.memref_slice %arg4[%arg0, %add3A_120, %dma_start3A_133] : memref<2x10240x128xf32, #tpu.memory_space<hbm>> -> memref<1x128x64xf32, #tpu.memory_space<hbm>>
      %dma_start3A_135 = tpu.memref_squeeze %dma_start3A_134 : memref<1x128x64xf32, #tpu.memory_space<hbm>> -> memref<128x64xf32, #tpu.memory_space<hbm>>
      tpu.enqueue_dma source(%arg7 : memref<128x64xf32, #tpu.memory_space<vmem>>) target(%dma_start3A_135 : memref<128x64xf32, #tpu.memory_space<hbm>>) target_semaphore(%run_scoped3A_129 : memref<!tpu.dma_semaphore, #tpu.memory_space<semaphore_mem>>)
      %dma_wait3A_136 = arith.constant 0 : i32
      %dma_wait3A_137 = tpu.memref_slice %arg4[%arg0, %add3A_120, %dma_wait3A_136] : memref<2x10240x128xf32, #tpu.memory_space<hbm>> -> memref<1x128x64xf32, #tpu.memory_space<hbm>>
      %dma_wait3A_138 = tpu.memref_squeeze %dma_wait3A_137 : memref<1x128x64xf32, #tpu.memory_space<hbm>> -> memref<128x64xf32, #tpu.memory_space<hbm>>
      %dma_wait3A_139 = arith.constant 0 : i32
      %dma_wait3A_140 = tpu.memref_slice %arg4[%arg0, %add3A_120, %dma_wait3A_139] : memref<2x10240x128xf32, #tpu.memory_space<hbm>> -> memref<1x128x64xf32, #tpu.memory_space<hbm>>
      %dma_wait3A_141 = tpu.memref_squeeze %dma_wait3A_140 : memref<1x128x64xf32, #tpu.memory_space<hbm>> -> memref<128x64xf32, #tpu.memory_space<hbm>>
      tpu.wait_dma2 semaphore(%run_scoped3A_129 : memref<!tpu.dma_semaphore, #tpu.memory_space<semaphore_mem>>) src(%arg7 : memref<128x64xf32, #tpu.memory_space<vmem>>) dst(%dma_wait3A_141 : memref<128x64xf32, #tpu.memory_space<hbm>>)
      tpu.yield
    }) : () -> ()
    %add3A_121 = arith.constant 384 : i32
    %add3A_122 = arith.addi %mul3A_8, %add3A_121 : i32
    "tpu.region"() ({
      %run_scoped3A_129 = tpu.sem_alloc : memref<!tpu.dma_semaphore, #tpu.memory_space<semaphore_mem>>
      %dma_start3A_130 = arith.constant 0 : i32
      %dma_start3A_131 = tpu.memref_slice %arg15[%add3A_122, %dma_start3A_130] : memref<10240x64xf32, #tpu.memory_space<vmem_shared>> -> memref<128x64xf32, #tpu.memory_space<vmem_shared>>
      %dma_start3A_132 = arith.constant 0 : i32
      %dma_start3A_133 = tpu.memref_slice %arg15[%add3A_122, %dma_start3A_132] : memref<10240x64xf32, #tpu.memory_space<vmem_shared>> -> memref<128x64xf32, #tpu.memory_space<vmem_shared>>
      tpu.enqueue_dma source(%dma_start3A_133 : memref<128x64xf32, #tpu.memory_space<vmem_shared>>) target(%arg7 : memref<128x64xf32, #tpu.memory_space<vmem>>) target_semaphore(%run_scoped3A_129 : memref<!tpu.dma_semaphore, #tpu.memory_space<semaphore_mem>>)
      %dma_wait3A_134 = arith.constant 0 : i32
      %dma_wait3A_135 = tpu.memref_slice %arg15[%add3A_122, %dma_wait3A_134] : memref<10240x64xf32, #tpu.memory_space<vmem_shared>> -> memref<128x64xf32, #tpu.memory_space<vmem_shared>>
      %dma_wait3A_136 = arith.constant 0 : i32
      %dma_wait3A_137 = tpu.memref_slice %arg15[%add3A_122, %dma_wait3A_136] : memref<10240x64xf32, #tpu.memory_space<vmem_shared>> -> memref<128x64xf32, #tpu.memory_space<vmem_shared>>
      tpu.wait_dma2 semaphore(%run_scoped3A_129 : memref<!tpu.dma_semaphore, #tpu.memory_space<semaphore_mem>>) src(%dma_wait3A_137 : memref<128x64xf32, #tpu.memory_space<vmem_shared>>) dst(%arg7 : memref<128x64xf32, #tpu.memory_space<vmem>>)
      tpu.yield
    }) : () -> ()
    %add3A_123 = arith.constant 384 : i32
    %add3A_124 = arith.addi %mul3A_8, %add3A_123 : i32
    "tpu.region"() ({
      %run_scoped3A_129 = tpu.sem_alloc : memref<!tpu.dma_semaphore, #tpu.memory_space<semaphore_mem>>
      %dma_start3A_130 = arith.constant 0 : i32
      %dma_start3A_131 = tpu.memref_slice %arg4[%arg0, %add3A_124, %dma_start3A_130] : memref<2x10240x128xf32, #tpu.memory_space<hbm>> -> memref<1x128x64xf32, #tpu.memory_space<hbm>>
      %dma_start3A_132 = tpu.memref_squeeze %dma_start3A_131 : memref<1x128x64xf32, #tpu.memory_space<hbm>> -> memref<128x64xf32, #tpu.memory_space<hbm>>
      %dma_start3A_133 = arith.constant 0 : i32
      %dma_start3A_134 = tpu.memref_slice %arg4[%arg0, %add3A_124, %dma_start3A_133] : memref<2x10240x128xf32, #tpu.memory_space<hbm>> -> memref<1x128x64xf32, #tpu.memory_space<hbm>>
      %dma_start3A_135 = tpu.memref_squeeze %dma_start3A_134 : memref<1x128x64xf32, #tpu.memory_space<hbm>> -> memref<128x64xf32, #tpu.memory_space<hbm>>
      tpu.enqueue_dma source(%arg7 : memref<128x64xf32, #tpu.memory_space<vmem>>) target(%dma_start3A_135 : memref<128x64xf32, #tpu.memory_space<hbm>>) target_semaphore(%run_scoped3A_129 : memref<!tpu.dma_semaphore, #tpu.memory_space<semaphore_mem>>)
      %dma_wait3A_136 = arith.constant 0 : i32
      %dma_wait3A_137 = tpu.memref_slice %arg4[%arg0, %add3A_124, %dma_wait3A_136] : memref<2x10240x128xf32, #tpu.memory_space<hbm>> -> memref<1x128x64xf32, #tpu.memory_space<hbm>>
      %dma_wait3A_138 = tpu.memref_squeeze %dma_wait3A_137 : memref<1x128x64xf32, #tpu.memory_space<hbm>> -> memref<128x64xf32, #tpu.memory_space<hbm>>
      %dma_wait3A_139 = arith.constant 0 : i32
      %dma_wait3A_140 = tpu.memref_slice %arg4[%arg0, %add3A_124, %dma_wait3A_139] : memref<2x10240x128xf32, #tpu.memory_space<hbm>> -> memref<1x128x64xf32, #tpu.memory_space<hbm>>
      %dma_wait3A_141 = tpu.memref_squeeze %dma_wait3A_140 : memref<1x128x64xf32, #tpu.memory_space<hbm>> -> memref<128x64xf32, #tpu.memory_space<hbm>>
      tpu.wait_dma2 semaphore(%run_scoped3A_129 : memref<!tpu.dma_semaphore, #tpu.memory_space<semaphore_mem>>) src(%arg7 : memref<128x64xf32, #tpu.memory_space<vmem>>) dst(%dma_wait3A_141 : memref<128x64xf32, #tpu.memory_space<hbm>>)
      tpu.yield
    }) : () -> ()
    %add3A_125 = arith.constant 512 : i32
    %add3A_126 = arith.addi %mul3A_8, %add3A_125 : i32
    "tpu.region"() ({
      %run_scoped3A_129 = tpu.sem_alloc : memref<!tpu.dma_semaphore, #tpu.memory_space<semaphore_mem>>
      %dma_start3A_130 = arith.constant 0 : i32
      %dma_start3A_131 = tpu.memref_slice %arg15[%add3A_126, %dma_start3A_130] : memref<10240x64xf32, #tpu.memory_space<vmem_shared>> -> memref<128x64xf32, #tpu.memory_space<vmem_shared>>
      %dma_start3A_132 = arith.constant 0 : i32
      %dma_start3A_133 = tpu.memref_slice %arg15[%add3A_126, %dma_start3A_132] : memref<10240x64xf32, #tpu.memory_space<vmem_shared>> -> memref<128x64xf32, #tpu.memory_space<vmem_shared>>
      tpu.enqueue_dma source(%dma_start3A_133 : memref<128x64xf32, #tpu.memory_space<vmem_shared>>) target(%arg7 : memref<128x64xf32, #tpu.memory_space<vmem>>) target_semaphore(%run_scoped3A_129 : memref<!tpu.dma_semaphore, #tpu.memory_space<semaphore_mem>>)
      %dma_wait3A_134 = arith.constant 0 : i32
      %dma_wait3A_135 = tpu.memref_slice %arg15[%add3A_126, %dma_wait3A_134] : memref<10240x64xf32, #tpu.memory_space<vmem_shared>> -> memref<128x64xf32, #tpu.memory_space<vmem_shared>>
      %dma_wait3A_136 = arith.constant 0 : i32
      %dma_wait3A_137 = tpu.memref_slice %arg15[%add3A_126, %dma_wait3A_136] : memref<10240x64xf32, #tpu.memory_space<vmem_shared>> -> memref<128x64xf32, #tpu.memory_space<vmem_shared>>
      tpu.wait_dma2 semaphore(%run_scoped3A_129 : memref<!tpu.dma_semaphore, #tpu.memory_space<semaphore_mem>>) src(%dma_wait3A_137 : memref<128x64xf32, #tpu.memory_space<vmem_shared>>) dst(%arg7 : memref<128x64xf32, #tpu.memory_space<vmem>>)
      tpu.yield
    }) : () -> ()
    %add3A_127 = arith.constant 512 : i32
    %add3A_128 = arith.addi %mul3A_8, %add3A_127 : i32
    "tpu.region"() ({
      %run_scoped3A_129 = tpu.sem_alloc : memref<!tpu.dma_semaphore, #tpu.memory_space<semaphore_mem>>
      %dma_start3A_130 = arith.constant 0 : i32
      %dma_start3A_131 = tpu.memref_slice %arg4[%arg0, %add3A_128, %dma_start3A_130] : memref<2x10240x128xf32, #tpu.memory_space<hbm>> -> memref<1x128x64xf32, #tpu.memory_space<hbm>>
      %dma_start3A_132 = tpu.memref_squeeze %dma_start3A_131 : memref<1x128x64xf32, #tpu.memory_space<hbm>> -> memref<128x64xf32, #tpu.memory_space<hbm>>
      %dma_start3A_133 = arith.constant 0 : i32
      %dma_start3A_134 = tpu.memref_slice %arg4[%arg0, %add3A_128, %dma_start3A_133] : memref<2x10240x128xf32, #tpu.memory_space<hbm>> -> memref<1x128x64xf32, #tpu.memory_space<hbm>>
      %dma_start3A_135 = tpu.memref_squeeze %dma_start3A_134 : memref<1x128x64xf32, #tpu.memory_space<hbm>> -> memref<128x64xf32, #tpu.memory_space<hbm>>
      tpu.enqueue_dma source(%arg7 : memref<128x64xf32, #tpu.memory_space<vmem>>) target(%dma_start3A_135 : memref<128x64xf32, #tpu.memory_space<hbm>>) target_semaphore(%run_scoped3A_129 : memref<!tpu.dma_semaphore, #tpu.memory_space<semaphore_mem>>)
      %dma_wait3A_136 = arith.constant 0 : i32
      %dma_wait3A_137 = tpu.memref_slice %arg4[%arg0, %add3A_128, %dma_wait3A_136] : memref<2x10240x128xf32, #tpu.memory_space<hbm>> -> memref<1x128x64xf32, #tpu.memory_space<hbm>>
      %dma_wait3A_138 = tpu.memref_squeeze %dma_wait3A_137 : memref<1x128x64xf32, #tpu.memory_space<hbm>> -> memref<128x64xf32, #tpu.memory_space<hbm>>
      %dma_wait3A_139 = arith.constant 0 : i32
      %dma_wait3A_140 = tpu.memref_slice %arg4[%arg0, %add3A_128, %dma_wait3A_139] : memref<2x10240x128xf32, #tpu.memory_space<hbm>> -> memref<1x128x64xf32, #tpu.memory_space<hbm>>
      %dma_wait3A_141 = tpu.memref_squeeze %dma_wait3A_140 : memref<1x128x64xf32, #tpu.memory_space<hbm>> -> memref<128x64xf32, #tpu.memory_space<hbm>>
      tpu.wait_dma2 semaphore(%run_scoped3A_129 : memref<!tpu.dma_semaphore, #tpu.memory_space<semaphore_mem>>) src(%arg7 : memref<128x64xf32, #tpu.memory_space<vmem>>) dst(%dma_wait3A_141 : memref<128x64xf32, #tpu.memory_space<hbm>>)
      tpu.yield
    }) : () -> ()
    return
  }
}

#map = affine_map<(d0, d1) -> (0, 0)>
#map1 = affine_map<(d0, d1) -> (0, 0, 0, 0)>
#map2 = affine_map<(d0, d1) -> (0, 0, 0)>
module attributes {stable_mosaic.version = 14 : i64} {
  func.func @k(%arg0: i32, %arg1: i32, %arg2: memref<10000x16xf32, #tpu.memory_space<hbm>>, %arg3: memref<2x32x80x128xi32, #tpu.memory_space<hbm>>, %arg4: memref<2x10240x128xf32, #tpu.memory_space<hbm>>, %arg5: memref<80x128xi32, #tpu.memory_space<vmem>>, %arg6: memref<80x128xi32, #tpu.memory_space<vmem>>, %arg7: memref<128x16xf32, #tpu.memory_space<vmem>>, %arg8: memref<128x16xf32, #tpu.memory_space<vmem>>, %arg9: memref<128x16xf32, #tpu.memory_space<vmem>>, %arg10: memref<128x16xf32, #tpu.memory_space<vmem>>, %arg11: memref<128x16xf32, #tpu.memory_space<vmem>>, %arg12: memref<128x16xf32, #tpu.memory_space<vmem>>, %arg13: memref<128x16xf32, #tpu.memory_space<vmem>>, %arg14: memref<128x16xf32, #tpu.memory_space<vmem>>, %arg15: memref<10240x16xf32, #tpu.memory_space<vmem_shared>>, %arg16: memref<!tpu.dma_semaphore, #tpu.memory_space<semaphore_mem>>, %arg17: memref<!tpu.dma_semaphore, #tpu.memory_space<semaphore_mem>>, %arg18: memref<!tpu.dma_semaphore, #tpu.memory_space<semaphore_mem>>, %arg19: memref<!tpu.dma_semaphore, #tpu.memory_space<semaphore_mem>>, %arg20: memref<!tpu.dma_semaphore, #tpu.memory_space<semaphore_mem>>, %arg21: memref<!tpu.dma_semaphore, #tpu.memory_space<semaphore_mem>>, %arg22: memref<!tpu.dma_semaphore, #tpu.memory_space<semaphore_mem>>, %arg23: memref<!tpu.dma_semaphore, #tpu.memory_space<semaphore_mem>>, %arg24: memref<!tpu.dma_semaphore, #tpu.memory_space<semaphore_mem>>, %arg25: memref<!tpu.dma_semaphore, #tpu.memory_space<semaphore_mem>>, %arg26: memref<!tpu.dma_semaphore, #tpu.memory_space<semaphore_mem>>, %arg27: memref<!tpu.dma_semaphore, #tpu.memory_space<semaphore_mem>>, %arg28: memref<!tpu.dma_semaphore, #tpu.memory_space<semaphore_mem>>, %arg29: memref<!tpu.dma_semaphore, #tpu.memory_space<semaphore_mem>>, %arg30: memref<!tpu.dma_semaphore, #tpu.memory_space<semaphore_mem>>, %arg31: memref<!tpu.dma_semaphore, #tpu.memory_space<semaphore_mem>>) attributes {dimension_semantics = [#tpu.dimension_semantics<core_parallel>, #tpu.dimension_semantics<subcore_parallel>], iteration_bounds = array<i64: 2, 16>, scalar_prefetch = 0 : i64, scratch_operands = 27 : i64, tpu.core_type = #tpu.core_type<sc_vector_subcore>, window_params = [{transform_indices = #map}, {transform_indices = #map1}, {transform_indices = #map2}]} {
    %mul3A = arith.constant 16 : i32
    %mul3A_0 = arith.muli %arg0, %mul3A : i32
    %add3A = arith.addi %mul3A_0, %arg1 : i32
    %broadcast_in_dim3A = arith.constant 0.000000e+00 : f32
    %broadcast_in_dim3A_1 = vector.broadcast %broadcast_in_dim3A : f32 to vector<16xf32>
    %scan3A = arith.constant 0 : i32
    %scan3A_2 = arith.constant 0 : i32
    %scan3A_3 = arith.constant 128 : i32
    %scan3A_4 = arith.addi %scan3A_2, %scan3A_3 : i32
    %scan3A_5 = arith.constant 1 : i32
    scf.for %scan3A_129 = %scan3A_2 to %scan3A_4 step %scan3A_5  : i32 {
      %swap3A = arith.index_cast %scan3A_129 : i32 to index
      %swap3A_130 = arith.constant 0 : index
      %swap3A_131 = tpu.vector_load %arg7[%swap3A, %swap3A_130] {strides = array<i32>} : memref<128x16xf32, #tpu.memory_space<vmem>>, vector<1x16xf32>,
      %swap3A_132 = vector.shape_cast %swap3A_131 : vector<1x16xf32> to vector<16xf32>
      %swap3A_133 = vector.shape_cast %broadcast_in_dim3A_1 : vector<16xf32> to vector<1x16xf32>
      tpu.vector_store %arg7[%swap3A, %swap3A_130], %swap3A_133 {strides = array<i32>} : memref<128x16xf32, #tpu.memory_space<vmem>>, vector<1x16xf32>,
    }
    %scan3A_6 = arith.constant 128 : i32
    %mul3A_7 = arith.constant 640 : i32
    %mul3A_8 = arith.muli %arg1, %mul3A_7 : i32
    %add3A_9 = arith.constant 0 : i32
    %add3A_10 = arith.addi %mul3A_8, %add3A_9 : i32
    "tpu.region"() ({
      %run_scoped3A_129 = tpu.sem_alloc : memref<!tpu.dma_semaphore, #tpu.memory_space<semaphore_mem>>
      %dma_start3A_130 = arith.constant 0 : i32
      %dma_start3A_131 = tpu.memref_slice %arg15[%add3A_10, %dma_start3A_130] : memref<10240x16xf32, #tpu.memory_space<vmem_shared>> -> memref<128x16xf32, #tpu.memory_space<vmem_shared>>
      %dma_start3A_132 = arith.constant 0 : i32
      %dma_start3A_133 = tpu.memref_slice %arg15[%add3A_10, %dma_start3A_132] : memref<10240x16xf32, #tpu.memory_space<vmem_shared>> -> memref<128x16xf32, #tpu.memory_space<vmem_shared>>
      tpu.enqueue_dma source(%arg7 : memref<128x16xf32, #tpu.memory_space<vmem>>) target(%dma_start3A_133 : memref<128x16xf32, #tpu.memory_space<vmem_shared>>) target_semaphore(%run_scoped3A_129 : memref<!tpu.dma_semaphore, #tpu.memory_space<semaphore_mem>>)
      %dma_wait3A_134 = arith.constant 0 : i32
      %dma_wait3A_135 = tpu.memref_slice %arg15[%add3A_10, %dma_wait3A_134] : memref<10240x16xf32, #tpu.memory_space<vmem_shared>> -> memref<128x16xf32, #tpu.memory_space<vmem_shared>>
      %dma_wait3A_136 = arith.constant 0 : i32
      %dma_wait3A_137 = tpu.memref_slice %arg15[%add3A_10, %dma_wait3A_136] : memref<10240x16xf32, #tpu.memory_space<vmem_shared>> -> memref<128x16xf32, #tpu.memory_space<vmem_shared>>
      tpu.wait_dma2 semaphore(%run_scoped3A_129 : memref<!tpu.dma_semaphore, #tpu.memory_space<semaphore_mem>>) src(%arg7 : memref<128x16xf32, #tpu.memory_space<vmem>>) dst(%dma_wait3A_137 : memref<128x16xf32, #tpu.memory_space<vmem_shared>>)
      tpu.yield
    }) : () -> ()
    %add3A_11 = arith.constant 128 : i32
    %add3A_12 = arith.addi %mul3A_8, %add3A_11 : i32
    "tpu.region"() ({
      %run_scoped3A_129 = tpu.sem_alloc : memref<!tpu.dma_semaphore, #tpu.memory_space<semaphore_mem>>
      %dma_start3A_130 = arith.constant 0 : i32
      %dma_start3A_131 = tpu.memref_slice %arg15[%add3A_12, %dma_start3A_130] : memref<10240x16xf32, #tpu.memory_space<vmem_shared>> -> memref<128x16xf32, #tpu.memory_space<vmem_shared>>
      %dma_start3A_132 = arith.constant 0 : i32
      %dma_start3A_133 = tpu.memref_slice %arg15[%add3A_12, %dma_start3A_132] : memref<10240x16xf32, #tpu.memory_space<vmem_shared>> -> memref<128x16xf32, #tpu.memory_space<vmem_shared>>
      tpu.enqueue_dma source(%arg7 : memref<128x16xf32, #tpu.memory_space<vmem>>) target(%dma_start3A_133 : memref<128x16xf32, #tpu.memory_space<vmem_shared>>) target_semaphore(%run_scoped3A_129 : memref<!tpu.dma_semaphore, #tpu.memory_space<semaphore_mem>>)
      %dma_wait3A_134 = arith.constant 0 : i32
      %dma_wait3A_135 = tpu.memref_slice %arg15[%add3A_12, %dma_wait3A_134] : memref<10240x16xf32, #tpu.memory_space<vmem_shared>> -> memref<128x16xf32, #tpu.memory_space<vmem_shared>>
      %dma_wait3A_136 = arith.constant 0 : i32
      %dma_wait3A_137 = tpu.memref_slice %arg15[%add3A_12, %dma_wait3A_136] : memref<10240x16xf32, #tpu.memory_space<vmem_shared>> -> memref<128x16xf32, #tpu.memory_space<vmem_shared>>
      tpu.wait_dma2 semaphore(%run_scoped3A_129 : memref<!tpu.dma_semaphore, #tpu.memory_space<semaphore_mem>>) src(%arg7 : memref<128x16xf32, #tpu.memory_space<vmem>>) dst(%dma_wait3A_137 : memref<128x16xf32, #tpu.memory_space<vmem_shared>>)
      tpu.yield
    }) : () -> ()
    %add3A_13 = arith.constant 256 : i32
    %add3A_14 = arith.addi %mul3A_8, %add3A_13 : i32
    "tpu.region"() ({
      %run_scoped3A_129 = tpu.sem_alloc : memref<!tpu.dma_semaphore, #tpu.memory_space<semaphore_mem>>
      %dma_start3A_130 = arith.constant 0 : i32
      %dma_start3A_131 = tpu.memref_slice %arg15[%add3A_14, %dma_start3A_130] : memref<10240x16xf32, #tpu.memory_space<vmem_shared>> -> memref<128x16xf32, #tpu.memory_space<vmem_shared>>
      %dma_start3A_132 = arith.constant 0 : i32
      %dma_start3A_133 = tpu.memref_slice %arg15[%add3A_14, %dma_start3A_132] : memref<10240x16xf32, #tpu.memory_space<vmem_shared>> -> memref<128x16xf32, #tpu.memory_space<vmem_shared>>
      tpu.enqueue_dma source(%arg7 : memref<128x16xf32, #tpu.memory_space<vmem>>) target(%dma_start3A_133 : memref<128x16xf32, #tpu.memory_space<vmem_shared>>) target_semaphore(%run_scoped3A_129 : memref<!tpu.dma_semaphore, #tpu.memory_space<semaphore_mem>>)
      %dma_wait3A_134 = arith.constant 0 : i32
      %dma_wait3A_135 = tpu.memref_slice %arg15[%add3A_14, %dma_wait3A_134] : memref<10240x16xf32, #tpu.memory_space<vmem_shared>> -> memref<128x16xf32, #tpu.memory_space<vmem_shared>>
      %dma_wait3A_136 = arith.constant 0 : i32
      %dma_wait3A_137 = tpu.memref_slice %arg15[%add3A_14, %dma_wait3A_136] : memref<10240x16xf32, #tpu.memory_space<vmem_shared>> -> memref<128x16xf32, #tpu.memory_space<vmem_shared>>
      tpu.wait_dma2 semaphore(%run_scoped3A_129 : memref<!tpu.dma_semaphore, #tpu.memory_space<semaphore_mem>>) src(%arg7 : memref<128x16xf32, #tpu.memory_space<vmem>>) dst(%dma_wait3A_137 : memref<128x16xf32, #tpu.memory_space<vmem_shared>>)
      tpu.yield
    }) : () -> ()
    %add3A_15 = arith.constant 384 : i32
    %add3A_16 = arith.addi %mul3A_8, %add3A_15 : i32
    "tpu.region"() ({
      %run_scoped3A_129 = tpu.sem_alloc : memref<!tpu.dma_semaphore, #tpu.memory_space<semaphore_mem>>
      %dma_start3A_130 = arith.constant 0 : i32
      %dma_start3A_131 = tpu.memref_slice %arg15[%add3A_16, %dma_start3A_130] : memref<10240x16xf32, #tpu.memory_space<vmem_shared>> -> memref<128x16xf32, #tpu.memory_space<vmem_shared>>
      %dma_start3A_132 = arith.constant 0 : i32
      %dma_start3A_133 = tpu.memref_slice %arg15[%add3A_16, %dma_start3A_132] : memref<10240x16xf32, #tpu.memory_space<vmem_shared>> -> memref<128x16xf32, #tpu.memory_space<vmem_shared>>
      tpu.enqueue_dma source(%arg7 : memref<128x16xf32, #tpu.memory_space<vmem>>) target(%dma_start3A_133 : memref<128x16xf32, #tpu.memory_space<vmem_shared>>) target_semaphore(%run_scoped3A_129 : memref<!tpu.dma_semaphore, #tpu.memory_space<semaphore_mem>>)
      %dma_wait3A_134 = arith.constant 0 : i32
      %dma_wait3A_135 = tpu.memref_slice %arg15[%add3A_16, %dma_wait3A_134] : memref<10240x16xf32, #tpu.memory_space<vmem_shared>> -> memref<128x16xf32, #tpu.memory_space<vmem_shared>>
      %dma_wait3A_136 = arith.constant 0 : i32
      %dma_wait3A_137 = tpu.memref_slice %arg15[%add3A_16, %dma_wait3A_136] : memref<10240x16xf32, #tpu.memory_space<vmem_shared>> -> memref<128x16xf32, #tpu.memory_space<vmem_shared>>
      tpu.wait_dma2 semaphore(%run_scoped3A_129 : memref<!tpu.dma_semaphore, #tpu.memory_space<semaphore_mem>>) src(%arg7 : memref<128x16xf32, #tpu.memory_space<vmem>>) dst(%dma_wait3A_137 : memref<128x16xf32, #tpu.memory_space<vmem_shared>>)
      tpu.yield
    }) : () -> ()
    %add3A_17 = arith.constant 512 : i32
    %add3A_18 = arith.addi %mul3A_8, %add3A_17 : i32
    "tpu.region"() ({
      %run_scoped3A_129 = tpu.sem_alloc : memref<!tpu.dma_semaphore, #tpu.memory_space<semaphore_mem>>
      %dma_start3A_130 = arith.constant 0 : i32
      %dma_start3A_131 = tpu.memref_slice %arg15[%add3A_18, %dma_start3A_130] : memref<10240x16xf32, #tpu.memory_space<vmem_shared>> -> memref<128x16xf32, #tpu.memory_space<vmem_shared>>
      %dma_start3A_132 = arith.constant 0 : i32
      %dma_start3A_133 = tpu.memref_slice %arg15[%add3A_18, %dma_start3A_132] : memref<10240x16xf32, #tpu.memory_space<vmem_shared>> -> memref<128x16xf32, #tpu.memory_space<vmem_shared>>
      tpu.enqueue_dma source(%arg7 : memref<128x16xf32, #tpu.memory_space<vmem>>) target(%dma_start3A_133 : memref<128x16xf32, #tpu.memory_space<vmem_shared>>) target_semaphore(%run_scoped3A_129 : memref<!tpu.dma_semaphore, #tpu.memory_space<semaphore_mem>>)
      %dma_wait3A_134 = arith.constant 0 : i32
      %dma_wait3A_135 = tpu.memref_slice %arg15[%add3A_18, %dma_wait3A_134] : memref<10240x16xf32, #tpu.memory_space<vmem_shared>> -> memref<128x16xf32, #tpu.memory_space<vmem_shared>>
      %dma_wait3A_136 = arith.constant 0 : i32
      %dma_wait3A_137 = tpu.memref_slice %arg15[%add3A_18, %dma_wait3A_136] : memref<10240x16xf32, #tpu.memory_space<vmem_shared>> -> memref<128x16xf32, #tpu.memory_space<vmem_shared>>
      tpu.wait_dma2 semaphore(%run_scoped3A_129 : memref<!tpu.dma_semaphore, #tpu.memory_space<semaphore_mem>>) src(%arg7 : memref<128x16xf32, #tpu.memory_space<vmem>>) dst(%dma_wait3A_137 : memref<128x16xf32, #tpu.memory_space<vmem_shared>>)
      tpu.yield
    }) : () -> ()
    %barrier3A = arith.constant 0 : index
    tpu.barrier barrier_id(%barrier3A)
    %run_scoped3A = arith.constant 0 : i32
    "tpu.region"() ({
      %run_scoped3A_129 = tpu.sem_alloc : memref<!tpu.dma_semaphore, #tpu.memory_space<semaphore_mem>>
      %dma_start3A_130 = arith.constant 0 : i32
      %dma_start3A_131 = arith.constant 0 : i32
      %dma_start3A_132 = tpu.memref_slice %arg3[%run_scoped3A, %add3A, %dma_start3A_130, %dma_start3A_131] : memref<2x32x80x128xi32, #tpu.memory_space<hbm>> -> memref<1x1x80x128xi32, #tpu.memory_space<hbm>>
      %dma_start3A_133 = tpu.memref_squeeze %dma_start3A_132 : memref<1x1x80x128xi32, #tpu.memory_space<hbm>> -> memref<80x128xi32, #tpu.memory_space<hbm>>
      %dma_start3A_134 = arith.constant 0 : i32
      %dma_start3A_135 = arith.constant 0 : i32
      %dma_start3A_136 = tpu.memref_slice %arg3[%run_scoped3A, %add3A, %dma_start3A_134, %dma_start3A_135] : memref<2x32x80x128xi32, #tpu.memory_space<hbm>> -> memref<1x1x80x128xi32, #tpu.memory_space<hbm>>
      %dma_start3A_137 = tpu.memref_squeeze %dma_start3A_136 : memref<1x1x80x128xi32, #tpu.memory_space<hbm>> -> memref<80x128xi32, #tpu.memory_space<hbm>>
      tpu.enqueue_dma source(%dma_start3A_137 : memref<80x128xi32, #tpu.memory_space<hbm>>) target(%arg5 : memref<80x128xi32, #tpu.memory_space<vmem>>) target_semaphore(%run_scoped3A_129 : memref<!tpu.dma_semaphore, #tpu.memory_space<semaphore_mem>>)
      %dma_wait3A_138 = arith.constant 0 : i32
      %dma_wait3A_139 = arith.constant 0 : i32
      %dma_wait3A_140 = tpu.memref_slice %arg3[%run_scoped3A, %add3A, %dma_wait3A_138, %dma_wait3A_139] : memref<2x32x80x128xi32, #tpu.memory_space<hbm>> -> memref<1x1x80x128xi32, #tpu.memory_space<hbm>>
      %dma_wait3A_141 = tpu.memref_squeeze %dma_wait3A_140 : memref<1x1x80x128xi32, #tpu.memory_space<hbm>> -> memref<80x128xi32, #tpu.memory_space<hbm>>
      %dma_wait3A_142 = arith.constant 0 : i32
      %dma_wait3A_143 = arith.constant 0 : i32
      %dma_wait3A_144 = tpu.memref_slice %arg3[%run_scoped3A, %add3A, %dma_wait3A_142, %dma_wait3A_143] : memref<2x32x80x128xi32, #tpu.memory_space<hbm>> -> memref<1x1x80x128xi32, #tpu.memory_space<hbm>>
      %dma_wait3A_145 = tpu.memref_squeeze %dma_wait3A_144 : memref<1x1x80x128xi32, #tpu.memory_space<hbm>> -> memref<80x128xi32, #tpu.memory_space<hbm>>
      tpu.wait_dma2 semaphore(%run_scoped3A_129 : memref<!tpu.dma_semaphore, #tpu.memory_space<semaphore_mem>>) src(%dma_wait3A_145 : memref<80x128xi32, #tpu.memory_space<hbm>>) dst(%arg5 : memref<80x128xi32, #tpu.memory_space<vmem>>)
      tpu.yield
    }) : () -> ()
    %run_scoped3A_19 = arith.constant 1 : i32
    "tpu.region"() ({
      %run_scoped3A_129 = tpu.sem_alloc : memref<!tpu.dma_semaphore, #tpu.memory_space<semaphore_mem>>
      %dma_start3A_130 = arith.constant 0 : i32
      %dma_start3A_131 = arith.constant 0 : i32
      %dma_start3A_132 = tpu.memref_slice %arg3[%run_scoped3A_19, %add3A, %dma_start3A_130, %dma_start3A_131] : memref<2x32x80x128xi32, #tpu.memory_space<hbm>> -> memref<1x1x80x128xi32, #tpu.memory_space<hbm>>
      %dma_start3A_133 = tpu.memref_squeeze %dma_start3A_132 : memref<1x1x80x128xi32, #tpu.memory_space<hbm>> -> memref<80x128xi32, #tpu.memory_space<hbm>>
      %dma_start3A_134 = arith.constant 0 : i32
      %dma_start3A_135 = arith.constant 0 : i32
      %dma_start3A_136 = tpu.memref_slice %arg3[%run_scoped3A_19, %add3A, %dma_start3A_134, %dma_start3A_135] : memref<2x32x80x128xi32, #tpu.memory_space<hbm>> -> memref<1x1x80x128xi32, #tpu.memory_space<hbm>>
      %dma_start3A_137 = tpu.memref_squeeze %dma_start3A_136 : memref<1x1x80x128xi32, #tpu.memory_space<hbm>> -> memref<80x128xi32, #tpu.memory_space<hbm>>
      tpu.enqueue_dma source(%dma_start3A_137 : memref<80x128xi32, #tpu.memory_space<hbm>>) target(%arg6 : memref<80x128xi32, #tpu.memory_space<vmem>>) target_semaphore(%run_scoped3A_129 : memref<!tpu.dma_semaphore, #tpu.memory_space<semaphore_mem>>)
      %dma_wait3A_138 = arith.constant 0 : i32
      %dma_wait3A_139 = arith.constant 0 : i32
      %dma_wait3A_140 = tpu.memref_slice %arg3[%run_scoped3A_19, %add3A, %dma_wait3A_138, %dma_wait3A_139] : memref<2x32x80x128xi32, #tpu.memory_space<hbm>> -> memref<1x1x80x128xi32, #tpu.memory_space<hbm>>
      %dma_wait3A_141 = tpu.memref_squeeze %dma_wait3A_140 : memref<1x1x80x128xi32, #tpu.memory_space<hbm>> -> memref<80x128xi32, #tpu.memory_space<hbm>>
      %dma_wait3A_142 = arith.constant 0 : i32
      %dma_wait3A_143 = arith.constant 0 : i32
      %dma_wait3A_144 = tpu.memref_slice %arg3[%run_scoped3A_19, %add3A, %dma_wait3A_142, %dma_wait3A_143] : memref<2x32x80x128xi32, #tpu.memory_space<hbm>> -> memref<1x1x80x128xi32, #tpu.memory_space<hbm>>
      %dma_wait3A_145 = tpu.memref_squeeze %dma_wait3A_144 : memref<1x1x80x128xi32, #tpu.memory_space<hbm>> -> memref<80x128xi32, #tpu.memory_space<hbm>>
      tpu.wait_dma2 semaphore(%run_scoped3A_129 : memref<!tpu.dma_semaphore, #tpu.memory_space<semaphore_mem>>) src(%dma_wait3A_145 : memref<80x128xi32, #tpu.memory_space<hbm>>) dst(%arg6 : memref<80x128xi32, #tpu.memory_space<vmem>>)
      tpu.yield
    }) : () -> ()
    %dma_start3A = arith.constant 0 : i32
    %dma_start3A_20 = arith.constant 0 : i32
    %dma_start3A_21 = tpu.memref_slice %arg5[%dma_start3A, %dma_start3A_20] : memref<80x128xi32, #tpu.memory_space<vmem>> -> memref<1x128xi32, #tpu.memory_space<vmem>>
    %dma_start3A_22 = tpu.memref_squeeze %dma_start3A_21 : memref<1x128xi32, #tpu.memory_space<vmem>> -> memref<128xi32, #tpu.memory_space<vmem>>
    %dma_start3A_23 = arith.constant 0 : i32
    %dma_start3A_24 = arith.constant 0 : i32
    %dma_start3A_25 = tpu.memref_slice %arg2[%dma_start3A_23, %dma_start3A_24] : memref<10000x16xf32, #tpu.memory_space<hbm>> -> memref<10000x16xf32, #tpu.memory_space<hbm>>
    tpu.enqueue_indirect_dma source(%dma_start3A_25 : memref<10000x16xf32, #tpu.memory_space<hbm>>) target(%arg7 : memref<128x16xf32, #tpu.memory_space<vmem>>) offsets(%dma_start3A_22 : memref<128xi32, #tpu.memory_space<vmem>>) semaphore(%arg16 : memref<!tpu.dma_semaphore, #tpu.memory_space<semaphore_mem>>)
    %dma_start3A_26 = arith.constant 1 : i32
    %dma_start3A_27 = arith.constant 0 : i32
    %dma_start3A_28 = tpu.memref_slice %arg5[%dma_start3A_26, %dma_start3A_27] : memref<80x128xi32, #tpu.memory_space<vmem>> -> memref<1x128xi32, #tpu.memory_space<vmem>>
    %dma_start3A_29 = tpu.memref_squeeze %dma_start3A_28 : memref<1x128xi32, #tpu.memory_space<vmem>> -> memref<128xi32, #tpu.memory_space<vmem>>
    %dma_start3A_30 = arith.constant 0 : i32
    %dma_start3A_31 = arith.constant 0 : i32
    %dma_start3A_32 = tpu.memref_slice %arg2[%dma_start3A_30, %dma_start3A_31] : memref<10000x16xf32, #tpu.memory_space<hbm>> -> memref<10000x16xf32, #tpu.memory_space<hbm>>
    tpu.enqueue_indirect_dma source(%dma_start3A_32 : memref<10000x16xf32, #tpu.memory_space<hbm>>) target(%arg8 : memref<128x16xf32, #tpu.memory_space<vmem>>) offsets(%dma_start3A_29 : memref<128xi32, #tpu.memory_space<vmem>>) semaphore(%arg17 : memref<!tpu.dma_semaphore, #tpu.memory_space<semaphore_mem>>)
    %dma_start3A_33 = arith.constant 2 : i32
    %dma_start3A_34 = arith.constant 0 : i32
    %dma_start3A_35 = tpu.memref_slice %arg5[%dma_start3A_33, %dma_start3A_34] : memref<80x128xi32, #tpu.memory_space<vmem>> -> memref<1x128xi32, #tpu.memory_space<vmem>>
    %dma_start3A_36 = tpu.memref_squeeze %dma_start3A_35 : memref<1x128xi32, #tpu.memory_space<vmem>> -> memref<128xi32, #tpu.memory_space<vmem>>
    %dma_start3A_37 = arith.constant 0 : i32
    %dma_start3A_38 = arith.constant 0 : i32
    %dma_start3A_39 = tpu.memref_slice %arg2[%dma_start3A_37, %dma_start3A_38] : memref<10000x16xf32, #tpu.memory_space<hbm>> -> memref<10000x16xf32, #tpu.memory_space<hbm>>
    tpu.enqueue_indirect_dma source(%dma_start3A_39 : memref<10000x16xf32, #tpu.memory_space<hbm>>) target(%arg9 : memref<128x16xf32, #tpu.memory_space<vmem>>) offsets(%dma_start3A_36 : memref<128xi32, #tpu.memory_space<vmem>>) semaphore(%arg18 : memref<!tpu.dma_semaphore, #tpu.memory_space<semaphore_mem>>)
    %dma_start3A_40 = arith.constant 3 : i32
    %dma_start3A_41 = arith.constant 0 : i32
    %dma_start3A_42 = tpu.memref_slice %arg5[%dma_start3A_40, %dma_start3A_41] : memref<80x128xi32, #tpu.memory_space<vmem>> -> memref<1x128xi32, #tpu.memory_space<vmem>>
    %dma_start3A_43 = tpu.memref_squeeze %dma_start3A_42 : memref<1x128xi32, #tpu.memory_space<vmem>> -> memref<128xi32, #tpu.memory_space<vmem>>
    %dma_start3A_44 = arith.constant 0 : i32
    %dma_start3A_45 = arith.constant 0 : i32
    %dma_start3A_46 = tpu.memref_slice %arg2[%dma_start3A_44, %dma_start3A_45] : memref<10000x16xf32, #tpu.memory_space<hbm>> -> memref<10000x16xf32, #tpu.memory_space<hbm>>
    tpu.enqueue_indirect_dma source(%dma_start3A_46 : memref<10000x16xf32, #tpu.memory_space<hbm>>) target(%arg10 : memref<128x16xf32, #tpu.memory_space<vmem>>) offsets(%dma_start3A_43 : memref<128xi32, #tpu.memory_space<vmem>>) semaphore(%arg19 : memref<!tpu.dma_semaphore, #tpu.memory_space<semaphore_mem>>)
    %scan3A_47 = arith.constant 0 : i32
    %scan3A_48 = arith.constant 0 : i32
    %scan3A_49 = arith.constant 10 : i32
    %scan3A_50 = arith.addi %scan3A_48, %scan3A_49 : i32
    %scan3A_51 = arith.constant 1 : i32
    scf.for %scan3A_129 = %scan3A_48 to %scan3A_50 step %scan3A_51  : i32 {
      %mul3A_130 = arith.constant 8 : i32
      %mul3A_131 = arith.muli %scan3A_129, %mul3A_130 : i32
      %add3A_132 = arith.constant 0 : i32
      %add3A_133 = arith.addi %mul3A_131, %add3A_132 : i32
      %ge3A = arith.constant 1 : i32
      %ge3A_134 = arith.cmpi sge, %scan3A_129, %ge3A : i32
      %convert_element_type3A = arith.extui %ge3A_134 : i1 to i32
      %cond3A = arith.constant 0 : i32
      %cond3A_135 = arith.cmpi ne, %convert_element_type3A, %cond3A : i32
      scf.if %cond3A_135 {
        %add3A_312 = arith.constant 4 : i32
        %add3A_313 = arith.addi %add3A_133, %add3A_312 : i32
        %sub3A = arith.constant 8 : i32
        %sub3A_314 = arith.subi %add3A_313, %sub3A : i32
        %dma_wait3A_315 = arith.constant 0 : i32
        %dma_wait3A_316 = tpu.memref_slice %arg6[%sub3A_314, %dma_wait3A_315] : memref<80x128xi32, #tpu.memory_space<vmem>> -> memref<1x128xi32, #tpu.memory_space<vmem>>
        %dma_wait3A_317 = tpu.memref_squeeze %dma_wait3A_316 : memref<1x128xi32, #tpu.memory_space<vmem>> -> memref<128xi32, #tpu.memory_space<vmem>>
        %dma_wait3A_318 = arith.constant 0 : i32
        %dma_wait3A_319 = arith.constant 0 : i32
        %dma_wait3A_320 = tpu.memref_slice %arg15[%dma_wait3A_318, %dma_wait3A_319] : memref<10240x16xf32, #tpu.memory_space<vmem_shared>> -> memref<10240x16xf32, #tpu.memory_space<vmem_shared>>
        tpu.wait_indirect_dma semaphore(%arg28 : memref<!tpu.dma_semaphore, #tpu.memory_space<semaphore_mem>>) src(%arg11 : memref<128x16xf32, #tpu.memory_space<vmem>>) dst(%dma_wait3A_320 : memref<10240x16xf32, #tpu.memory_space<vmem_shared>>)
      } else {
      }
      %add3A_136 = arith.constant 4 : i32
      %add3A_137 = arith.addi %add3A_133, %add3A_136 : i32
      %dma_start3A_138 = arith.constant 0 : i32
      %dma_start3A_139 = tpu.memref_slice %arg5[%add3A_137, %dma_start3A_138] : memref<80x128xi32, #tpu.memory_space<vmem>> -> memref<1x128xi32, #tpu.memory_space<vmem>>
      %dma_start3A_140 = tpu.memref_squeeze %dma_start3A_139 : memref<1x128xi32, #tpu.memory_space<vmem>> -> memref<128xi32, #tpu.memory_space<vmem>>
      %dma_start3A_141 = arith.constant 0 : i32
      %dma_start3A_142 = arith.constant 0 : i32
      %dma_start3A_143 = tpu.memref_slice %arg2[%dma_start3A_141, %dma_start3A_142] : memref<10000x16xf32, #tpu.memory_space<hbm>> -> memref<10000x16xf32, #tpu.memory_space<hbm>>
      tpu.enqueue_indirect_dma source(%dma_start3A_143 : memref<10000x16xf32, #tpu.memory_space<hbm>>) target(%arg11 : memref<128x16xf32, #tpu.memory_space<vmem>>) offsets(%dma_start3A_140 : memref<128xi32, #tpu.memory_space<vmem>>) semaphore(%arg20 : memref<!tpu.dma_semaphore, #tpu.memory_space<semaphore_mem>>)
      %dma_wait3A_144 = arith.constant 0 : i32
      %dma_wait3A_145 = tpu.memref_slice %arg5[%add3A_133, %dma_wait3A_144] : memref<80x128xi32, #tpu.memory_space<vmem>> -> memref<1x128xi32, #tpu.memory_space<vmem>>
      %dma_wait3A_146 = tpu.memref_squeeze %dma_wait3A_145 : memref<1x128xi32, #tpu.memory_space<vmem>> -> memref<128xi32, #tpu.memory_space<vmem>>
      %dma_wait3A_147 = arith.constant 0 : i32
      %dma_wait3A_148 = arith.constant 0 : i32
      %dma_wait3A_149 = tpu.memref_slice %arg2[%dma_wait3A_147, %dma_wait3A_148] : memref<10000x16xf32, #tpu.memory_space<hbm>> -> memref<10000x16xf32, #tpu.memory_space<hbm>>
      tpu.wait_indirect_dma semaphore(%arg16 : memref<!tpu.dma_semaphore, #tpu.memory_space<semaphore_mem>>) src(%dma_wait3A_149 : memref<10000x16xf32, #tpu.memory_space<hbm>>) dst(%arg7 : memref<128x16xf32, #tpu.memory_space<vmem>>)
      %dma_start3A_150 = arith.constant 0 : i32
      %dma_start3A_151 = tpu.memref_slice %arg6[%add3A_133, %dma_start3A_150] : memref<80x128xi32, #tpu.memory_space<vmem>> -> memref<1x128xi32, #tpu.memory_space<vmem>>
      %dma_start3A_152 = tpu.memref_squeeze %dma_start3A_151 : memref<1x128xi32, #tpu.memory_space<vmem>> -> memref<128xi32, #tpu.memory_space<vmem>>
      %dma_start3A_153 = arith.constant 0 : i32
      %dma_start3A_154 = arith.constant 0 : i32
      %dma_start3A_155 = tpu.memref_slice %arg15[%dma_start3A_153, %dma_start3A_154] : memref<10240x16xf32, #tpu.memory_space<vmem_shared>> -> memref<10240x16xf32, #tpu.memory_space<vmem_shared>>
      tpu.enqueue_indirect_dma source(%arg7 : memref<128x16xf32, #tpu.memory_space<vmem>>) target(%dma_start3A_155 : memref<10240x16xf32, #tpu.memory_space<vmem_shared>>) offsets(%dma_start3A_152 : memref<128xi32, #tpu.memory_space<vmem>>) semaphore(%arg24 : memref<!tpu.dma_semaphore, #tpu.memory_space<semaphore_mem>>) {add = true}
      %add3A_156 = arith.constant 1 : i32
      %add3A_157 = arith.addi %mul3A_131, %add3A_156 : i32
      %ge3A_158 = arith.constant 1 : i32
      %ge3A_159 = arith.cmpi sge, %scan3A_129, %ge3A_158 : i32
      %convert_element_type3A_160 = arith.extui %ge3A_159 : i1 to i32
      %cond3A_161 = arith.constant 0 : i32
      %cond3A_162 = arith.cmpi ne, %convert_element_type3A_160, %cond3A_161 : i32
      scf.if %cond3A_162 {
        %add3A_312 = arith.constant 4 : i32
        %add3A_313 = arith.addi %add3A_157, %add3A_312 : i32
        %sub3A = arith.constant 8 : i32
        %sub3A_314 = arith.subi %add3A_313, %sub3A : i32
        %dma_wait3A_315 = arith.constant 0 : i32
        %dma_wait3A_316 = tpu.memref_slice %arg6[%sub3A_314, %dma_wait3A_315] : memref<80x128xi32, #tpu.memory_space<vmem>> -> memref<1x128xi32, #tpu.memory_space<vmem>>
        %dma_wait3A_317 = tpu.memref_squeeze %dma_wait3A_316 : memref<1x128xi32, #tpu.memory_space<vmem>> -> memref<128xi32, #tpu.memory_space<vmem>>
        %dma_wait3A_318 = arith.constant 0 : i32
        %dma_wait3A_319 = arith.constant 0 : i32
        %dma_wait3A_320 = tpu.memref_slice %arg15[%dma_wait3A_318, %dma_wait3A_319] : memref<10240x16xf32, #tpu.memory_space<vmem_shared>> -> memref<10240x16xf32, #tpu.memory_space<vmem_shared>>
        tpu.wait_indirect_dma semaphore(%arg29 : memref<!tpu.dma_semaphore, #tpu.memory_space<semaphore_mem>>) src(%arg12 : memref<128x16xf32, #tpu.memory_space<vmem>>) dst(%dma_wait3A_320 : memref<10240x16xf32, #tpu.memory_space<vmem_shared>>)
      } else {
      }
      %add3A_163 = arith.constant 4 : i32
      %add3A_164 = arith.addi %add3A_157, %add3A_163 : i32
      %dma_start3A_165 = arith.constant 0 : i32
      %dma_start3A_166 = tpu.memref_slice %arg5[%add3A_164, %dma_start3A_165] : memref<80x128xi32, #tpu.memory_space<vmem>> -> memref<1x128xi32, #tpu.memory_space<vmem>>
      %dma_start3A_167 = tpu.memref_squeeze %dma_start3A_166 : memref<1x128xi32, #tpu.memory_space<vmem>> -> memref<128xi32, #tpu.memory_space<vmem>>
      %dma_start3A_168 = arith.constant 0 : i32
      %dma_start3A_169 = arith.constant 0 : i32
      %dma_start3A_170 = tpu.memref_slice %arg2[%dma_start3A_168, %dma_start3A_169] : memref<10000x16xf32, #tpu.memory_space<hbm>> -> memref<10000x16xf32, #tpu.memory_space<hbm>>
      tpu.enqueue_indirect_dma source(%dma_start3A_170 : memref<10000x16xf32, #tpu.memory_space<hbm>>) target(%arg12 : memref<128x16xf32, #tpu.memory_space<vmem>>) offsets(%dma_start3A_167 : memref<128xi32, #tpu.memory_space<vmem>>) semaphore(%arg21 : memref<!tpu.dma_semaphore, #tpu.memory_space<semaphore_mem>>)
      %dma_wait3A_171 = arith.constant 0 : i32
      %dma_wait3A_172 = tpu.memref_slice %arg5[%add3A_157, %dma_wait3A_171] : memref<80x128xi32, #tpu.memory_space<vmem>> -> memref<1x128xi32, #tpu.memory_space<vmem>>
      %dma_wait3A_173 = tpu.memref_squeeze %dma_wait3A_172 : memref<1x128xi32, #tpu.memory_space<vmem>> -> memref<128xi32, #tpu.memory_space<vmem>>
      %dma_wait3A_174 = arith.constant 0 : i32
      %dma_wait3A_175 = arith.constant 0 : i32
      %dma_wait3A_176 = tpu.memref_slice %arg2[%dma_wait3A_174, %dma_wait3A_175] : memref<10000x16xf32, #tpu.memory_space<hbm>> -> memref<10000x16xf32, #tpu.memory_space<hbm>>
      tpu.wait_indirect_dma semaphore(%arg17 : memref<!tpu.dma_semaphore, #tpu.memory_space<semaphore_mem>>) src(%dma_wait3A_176 : memref<10000x16xf32, #tpu.memory_space<hbm>>) dst(%arg8 : memref<128x16xf32, #tpu.memory_space<vmem>>)
      %dma_start3A_177 = arith.constant 0 : i32
      %dma_start3A_178 = tpu.memref_slice %arg6[%add3A_157, %dma_start3A_177] : memref<80x128xi32, #tpu.memory_space<vmem>> -> memref<1x128xi32, #tpu.memory_space<vmem>>
      %dma_start3A_179 = tpu.memref_squeeze %dma_start3A_178 : memref<1x128xi32, #tpu.memory_space<vmem>> -> memref<128xi32, #tpu.memory_space<vmem>>
      %dma_start3A_180 = arith.constant 0 : i32
      %dma_start3A_181 = arith.constant 0 : i32
      %dma_start3A_182 = tpu.memref_slice %arg15[%dma_start3A_180, %dma_start3A_181] : memref<10240x16xf32, #tpu.memory_space<vmem_shared>> -> memref<10240x16xf32, #tpu.memory_space<vmem_shared>>
      tpu.enqueue_indirect_dma source(%arg8 : memref<128x16xf32, #tpu.memory_space<vmem>>) target(%dma_start3A_182 : memref<10240x16xf32, #tpu.memory_space<vmem_shared>>) offsets(%dma_start3A_179 : memref<128xi32, #tpu.memory_space<vmem>>) semaphore(%arg25 : memref<!tpu.dma_semaphore, #tpu.memory_space<semaphore_mem>>) {add = true}
      %add3A_183 = arith.constant 2 : i32
      %add3A_184 = arith.addi %mul3A_131, %add3A_183 : i32
      %ge3A_185 = arith.constant 1 : i32
      %ge3A_186 = arith.cmpi sge, %scan3A_129, %ge3A_185 : i32
      %convert_element_type3A_187 = arith.extui %ge3A_186 : i1 to i32
      %cond3A_188 = arith.constant 0 : i32
      %cond3A_189 = arith.cmpi ne, %convert_element_type3A_187, %cond3A_188 : i32
      scf.if %cond3A_189 {
        %add3A_312 = arith.constant 4 : i32
        %add3A_313 = arith.addi %add3A_184, %add3A_312 : i32
        %sub3A = arith.constant 8 : i32
        %sub3A_314 = arith.subi %add3A_313, %sub3A : i32
        %dma_wait3A_315 = arith.constant 0 : i32
        %dma_wait3A_316 = tpu.memref_slice %arg6[%sub3A_314, %dma_wait3A_315] : memref<80x128xi32, #tpu.memory_space<vmem>> -> memref<1x128xi32, #tpu.memory_space<vmem>>
        %dma_wait3A_317 = tpu.memref_squeeze %dma_wait3A_316 : memref<1x128xi32, #tpu.memory_space<vmem>> -> memref<128xi32, #tpu.memory_space<vmem>>
        %dma_wait3A_318 = arith.constant 0 : i32
        %dma_wait3A_319 = arith.constant 0 : i32
        %dma_wait3A_320 = tpu.memref_slice %arg15[%dma_wait3A_318, %dma_wait3A_319] : memref<10240x16xf32, #tpu.memory_space<vmem_shared>> -> memref<10240x16xf32, #tpu.memory_space<vmem_shared>>
        tpu.wait_indirect_dma semaphore(%arg30 : memref<!tpu.dma_semaphore, #tpu.memory_space<semaphore_mem>>) src(%arg13 : memref<128x16xf32, #tpu.memory_space<vmem>>) dst(%dma_wait3A_320 : memref<10240x16xf32, #tpu.memory_space<vmem_shared>>)
      } else {
      }
      %add3A_190 = arith.constant 4 : i32
      %add3A_191 = arith.addi %add3A_184, %add3A_190 : i32
      %dma_start3A_192 = arith.constant 0 : i32
      %dma_start3A_193 = tpu.memref_slice %arg5[%add3A_191, %dma_start3A_192] : memref<80x128xi32, #tpu.memory_space<vmem>> -> memref<1x128xi32, #tpu.memory_space<vmem>>
      %dma_start3A_194 = tpu.memref_squeeze %dma_start3A_193 : memref<1x128xi32, #tpu.memory_space<vmem>> -> memref<128xi32, #tpu.memory_space<vmem>>
      %dma_start3A_195 = arith.constant 0 : i32
      %dma_start3A_196 = arith.constant 0 : i32
      %dma_start3A_197 = tpu.memref_slice %arg2[%dma_start3A_195, %dma_start3A_196] : memref<10000x16xf32, #tpu.memory_space<hbm>> -> memref<10000x16xf32, #tpu.memory_space<hbm>>
      tpu.enqueue_indirect_dma source(%dma_start3A_197 : memref<10000x16xf32, #tpu.memory_space<hbm>>) target(%arg13 : memref<128x16xf32, #tpu.memory_space<vmem>>) offsets(%dma_start3A_194 : memref<128xi32, #tpu.memory_space<vmem>>) semaphore(%arg22 : memref<!tpu.dma_semaphore, #tpu.memory_space<semaphore_mem>>)
      %dma_wait3A_198 = arith.constant 0 : i32
      %dma_wait3A_199 = tpu.memref_slice %arg5[%add3A_184, %dma_wait3A_198] : memref<80x128xi32, #tpu.memory_space<vmem>> -> memref<1x128xi32, #tpu.memory_space<vmem>>
      %dma_wait3A_200 = tpu.memref_squeeze %dma_wait3A_199 : memref<1x128xi32, #tpu.memory_space<vmem>> -> memref<128xi32, #tpu.memory_space<vmem>>
      %dma_wait3A_201 = arith.constant 0 : i32
      %dma_wait3A_202 = arith.constant 0 : i32
      %dma_wait3A_203 = tpu.memref_slice %arg2[%dma_wait3A_201, %dma_wait3A_202] : memref<10000x16xf32, #tpu.memory_space<hbm>> -> memref<10000x16xf32, #tpu.memory_space<hbm>>
      tpu.wait_indirect_dma semaphore(%arg18 : memref<!tpu.dma_semaphore, #tpu.memory_space<semaphore_mem>>) src(%dma_wait3A_203 : memref<10000x16xf32, #tpu.memory_space<hbm>>) dst(%arg9 : memref<128x16xf32, #tpu.memory_space<vmem>>)
      %dma_start3A_204 = arith.constant 0 : i32
      %dma_start3A_205 = tpu.memref_slice %arg6[%add3A_184, %dma_start3A_204] : memref<80x128xi32, #tpu.memory_space<vmem>> -> memref<1x128xi32, #tpu.memory_space<vmem>>
      %dma_start3A_206 = tpu.memref_squeeze %dma_start3A_205 : memref<1x128xi32, #tpu.memory_space<vmem>> -> memref<128xi32, #tpu.memory_space<vmem>>
      %dma_start3A_207 = arith.constant 0 : i32
      %dma_start3A_208 = arith.constant 0 : i32
      %dma_start3A_209 = tpu.memref_slice %arg15[%dma_start3A_207, %dma_start3A_208] : memref<10240x16xf32, #tpu.memory_space<vmem_shared>> -> memref<10240x16xf32, #tpu.memory_space<vmem_shared>>
      tpu.enqueue_indirect_dma source(%arg9 : memref<128x16xf32, #tpu.memory_space<vmem>>) target(%dma_start3A_209 : memref<10240x16xf32, #tpu.memory_space<vmem_shared>>) offsets(%dma_start3A_206 : memref<128xi32, #tpu.memory_space<vmem>>) semaphore(%arg26 : memref<!tpu.dma_semaphore, #tpu.memory_space<semaphore_mem>>) {add = true}
      %add3A_210 = arith.constant 3 : i32
      %add3A_211 = arith.addi %mul3A_131, %add3A_210 : i32
      %ge3A_212 = arith.constant 1 : i32
      %ge3A_213 = arith.cmpi sge, %scan3A_129, %ge3A_212 : i32
      %convert_element_type3A_214 = arith.extui %ge3A_213 : i1 to i32
      %cond3A_215 = arith.constant 0 : i32
      %cond3A_216 = arith.cmpi ne, %convert_element_type3A_214, %cond3A_215 : i32
      scf.if %cond3A_216 {
        %add3A_312 = arith.constant 4 : i32
        %add3A_313 = arith.addi %add3A_211, %add3A_312 : i32
        %sub3A = arith.constant 8 : i32
        %sub3A_314 = arith.subi %add3A_313, %sub3A : i32
        %dma_wait3A_315 = arith.constant 0 : i32
        %dma_wait3A_316 = tpu.memref_slice %arg6[%sub3A_314, %dma_wait3A_315] : memref<80x128xi32, #tpu.memory_space<vmem>> -> memref<1x128xi32, #tpu.memory_space<vmem>>
        %dma_wait3A_317 = tpu.memref_squeeze %dma_wait3A_316 : memref<1x128xi32, #tpu.memory_space<vmem>> -> memref<128xi32, #tpu.memory_space<vmem>>
        %dma_wait3A_318 = arith.constant 0 : i32
        %dma_wait3A_319 = arith.constant 0 : i32
        %dma_wait3A_320 = tpu.memref_slice %arg15[%dma_wait3A_318, %dma_wait3A_319] : memref<10240x16xf32, #tpu.memory_space<vmem_shared>> -> memref<10240x16xf32, #tpu.memory_space<vmem_shared>>
        tpu.wait_indirect_dma semaphore(%arg31 : memref<!tpu.dma_semaphore, #tpu.memory_space<semaphore_mem>>) src(%arg14 : memref<128x16xf32, #tpu.memory_space<vmem>>) dst(%dma_wait3A_320 : memref<10240x16xf32, #tpu.memory_space<vmem_shared>>)
      } else {
      }
      %add3A_217 = arith.constant 4 : i32
      %add3A_218 = arith.addi %add3A_211, %add3A_217 : i32
      %dma_start3A_219 = arith.constant 0 : i32
      %dma_start3A_220 = tpu.memref_slice %arg5[%add3A_218, %dma_start3A_219] : memref<80x128xi32, #tpu.memory_space<vmem>> -> memref<1x128xi32, #tpu.memory_space<vmem>>
      %dma_start3A_221 = tpu.memref_squeeze %dma_start3A_220 : memref<1x128xi32, #tpu.memory_space<vmem>> -> memref<128xi32, #tpu.memory_space<vmem>>
      %dma_start3A_222 = arith.constant 0 : i32
      %dma_start3A_223 = arith.constant 0 : i32
      %dma_start3A_224 = tpu.memref_slice %arg2[%dma_start3A_222, %dma_start3A_223] : memref<10000x16xf32, #tpu.memory_space<hbm>> -> memref<10000x16xf32, #tpu.memory_space<hbm>>
      tpu.enqueue_indirect_dma source(%dma_start3A_224 : memref<10000x16xf32, #tpu.memory_space<hbm>>) target(%arg14 : memref<128x16xf32, #tpu.memory_space<vmem>>) offsets(%dma_start3A_221 : memref<128xi32, #tpu.memory_space<vmem>>) semaphore(%arg23 : memref<!tpu.dma_semaphore, #tpu.memory_space<semaphore_mem>>)
      %dma_wait3A_225 = arith.constant 0 : i32
      %dma_wait3A_226 = tpu.memref_slice %arg5[%add3A_211, %dma_wait3A_225] : memref<80x128xi32, #tpu.memory_space<vmem>> -> memref<1x128xi32, #tpu.memory_space<vmem>>
      %dma_wait3A_227 = tpu.memref_squeeze %dma_wait3A_226 : memref<1x128xi32, #tpu.memory_space<vmem>> -> memref<128xi32, #tpu.memory_space<vmem>>
      %dma_wait3A_228 = arith.constant 0 : i32
      %dma_wait3A_229 = arith.constant 0 : i32
      %dma_wait3A_230 = tpu.memref_slice %arg2[%dma_wait3A_228, %dma_wait3A_229] : memref<10000x16xf32, #tpu.memory_space<hbm>> -> memref<10000x16xf32, #tpu.memory_space<hbm>>
      tpu.wait_indirect_dma semaphore(%arg19 : memref<!tpu.dma_semaphore, #tpu.memory_space<semaphore_mem>>) src(%dma_wait3A_230 : memref<10000x16xf32, #tpu.memory_space<hbm>>) dst(%arg10 : memref<128x16xf32, #tpu.memory_space<vmem>>)
      %dma_start3A_231 = arith.constant 0 : i32
      %dma_start3A_232 = tpu.memref_slice %arg6[%add3A_211, %dma_start3A_231] : memref<80x128xi32, #tpu.memory_space<vmem>> -> memref<1x128xi32, #tpu.memory_space<vmem>>
      %dma_start3A_233 = tpu.memref_squeeze %dma_start3A_232 : memref<1x128xi32, #tpu.memory_space<vmem>> -> memref<128xi32, #tpu.memory_space<vmem>>
      %dma_start3A_234 = arith.constant 0 : i32
      %dma_start3A_235 = arith.constant 0 : i32
      %dma_start3A_236 = tpu.memref_slice %arg15[%dma_start3A_234, %dma_start3A_235] : memref<10240x16xf32, #tpu.memory_space<vmem_shared>> -> memref<10240x16xf32, #tpu.memory_space<vmem_shared>>
      tpu.enqueue_indirect_dma source(%arg10 : memref<128x16xf32, #tpu.memory_space<vmem>>) target(%dma_start3A_236 : memref<10240x16xf32, #tpu.memory_space<vmem_shared>>) offsets(%dma_start3A_233 : memref<128xi32, #tpu.memory_space<vmem>>) semaphore(%arg27 : memref<!tpu.dma_semaphore, #tpu.memory_space<semaphore_mem>>) {add = true}
      %add3A_237 = arith.constant 4 : i32
      %add3A_238 = arith.addi %mul3A_131, %add3A_237 : i32
      %lt3A = arith.constant 9 : i32
      %lt3A_239 = arith.cmpi slt, %scan3A_129, %lt3A : i32
      %convert_element_type3A_240 = arith.extui %lt3A_239 : i1 to i32
      %cond3A_241 = arith.constant 0 : i32
      %cond3A_242 = arith.cmpi ne, %convert_element_type3A_240, %cond3A_241 : i32
      scf.if %cond3A_242 {
        %add3A_312 = arith.constant 4 : i32
        %add3A_313 = arith.addi %add3A_238, %add3A_312 : i32
        %sub3A = arith.constant 8 : i32
        %sub3A_314 = arith.subi %add3A_313, %sub3A : i32
        %dma_wait3A_315 = arith.constant 0 : i32
        %dma_wait3A_316 = tpu.memref_slice %arg6[%sub3A_314, %dma_wait3A_315] : memref<80x128xi32, #tpu.memory_space<vmem>> -> memref<1x128xi32, #tpu.memory_space<vmem>>
        %dma_wait3A_317 = tpu.memref_squeeze %dma_wait3A_316 : memref<1x128xi32, #tpu.memory_space<vmem>> -> memref<128xi32, #tpu.memory_space<vmem>>
        %dma_wait3A_318 = arith.constant 0 : i32
        %dma_wait3A_319 = arith.constant 0 : i32
        %dma_wait3A_320 = tpu.memref_slice %arg15[%dma_wait3A_318, %dma_wait3A_319] : memref<10240x16xf32, #tpu.memory_space<vmem_shared>> -> memref<10240x16xf32, #tpu.memory_space<vmem_shared>>
        tpu.wait_indirect_dma semaphore(%arg24 : memref<!tpu.dma_semaphore, #tpu.memory_space<semaphore_mem>>) src(%arg7 : memref<128x16xf32, #tpu.memory_space<vmem>>) dst(%dma_wait3A_320 : memref<10240x16xf32, #tpu.memory_space<vmem_shared>>)
        %add3A_321 = arith.constant 4 : i32
        %add3A_322 = arith.addi %add3A_238, %add3A_321 : i32
        %dma_start3A_323 = arith.constant 0 : i32
        %dma_start3A_324 = tpu.memref_slice %arg5[%add3A_322, %dma_start3A_323] : memref<80x128xi32, #tpu.memory_space<vmem>> -> memref<1x128xi32, #tpu.memory_space<vmem>>
        %dma_start3A_325 = tpu.memref_squeeze %dma_start3A_324 : memref<1x128xi32, #tpu.memory_space<vmem>> -> memref<128xi32, #tpu.memory_space<vmem>>
        %dma_start3A_326 = arith.constant 0 : i32
        %dma_start3A_327 = arith.constant 0 : i32
        %dma_start3A_328 = tpu.memref_slice %arg2[%dma_start3A_326, %dma_start3A_327] : memref<10000x16xf32, #tpu.memory_space<hbm>> -> memref<10000x16xf32, #tpu.memory_space<hbm>>
        tpu.enqueue_indirect_dma source(%dma_start3A_328 : memref<10000x16xf32, #tpu.memory_space<hbm>>) target(%arg7 : memref<128x16xf32, #tpu.memory_space<vmem>>) offsets(%dma_start3A_325 : memref<128xi32, #tpu.memory_space<vmem>>) semaphore(%arg16 : memref<!tpu.dma_semaphore, #tpu.memory_space<semaphore_mem>>)
      } else {
      }
      %dma_wait3A_243 = arith.constant 0 : i32
      %dma_wait3A_244 = tpu.memref_slice %arg5[%add3A_238, %dma_wait3A_243] : memref<80x128xi32, #tpu.memory_space<vmem>> -> memref<1x128xi32, #tpu.memory_space<vmem>>
      %dma_wait3A_245 = tpu.memref_squeeze %dma_wait3A_244 : memref<1x128xi32, #tpu.memory_space<vmem>> -> memref<128xi32, #tpu.memory_space<vmem>>
      %dma_wait3A_246 = arith.constant 0 : i32
      %dma_wait3A_247 = arith.constant 0 : i32
      %dma_wait3A_248 = tpu.memref_slice %arg2[%dma_wait3A_246, %dma_wait3A_247] : memref<10000x16xf32, #tpu.memory_space<hbm>> -> memref<10000x16xf32, #tpu.memory_space<hbm>>
      tpu.wait_indirect_dma semaphore(%arg20 : memref<!tpu.dma_semaphore, #tpu.memory_space<semaphore_mem>>) src(%dma_wait3A_248 : memref<10000x16xf32, #tpu.memory_space<hbm>>) dst(%arg11 : memref<128x16xf32, #tpu.memory_space<vmem>>)
      %dma_start3A_249 = arith.constant 0 : i32
      %dma_start3A_250 = tpu.memref_slice %arg6[%add3A_238, %dma_start3A_249] : memref<80x128xi32, #tpu.memory_space<vmem>> -> memref<1x128xi32, #tpu.memory_space<vmem>>
      %dma_start3A_251 = tpu.memref_squeeze %dma_start3A_250 : memref<1x128xi32, #tpu.memory_space<vmem>> -> memref<128xi32, #tpu.memory_space<vmem>>
      %dma_start3A_252 = arith.constant 0 : i32
      %dma_start3A_253 = arith.constant 0 : i32
      %dma_start3A_254 = tpu.memref_slice %arg15[%dma_start3A_252, %dma_start3A_253] : memref<10240x16xf32, #tpu.memory_space<vmem_shared>> -> memref<10240x16xf32, #tpu.memory_space<vmem_shared>>
      tpu.enqueue_indirect_dma source(%arg11 : memref<128x16xf32, #tpu.memory_space<vmem>>) target(%dma_start3A_254 : memref<10240x16xf32, #tpu.memory_space<vmem_shared>>) offsets(%dma_start3A_251 : memref<128xi32, #tpu.memory_space<vmem>>) semaphore(%arg28 : memref<!tpu.dma_semaphore, #tpu.memory_space<semaphore_mem>>) {add = true}
      %add3A_255 = arith.constant 5 : i32
      %add3A_256 = arith.addi %mul3A_131, %add3A_255 : i32
      %lt3A_257 = arith.constant 9 : i32
      %lt3A_258 = arith.cmpi slt, %scan3A_129, %lt3A_257 : i32
      %convert_element_type3A_259 = arith.extui %lt3A_258 : i1 to i32
      %cond3A_260 = arith.constant 0 : i32
      %cond3A_261 = arith.cmpi ne, %convert_element_type3A_259, %cond3A_260 : i32
      scf.if %cond3A_261 {
        %add3A_312 = arith.constant 4 : i32
        %add3A_313 = arith.addi %add3A_256, %add3A_312 : i32
        %sub3A = arith.constant 8 : i32
        %sub3A_314 = arith.subi %add3A_313, %sub3A : i32
        %dma_wait3A_315 = arith.constant 0 : i32
        %dma_wait3A_316 = tpu.memref_slice %arg6[%sub3A_314, %dma_wait3A_315] : memref<80x128xi32, #tpu.memory_space<vmem>> -> memref<1x128xi32, #tpu.memory_space<vmem>>
        %dma_wait3A_317 = tpu.memref_squeeze %dma_wait3A_316 : memref<1x128xi32, #tpu.memory_space<vmem>> -> memref<128xi32, #tpu.memory_space<vmem>>
        %dma_wait3A_318 = arith.constant 0 : i32
        %dma_wait3A_319 = arith.constant 0 : i32
        %dma_wait3A_320 = tpu.memref_slice %arg15[%dma_wait3A_318, %dma_wait3A_319] : memref<10240x16xf32, #tpu.memory_space<vmem_shared>> -> memref<10240x16xf32, #tpu.memory_space<vmem_shared>>
        tpu.wait_indirect_dma semaphore(%arg25 : memref<!tpu.dma_semaphore, #tpu.memory_space<semaphore_mem>>) src(%arg8 : memref<128x16xf32, #tpu.memory_space<vmem>>) dst(%dma_wait3A_320 : memref<10240x16xf32, #tpu.memory_space<vmem_shared>>)
        %add3A_321 = arith.constant 4 : i32
        %add3A_322 = arith.addi %add3A_256, %add3A_321 : i32
        %dma_start3A_323 = arith.constant 0 : i32
        %dma_start3A_324 = tpu.memref_slice %arg5[%add3A_322, %dma_start3A_323] : memref<80x128xi32, #tpu.memory_space<vmem>> -> memref<1x128xi32, #tpu.memory_space<vmem>>
        %dma_start3A_325 = tpu.memref_squeeze %dma_start3A_324 : memref<1x128xi32, #tpu.memory_space<vmem>> -> memref<128xi32, #tpu.memory_space<vmem>>
        %dma_start3A_326 = arith.constant 0 : i32
        %dma_start3A_327 = arith.constant 0 : i32
        %dma_start3A_328 = tpu.memref_slice %arg2[%dma_start3A_326, %dma_start3A_327] : memref<10000x16xf32, #tpu.memory_space<hbm>> -> memref<10000x16xf32, #tpu.memory_space<hbm>>
        tpu.enqueue_indirect_dma source(%dma_start3A_328 : memref<10000x16xf32, #tpu.memory_space<hbm>>) target(%arg8 : memref<128x16xf32, #tpu.memory_space<vmem>>) offsets(%dma_start3A_325 : memref<128xi32, #tpu.memory_space<vmem>>) semaphore(%arg17 : memref<!tpu.dma_semaphore, #tpu.memory_space<semaphore_mem>>)
      } else {
      }
      %dma_wait3A_262 = arith.constant 0 : i32
      %dma_wait3A_263 = tpu.memref_slice %arg5[%add3A_256, %dma_wait3A_262] : memref<80x128xi32, #tpu.memory_space<vmem>> -> memref<1x128xi32, #tpu.memory_space<vmem>>
      %dma_wait3A_264 = tpu.memref_squeeze %dma_wait3A_263 : memref<1x128xi32, #tpu.memory_space<vmem>> -> memref<128xi32, #tpu.memory_space<vmem>>
      %dma_wait3A_265 = arith.constant 0 : i32
      %dma_wait3A_266 = arith.constant 0 : i32
      %dma_wait3A_267 = tpu.memref_slice %arg2[%dma_wait3A_265, %dma_wait3A_266] : memref<10000x16xf32, #tpu.memory_space<hbm>> -> memref<10000x16xf32, #tpu.memory_space<hbm>>
      tpu.wait_indirect_dma semaphore(%arg21 : memref<!tpu.dma_semaphore, #tpu.memory_space<semaphore_mem>>) src(%dma_wait3A_267 : memref<10000x16xf32, #tpu.memory_space<hbm>>) dst(%arg12 : memref<128x16xf32, #tpu.memory_space<vmem>>)
      %dma_start3A_268 = arith.constant 0 : i32
      %dma_start3A_269 = tpu.memref_slice %arg6[%add3A_256, %dma_start3A_268] : memref<80x128xi32, #tpu.memory_space<vmem>> -> memref<1x128xi32, #tpu.memory_space<vmem>>
      %dma_start3A_270 = tpu.memref_squeeze %dma_start3A_269 : memref<1x128xi32, #tpu.memory_space<vmem>> -> memref<128xi32, #tpu.memory_space<vmem>>
      %dma_start3A_271 = arith.constant 0 : i32
      %dma_start3A_272 = arith.constant 0 : i32
      %dma_start3A_273 = tpu.memref_slice %arg15[%dma_start3A_271, %dma_start3A_272] : memref<10240x16xf32, #tpu.memory_space<vmem_shared>> -> memref<10240x16xf32, #tpu.memory_space<vmem_shared>>
      tpu.enqueue_indirect_dma source(%arg12 : memref<128x16xf32, #tpu.memory_space<vmem>>) target(%dma_start3A_273 : memref<10240x16xf32, #tpu.memory_space<vmem_shared>>) offsets(%dma_start3A_270 : memref<128xi32, #tpu.memory_space<vmem>>) semaphore(%arg29 : memref<!tpu.dma_semaphore, #tpu.memory_space<semaphore_mem>>) {add = true}
      %add3A_274 = arith.constant 6 : i32
      %add3A_275 = arith.addi %mul3A_131, %add3A_274 : i32
      %lt3A_276 = arith.constant 9 : i32
      %lt3A_277 = arith.cmpi slt, %scan3A_129, %lt3A_276 : i32
      %convert_element_type3A_278 = arith.extui %lt3A_277 : i1 to i32
      %cond3A_279 = arith.constant 0 : i32
      %cond3A_280 = arith.cmpi ne, %convert_element_type3A_278, %cond3A_279 : i32
      scf.if %cond3A_280 {
        %add3A_312 = arith.constant 4 : i32
        %add3A_313 = arith.addi %add3A_275, %add3A_312 : i32
        %sub3A = arith.constant 8 : i32
        %sub3A_314 = arith.subi %add3A_313, %sub3A : i32
        %dma_wait3A_315 = arith.constant 0 : i32
        %dma_wait3A_316 = tpu.memref_slice %arg6[%sub3A_314, %dma_wait3A_315] : memref<80x128xi32, #tpu.memory_space<vmem>> -> memref<1x128xi32, #tpu.memory_space<vmem>>
        %dma_wait3A_317 = tpu.memref_squeeze %dma_wait3A_316 : memref<1x128xi32, #tpu.memory_space<vmem>> -> memref<128xi32, #tpu.memory_space<vmem>>
        %dma_wait3A_318 = arith.constant 0 : i32
        %dma_wait3A_319 = arith.constant 0 : i32
        %dma_wait3A_320 = tpu.memref_slice %arg15[%dma_wait3A_318, %dma_wait3A_319] : memref<10240x16xf32, #tpu.memory_space<vmem_shared>> -> memref<10240x16xf32, #tpu.memory_space<vmem_shared>>
        tpu.wait_indirect_dma semaphore(%arg26 : memref<!tpu.dma_semaphore, #tpu.memory_space<semaphore_mem>>) src(%arg9 : memref<128x16xf32, #tpu.memory_space<vmem>>) dst(%dma_wait3A_320 : memref<10240x16xf32, #tpu.memory_space<vmem_shared>>)
        %add3A_321 = arith.constant 4 : i32
        %add3A_322 = arith.addi %add3A_275, %add3A_321 : i32
        %dma_start3A_323 = arith.constant 0 : i32
        %dma_start3A_324 = tpu.memref_slice %arg5[%add3A_322, %dma_start3A_323] : memref<80x128xi32, #tpu.memory_space<vmem>> -> memref<1x128xi32, #tpu.memory_space<vmem>>
        %dma_start3A_325 = tpu.memref_squeeze %dma_start3A_324 : memref<1x128xi32, #tpu.memory_space<vmem>> -> memref<128xi32, #tpu.memory_space<vmem>>
        %dma_start3A_326 = arith.constant 0 : i32
        %dma_start3A_327 = arith.constant 0 : i32
        %dma_start3A_328 = tpu.memref_slice %arg2[%dma_start3A_326, %dma_start3A_327] : memref<10000x16xf32, #tpu.memory_space<hbm>> -> memref<10000x16xf32, #tpu.memory_space<hbm>>
        tpu.enqueue_indirect_dma source(%dma_start3A_328 : memref<10000x16xf32, #tpu.memory_space<hbm>>) target(%arg9 : memref<128x16xf32, #tpu.memory_space<vmem>>) offsets(%dma_start3A_325 : memref<128xi32, #tpu.memory_space<vmem>>) semaphore(%arg18 : memref<!tpu.dma_semaphore, #tpu.memory_space<semaphore_mem>>)
      } else {
      }
      %dma_wait3A_281 = arith.constant 0 : i32
      %dma_wait3A_282 = tpu.memref_slice %arg5[%add3A_275, %dma_wait3A_281] : memref<80x128xi32, #tpu.memory_space<vmem>> -> memref<1x128xi32, #tpu.memory_space<vmem>>
      %dma_wait3A_283 = tpu.memref_squeeze %dma_wait3A_282 : memref<1x128xi32, #tpu.memory_space<vmem>> -> memref<128xi32, #tpu.memory_space<vmem>>
      %dma_wait3A_284 = arith.constant 0 : i32
      %dma_wait3A_285 = arith.constant 0 : i32
      %dma_wait3A_286 = tpu.memref_slice %arg2[%dma_wait3A_284, %dma_wait3A_285] : memref<10000x16xf32, #tpu.memory_space<hbm>> -> memref<10000x16xf32, #tpu.memory_space<hbm>>
      tpu.wait_indirect_dma semaphore(%arg22 : memref<!tpu.dma_semaphore, #tpu.memory_space<semaphore_mem>>) src(%dma_wait3A_286 : memref<10000x16xf32, #tpu.memory_space<hbm>>) dst(%arg13 : memref<128x16xf32, #tpu.memory_space<vmem>>)
      %dma_start3A_287 = arith.constant 0 : i32
      %dma_start3A_288 = tpu.memref_slice %arg6[%add3A_275, %dma_start3A_287] : memref<80x128xi32, #tpu.memory_space<vmem>> -> memref<1x128xi32, #tpu.memory_space<vmem>>
      %dma_start3A_289 = tpu.memref_squeeze %dma_start3A_288 : memref<1x128xi32, #tpu.memory_space<vmem>> -> memref<128xi32, #tpu.memory_space<vmem>>
      %dma_start3A_290 = arith.constant 0 : i32
      %dma_start3A_291 = arith.constant 0 : i32
      %dma_start3A_292 = tpu.memref_slice %arg15[%dma_start3A_290, %dma_start3A_291] : memref<10240x16xf32, #tpu.memory_space<vmem_shared>> -> memref<10240x16xf32, #tpu.memory_space<vmem_shared>>
      tpu.enqueue_indirect_dma source(%arg13 : memref<128x16xf32, #tpu.memory_space<vmem>>) target(%dma_start3A_292 : memref<10240x16xf32, #tpu.memory_space<vmem_shared>>) offsets(%dma_start3A_289 : memref<128xi32, #tpu.memory_space<vmem>>) semaphore(%arg30 : memref<!tpu.dma_semaphore, #tpu.memory_space<semaphore_mem>>) {add = true}
      %add3A_293 = arith.constant 7 : i32
      %add3A_294 = arith.addi %mul3A_131, %add3A_293 : i32
      %lt3A_295 = arith.constant 9 : i32
      %lt3A_296 = arith.cmpi slt, %scan3A_129, %lt3A_295 : i32
      %convert_element_type3A_297 = arith.extui %lt3A_296 : i1 to i32
      %cond3A_298 = arith.constant 0 : i32
      %cond3A_299 = arith.cmpi ne, %convert_element_type3A_297, %cond3A_298 : i32
      scf.if %cond3A_299 {
        %add3A_312 = arith.constant 4 : i32
        %add3A_313 = arith.addi %add3A_294, %add3A_312 : i32
        %sub3A = arith.constant 8 : i32
        %sub3A_314 = arith.subi %add3A_313, %sub3A : i32
        %dma_wait3A_315 = arith.constant 0 : i32
        %dma_wait3A_316 = tpu.memref_slice %arg6[%sub3A_314, %dma_wait3A_315] : memref<80x128xi32, #tpu.memory_space<vmem>> -> memref<1x128xi32, #tpu.memory_space<vmem>>
        %dma_wait3A_317 = tpu.memref_squeeze %dma_wait3A_316 : memref<1x128xi32, #tpu.memory_space<vmem>> -> memref<128xi32, #tpu.memory_space<vmem>>
        %dma_wait3A_318 = arith.constant 0 : i32
        %dma_wait3A_319 = arith.constant 0 : i32
        %dma_wait3A_320 = tpu.memref_slice %arg15[%dma_wait3A_318, %dma_wait3A_319] : memref<10240x16xf32, #tpu.memory_space<vmem_shared>> -> memref<10240x16xf32, #tpu.memory_space<vmem_shared>>
        tpu.wait_indirect_dma semaphore(%arg27 : memref<!tpu.dma_semaphore, #tpu.memory_space<semaphore_mem>>) src(%arg10 : memref<128x16xf32, #tpu.memory_space<vmem>>) dst(%dma_wait3A_320 : memref<10240x16xf32, #tpu.memory_space<vmem_shared>>)
        %add3A_321 = arith.constant 4 : i32
        %add3A_322 = arith.addi %add3A_294, %add3A_321 : i32
        %dma_start3A_323 = arith.constant 0 : i32
        %dma_start3A_324 = tpu.memref_slice %arg5[%add3A_322, %dma_start3A_323] : memref<80x128xi32, #tpu.memory_space<vmem>> -> memref<1x128xi32, #tpu.memory_space<vmem>>
        %dma_start3A_325 = tpu.memref_squeeze %dma_start3A_324 : memref<1x128xi32, #tpu.memory_space<vmem>> -> memref<128xi32, #tpu.memory_space<vmem>>
        %dma_start3A_326 = arith.constant 0 : i32
        %dma_start3A_327 = arith.constant 0 : i32
        %dma_start3A_328 = tpu.memref_slice %arg2[%dma_start3A_326, %dma_start3A_327] : memref<10000x16xf32, #tpu.memory_space<hbm>> -> memref<10000x16xf32, #tpu.memory_space<hbm>>
        tpu.enqueue_indirect_dma source(%dma_start3A_328 : memref<10000x16xf32, #tpu.memory_space<hbm>>) target(%arg10 : memref<128x16xf32, #tpu.memory_space<vmem>>) offsets(%dma_start3A_325 : memref<128xi32, #tpu.memory_space<vmem>>) semaphore(%arg19 : memref<!tpu.dma_semaphore, #tpu.memory_space<semaphore_mem>>)
      } else {
      }
      %dma_wait3A_300 = arith.constant 0 : i32
      %dma_wait3A_301 = tpu.memref_slice %arg5[%add3A_294, %dma_wait3A_300] : memref<80x128xi32, #tpu.memory_space<vmem>> -> memref<1x128xi32, #tpu.memory_space<vmem>>
      %dma_wait3A_302 = tpu.memref_squeeze %dma_wait3A_301 : memref<1x128xi32, #tpu.memory_space<vmem>> -> memref<128xi32, #tpu.memory_space<vmem>>
      %dma_wait3A_303 = arith.constant 0 : i32
      %dma_wait3A_304 = arith.constant 0 : i32
      %dma_wait3A_305 = tpu.memref_slice %arg2[%dma_wait3A_303, %dma_wait3A_304] : memref<10000x16xf32, #tpu.memory_space<hbm>> -> memref<10000x16xf32, #tpu.memory_space<hbm>>
      tpu.wait_indirect_dma semaphore(%arg23 : memref<!tpu.dma_semaphore, #tpu.memory_space<semaphore_mem>>) src(%dma_wait3A_305 : memref<10000x16xf32, #tpu.memory_space<hbm>>) dst(%arg14 : memref<128x16xf32, #tpu.memory_space<vmem>>)
      %dma_start3A_306 = arith.constant 0 : i32
      %dma_start3A_307 = tpu.memref_slice %arg6[%add3A_294, %dma_start3A_306] : memref<80x128xi32, #tpu.memory_space<vmem>> -> memref<1x128xi32, #tpu.memory_space<vmem>>
      %dma_start3A_308 = tpu.memref_squeeze %dma_start3A_307 : memref<1x128xi32, #tpu.memory_space<vmem>> -> memref<128xi32, #tpu.memory_space<vmem>>
      %dma_start3A_309 = arith.constant 0 : i32
      %dma_start3A_310 = arith.constant 0 : i32
      %dma_start3A_311 = tpu.memref_slice %arg15[%dma_start3A_309, %dma_start3A_310] : memref<10240x16xf32, #tpu.memory_space<vmem_shared>> -> memref<10240x16xf32, #tpu.memory_space<vmem_shared>>
      tpu.enqueue_indirect_dma source(%arg14 : memref<128x16xf32, #tpu.memory_space<vmem>>) target(%dma_start3A_311 : memref<10240x16xf32, #tpu.memory_space<vmem_shared>>) offsets(%dma_start3A_308 : memref<128xi32, #tpu.memory_space<vmem>>) semaphore(%arg31 : memref<!tpu.dma_semaphore, #tpu.memory_space<semaphore_mem>>) {add = true}
    }
    %scan3A_52 = arith.constant 10 : i32
    %dma_wait3A = arith.constant 72 : i32
    %dma_wait3A_53 = arith.constant 0 : i32
    %dma_wait3A_54 = tpu.memref_slice %arg6[%dma_wait3A, %dma_wait3A_53] : memref<80x128xi32, #tpu.memory_space<vmem>> -> memref<1x128xi32, #tpu.memory_space<vmem>>
    %dma_wait3A_55 = tpu.memref_squeeze %dma_wait3A_54 : memref<1x128xi32, #tpu.memory_space<vmem>> -> memref<128xi32, #tpu.memory_space<vmem>>
    %dma_wait3A_56 = arith.constant 0 : i32
    %dma_wait3A_57 = arith.constant 0 : i32
    %dma_wait3A_58 = tpu.memref_slice %arg15[%dma_wait3A_56, %dma_wait3A_57] : memref<10240x16xf32, #tpu.memory_space<vmem_shared>> -> memref<10240x16xf32, #tpu.memory_space<vmem_shared>>
    tpu.wait_indirect_dma semaphore(%arg24 : memref<!tpu.dma_semaphore, #tpu.memory_space<semaphore_mem>>) src(%arg7 : memref<128x16xf32, #tpu.memory_space<vmem>>) dst(%dma_wait3A_58 : memref<10240x16xf32, #tpu.memory_space<vmem_shared>>)
    %dma_wait3A_59 = arith.constant 73 : i32
    %dma_wait3A_60 = arith.constant 0 : i32
    %dma_wait3A_61 = tpu.memref_slice %arg6[%dma_wait3A_59, %dma_wait3A_60] : memref<80x128xi32, #tpu.memory_space<vmem>> -> memref<1x128xi32, #tpu.memory_space<vmem>>
    %dma_wait3A_62 = tpu.memref_squeeze %dma_wait3A_61 : memref<1x128xi32, #tpu.memory_space<vmem>> -> memref<128xi32, #tpu.memory_space<vmem>>
    %dma_wait3A_63 = arith.constant 0 : i32
    %dma_wait3A_64 = arith.constant 0 : i32
    %dma_wait3A_65 = tpu.memref_slice %arg15[%dma_wait3A_63, %dma_wait3A_64] : memref<10240x16xf32, #tpu.memory_space<vmem_shared>> -> memref<10240x16xf32, #tpu.memory_space<vmem_shared>>
    tpu.wait_indirect_dma semaphore(%arg25 : memref<!tpu.dma_semaphore, #tpu.memory_space<semaphore_mem>>) src(%arg8 : memref<128x16xf32, #tpu.memory_space<vmem>>) dst(%dma_wait3A_65 : memref<10240x16xf32, #tpu.memory_space<vmem_shared>>)
    %dma_wait3A_66 = arith.constant 74 : i32
    %dma_wait3A_67 = arith.constant 0 : i32
    %dma_wait3A_68 = tpu.memref_slice %arg6[%dma_wait3A_66, %dma_wait3A_67] : memref<80x128xi32, #tpu.memory_space<vmem>> -> memref<1x128xi32, #tpu.memory_space<vmem>>
    %dma_wait3A_69 = tpu.memref_squeeze %dma_wait3A_68 : memref<1x128xi32, #tpu.memory_space<vmem>> -> memref<128xi32, #tpu.memory_space<vmem>>
    %dma_wait3A_70 = arith.constant 0 : i32
    %dma_wait3A_71 = arith.constant 0 : i32
    %dma_wait3A_72 = tpu.memref_slice %arg15[%dma_wait3A_70, %dma_wait3A_71] : memref<10240x16xf32, #tpu.memory_space<vmem_shared>> -> memref<10240x16xf32, #tpu.memory_space<vmem_shared>>
    tpu.wait_indirect_dma semaphore(%arg26 : memref<!tpu.dma_semaphore, #tpu.memory_space<semaphore_mem>>) src(%arg9 : memref<128x16xf32, #tpu.memory_space<vmem>>) dst(%dma_wait3A_72 : memref<10240x16xf32, #tpu.memory_space<vmem_shared>>)
    %dma_wait3A_73 = arith.constant 75 : i32
    %dma_wait3A_74 = arith.constant 0 : i32
    %dma_wait3A_75 = tpu.memref_slice %arg6[%dma_wait3A_73, %dma_wait3A_74] : memref<80x128xi32, #tpu.memory_space<vmem>> -> memref<1x128xi32, #tpu.memory_space<vmem>>
    %dma_wait3A_76 = tpu.memref_squeeze %dma_wait3A_75 : memref<1x128xi32, #tpu.memory_space<vmem>> -> memref<128xi32, #tpu.memory_space<vmem>>
    %dma_wait3A_77 = arith.constant 0 : i32
    %dma_wait3A_78 = arith.constant 0 : i32
    %dma_wait3A_79 = tpu.memref_slice %arg15[%dma_wait3A_77, %dma_wait3A_78] : memref<10240x16xf32, #tpu.memory_space<vmem_shared>> -> memref<10240x16xf32, #tpu.memory_space<vmem_shared>>
    tpu.wait_indirect_dma semaphore(%arg27 : memref<!tpu.dma_semaphore, #tpu.memory_space<semaphore_mem>>) src(%arg10 : memref<128x16xf32, #tpu.memory_space<vmem>>) dst(%dma_wait3A_79 : memref<10240x16xf32, #tpu.memory_space<vmem_shared>>)
    %dma_wait3A_80 = arith.constant 76 : i32
    %dma_wait3A_81 = arith.constant 0 : i32
    %dma_wait3A_82 = tpu.memref_slice %arg6[%dma_wait3A_80, %dma_wait3A_81] : memref<80x128xi32, #tpu.memory_space<vmem>> -> memref<1x128xi32, #tpu.memory_space<vmem>>
    %dma_wait3A_83 = tpu.memref_squeeze %dma_wait3A_82 : memref<1x128xi32, #tpu.memory_space<vmem>> -> memref<128xi32, #tpu.memory_space<vmem>>
    %dma_wait3A_84 = arith.constant 0 : i32
    %dma_wait3A_85 = arith.constant 0 : i32
    %dma_wait3A_86 = tpu.memref_slice %arg15[%dma_wait3A_84, %dma_wait3A_85] : memref<10240x16xf32, #tpu.memory_space<vmem_shared>> -> memref<10240x16xf32, #tpu.memory_space<vmem_shared>>
    tpu.wait_indirect_dma semaphore(%arg28 : memref<!tpu.dma_semaphore, #tpu.memory_space<semaphore_mem>>) src(%arg11 : memref<128x16xf32, #tpu.memory_space<vmem>>) dst(%dma_wait3A_86 : memref<10240x16xf32, #tpu.memory_space<vmem_shared>>)
    %dma_wait3A_87 = arith.constant 77 : i32
    %dma_wait3A_88 = arith.constant 0 : i32
    %dma_wait3A_89 = tpu.memref_slice %arg6[%dma_wait3A_87, %dma_wait3A_88] : memref<80x128xi32, #tpu.memory_space<vmem>> -> memref<1x128xi32, #tpu.memory_space<vmem>>
    %dma_wait3A_90 = tpu.memref_squeeze %dma_wait3A_89 : memref<1x128xi32, #tpu.memory_space<vmem>> -> memref<128xi32, #tpu.memory_space<vmem>>
    %dma_wait3A_91 = arith.constant 0 : i32
    %dma_wait3A_92 = arith.constant 0 : i32
    %dma_wait3A_93 = tpu.memref_slice %arg15[%dma_wait3A_91, %dma_wait3A_92] : memref<10240x16xf32, #tpu.memory_space<vmem_shared>> -> memref<10240x16xf32, #tpu.memory_space<vmem_shared>>
    tpu.wait_indirect_dma semaphore(%arg29 : memref<!tpu.dma_semaphore, #tpu.memory_space<semaphore_mem>>) src(%arg12 : memref<128x16xf32, #tpu.memory_space<vmem>>) dst(%dma_wait3A_93 : memref<10240x16xf32, #tpu.memory_space<vmem_shared>>)
    %dma_wait3A_94 = arith.constant 78 : i32
    %dma_wait3A_95 = arith.constant 0 : i32
    %dma_wait3A_96 = tpu.memref_slice %arg6[%dma_wait3A_94, %dma_wait3A_95] : memref<80x128xi32, #tpu.memory_space<vmem>> -> memref<1x128xi32, #tpu.memory_space<vmem>>
    %dma_wait3A_97 = tpu.memref_squeeze %dma_wait3A_96 : memref<1x128xi32, #tpu.memory_space<vmem>> -> memref<128xi32, #tpu.memory_space<vmem>>
    %dma_wait3A_98 = arith.constant 0 : i32
    %dma_wait3A_99 = arith.constant 0 : i32
    %dma_wait3A_100 = tpu.memref_slice %arg15[%dma_wait3A_98, %dma_wait3A_99] : memref<10240x16xf32, #tpu.memory_space<vmem_shared>> -> memref<10240x16xf32, #tpu.memory_space<vmem_shared>>
    tpu.wait_indirect_dma semaphore(%arg30 : memref<!tpu.dma_semaphore, #tpu.memory_space<semaphore_mem>>) src(%arg13 : memref<128x16xf32, #tpu.memory_space<vmem>>) dst(%dma_wait3A_100 : memref<10240x16xf32, #tpu.memory_space<vmem_shared>>)
    %dma_wait3A_101 = arith.constant 79 : i32
    %dma_wait3A_102 = arith.constant 0 : i32
    %dma_wait3A_103 = tpu.memref_slice %arg6[%dma_wait3A_101, %dma_wait3A_102] : memref<80x128xi32, #tpu.memory_space<vmem>> -> memref<1x128xi32, #tpu.memory_space<vmem>>
    %dma_wait3A_104 = tpu.memref_squeeze %dma_wait3A_103 : memref<1x128xi32, #tpu.memory_space<vmem>> -> memref<128xi32, #tpu.memory_space<vmem>>
    %dma_wait3A_105 = arith.constant 0 : i32
    %dma_wait3A_106 = arith.constant 0 : i32
    %dma_wait3A_107 = tpu.memref_slice %arg15[%dma_wait3A_105, %dma_wait3A_106] : memref<10240x16xf32, #tpu.memory_space<vmem_shared>> -> memref<10240x16xf32, #tpu.memory_space<vmem_shared>>
    tpu.wait_indirect_dma semaphore(%arg31 : memref<!tpu.dma_semaphore, #tpu.memory_space<semaphore_mem>>) src(%arg14 : memref<128x16xf32, #tpu.memory_space<vmem>>) dst(%dma_wait3A_107 : memref<10240x16xf32, #tpu.memory_space<vmem_shared>>)
    %barrier3A_108 = arith.constant 0 : index
    tpu.barrier barrier_id(%barrier3A_108)
    %add3A_109 = arith.constant 0 : i32
    %add3A_110 = arith.addi %mul3A_8, %add3A_109 : i32
    "tpu.region"() ({
      %run_scoped3A_129 = tpu.sem_alloc : memref<!tpu.dma_semaphore, #tpu.memory_space<semaphore_mem>>
      %dma_start3A_130 = arith.constant 0 : i32
      %dma_start3A_131 = tpu.memref_slice %arg15[%add3A_110, %dma_start3A_130] : memref<10240x16xf32, #tpu.memory_space<vmem_shared>> -> memref<128x16xf32, #tpu.memory_space<vmem_shared>>
      %dma_start3A_132 = arith.constant 0 : i32
      %dma_start3A_133 = tpu.memref_slice %arg15[%add3A_110, %dma_start3A_132] : memref<10240x16xf32, #tpu.memory_space<vmem_shared>> -> memref<128x16xf32, #tpu.memory_space<vmem_shared>>
      tpu.enqueue_dma source(%dma_start3A_133 : memref<128x16xf32, #tpu.memory_space<vmem_shared>>) target(%arg7 : memref<128x16xf32, #tpu.memory_space<vmem>>) target_semaphore(%run_scoped3A_129 : memref<!tpu.dma_semaphore, #tpu.memory_space<semaphore_mem>>)
      %dma_wait3A_134 = arith.constant 0 : i32
      %dma_wait3A_135 = tpu.memref_slice %arg15[%add3A_110, %dma_wait3A_134] : memref<10240x16xf32, #tpu.memory_space<vmem_shared>> -> memref<128x16xf32, #tpu.memory_space<vmem_shared>>
      %dma_wait3A_136 = arith.constant 0 : i32
      %dma_wait3A_137 = tpu.memref_slice %arg15[%add3A_110, %dma_wait3A_136] : memref<10240x16xf32, #tpu.memory_space<vmem_shared>> -> memref<128x16xf32, #tpu.memory_space<vmem_shared>>
      tpu.wait_dma2 semaphore(%run_scoped3A_129 : memref<!tpu.dma_semaphore, #tpu.memory_space<semaphore_mem>>) src(%dma_wait3A_137 : memref<128x16xf32, #tpu.memory_space<vmem_shared>>) dst(%arg7 : memref<128x16xf32, #tpu.memory_space<vmem>>)
      tpu.yield
    }) : () -> ()
    %add3A_111 = arith.constant 0 : i32
    %add3A_112 = arith.addi %mul3A_8, %add3A_111 : i32
    "tpu.region"() ({
      %run_scoped3A_129 = tpu.sem_alloc : memref<!tpu.dma_semaphore, #tpu.memory_space<semaphore_mem>>
      %dma_start3A_130 = arith.constant 0 : i32
      %dma_start3A_131 = tpu.memref_slice %arg4[%arg0, %add3A_112, %dma_start3A_130] : memref<2x10240x128xf32, #tpu.memory_space<hbm>> -> memref<1x128x16xf32, #tpu.memory_space<hbm>>
      %dma_start3A_132 = tpu.memref_squeeze %dma_start3A_131 : memref<1x128x16xf32, #tpu.memory_space<hbm>> -> memref<128x16xf32, #tpu.memory_space<hbm>>
      %dma_start3A_133 = arith.constant 0 : i32
      %dma_start3A_134 = tpu.memref_slice %arg4[%arg0, %add3A_112, %dma_start3A_133] : memref<2x10240x128xf32, #tpu.memory_space<hbm>> -> memref<1x128x16xf32, #tpu.memory_space<hbm>>
      %dma_start3A_135 = tpu.memref_squeeze %dma_start3A_134 : memref<1x128x16xf32, #tpu.memory_space<hbm>> -> memref<128x16xf32, #tpu.memory_space<hbm>>
      tpu.enqueue_dma source(%arg7 : memref<128x16xf32, #tpu.memory_space<vmem>>) target(%dma_start3A_135 : memref<128x16xf32, #tpu.memory_space<hbm>>) target_semaphore(%run_scoped3A_129 : memref<!tpu.dma_semaphore, #tpu.memory_space<semaphore_mem>>)
      %dma_wait3A_136 = arith.constant 0 : i32
      %dma_wait3A_137 = tpu.memref_slice %arg4[%arg0, %add3A_112, %dma_wait3A_136] : memref<2x10240x128xf32, #tpu.memory_space<hbm>> -> memref<1x128x16xf32, #tpu.memory_space<hbm>>
      %dma_wait3A_138 = tpu.memref_squeeze %dma_wait3A_137 : memref<1x128x16xf32, #tpu.memory_space<hbm>> -> memref<128x16xf32, #tpu.memory_space<hbm>>
      %dma_wait3A_139 = arith.constant 0 : i32
      %dma_wait3A_140 = tpu.memref_slice %arg4[%arg0, %add3A_112, %dma_wait3A_139] : memref<2x10240x128xf32, #tpu.memory_space<hbm>> -> memref<1x128x16xf32, #tpu.memory_space<hbm>>
      %dma_wait3A_141 = tpu.memref_squeeze %dma_wait3A_140 : memref<1x128x16xf32, #tpu.memory_space<hbm>> -> memref<128x16xf32, #tpu.memory_space<hbm>>
      tpu.wait_dma2 semaphore(%run_scoped3A_129 : memref<!tpu.dma_semaphore, #tpu.memory_space<semaphore_mem>>) src(%arg7 : memref<128x16xf32, #tpu.memory_space<vmem>>) dst(%dma_wait3A_141 : memref<128x16xf32, #tpu.memory_space<hbm>>)
      tpu.yield
    }) : () -> ()
    %add3A_113 = arith.constant 128 : i32
    %add3A_114 = arith.addi %mul3A_8, %add3A_113 : i32
    "tpu.region"() ({
      %run_scoped3A_129 = tpu.sem_alloc : memref<!tpu.dma_semaphore, #tpu.memory_space<semaphore_mem>>
      %dma_start3A_130 = arith.constant 0 : i32
      %dma_start3A_131 = tpu.memref_slice %arg15[%add3A_114, %dma_start3A_130] : memref<10240x16xf32, #tpu.memory_space<vmem_shared>> -> memref<128x16xf32, #tpu.memory_space<vmem_shared>>
      %dma_start3A_132 = arith.constant 0 : i32
      %dma_start3A_133 = tpu.memref_slice %arg15[%add3A_114, %dma_start3A_132] : memref<10240x16xf32, #tpu.memory_space<vmem_shared>> -> memref<128x16xf32, #tpu.memory_space<vmem_shared>>
      tpu.enqueue_dma source(%dma_start3A_133 : memref<128x16xf32, #tpu.memory_space<vmem_shared>>) target(%arg7 : memref<128x16xf32, #tpu.memory_space<vmem>>) target_semaphore(%run_scoped3A_129 : memref<!tpu.dma_semaphore, #tpu.memory_space<semaphore_mem>>)
      %dma_wait3A_134 = arith.constant 0 : i32
      %dma_wait3A_135 = tpu.memref_slice %arg15[%add3A_114, %dma_wait3A_134] : memref<10240x16xf32, #tpu.memory_space<vmem_shared>> -> memref<128x16xf32, #tpu.memory_space<vmem_shared>>
      %dma_wait3A_136 = arith.constant 0 : i32
      %dma_wait3A_137 = tpu.memref_slice %arg15[%add3A_114, %dma_wait3A_136] : memref<10240x16xf32, #tpu.memory_space<vmem_shared>> -> memref<128x16xf32, #tpu.memory_space<vmem_shared>>
      tpu.wait_dma2 semaphore(%run_scoped3A_129 : memref<!tpu.dma_semaphore, #tpu.memory_space<semaphore_mem>>) src(%dma_wait3A_137 : memref<128x16xf32, #tpu.memory_space<vmem_shared>>) dst(%arg7 : memref<128x16xf32, #tpu.memory_space<vmem>>)
      tpu.yield
    }) : () -> ()
    %add3A_115 = arith.constant 128 : i32
    %add3A_116 = arith.addi %mul3A_8, %add3A_115 : i32
    "tpu.region"() ({
      %run_scoped3A_129 = tpu.sem_alloc : memref<!tpu.dma_semaphore, #tpu.memory_space<semaphore_mem>>
      %dma_start3A_130 = arith.constant 0 : i32
      %dma_start3A_131 = tpu.memref_slice %arg4[%arg0, %add3A_116, %dma_start3A_130] : memref<2x10240x128xf32, #tpu.memory_space<hbm>> -> memref<1x128x16xf32, #tpu.memory_space<hbm>>
      %dma_start3A_132 = tpu.memref_squeeze %dma_start3A_131 : memref<1x128x16xf32, #tpu.memory_space<hbm>> -> memref<128x16xf32, #tpu.memory_space<hbm>>
      %dma_start3A_133 = arith.constant 0 : i32
      %dma_start3A_134 = tpu.memref_slice %arg4[%arg0, %add3A_116, %dma_start3A_133] : memref<2x10240x128xf32, #tpu.memory_space<hbm>> -> memref<1x128x16xf32, #tpu.memory_space<hbm>>
      %dma_start3A_135 = tpu.memref_squeeze %dma_start3A_134 : memref<1x128x16xf32, #tpu.memory_space<hbm>> -> memref<128x16xf32, #tpu.memory_space<hbm>>
      tpu.enqueue_dma source(%arg7 : memref<128x16xf32, #tpu.memory_space<vmem>>) target(%dma_start3A_135 : memref<128x16xf32, #tpu.memory_space<hbm>>) target_semaphore(%run_scoped3A_129 : memref<!tpu.dma_semaphore, #tpu.memory_space<semaphore_mem>>)
      %dma_wait3A_136 = arith.constant 0 : i32
      %dma_wait3A_137 = tpu.memref_slice %arg4[%arg0, %add3A_116, %dma_wait3A_136] : memref<2x10240x128xf32, #tpu.memory_space<hbm>> -> memref<1x128x16xf32, #tpu.memory_space<hbm>>
      %dma_wait3A_138 = tpu.memref_squeeze %dma_wait3A_137 : memref<1x128x16xf32, #tpu.memory_space<hbm>> -> memref<128x16xf32, #tpu.memory_space<hbm>>
      %dma_wait3A_139 = arith.constant 0 : i32
      %dma_wait3A_140 = tpu.memref_slice %arg4[%arg0, %add3A_116, %dma_wait3A_139] : memref<2x10240x128xf32, #tpu.memory_space<hbm>> -> memref<1x128x16xf32, #tpu.memory_space<hbm>>
      %dma_wait3A_141 = tpu.memref_squeeze %dma_wait3A_140 : memref<1x128x16xf32, #tpu.memory_space<hbm>> -> memref<128x16xf32, #tpu.memory_space<hbm>>
      tpu.wait_dma2 semaphore(%run_scoped3A_129 : memref<!tpu.dma_semaphore, #tpu.memory_space<semaphore_mem>>) src(%arg7 : memref<128x16xf32, #tpu.memory_space<vmem>>) dst(%dma_wait3A_141 : memref<128x16xf32, #tpu.memory_space<hbm>>)
      tpu.yield
    }) : () -> ()
    %add3A_117 = arith.constant 256 : i32
    %add3A_118 = arith.addi %mul3A_8, %add3A_117 : i32
    "tpu.region"() ({
      %run_scoped3A_129 = tpu.sem_alloc : memref<!tpu.dma_semaphore, #tpu.memory_space<semaphore_mem>>
      %dma_start3A_130 = arith.constant 0 : i32
      %dma_start3A_131 = tpu.memref_slice %arg15[%add3A_118, %dma_start3A_130] : memref<10240x16xf32, #tpu.memory_space<vmem_shared>> -> memref<128x16xf32, #tpu.memory_space<vmem_shared>>
      %dma_start3A_132 = arith.constant 0 : i32
      %dma_start3A_133 = tpu.memref_slice %arg15[%add3A_118, %dma_start3A_132] : memref<10240x16xf32, #tpu.memory_space<vmem_shared>> -> memref<128x16xf32, #tpu.memory_space<vmem_shared>>
      tpu.enqueue_dma source(%dma_start3A_133 : memref<128x16xf32, #tpu.memory_space<vmem_shared>>) target(%arg7 : memref<128x16xf32, #tpu.memory_space<vmem>>) target_semaphore(%run_scoped3A_129 : memref<!tpu.dma_semaphore, #tpu.memory_space<semaphore_mem>>)
      %dma_wait3A_134 = arith.constant 0 : i32
      %dma_wait3A_135 = tpu.memref_slice %arg15[%add3A_118, %dma_wait3A_134] : memref<10240x16xf32, #tpu.memory_space<vmem_shared>> -> memref<128x16xf32, #tpu.memory_space<vmem_shared>>
      %dma_wait3A_136 = arith.constant 0 : i32
      %dma_wait3A_137 = tpu.memref_slice %arg15[%add3A_118, %dma_wait3A_136] : memref<10240x16xf32, #tpu.memory_space<vmem_shared>> -> memref<128x16xf32, #tpu.memory_space<vmem_shared>>
      tpu.wait_dma2 semaphore(%run_scoped3A_129 : memref<!tpu.dma_semaphore, #tpu.memory_space<semaphore_mem>>) src(%dma_wait3A_137 : memref<128x16xf32, #tpu.memory_space<vmem_shared>>) dst(%arg7 : memref<128x16xf32, #tpu.memory_space<vmem>>)
      tpu.yield
    }) : () -> ()
    %add3A_119 = arith.constant 256 : i32
    %add3A_120 = arith.addi %mul3A_8, %add3A_119 : i32
    "tpu.region"() ({
      %run_scoped3A_129 = tpu.sem_alloc : memref<!tpu.dma_semaphore, #tpu.memory_space<semaphore_mem>>
      %dma_start3A_130 = arith.constant 0 : i32
      %dma_start3A_131 = tpu.memref_slice %arg4[%arg0, %add3A_120, %dma_start3A_130] : memref<2x10240x128xf32, #tpu.memory_space<hbm>> -> memref<1x128x16xf32, #tpu.memory_space<hbm>>
      %dma_start3A_132 = tpu.memref_squeeze %dma_start3A_131 : memref<1x128x16xf32, #tpu.memory_space<hbm>> -> memref<128x16xf32, #tpu.memory_space<hbm>>
      %dma_start3A_133 = arith.constant 0 : i32
      %dma_start3A_134 = tpu.memref_slice %arg4[%arg0, %add3A_120, %dma_start3A_133] : memref<2x10240x128xf32, #tpu.memory_space<hbm>> -> memref<1x128x16xf32, #tpu.memory_space<hbm>>
      %dma_start3A_135 = tpu.memref_squeeze %dma_start3A_134 : memref<1x128x16xf32, #tpu.memory_space<hbm>> -> memref<128x16xf32, #tpu.memory_space<hbm>>
      tpu.enqueue_dma source(%arg7 : memref<128x16xf32, #tpu.memory_space<vmem>>) target(%dma_start3A_135 : memref<128x16xf32, #tpu.memory_space<hbm>>) target_semaphore(%run_scoped3A_129 : memref<!tpu.dma_semaphore, #tpu.memory_space<semaphore_mem>>)
      %dma_wait3A_136 = arith.constant 0 : i32
      %dma_wait3A_137 = tpu.memref_slice %arg4[%arg0, %add3A_120, %dma_wait3A_136] : memref<2x10240x128xf32, #tpu.memory_space<hbm>> -> memref<1x128x16xf32, #tpu.memory_space<hbm>>
      %dma_wait3A_138 = tpu.memref_squeeze %dma_wait3A_137 : memref<1x128x16xf32, #tpu.memory_space<hbm>> -> memref<128x16xf32, #tpu.memory_space<hbm>>
      %dma_wait3A_139 = arith.constant 0 : i32
      %dma_wait3A_140 = tpu.memref_slice %arg4[%arg0, %add3A_120, %dma_wait3A_139] : memref<2x10240x128xf32, #tpu.memory_space<hbm>> -> memref<1x128x16xf32, #tpu.memory_space<hbm>>
      %dma_wait3A_141 = tpu.memref_squeeze %dma_wait3A_140 : memref<1x128x16xf32, #tpu.memory_space<hbm>> -> memref<128x16xf32, #tpu.memory_space<hbm>>
      tpu.wait_dma2 semaphore(%run_scoped3A_129 : memref<!tpu.dma_semaphore, #tpu.memory_space<semaphore_mem>>) src(%arg7 : memref<128x16xf32, #tpu.memory_space<vmem>>) dst(%dma_wait3A_141 : memref<128x16xf32, #tpu.memory_space<hbm>>)
      tpu.yield
    }) : () -> ()
    %add3A_121 = arith.constant 384 : i32
    %add3A_122 = arith.addi %mul3A_8, %add3A_121 : i32
    "tpu.region"() ({
      %run_scoped3A_129 = tpu.sem_alloc : memref<!tpu.dma_semaphore, #tpu.memory_space<semaphore_mem>>
      %dma_start3A_130 = arith.constant 0 : i32
      %dma_start3A_131 = tpu.memref_slice %arg15[%add3A_122, %dma_start3A_130] : memref<10240x16xf32, #tpu.memory_space<vmem_shared>> -> memref<128x16xf32, #tpu.memory_space<vmem_shared>>
      %dma_start3A_132 = arith.constant 0 : i32
      %dma_start3A_133 = tpu.memref_slice %arg15[%add3A_122, %dma_start3A_132] : memref<10240x16xf32, #tpu.memory_space<vmem_shared>> -> memref<128x16xf32, #tpu.memory_space<vmem_shared>>
      tpu.enqueue_dma source(%dma_start3A_133 : memref<128x16xf32, #tpu.memory_space<vmem_shared>>) target(%arg7 : memref<128x16xf32, #tpu.memory_space<vmem>>) target_semaphore(%run_scoped3A_129 : memref<!tpu.dma_semaphore, #tpu.memory_space<semaphore_mem>>)
      %dma_wait3A_134 = arith.constant 0 : i32
      %dma_wait3A_135 = tpu.memref_slice %arg15[%add3A_122, %dma_wait3A_134] : memref<10240x16xf32, #tpu.memory_space<vmem_shared>> -> memref<128x16xf32, #tpu.memory_space<vmem_shared>>
      %dma_wait3A_136 = arith.constant 0 : i32
      %dma_wait3A_137 = tpu.memref_slice %arg15[%add3A_122, %dma_wait3A_136] : memref<10240x16xf32, #tpu.memory_space<vmem_shared>> -> memref<128x16xf32, #tpu.memory_space<vmem_shared>>
      tpu.wait_dma2 semaphore(%run_scoped3A_129 : memref<!tpu.dma_semaphore, #tpu.memory_space<semaphore_mem>>) src(%dma_wait3A_137 : memref<128x16xf32, #tpu.memory_space<vmem_shared>>) dst(%arg7 : memref<128x16xf32, #tpu.memory_space<vmem>>)
      tpu.yield
    }) : () -> ()
    %add3A_123 = arith.constant 384 : i32
    %add3A_124 = arith.addi %mul3A_8, %add3A_123 : i32
    "tpu.region"() ({
      %run_scoped3A_129 = tpu.sem_alloc : memref<!tpu.dma_semaphore, #tpu.memory_space<semaphore_mem>>
      %dma_start3A_130 = arith.constant 0 : i32
      %dma_start3A_131 = tpu.memref_slice %arg4[%arg0, %add3A_124, %dma_start3A_130] : memref<2x10240x128xf32, #tpu.memory_space<hbm>> -> memref<1x128x16xf32, #tpu.memory_space<hbm>>
      %dma_start3A_132 = tpu.memref_squeeze %dma_start3A_131 : memref<1x128x16xf32, #tpu.memory_space<hbm>> -> memref<128x16xf32, #tpu.memory_space<hbm>>
      %dma_start3A_133 = arith.constant 0 : i32
      %dma_start3A_134 = tpu.memref_slice %arg4[%arg0, %add3A_124, %dma_start3A_133] : memref<2x10240x128xf32, #tpu.memory_space<hbm>> -> memref<1x128x16xf32, #tpu.memory_space<hbm>>
      %dma_start3A_135 = tpu.memref_squeeze %dma_start3A_134 : memref<1x128x16xf32, #tpu.memory_space<hbm>> -> memref<128x16xf32, #tpu.memory_space<hbm>>
      tpu.enqueue_dma source(%arg7 : memref<128x16xf32, #tpu.memory_space<vmem>>) target(%dma_start3A_135 : memref<128x16xf32, #tpu.memory_space<hbm>>) target_semaphore(%run_scoped3A_129 : memref<!tpu.dma_semaphore, #tpu.memory_space<semaphore_mem>>)
      %dma_wait3A_136 = arith.constant 0 : i32
      %dma_wait3A_137 = tpu.memref_slice %arg4[%arg0, %add3A_124, %dma_wait3A_136] : memref<2x10240x128xf32, #tpu.memory_space<hbm>> -> memref<1x128x16xf32, #tpu.memory_space<hbm>>
      %dma_wait3A_138 = tpu.memref_squeeze %dma_wait3A_137 : memref<1x128x16xf32, #tpu.memory_space<hbm>> -> memref<128x16xf32, #tpu.memory_space<hbm>>
      %dma_wait3A_139 = arith.constant 0 : i32
      %dma_wait3A_140 = tpu.memref_slice %arg4[%arg0, %add3A_124, %dma_wait3A_139] : memref<2x10240x128xf32, #tpu.memory_space<hbm>> -> memref<1x128x16xf32, #tpu.memory_space<hbm>>
      %dma_wait3A_141 = tpu.memref_squeeze %dma_wait3A_140 : memref<1x128x16xf32, #tpu.memory_space<hbm>> -> memref<128x16xf32, #tpu.memory_space<hbm>>
      tpu.wait_dma2 semaphore(%run_scoped3A_129 : memref<!tpu.dma_semaphore, #tpu.memory_space<semaphore_mem>>) src(%arg7 : memref<128x16xf32, #tpu.memory_space<vmem>>) dst(%dma_wait3A_141 : memref<128x16xf32, #tpu.memory_space<hbm>>)
      tpu.yield
    }) : () -> ()
    %add3A_125 = arith.constant 512 : i32
    %add3A_126 = arith.addi %mul3A_8, %add3A_125 : i32
    "tpu.region"() ({
      %run_scoped3A_129 = tpu.sem_alloc : memref<!tpu.dma_semaphore, #tpu.memory_space<semaphore_mem>>
      %dma_start3A_130 = arith.constant 0 : i32
      %dma_start3A_131 = tpu.memref_slice %arg15[%add3A_126, %dma_start3A_130] : memref<10240x16xf32, #tpu.memory_space<vmem_shared>> -> memref<128x16xf32, #tpu.memory_space<vmem_shared>>
      %dma_start3A_132 = arith.constant 0 : i32
      %dma_start3A_133 = tpu.memref_slice %arg15[%add3A_126, %dma_start3A_132] : memref<10240x16xf32, #tpu.memory_space<vmem_shared>> -> memref<128x16xf32, #tpu.memory_space<vmem_shared>>
      tpu.enqueue_dma source(%dma_start3A_133 : memref<128x16xf32, #tpu.memory_space<vmem_shared>>) target(%arg7 : memref<128x16xf32, #tpu.memory_space<vmem>>) target_semaphore(%run_scoped3A_129 : memref<!tpu.dma_semaphore, #tpu.memory_space<semaphore_mem>>)
      %dma_wait3A_134 = arith.constant 0 : i32
      %dma_wait3A_135 = tpu.memref_slice %arg15[%add3A_126, %dma_wait3A_134] : memref<10240x16xf32, #tpu.memory_space<vmem_shared>> -> memref<128x16xf32, #tpu.memory_space<vmem_shared>>
      %dma_wait3A_136 = arith.constant 0 : i32
      %dma_wait3A_137 = tpu.memref_slice %arg15[%add3A_126, %dma_wait3A_136] : memref<10240x16xf32, #tpu.memory_space<vmem_shared>> -> memref<128x16xf32, #tpu.memory_space<vmem_shared>>
      tpu.wait_dma2 semaphore(%run_scoped3A_129 : memref<!tpu.dma_semaphore, #tpu.memory_space<semaphore_mem>>) src(%dma_wait3A_137 : memref<128x16xf32, #tpu.memory_space<vmem_shared>>) dst(%arg7 : memref<128x16xf32, #tpu.memory_space<vmem>>)
      tpu.yield
    }) : () -> ()
    %add3A_127 = arith.constant 512 : i32
    %add3A_128 = arith.addi %mul3A_8, %add3A_127 : i32
    "tpu.region"() ({
      %run_scoped3A_129 = tpu.sem_alloc : memref<!tpu.dma_semaphore, #tpu.memory_space<semaphore_mem>>
      %dma_start3A_130 = arith.constant 0 : i32
      %dma_start3A_131 = tpu.memref_slice %arg4[%arg0, %add3A_128, %dma_start3A_130] : memref<2x10240x128xf32, #tpu.memory_space<hbm>> -> memref<1x128x16xf32, #tpu.memory_space<hbm>>
      %dma_start3A_132 = tpu.memref_squeeze %dma_start3A_131 : memref<1x128x16xf32, #tpu.memory_space<hbm>> -> memref<128x16xf32, #tpu.memory_space<hbm>>
      %dma_start3A_133 = arith.constant 0 : i32
      %dma_start3A_134 = tpu.memref_slice %arg4[%arg0, %add3A_128, %dma_start3A_133] : memref<2x10240x128xf32, #tpu.memory_space<hbm>> -> memref<1x128x16xf32, #tpu.memory_space<hbm>>
      %dma_start3A_135 = tpu.memref_squeeze %dma_start3A_134 : memref<1x128x16xf32, #tpu.memory_space<hbm>> -> memref<128x16xf32, #tpu.memory_space<hbm>>
      tpu.enqueue_dma source(%arg7 : memref<128x16xf32, #tpu.memory_space<vmem>>) target(%dma_start3A_135 : memref<128x16xf32, #tpu.memory_space<hbm>>) target_semaphore(%run_scoped3A_129 : memref<!tpu.dma_semaphore, #tpu.memory_space<semaphore_mem>>)
      %dma_wait3A_136 = arith.constant 0 : i32
      %dma_wait3A_137 = tpu.memref_slice %arg4[%arg0, %add3A_128, %dma_wait3A_136] : memref<2x10240x128xf32, #tpu.memory_space<hbm>> -> memref<1x128x16xf32, #tpu.memory_space<hbm>>
      %dma_wait3A_138 = tpu.memref_squeeze %dma_wait3A_137 : memref<1x128x16xf32, #tpu.memory_space<hbm>> -> memref<128x16xf32, #tpu.memory_space<hbm>>
      %dma_wait3A_139 = arith.constant 0 : i32
      %dma_wait3A_140 = tpu.memref_slice %arg4[%arg0, %add3A_128, %dma_wait3A_139] : memref<2x10240x128xf32, #tpu.memory_space<hbm>> -> memref<1x128x16xf32, #tpu.memory_space<hbm>>
      %dma_wait3A_141 = tpu.memref_squeeze %dma_wait3A_140 : memref<1x128x16xf32, #tpu.memory_space<hbm>> -> memref<128x16xf32, #tpu.memory_space<hbm>>
      tpu.wait_dma2 semaphore(%run_scoped3A_129 : memref<!tpu.dma_semaphore, #tpu.memory_space<semaphore_mem>>) src(%arg7 : memref<128x16xf32, #tpu.memory_space<vmem>>) dst(%dma_wait3A_141 : memref<128x16xf32, #tpu.memory_space<hbm>>)
      tpu.yield
    }) : () -> ()
    return
  }
}

module attributes {stable_mosaic.version = 14 : i64} {
  func.func @_mm1_body(%arg0: i32, %arg1: memref<2000x128xf32, #tpu.memory_space<vmem>>, %arg2: memref<128x64xf32, #tpu.memory_space<vmem>>, %arg3: memref<2000x1xf32, #tpu.memory_space<vmem>>, %arg4: memref<2000x1xf32, #tpu.memory_space<vmem>>, %arg5: memref<2000x64xf32, #tpu.memory_space<vmem>>, %arg6: memref<2000x1xf32, #tpu.memory_space<vmem>>) attributes {dimension_semantics = [#tpu.dimension_semantics<arbitrary>], iteration_bounds = array<i64: 5>, scalar_prefetch = 0 : i64, scratch_operands = 0 : i64, tpu.core_type = #tpu.core_type<tc>, window_params = [{transform_indices = @transform_0, window_bounds = array<i64: 2000, 128>}, {pipeline_mode = #tpu.pipeline_mode<synchronous>, transform_indices = @transform_1, window_bounds = array<i64: 128, 64>}, {transform_indices = @transform_2, window_bounds = array<i64: 2000, 1>}, {transform_indices = @transform_3, window_bounds = array<i64: 2000, 1>}, {transform_indices = @transform_4, window_bounds = array<i64: 2000, 64>}, {transform_indices = @transform_5, window_bounds = array<i64: 2000, 1>}]} {
    %get3A = arith.constant 0 : index
    %get3A_0 = arith.constant 0 : index
    %get3A_1 = vector.load %arg3[%get3A, %get3A_0] : memref<2000x1xf32, #tpu.memory_space<vmem>>, vector<2000x1xf32>
    %get3A_2 = arith.constant 0 : index
    %get3A_3 = arith.constant 0 : index
    %get3A_4 = vector.load %arg4[%get3A_2, %get3A_3] : memref<2000x1xf32, #tpu.memory_space<vmem>>, vector<2000x1xf32>
    %add3A = arith.addf %get3A_1, %get3A_4 : vector<2000x1xf32>
    %add3A_5 = arith.constant 1.000000e+00 : f32
    %add3A_6 = vector.broadcast %add3A_5 : f32 to vector<2000x1xf32>
    %add3A_7 = arith.addf %add3A, %add3A_6 : vector<2000x1xf32>
    %rsqrt3A = math.rsqrt %add3A_7 : vector<2000x1xf32>
    %get3A_8 = arith.constant 0 : index
    %get3A_9 = arith.constant 0 : index
    %get3A_10 = vector.load %arg1[%get3A_8, %get3A_9] : memref<2000x128xf32, #tpu.memory_space<vmem>>, vector<2000x128xf32>
    %get3A_11 = arith.constant 0 : index
    %get3A_12 = arith.constant 0 : index
    %get3A_13 = vector.load %arg2[%get3A_11, %get3A_12] : memref<128x64xf32, #tpu.memory_space<vmem>>, vector<128x64xf32>
    %dot_general3A = arith.constant dense<0.000000e+00> : vector<2000x64xf32>
    %dot_general3A_14 = tpu.matmul %get3A_10, %get3A_13, %dot_general3A {dimension_numbers = #tpu.dot_dimension_numbers<[1], [0], [0], [1], [0, 0, 1, 1], [], []>, transpose_lhs_hint = false} : vector<2000x128xf32>, vector<128x64xf32>, vector<2000x64xf32> -> vector<2000x64xf32>
    %mul3A = vector.broadcast %rsqrt3A : vector<2000x1xf32> to vector<2000x64xf32>
    %mul3A_15 = arith.mulf %dot_general3A_14, %mul3A : vector<2000x64xf32>
    %swap3A = arith.constant 0 : index
    %swap3A_16 = arith.constant 0 : index
    %swap3A_17 = vector.load %arg5[%swap3A, %swap3A_16] : memref<2000x64xf32, #tpu.memory_space<vmem>>, vector<2000x64xf32>
    tpu.vector_store %arg5[%swap3A, %swap3A_16], %mul3A_15 {strides = array<i32>} : memref<2000x64xf32, #tpu.memory_space<vmem>>, vector<2000x64xf32>,
    %swap3A_18 = arith.constant 0 : index
    %swap3A_19 = arith.constant 0 : index
    %swap3A_20 = vector.load %arg6[%swap3A_18, %swap3A_19] : memref<2000x1xf32, #tpu.memory_space<vmem>>, vector<2000x1xf32>
    tpu.vector_store %arg6[%swap3A_18, %swap3A_19], %rsqrt3A {strides = array<i32>} : memref<2000x1xf32, #tpu.memory_space<vmem>>, vector<2000x1xf32>,
    return
  }
  func.func @transform_0(%arg0: i32) -> (i32, i32) {
    %c0_i32 = arith.constant 0 : i32
    %c0_i32_0 = arith.constant 0 : i32
    return %arg0, %c0_i32 : i32, i32
  }
  func.func @transform_1(%arg0: i32) -> (i32, i32) {
    %c0_i32 = arith.constant 0 : i32
    %c0_i32_0 = arith.constant 0 : i32
    %c0_i32_1 = arith.constant 0 : i32
    return %c0_i32, %c0_i32_0 : i32, i32
  }
  func.func @transform_2(%arg0: i32) -> (i32, i32) {
    %c0_i32 = arith.constant 0 : i32
    %c0_i32_0 = arith.constant 0 : i32
    return %arg0, %c0_i32 : i32, i32
  }
  func.func @transform_3(%arg0: i32) -> (i32, i32) {
    %c0_i32 = arith.constant 0 : i32
    %c0_i32_0 = arith.constant 0 : i32
    return %arg0, %c0_i32 : i32, i32
  }
  func.func @transform_4(%arg0: i32) -> (i32, i32) {
    %c0_i32 = arith.constant 0 : i32
    %c0_i32_0 = arith.constant 0 : i32
    return %arg0, %c0_i32 : i32, i32
  }
  func.func @transform_5(%arg0: i32) -> (i32, i32) {
    %c0_i32 = arith.constant 0 : i32
    %c0_i32_0 = arith.constant 0 : i32
    return %arg0, %c0_i32 : i32, i32
  }
}

module attributes {stable_mosaic.version = 14 : i64} {
  func.func @_mid_body(%arg0: i32, %arg1: memref<2x2000x128xf32, #tpu.memory_space<vmem>>, %arg2: memref<2000x64xf32, #tpu.memory_space<vmem>>, %arg3: memref<2000x1xf32, #tpu.memory_space<vmem>>, %arg4: memref<1x64xf32, #tpu.memory_space<vmem>>, %arg5: memref<64x16xf32, #tpu.memory_space<vmem>>, %arg6: memref<2000x16xf32, #tpu.memory_space<vmem>>) attributes {dimension_semantics = [#tpu.dimension_semantics<arbitrary>], iteration_bounds = array<i64: 5>, scalar_prefetch = 0 : i64, scratch_operands = 0 : i64, tpu.core_type = #tpu.core_type<tc>, window_params = [{transform_indices = @transform_0, window_bounds = array<i64: 2, 2000, 128>}, {transform_indices = @transform_1, window_bounds = array<i64: 2000, 64>}, {transform_indices = @transform_2, window_bounds = array<i64: 2000, 1>}, {pipeline_mode = #tpu.pipeline_mode<synchronous>, transform_indices = @transform_3, window_bounds = array<i64: 1, 64>}, {pipeline_mode = #tpu.pipeline_mode<synchronous>, transform_indices = @transform_4, window_bounds = array<i64: 64, 16>}, {transform_indices = @transform_5, window_bounds = array<i64: 2000, 16>}]} {
    %get3A = arith.constant 0 : index
    %get3A_0 = arith.constant 0 : index
    %get3A_1 = vector.load %arg3[%get3A, %get3A_0] : memref<2000x1xf32, #tpu.memory_space<vmem>>, vector<2000x1xf32>
    %get3A_2 = arith.constant 0 : index
    %get3A_3 = arith.constant 0 : index
    %get3A_4 = arith.constant 0 : index
    %get3A_5 = vector.load %arg1[%get3A_2, %get3A_3, %get3A_4] : memref<2x2000x128xf32, #tpu.memory_space<vmem>>, vector<1x2000x128xf32>
    %get3A_6 = vector.shape_cast %get3A_5 : vector<1x2000x128xf32> to vector<2000x128xf32>
    %slice3A = vector.extract_strided_slice %get3A_6 {offsets = [0, 0], sizes = [2000, 64], strides = [1, 1]} : vector<2000x128xf32> to vector<2000x64xf32>
    %get3A_7 = arith.constant 1 : index
    %get3A_8 = arith.constant 0 : index
    %get3A_9 = arith.constant 0 : index
    %get3A_10 = vector.load %arg1[%get3A_7, %get3A_8, %get3A_9] : memref<2x2000x128xf32, #tpu.memory_space<vmem>>, vector<1x2000x128xf32>
    %get3A_11 = vector.shape_cast %get3A_10 : vector<1x2000x128xf32> to vector<2000x128xf32>
    %slice3A_12 = vector.extract_strided_slice %get3A_11 {offsets = [0, 0], sizes = [2000, 64], strides = [1, 1]} : vector<2000x128xf32> to vector<2000x64xf32>
    %add3A = arith.addf %slice3A, %slice3A_12 : vector<2000x64xf32>
    %get3A_13 = arith.constant 0 : index
    %get3A_14 = arith.constant 0 : index
    %get3A_15 = vector.load %arg2[%get3A_13, %get3A_14] : memref<2000x64xf32, #tpu.memory_space<vmem>>, vector<2000x64xf32>
    %add3A_16 = arith.addf %add3A, %get3A_15 : vector<2000x64xf32>
    %mul3A = vector.broadcast %get3A_1 : vector<2000x1xf32> to vector<2000x64xf32>
    %mul3A_17 = arith.mulf %mul3A, %add3A_16 : vector<2000x64xf32>
    %get3A_18 = arith.constant 0 : index
    %get3A_19 = arith.constant 0 : index
    %get3A_20 = vector.load %arg4[%get3A_18, %get3A_19] : memref<1x64xf32, #tpu.memory_space<vmem>>, vector<1x64xf32>
    %add3A_21 = vector.broadcast %get3A_20 : vector<1x64xf32> to vector<2000x64xf32>
    %add3A_22 = arith.addf %mul3A_17, %add3A_21 : vector<2000x64xf32>
    %max3A = arith.constant 0.000000e+00 : f32
    %max3A_23 = vector.broadcast %max3A : f32 to vector<2000x64xf32>
    %max3A_24 = arith.maximumf %add3A_22, %max3A_23 : vector<2000x64xf32>
    %get3A_25 = arith.constant 0 : index
    %get3A_26 = arith.constant 0 : index
    %get3A_27 = vector.load %arg5[%get3A_25, %get3A_26] : memref<64x16xf32, #tpu.memory_space<vmem>>, vector<64x16xf32>
    %dot_general3A = arith.constant dense<0.000000e+00> : vector<2000x16xf32>
    %dot_general3A_28 = tpu.matmul %max3A_24, %get3A_27, %dot_general3A {dimension_numbers = #tpu.dot_dimension_numbers<[1], [0], [0], [1], [0, 0, 1, 1], [], []>, transpose_lhs_hint = false} : vector<2000x64xf32>, vector<64x16xf32>, vector<2000x16xf32> -> vector<2000x16xf32>
    %mul3A_29 = vector.broadcast %get3A_1 : vector<2000x1xf32> to vector<2000x16xf32>
    %mul3A_30 = arith.mulf %mul3A_29, %dot_general3A_28 : vector<2000x16xf32>
    %swap3A = arith.constant 0 : index
    %swap3A_31 = arith.constant 0 : index
    %swap3A_32 = vector.load %arg6[%swap3A, %swap3A_31] : memref<2000x16xf32, #tpu.memory_space<vmem>>, vector<2000x16xf32>
    tpu.vector_store %arg6[%swap3A, %swap3A_31], %mul3A_30 {strides = array<i32>} : memref<2000x16xf32, #tpu.memory_space<vmem>>, vector<2000x16xf32>,
    return
  }
  func.func @transform_0(%arg0: i32) -> (i32, i32, i32) {
    %c0_i32 = arith.constant 0 : i32
    %c0_i32_0 = arith.constant 0 : i32
    %c0_i32_1 = arith.constant 0 : i32
    return %c0_i32, %arg0, %c0_i32_0 : i32, i32, i32
  }
  func.func @transform_1(%arg0: i32) -> (i32, i32) {
    %c0_i32 = arith.constant 0 : i32
    %c0_i32_0 = arith.constant 0 : i32
    return %arg0, %c0_i32 : i32, i32
  }
  func.func @transform_2(%arg0: i32) -> (i32, i32) {
    %c0_i32 = arith.constant 0 : i32
    %c0_i32_0 = arith.constant 0 : i32
    return %arg0, %c0_i32 : i32, i32
  }
  func.func @transform_3(%arg0: i32) -> (i32, i32) {
    %c0_i32 = arith.constant 0 : i32
    %c0_i32_0 = arith.constant 0 : i32
    %c0_i32_1 = arith.constant 0 : i32
    return %c0_i32, %c0_i32_0 : i32, i32
  }
  func.func @transform_4(%arg0: i32) -> (i32, i32) {
    %c0_i32 = arith.constant 0 : i32
    %c0_i32_0 = arith.constant 0 : i32
    %c0_i32_1 = arith.constant 0 : i32
    return %c0_i32, %c0_i32_0 : i32, i32
  }
  func.func @transform_5(%arg0: i32) -> (i32, i32) {
    %c0_i32 = arith.constant 0 : i32
    %c0_i32_0 = arith.constant 0 : i32
    return %arg0, %c0_i32 : i32, i32
  }
}

module attributes {stable_mosaic.version = 14 : i64} {
  func.func @_fin_body(%arg0: i32, %arg1: memref<2x2000x128xf32, #tpu.memory_space<vmem>>, %arg2: memref<2000x16xf32, #tpu.memory_space<vmem>>, %arg3: memref<2000x1xf32, #tpu.memory_space<vmem>>, %arg4: memref<1x16xf32, #tpu.memory_space<vmem>>, %arg5: memref<2000x10xf32, #tpu.memory_space<vmem>>) attributes {dimension_semantics = [#tpu.dimension_semantics<arbitrary>], iteration_bounds = array<i64: 5>, scalar_prefetch = 0 : i64, scratch_operands = 0 : i64, tpu.core_type = #tpu.core_type<tc>, window_params = [{transform_indices = @transform_0, window_bounds = array<i64: 2, 2000, 128>}, {transform_indices = @transform_1, window_bounds = array<i64: 2000, 16>}, {transform_indices = @transform_2, window_bounds = array<i64: 2000, 1>}, {pipeline_mode = #tpu.pipeline_mode<synchronous>, transform_indices = @transform_3, window_bounds = array<i64: 1, 16>}, {transform_indices = @transform_4, window_bounds = array<i64: 2000, 10>}]} {
    %get3A = arith.constant 0 : index
    %get3A_0 = arith.constant 0 : index
    %get3A_1 = arith.constant 0 : index
    %get3A_2 = vector.load %arg1[%get3A, %get3A_0, %get3A_1] : memref<2x2000x128xf32, #tpu.memory_space<vmem>>, vector<1x2000x128xf32>
    %get3A_3 = vector.shape_cast %get3A_2 : vector<1x2000x128xf32> to vector<2000x128xf32>
    %slice3A = vector.extract_strided_slice %get3A_3 {offsets = [0, 0], sizes = [2000, 16], strides = [1, 1]} : vector<2000x128xf32> to vector<2000x16xf32>
    %get3A_4 = arith.constant 1 : index
    %get3A_5 = arith.constant 0 : index
    %get3A_6 = arith.constant 0 : index
    %get3A_7 = vector.load %arg1[%get3A_4, %get3A_5, %get3A_6] : memref<2x2000x128xf32, #tpu.memory_space<vmem>>, vector<1x2000x128xf32>
    %get3A_8 = vector.shape_cast %get3A_7 : vector<1x2000x128xf32> to vector<2000x128xf32>
    %slice3A_9 = vector.extract_strided_slice %get3A_8 {offsets = [0, 0], sizes = [2000, 16], strides = [1, 1]} : vector<2000x128xf32> to vector<2000x16xf32>
    %add3A = arith.addf %slice3A, %slice3A_9 : vector<2000x16xf32>
    %get3A_10 = arith.constant 0 : index
    %get3A_11 = arith.constant 0 : index
    %get3A_12 = vector.load %arg3[%get3A_10, %get3A_11] : memref<2000x1xf32, #tpu.memory_space<vmem>>, vector<2000x1xf32>
    %get3A_13 = arith.constant 0 : index
    %get3A_14 = arith.constant 0 : index
    %get3A_15 = vector.load %arg2[%get3A_13, %get3A_14] : memref<2000x16xf32, #tpu.memory_space<vmem>>, vector<2000x16xf32>
    %add3A_16 = arith.addf %add3A, %get3A_15 : vector<2000x16xf32>
    %mul3A = vector.broadcast %get3A_12 : vector<2000x1xf32> to vector<2000x16xf32>
    %mul3A_17 = arith.mulf %mul3A, %add3A_16 : vector<2000x16xf32>
    %get3A_18 = arith.constant 0 : index
    %get3A_19 = arith.constant 0 : index
    %get3A_20 = vector.load %arg4[%get3A_18, %get3A_19] : memref<1x16xf32, #tpu.memory_space<vmem>>, vector<1x16xf32>
    %add3A_21 = vector.broadcast %get3A_20 : vector<1x16xf32> to vector<2000x16xf32>
    %add3A_22 = arith.addf %mul3A_17, %add3A_21 : vector<2000x16xf32>
    %slice3A_23 = vector.extract_strided_slice %add3A_22 {offsets = [0, 0], sizes = [2000, 10], strides = [1, 1]} : vector<2000x16xf32> to vector<2000x10xf32>
    %swap3A = arith.constant 0 : index
    %swap3A_24 = arith.constant 0 : index
    %swap3A_25 = vector.load %arg5[%swap3A, %swap3A_24] : memref<2000x10xf32, #tpu.memory_space<vmem>>, vector<2000x10xf32>
    tpu.vector_store %arg5[%swap3A, %swap3A_24], %slice3A_23 {strides = array<i32>} : memref<2000x10xf32, #tpu.memory_space<vmem>>, vector<2000x10xf32>,
    return
  }
  func.func @transform_0(%arg0: i32) -> (i32, i32, i32) {
    %c0_i32 = arith.constant 0 : i32
    %c0_i32_0 = arith.constant 0 : i32
    %c0_i32_1 = arith.constant 0 : i32
    return %c0_i32, %arg0, %c0_i32_0 : i32, i32, i32
  }
  func.func @transform_1(%arg0: i32) -> (i32, i32) {
    %c0_i32 = arith.constant 0 : i32
    %c0_i32_0 = arith.constant 0 : i32
    return %arg0, %c0_i32 : i32, i32
  }
  func.func @transform_2(%arg0: i32) -> (i32, i32) {
    %c0_i32 = arith.constant 0 : i32
    %c0_i32_0 = arith.constant 0 : i32
    return %arg0, %c0_i32 : i32, i32
  }
  func.func @transform_3(%arg0: i32) -> (i32, i32) {
    %c0_i32 = arith.constant 0 : i32
    %c0_i32_0 = arith.constant 0 : i32
    %c0_i32_1 = arith.constant 0 : i32
    return %c0_i32, %c0_i32_0 : i32, i32
  }
  func.func @transform_4(%arg0: i32) -> (i32, i32) {
    %c0_i32 = arith.constant 0 : i32
    %c0_i32_0 = arith.constant 0 : i32
    return %arg0, %c0_i32 : i32, i32
  }
}

</mosaic_0001>

<sc_bundles>
// kernel: kernel.11.cloned.1.call-start
scs
__scs_entry_jumppad:
0x0: {  	(pc) =	sbr.rel $0x88, $3  }
0x1: {  	(tag) =	ssettag $0x0;
	lr =	simm.s32 $0x1  }
0x2: {  	[smem:$0x3F9B] =	sst lr;
	_ =	strace $0xD0000000  }
0x3: {  	_ = 	snop  }
0x4: {  	_ = 	snop  }
0x5: {  	_ = 	snop  }
0x6: {  	_ = 	snop  }
0x7: {  	_ = 	snop  }
__scs_overlays_trampoline_lowered:
0x8: {  	[smem:$0x3FAA] =	sst s0  }
0x9: {  	[smem:$0x3FAB] =	sst s1  }
0xa: {  	[smem:$0x3FAC] =	sst s2  }
0xb: {  	[smem:$0x3FAD] =	sst s3  }
0xc: {  	[smem:$0x3FAE] =	sst s4  }
0xd: {  	[smem:$0x3FAF] =	sst s5  }
0xe: {  	[smem:$0x3FB0] =	sst s6  }
0xf: {  	[smem:$0x3FB1] =	sst s7  }
0x10: {  	[smem:$0x3FB2] =	sst s8  }
0x11: {  	[smem:$0x3FB3] =	sst s9;
	s0 =	simm.s32 @!p0 $0x0  }
0x12: {  	s1 =	sld [smem:$0x3F99];
	s0 =	simm.s32 @p0 $0x1  }
0x13: {  	[smem:$0x3FB4] =	sst s0;
	s0 =	simm.s32 @!p1 $0x0  }
0x14: {  	s2 =	sld [smem:$0x3F98];
	s0 =	simm.s32 @p1 $0x1  }
0x15: {  	[smem:$0x3FB5] =	sst s0;
	s0 =	simm.s32 @!p2 $0x0  }
0x16: {  	s3 =	sld [smem:$0x3FDB];
	s0 =	simm.s32 @p2 $0x1  }
0x17: {  	s4 =	simm.s32 $0x1BF5;
	[smem:$0x3FB7] =	sst s0  }
0x18: {  	s0 =	sld [smem:$0x3F9A];
	_ =	swait.ge [sflag:s4], $0x0  }
0x19: {  	s7 =	sld [smem:$0x3F9B]  }
0x1a: {  	s8 =	sadd.s32 $0xFFFFE003, lr  }
0x1b: {  	s9 =	sadd.s32 $0xFFFFFEF7, lr;
	s5 =	simm.s32 $0xFFFFFFFF;
	p2 =	slt.u32 s8, $0xFFFFF086  }
0x1c: {  	p1 =	slt.u32 s9, $0xF7A;
	s5 =	simm.s32 @!p2 $0x0  }
0x1d: {  	s5 =	simm.s32 @p1 $0x1;
	p0 =	seq.s32 s7, s2  }
0x1e: {  	s7 =	smul.u32 @!p0 $0xF7A, s2;
	p2 =	seq.s32 @!p0 s5, $0x0  }
0x1f: {  	s9 =	smul.u32 $0xF7A, s1;
	s8 =	simm.s32 @!p0 $0x1BF5;
	p2 =	por !p2, p0  }
0x20: {  	[sflag:s8] =	ssyncset.s32 @!p0 $0xFFFFF086;
	s6 =	sadd.s32 @!p0 s3, s7;
	s7 =	simm.s32 @!p0 $0x108  }
0x21: {  	s3 =	sadd.s32 s3, s9;
	s6 =	sadd.s32 @!p0 $0x88, s6;
	s7 =	simm.s32 @p2 $0x1082  }
0x22: {  	[simem:s7], [sflag:s8] =	dma.local @!p0 [hbm:s6], $0xF7A  }
0x23: {  	s9 =	sor.u32 $0xD0000000, s2;
	s6 =	simm.s32 $0x108;
	_ =	swait.ge @!p0 [sflag:s8], $0x0  }
0x24: {  	s3 =	sadd.s32 $0x88, s3;
	s6 =	simm.s32 @!p1 $0x1082;
	[sflag:s4] =	ssyncset.s32 $0xFFFFF086  }
0x25: {  	[simem:s6], [sflag:s4] =	dma.local [hbm:s3], $0xF7A  }
0x26: {  	[smem:$0x3F9B] =	sst s1;
	(tag) =	ssettag s2;
	_ =	strace s9  }
0x27: {  	s1 =	sld [smem:$0x3FAB]  }
0x28: {  	s2 =	sld [smem:$0x3FAC]  }
0x29: {  	s4 =	sld [smem:$0x3FAE]  }
0x2a: {  	p0 =	seq.s32 s5, $0x0;
	s5 =	sld [smem:$0x3FAF]  }
0x2b: {  	s6 =	sld [smem:$0x3FB0]  }
0x2c: {  	s7 =	sld [smem:$0x3FB1]  }
0x2d: {  	s3 =	simm.s32 $0x108;
	s8 =	sld [smem:$0x3FB2]  }
0x2e: {  	s3 =	simm.s32 @!p0 $0x1082;
	s9 =	sld [smem:$0x3FB3]  }
0x2f: {  	lr =	sadd.s32 s0, s3;
	s0 =	sld [smem:$0x3FAA]  }
0x30: {  	s3 =	sld [smem:$0x3FAD]  }
0x31: {  	[smem:$0x3FB6] =	sst s10  }
0x32: {  	s10 =	sld [smem:$0x3FB4];
	_ =	sdelay $0x3  }
0x33: {  	p0 =	seq.s32 s10, $0x1;
	s10 =	sld [smem:$0x3FB6];
	_ =	sdelay $0x3  }
0x34: {  	[smem:$0x3FB6] =	sst s10  }
0x35: {  	s10 =	sld [smem:$0x3FB5];
	_ =	sdelay $0x3  }
0x36: {  	p1 =	seq.s32 s10, $0x1;
	s10 =	sld [smem:$0x3FB6];
	_ =	sdelay $0x3  }
0x37: {  	[smem:$0x3FB6] =	sst s10  }
0x38: {  	s10 =	sld [smem:$0x3FB7]  }
0x39: {  	_ = 	snop;
	(pc) =	sbr.ind lr, $3  }
0x3a: {  	_ = 	snop  }
0x3b: {  	_ = 	snop  }
0x3c: {  	p2 =	seq.s32 s10, $0x1;
	s10 =	sld [smem:$0x3FB6]  }
0x3d: {  	_ =	shalt  }
0x3e: {  	_ =	shalt  }
0x3f: {  	_ =	shalt  }
0x40: {  	_ =	shalt  }
0x41: {  	_ =	shalt  }
0x42: {  	_ =	shalt  }
0x43: {  	_ =	shalt  }
0x44: {  	_ =	shalt  }
0x45: {  	_ =	shalt  }
0x46: {  	_ =	shalt  }
0x47: {  	_ =	shalt  }
0x48: {  	_ =	shalt  }
0x49: {  	_ =	shalt  }
0x4a: {  	_ =	shalt  }
0x4b: {  	_ =	shalt  }
0x4c: {  	_ =	shalt  }
0x4d: {  	_ =	shalt  }
0x4e: {  	_ =	shalt  }
0x4f: {  	_ =	shalt  }
0x50: {  	_ =	shalt  }
0x51: {  	_ =	shalt  }
0x52: {  	_ =	shalt  }
0x53: {  	_ =	shalt  }
0x54: {  	_ =	shalt  }
0x55: {  	_ =	shalt  }
0x56: {  	_ =	shalt  }
0x57: {  	_ =	shalt  }
0x58: {  	_ =	shalt  }
0x59: {  	_ =	shalt  }
0x5a: {  	_ =	shalt  }
0x5b: {  	_ =	shalt  }
0x5c: {  	_ =	shalt  }
0x5d: {  	_ =	shalt  }
0x5e: {  	_ =	shalt  }
0x5f: {  	_ =	shalt  }
0x60: {  	_ =	shalt  }
0x61: {  	_ =	shalt  }
0x62: {  	_ =	shalt  }
0x63: {  	_ =	shalt  }
0x64: {  	_ =	shalt  }
0x65: {  	_ =	shalt  }
0x66: {  	_ =	shalt  }
0x67: {  	_ =	shalt  }
0x68: {  	_ =	shalt  }
0x69: {  	_ =	shalt  }
0x6a: {  	_ =	shalt  }
0x6b: {  	_ =	shalt  }
0x6c: {  	_ =	shalt  }
0x6d: {  	_ =	shalt  }
0x6e: {  	_ =	shalt  }
0x6f: {  	_ =	shalt  }
0x70: {  	_ =	shalt  }
0x71: {  	_ =	shalt  }
0x72: {  	_ =	shalt  }
0x73: {  	_ =	shalt  }
0x74: {  	_ =	shalt  }
0x75: {  	_ =	shalt  }
0x76: {  	_ =	shalt  }
0x77: {  	_ =	shalt  }
0x78: {  	_ =	shalt  }
0x79: {  	_ =	shalt  }
0x7a: {  	_ =	shalt  }
0x7b: {  	_ =	shalt  }
0x7c: {  	_ =	shalt  }
0x7d: {  	_ =	shalt  }
0x7e: {  	_ =	shalt  }
0x7f: {  	_ =	shalt  }
0x80: {  	_ =	shalt  }
0x81: {  	_ =	shalt  }
0x82: {  	_ =	shalt  }
0x83: {  	_ =	shalt  }
0x84: {  	_ =	shalt  }
0x85: {  	_ =	shalt  }
0x86: {  	_ =	shalt  }
0x87: {  	_ =	shalt  }
.Lfunc_end0:
.L_simem_size_0:
called_computation.1_lowered:
.L_overlay_start_0:
0x88: {  	s2 =	sld [smem:$0x3FD9]  }
0x89: {  	s3 =	sld [smem:$0x3FFE];
	_ =	sdelay $0x1  }
0x8a: {  	s1 =	srdreg.scid  }
0x8b: {  	s0 =	sand.u32 $0x1, s1  }
0x8c: {  	s16 =	sshll.u32 s0, $0xA;
	s2 =	sadd.s32 s3, s2  }
0x8d: {  	s2 =	sadd.s32 s2, s16  }
0x8e: {  	[smem:$0x3FC2] =	sst s2  }
0x8f: {  	_ = 	snop  }
0x90: {  	(tm) =	ssettm $0x1  }
0x91: {  	s17 =	sld [smem:$0x3FFB];
	_ =	sdelay $0x3  }
0x92: {  	_ =	strace s17  }
0x93: {  	s2 =	sld [smem:$0x3FFC];
	_ =	sdelay $0x3  }
0x94: {  	_ =	strace s2  }
0x95: {  	s2 =	sld [smem:$0x3FFD];
	_ =	sdelay $0x3  }
0x96: {  	_ =	strace s2  }
0x97: {  	_ =	strace $0x8FFFFFFF  }
0x98: {  	s18 =	sld [smem:$0x3FDB];
	_ =	sdelay $0x1  }
0x99: {  	s19 =	simm.s32 $_scs_section_size  }
0x9a: {  	s4 =	simm.s32 $_size__tile_overlayer_lowered;
	s5 =	simm.s32 $_tile_overlayer_lowered  }
0x9b: {  	s22 =	simm.s32 $0x1BFF;
	s21 =	sshll.u32 s5, $0x1;
	s2 =	sadd.s32 s19, s18  }
0x9c: {  	s6 =	simm.s32 $0x0;
	s20 =	sshll.u32 s4, $0x1;
	s4 =	sadd.s32 s21, s2  }
0x9d: {  	[timem:s6], [sflag:s22] =	dma.local [hbm:s4], s20  }
0x9e: {  	_ =	swait.ge [sflag:s22], s20  }
0x9f: {  	s3 =	ssub.s32 $0x0, s20;
	[sflag:s22] =	ssyncset.done $0x0  }
0xa0: {  	[sflag:s22] =	ssyncadd.s32 s3;
	_ =	sdelay $0x1  }
0xa1: {  	s23 =	simm.s32 $0x1B8B  }
0xa2: {  	_ =	swait.ge [sflag:s23], $0x1  }
0xa3: {  	[sflag:s23] =	ssyncset.done $0x0  }
0xa4: {  	s25 =	simm.s32 $0x1B8E;
	s24 =	sld [smem:$0x3FFE];
	[sflag:s23] =	ssyncadd.s32 $0xFFFFFFFF  }
0xa5: {  	s26 =	simm.s32 $execute0_lowered;
	[smem:$0x3FD2] =	sst s25  }
0xa6: {  	s4 =	sshll.u32 s26, $0x1;
	_ =	strace $0x80000049;
	[dreg:$0x1] =	wrdreg $0xFFFFFFFF  }
0xa7: {  	s28 =	simm.s32 $_size_execute0_lowered;
	s2 =	sadd.s32 s2, s4;
	[dreg:$0x0] =	wrdreg $0x0  }
0xa8: {  	s4 =	sshll.u32 s28, $0x1;
	[dreg:$0x2] =	wrdreg s2  }
0xa9: {  	[dreg:$0x3] =	wrdreg s4  }
0xaa: {  	[dreg:$0x4] =	wrdreg $0xC0  }
0xab: {  	_ =	task [dreg:s6], $0x5FFFF  }
0xac: {  	[dreg:$0x1] =	wrdreg $0xFFFFFFFF  }
0xad: {  	[dreg:$0x0] =	wrdreg $0x60  }
0xae: {  	[dreg:$0x2] =	wrdreg s24  }
0xaf: {  	[dreg:$0x3] =	wrdreg $0x150000  }
0xb0: {  	[dreg:$0x4] =	wrdreg $0x9  }
0xb1: {  	_ =	task.clear_ibuf [dreg:s6], $0x5FFFF;
	_ =	strace $0x90000049  }
0xb2: {  	s29 =	simm.s32 $0x9;
	_ =	strace $0x8000004B  }
0xb3: {  	_ =	swait.ge [sflag:s29], $0x1  }
0xb4: {  	[sflag:s29] =	ssyncadd.s32 $0xFFFFFFFF  }
0xb5: {  	_ =	strace $0x9000004B  }
0xb6: {  	_ =	sfence  }
0xb7: {  	s30 =	sld [smem:$0x0];
	_ =	sdelay $0x2  }
0xb8: {  	s31 =	sshll.u32 s1, $0xD;
	s1 =	sshrl.u32 s1, $0x2  }
0xb9: {  	s3 =	sand.u32 $0x4000, s31;
	s1 =	sadd.s32 s1, s30  }
0xba: {  	s0 =	sor.u32 s3, s0;
	s1 =	sshll.u32 s1, $0x11  }
0xbb: {  	s0 =	sor.u32 s1, s0  }
0xbc: {  	s0 =	sadd.s32 $0x8F2B, s0  }
0xbd: {  	[sflag:s0] =	ssyncadd.remote.s32 $0x1  }
0xbe: {  	_ =	sfence.sel $0xFFFF  }
0xbf: {  	[dreg:$0x0] =	wrdreg $0xFFFFFFFF;
	(pc) =	sbr.abs _section_cstart, $3  }
0xc0: {  	[dreg:$0x1] =	wrdreg $0xFFFFFFFF  }
0xc1: {  	_ =	task.clear_ibuf [dreg:s6], $0x2FFFF;
	_ =	strace $0x9FFFFFFF  }
0xc2: {  	(tm) =	ssettm $0x7FFFFFFF  }
0xc3: {  	_ =	shalt  }
tec
execute0_lowered:
.L_overlay_start_1:
0x0: {  	(tag) =	ssettag $0x1  }
0x1: {  	s0 =	srdreg.scid;
	s1 =	rddreg [dreg:$0x0]  }
0x2: {  	s16 =	stileid.u32;
	s2 =	rddreg [dreg:$0x1];
	s25 =	simm.s32 $0xD000  }
0x3: {  	s28 =	simm.s32 $0x1;
	s29 =	simm.s32 $0xF000;
	s30 =	simm.s32 $0x2  }
0x4: {  	s31 =	simm.s32 $0x3;
	s0 =	sand.u32 $0x1, s0;
	s8 =	smul.u32 $0x280, s16  }
0x5: {  	s7 =	smul.u32 $0x28000, s16;
	s3 =	sshll.u32 s0, $0x4;
	s26 =	ssub.s32 $0x2, s0  }
0x6: {  	s0 =	smul.u32 $0x140000, s0;
	s4 =	sor.u32 s16, s3;
	s3 =	simm.s32 $0x0  }
0x7: {  	s6 =	sshrl.u32 s26, $0x1;
	s12 =	sadd.s32 $0x80, s8;
	s16 =	smul.u32 $0x14000, s16  }
0x8: {  	s13 =	sadd.s32 $0x100, s8;
	s9 =	sshrl.u32 s7, $0x2;
	s5 =	smul.u32 $0x2800, s4  }
0x9: {  	[smem:$0x7FF] =	sst s3;
	s4 =	sadd.s32 $0x16000, s1;
	s11 =	ssub.s32 s26, s6  }
0xa: {  	s14 =	sshll.u32 s12, $0x6;
	s15 =	sshll.u32 s13, $0x6;
	s12 =	sshll.u32 s12, $0x7  }
0xb: {  	s20 =	sshll.u32 s13, $0x7;
	s26 =	simm.s32 $0x11000;
	_ =	strace $0x8000004A  }
0xc: {  	s6 =	sadd.s32 s14, s2;
	s7 =	sadd.s32 s15, s2;
	s14 =	sadd.s32 $0x180, s8  }
0xd: {  	s15 =	sadd.s32 $0x200, s8;
	s16 =	sadd.s32 s16, s0;
	[dreg:$0x3] =	wrdreg s25  }
0xe: {  	s12 =	sadd.s32 s0, s12;
	s24 =	smax.u32 s11, $0x1;
	[dreg:$0x4] =	wrdreg s26  }
0xf: {  	s26 =	simm.s32 $0xB000;
	s5 =	sshrl.u32 s5, $0x3;
	s17 =	sshll.u32 s14, $0x6  }
0x10: {  	s18 =	sshrl.u32 s16, $0x3;
	s12 =	sshrl.u32 s12, $0x3;
	[dreg:$0x12] =	wrdreg s24  }
0x11: {  	s21 =	sshll.u32 s14, $0x7;
	s22 =	sshll.u32 s15, $0x7;
	[dreg:$0x7] =	wrdreg s6  }
0x12: {  	s24 =	simm.s32 $0x9000;
	[dreg:$0x8] =	wrdreg s7;
	s10 =	sadd.s32 s5, s1  }
0x13: {  	s1 =	sadd.s32 $0x29A00, s1;
	s5 =	sadd.s32 s9, s2;
	s9 =	sshll.u32 s15, $0x6  }
0x14: {  	s8 =	sadd.s32 s17, s2;
	s9 =	sadd.s32 s9, s2;
	[dreg:$0x6] =	wrdreg s5  }
0x15: {  	s17 =	sadd.s32 $0x2000, s10;
	s10 =	sadd.s32 $0xC000, s10;
	[dreg:$0x9] =	wrdreg s8  }
0x16: {  	s19 =	sadd.s32 s1, s12;
	s12 =	sadd.s32 s0, s21;
	[dreg:$0xb] =	wrdreg s17  }
0x17: {  	s21 =	simm.s32 $0x80;
	[dreg:$0xc] =	wrdreg s10;
	s10 =	sadd.s32 s1, s18  }
0x18: {  	[dreg:$0xe] =	wrdreg s19;
	s23 =	sshrl.u32 s12, $0x3;
	s18 =	simm.s32 $0x5000  }
0x19: {  	s19 =	simm.s32 $0x11;
	[dreg:$0xd] =	wrdreg s10;
	s10 =	sadd.s32 s0, s20  }
0x1a: {  	[dreg:$0xa] =	wrdreg s9;
	s0 =	sadd.s32 s0, s22;
	s10 =	sshrl.u32 s10, $0x3  }
0x1b: {  	s22 =	simm.s32 $0x7000;
	s0 =	sshrl.u32 s0, $0x3;
	s10 =	sadd.s32 s1, s10  }
0x1c: {  	s20 =	simm.s32 $0x6;
	s0 =	sadd.s32 s1, s0;
	[dreg:$0xf] =	wrdreg s10  }
0x1d: {  	s10 =	sadd.s32 s1, s23;
	[dreg:$0x11] =	wrdreg s0;
	s1 =	simm.s32 $0x13000  }
0x1e: {  	v0 =	vimm.f32 $0.0e+00;
	s0 =	simm.s32 $0x4;
	s23 =	simm.s32 $0x8;
	[dreg:$0x10] =	wrdreg s10  }
.LBB2_1:
0x1f: {  	s11 =	simm.s32 $0x100;
	s10 =	simm.s32 $0x0  }
.LBB2_2:
0x20: {  	p0 =	sne.s32 s11, $0x7F00;
	[tilespmem:s10+$0x5030] =	vst v0;
	s12 =	smov.u32 s11;
	s11 =	sadd.s32 $0x100, s11  }
.Ltmp0:
0x21: {  	[tilespmem:s10+$0x5020] =	vst v0;
	(pc) =	sbr.rel @p0 .LBB2_2-.Ltmp0, $3  }
0x22: {  	[tilespmem:s10+$0x5000] =	vst v0  }
0x23: {  	[tilespmem:s10+$0x5010] =	vst v0;
	_ =	sdelay $0x1  }
0x24: {  	s10 =	sshra.s32 s12, $0x2  }
0x25: {  	[tilespmem:s10+$0x5030] =	vst v0  }
0x26: {  	[tilespmem:s10+$0x5020] =	vst v0  }
0x27: {  	[tilespmem:s10+$0x5000] =	vst v0  }
0x28: {  	[dreg:$0x5] =	wrdreg s3;
	[tilespmem:s10+$0x5010] =	vst v0  }
0x29: {  	[spmem:s5] =	stream.linear.scatter [tilespmem:s18], [sflag:$0x11], $0x2000, $0x38;
	[tilespmem:$0x1F000] =	vst v63  }
0x2a: {  	_ =	swait.ge [sflag:s19], $0x2000  }
0x2b: {  	[sflag:s19] =	ssyncset.done $0x0  }
0x2c: {  	[sflag:s19] =	ssyncadd.s32 $0xFFFFE000  }
0x2d: {  	[spmem:s6] =	stream.linear.scatter [tilespmem:s18], [sflag:$0x11], $0x2000, $0x38;
	[tilespmem:$0x1F000] =	vst v63  }
0x2e: {  	_ =	swait.ge [sflag:s19], $0x2000  }
0x2f: {  	[sflag:s19] =	ssyncset.done $0x0  }
0x30: {  	[sflag:s19] =	ssyncadd.s32 $0xFFFFE000  }
0x31: {  	[spmem:s7] =	stream.linear.scatter [tilespmem:s18], [sflag:$0x11], $0x2000, $0x38;
	[tilespmem:$0x1F000] =	vst v63  }
0x32: {  	_ =	swait.ge [sflag:s19], $0x2000  }
0x33: {  	[sflag:s19] =	ssyncset.done $0x0  }
0x34: {  	[sflag:s19] =	ssyncadd.s32 $0xFFFFE000  }
0x35: {  	[spmem:s8] =	stream.linear.scatter [tilespmem:s18], [sflag:$0x11], $0x2000, $0x38;
	[tilespmem:$0x1F000] =	vst v63  }
0x36: {  	_ =	swait.ge [sflag:s19], $0x2000  }
0x37: {  	[sflag:s19] =	ssyncset.done $0x0  }
0x38: {  	[sflag:s19] =	ssyncadd.s32 $0xFFFFE000  }
0x39: {  	[spmem:s9] =	stream.linear.scatter [tilespmem:s18], [sflag:$0x11], $0x2000, $0x38;
	[tilespmem:$0x1F000] =	vst v63  }
0x3a: {  	_ =	swait.ge [sflag:s19], $0x2000  }
0x3b: {  	[sflag:s19] =	ssyncset.done $0x0  }
0x3c: {  	[sflag:s19] =	ssyncadd.s32 $0xFFFFE000  }
0x3d: {  	[bflag:$0x0] =	sbarrier.arrive $0xFFFF  }
0x3e: {  	s15 =	simm.s32 $0x0;
	s16 =	rddreg [dreg:$0xb]  }
0x3f: {  	[tilespmem:s15], [sflag:$0x11] =	stream.linear.gather [hbm4b:s16+s15], $0x2800, $0x38;
	[tilespmem:$0x1F000] =	vst v63  }
0x40: {  	_ =	swait.ge [sflag:s19], $0x2800  }
0x41: {  	[sflag:s19] =	ssyncset.done $0x0  }
0x42: {  	s25 =	simm.s32 $0x2800;
	s17 =	rddreg [dreg:$0xc];
	[sflag:s19] =	ssyncadd.s32 $0xFFFFD800  }
0x43: {  	[tilespmem:s25], [sflag:$0x11] =	stream.linear.gather [hbm4b:s17+s15], $0x2800, $0x38;
	[tilespmem:$0x1F000] =	vst v63  }
0x44: {  	_ =	swait.ge [sflag:s19], $0x2800  }
0x45: {  	[sflag:s19] =	ssyncset.done $0x0  }
0x46: {  	[sflag:s19] =	ssyncadd.s32 $0xFFFFD800  }
0x47: {  	[tilespmem:s18], [sflag:$0x1] =	stream.indirect.gather [hbm4b:s4+s21], $0x40, s15, s21, $0xb8;
	[tilespmem:$0x1F000] =	vst v63  }
0x48: {  	_ = 	snop  }
0x49: {  	[tilespmem:s22], [sflag:$0x2] =	stream.indirect.gather [hbm4b:s4+s21], $0x40, s21, s21, $0xb8;
	[tilespmem:$0x1F000] =	vst v63  }
0x4a: {  	p0 =	por $0x1, $0x1;
	s5 =	simm.s32 $0x100  }
0x4b: {  	[tilespmem:s24], [sflag:$0x3] =	stream.indirect.gather [hbm4b:s4+s21], $0x40, s5, s21, $0xb8;
	[tilespmem:$0x1F000] =	vst v63  }
0x4c: {  	s10 =	simm.s32 @!p0 $0xD;
	s6 =	simm.s32 $0x180  }
0x4d: {  	[tilespmem:s26], [sflag:$0x4] =	stream.indirect.gather [hbm4b:s4+s21], $0x40, s6, s21, $0xb8;
	[tilespmem:$0x1F000] =	vst v63  }
0x4e: {  	_ =	swait.ge @!p0 [sflag:s10], $0x2000  }
0x4f: {  	[sflag:s10] =	ssyncset.done @!p0 $0x0  }
0x50: {  	s7 =	simm.s32 $0x200;
	s11 =	rddreg [dreg:$0x3];
	[sflag:s10] =	ssyncadd.s32 @!p0 $0xFFFFE000  }
0x51: {  	[tilespmem:s11], [sflag:$0x5] =	stream.indirect.gather [hbm4b:s4+s21], $0x40, s7, s21, $0xb8;
	[tilespmem:$0x1F000] =	vst v63  }
0x52: {  	_ =	swait.ge [sflag:s28], $0x2000  }
0x53: {  	[sflag:s28] =	ssyncset.done $0x0  }
0x54: {  	s8 =	simm.s32 $0x2800;
	s11 =	simm.s32 @!p0 $0xE;
	[sflag:s28] =	ssyncadd.s32 $0xFFFFE000  }
0x55: {  	[spmem:s2] =	stream.indirect.scatter.add.f32 [tilespmem:s18], [sflag:$0x9], $0x40, s8, s21, $0xb8;
	[tilespmem:$0x1F000] =	vst v63  }
0x56: {  	_ =	swait.ge @!p0 [sflag:s11], $0x2000  }
0x57: {  	[sflag:s11] =	ssyncset.done @!p0 $0x0  }
0x58: {  	s9 =	simm.s32 $0x280;
	[sflag:s11] =	ssyncadd.s32 @!p0 $0xFFFFE000  }
0x59: {  	[tilespmem:s29], [sflag:$0x6] =	stream.indirect.gather [hbm4b:s4+s21], $0x40, s9, s21, $0xb8;
	[tilespmem:$0x1F000] =	vst v63  }
0x5a: {  	_ =	swait.ge [sflag:s30], $0x2000  }
0x5b: {  	[sflag:s30] =	ssyncset.done $0x0  }
0x5c: {  	s12 =	simm.s32 $0x2880;
	s11 =	simm.s32 @!p0 $0xF;
	[sflag:s30] =	ssyncadd.s32 $0xFFFFE000  }
0x5d: {  	[spmem:s2] =	stream.indirect.scatter.add.f32 [tilespmem:s22], [sflag:$0xA], $0x40, s12, s21, $0xb8;
	[tilespmem:$0x1F000] =	vst v63  }
0x5e: {  	_ =	swait.ge @!p0 [sflag:s11], $0x2000  }
0x5f: {  	[sflag:s11] =	ssyncset.done @!p0 $0x0  }
0x60: {  	s14 =	simm.s32 $0x300;
	s13 =	rddreg [dreg:$0x4];
	[sflag:s11] =	ssyncadd.s32 @!p0 $0xFFFFE000  }
0x61: {  	[tilespmem:s13], [sflag:$0x7] =	stream.indirect.gather [hbm4b:s4+s21], $0x40, s14, s21, $0xb8;
	[tilespmem:$0x1F000] =	vst v63  }
0x62: {  	_ =	swait.ge [sflag:s31], $0x2000  }
0x63: {  	[sflag:s31] =	ssyncset.done $0x0  }
0x64: {  	s15 =	simm.s32 $0x2900;
	s11 =	simm.s32 @!p0 $0x10;
	[sflag:s31] =	ssyncadd.s32 $0xFFFFE000  }
0x65: {  	[spmem:s2] =	stream.indirect.scatter.add.f32 [tilespmem:s24], [sflag:$0xB], $0x40, s15, s21, $0xb8;
	[tilespmem:$0x1F000] =	vst v63  }
0x66: {  	_ =	swait.ge @!p0 [sflag:s11], $0x2000  }
0x67: {  	[sflag:s11] =	ssyncset.done @!p0 $0x0  }
0x68: {  	s16 =	simm.s32 $0x380;
	[sflag:s11] =	ssyncadd.s32 @!p0 $0xFFFFE000  }
0x69: {  	[tilespmem:s1], [sflag:$0x8] =	stream.indirect.gather [hbm4b:s4+s21], $0x40, s16, s21, $0xb8;
	[tilespmem:$0x1F000] =	vst v63  }
0x6a: {  	_ =	swait.ge [sflag:s0], $0x2000  }
0x6b: {  	p0 =	por $0x0, $0x0;
	[sflag:s0] =	ssyncset.done $0x0  }
0x6c: {  	s17 =	simm.s32 $0x2980;
	s11 =	simm.s32 @p0 $0x5;
	[sflag:s0] =	ssyncadd.s32 $0xFFFFE000  }
0x6d: {  	[spmem:s2] =	stream.indirect.scatter.add.f32 [tilespmem:s26], [sflag:$0xC], $0x40, s17, s21, $0xb8;
	[tilespmem:$0x1F000] =	vst v63  }
0x6e: {  	_ =	swait.ge @p0 [sflag:s11], $0x2000  }
0x6f: {  	s10 =	simm.s32 @p0 $0x2A00;
	s12 =	simm.s32 @p0 $0x80;
	[sflag:s11] =	ssyncset.done @p0 $0x0  }
0x70: {  	s13 =	simm.s32 @p0 $0xD000;
	[sflag:s11] =	ssyncadd.s32 @p0 $0xFFFFE000;
	s11 =	simm.s32 @!p0 $0x9  }
0x71: {  	[spmem:s2] =	stream.indirect.scatter.add.f32 @p0 [tilespmem:s13], [sflag:$0xD], $0x40, s10, s12, $0xb8;
	[tilespmem:$0x1F000] =	vst v63  }
0x72: {  	_ =	swait.ge @!p0 [sflag:s11], $0x2000  }
0x73: {  	s10 =	simm.s32 @!p0 $0x400;
	[sflag:s11] =	ssyncset.done @!p0 $0x0  }
0x74: {  	s13 =	simm.s32 @!p0 $0x80;
	[sflag:s11] =	ssyncadd.s32 @!p0 $0xFFFFE000;
	s11 =	simm.s32 @!p0 $0x5000  }
0x75: {  	[tilespmem:s11], [sflag:$0x1] =	stream.indirect.gather @!p0 [hbm4b:s4+s13], $0x40, s10, s13, $0xb8;
	[tilespmem:$0x1F000] =	vst v63  }
0x76: {  	s10 =	simm.s32 @!p0 $0x5  }
0x77: {  	_ =	swait.ge @!p0 [sflag:s10], $0x2000  }
0x78: {  	[sflag:s10] =	ssyncset.done @!p0 $0x0  }
0x79: {  	s11 =	simm.s32 @!p0 $0x2A00;
	[sflag:s10] =	ssyncadd.s32 @!p0 $0xFFFFE000;
	s10 =	simm.s32 @!p0 $0xD000  }
0x7a: {  	[spmem:s2] =	stream.indirect.scatter.add.f32 @!p0 [tilespmem:s10], [sflag:$0xD], $0x40, s11, s13, $0xb8;
	[tilespmem:$0x1F000] =	vst v63  }
0x7b: {  	s10 =	simm.s32 @!p0 $0xA  }
0x7c: {  	_ =	swait.ge @!p0 [sflag:s10], $0x2000  }
0x7d: {  	[sflag:s10] =	ssyncset.done @!p0 $0x0  }
0x7e: {  	s11 =	simm.s32 @!p0 $0x480;
	[sflag:s10] =	ssyncadd.s32 @!p0 $0xFFFFE000;
	s10 =	simm.s32 @!p0 $0x7000  }
0x7f: {  	[tilespmem:s10], [sflag:$0x2] =	stream.indirect.gather @!p0 [hbm4b:s4+s13], $0x40, s11, s13, $0xb8;
	[tilespmem:$0x1F000] =	vst v63  }
0x80: {  	_ =	swait.ge [sflag:s20], $0x2000  }
0x81: {  	[sflag:s20] =	ssyncset.done $0x0  }
0x82: {  	s25 =	simm.s32 $0x2A80;
	s11 =	simm.s32 @p0 $0x7;
	[sflag:s20] =	ssyncadd.s32 $0xFFFFE000  }
0x83: {  	[spmem:s2] =	stream.indirect.scatter.add.f32 [tilespmem:s29], [sflag:$0xE], $0x40, s25, s21, $0xb8;
	[tilespmem:$0x1F000] =	vst v63  }
0x84: {  	_ =	swait.ge @p0 [sflag:s11], $0x2000  }
0x85: {  	[sflag:s11] =	ssyncset.done @p0 $0x0  }
0x86: {  	s10 =	simm.s32 @p0 $0x2B00;
	[sflag:s11] =	ssyncadd.s32 @p0 $0xFFFFE000;
	s11 =	simm.s32 @p0 $0x11000  }
0x87: {  	[spmem:s2] =	stream.indirect.scatter.add.f32 @p0 [tilespmem:s11], [sflag:$0xF], $0x40, s10, s12, $0xb8;
	[tilespmem:$0x1F000] =	vst v63  }
0x88: {  	s10 =	simm.s32 @!p0 $0xB  }
0x89: {  	_ =	swait.ge @!p0 [sflag:s10], $0x2000  }
0x8a: {  	[sflag:s10] =	ssyncset.done @!p0 $0x0  }
0x8b: {  	s11 =	simm.s32 @!p0 $0x500;
	[sflag:s10] =	ssyncadd.s32 @!p0 $0xFFFFE000;
	s10 =	simm.s32 @!p0 $0x9000  }
0x8c: {  	[tilespmem:s10], [sflag:$0x3] =	stream.indirect.gather @!p0 [hbm4b:s4+s13], $0x40, s11, s13, $0xb8;
	[tilespmem:$0x1F000] =	vst v63  }
0x8d: {  	s10 =	simm.s32 @!p0 $0x7  }
0x8e: {  	_ =	swait.ge @!p0 [sflag:s10], $0x2000  }
0x8f: {  	[sflag:s10] =	ssyncset.done @!p0 $0x0  }
0x90: {  	s11 =	simm.s32 @!p0 $0x2B00;
	[sflag:s10] =	ssyncadd.s32 @!p0 $0xFFFFE000;
	s10 =	simm.s32 @!p0 $0x11000  }
0x91: {  	[spmem:s2] =	stream.indirect.scatter.add.f32 @!p0 [tilespmem:s10], [sflag:$0xF], $0x40, s11, s13, $0xb8;
	[tilespmem:$0x1F000] =	vst v63  }
0x92: {  	s10 =	simm.s32 @!p0 $0xC  }
0x93: {  	_ =	swait.ge @!p0 [sflag:s10], $0x2000  }
0x94: {  	p1 =	por $0x0, $0x0;
	s25 =	simm.s32 $0x1000;
	[sflag:s10] =	ssyncset.done @!p0 $0x0  }
0x95: {  	s11 =	simm.s32 @!p0 $0x580;
	[sflag:s10] =	ssyncadd.s32 @!p0 $0xFFFFE000;
	s10 =	simm.s32 @!p0 $0xB000  }
0x96: {  	[tilespmem:s10], [sflag:$0x4] =	stream.indirect.gather @!p0 [hbm4b:s4+s13], $0x40, s11, s13, $0xb8;
	[tilespmem:$0x1F000] =	vst v63  }
0x97: {  	s10 =	simm.s32 $0x2000;
	s11 =	simm.s32 $0x2B80;
	_ =	swait.ge [sflag:s23], $0x2000  }
.LBB2_4:
0x98: {  	[sflag:s23] =	ssyncset.done $0x0  }
0x99: {  	s14 =	simm.s32 @!p1 $0xD;
	[sflag:s23] =	ssyncadd.s32 $0xFFFFE000  }
0x9a: {  	[spmem:s2] =	stream.indirect.scatter.add.f32 [tilespmem:s1], [sflag:$0x10], $0x40, s11, s21, $0xb8;
	[tilespmem:$0x1F000] =	vst v63  }
0x9b: {  	_ =	swait.ge @!p1 [sflag:s14], $0x2000  }
0x9c: {  	s12 =	sshra.s32 s25, $0x2;
	[sflag:s14] =	ssyncset.done @!p1 $0x0  }
0x9d: {  	s16 =	sadd.s32 $0x200, s12;
	s15 =	rddreg [dreg:$0x3];
	[sflag:s14] =	ssyncadd.s32 @!p1 $0xFFFFE000  }
0x9e: {  	[tilespmem:s15], [sflag:$0x5] =	stream.indirect.gather [hbm4b:s4+s21], $0x40, s16, s21, $0xb8;
	[tilespmem:$0x1F000] =	vst v63  }
0x9f: {  	_ =	swait.ge [sflag:s28], $0x2000  }
0xa0: {  	[sflag:s28] =	ssyncset.done $0x0  }
0xa1: {  	s17 =	sadd.s32 $0x2800, s12;
	s15 =	simm.s32 @!p1 $0xE;
	[sflag:s28] =	ssyncadd.s32 $0xFFFFE000  }
0xa2: {  	[spmem:s2] =	stream.indirect.scatter.add.f32 [tilespmem:s18], [sflag:$0x9], $0x40, s17, s21, $0xb8;
	[tilespmem:$0x1F000] =	vst v63  }
0xa3: {  	_ =	swait.ge @!p1 [sflag:s15], $0x2000  }
0xa4: {  	[sflag:s15] =	ssyncset.done @!p1 $0x0  }
0xa5: {  	s3 =	sadd.s32 $0x280, s12;
	[sflag:s15] =	ssyncadd.s32 @!p1 $0xFFFFE000  }
0xa6: {  	[tilespmem:s29], [sflag:$0x6] =	stream.indirect.gather [hbm4b:s4+s21], $0x40, s3, s21, $0xb8;
	[tilespmem:$0x1F000] =	vst v63  }
0xa7: {  	_ =	swait.ge [sflag:s30], $0x2000  }
0xa8: {  	[sflag:s30] =	ssyncset.done $0x0  }
0xa9: {  	s5 =	sadd.s32 $0x2880, s12;
	s15 =	simm.s32 @!p1 $0xF;
	[sflag:s30] =	ssyncadd.s32 $0xFFFFE000  }
0xaa: {  	[spmem:s2] =	stream.indirect.scatter.add.f32 [tilespmem:s22], [sflag:$0xA], $0x40, s5, s21, $0xb8;
	[tilespmem:$0x1F000] =	vst v63  }
0xab: {  	_ =	swait.ge @!p1 [sflag:s15], $0x2000  }
0xac: {  	[sflag:s15] =	ssyncset.done @!p1 $0x0  }
0xad: {  	s7 =	sadd.s32 $0x300, s12;
	s6 =	rddreg [dreg:$0x4];
	[sflag:s15] =	ssyncadd.s32 @!p1 $0xFFFFE000  }
0xae: {  	[tilespmem:s6], [sflag:$0x7] =	stream.indirect.gather [hbm4b:s4+s21], $0x40, s7, s21, $0xb8;
	[tilespmem:$0x1F000] =	vst v63  }
0xaf: {  	_ =	swait.ge [sflag:s31], $0x2000  }
0xb0: {  	[sflag:s31] =	ssyncset.done $0x0  }
0xb1: {  	s8 =	sadd.s32 $0x2900, s12;
	s15 =	simm.s32 @!p1 $0x10;
	[sflag:s31] =	ssyncadd.s32 $0xFFFFE000  }
0xb2: {  	[spmem:s2] =	stream.indirect.scatter.add.f32 [tilespmem:s24], [sflag:$0xB], $0x40, s8, s21, $0xb8;
	[tilespmem:$0x1F000] =	vst v63  }
0xb3: {  	_ =	swait.ge @!p1 [sflag:s15], $0x2000  }
0xb4: {  	[sflag:s15] =	ssyncset.done @!p1 $0x0  }
0xb5: {  	s9 =	sadd.s32 $0x380, s12;
	[sflag:s15] =	ssyncadd.s32 @!p1 $0xFFFFE000  }
0xb6: {  	[tilespmem:s1], [sflag:$0x8] =	stream.indirect.gather [hbm4b:s4+s21], $0x40, s9, s21, $0xb8;
	[tilespmem:$0x1F000] =	vst v63  }
0xb7: {  	_ =	swait.ge [sflag:s0], $0x2000  }
0xb8: {  	p1 =	seq.s32 s25, $0x9000;
	[sflag:s0] =	ssyncset.done $0x0  }
0xb9: {  	s15 =	sadd.s32 $0x2980, s12;
	s16 =	simm.s32 @p1 $0x5;
	[sflag:s0] =	ssyncadd.s32 $0xFFFFE000  }
0xba: {  	[spmem:s2] =	stream.indirect.scatter.add.f32 [tilespmem:s26], [sflag:$0xC], $0x40, s15, s21, $0xb8;
	[tilespmem:$0x1F000] =	vst v63  }
0xbb: {  	s5 =	sshra.s32 @p1 s25, $0x2;
	_ =	swait.ge @p1 [sflag:s16], $0x2000  }
0xbc: {  	s6 =	simm.s32 @p1 $0xD000;
	s14 =	sadd.s32 @p1 $0x2A00, s5;
	[sflag:s16] =	ssyncset.done @p1 $0x0  }
0xbd: {  	s15 =	simm.s32 @p1 $0x80;
	[sflag:s16] =	ssyncadd.s32 @p1 $0xFFFFE000;
	s16 =	simm.s32 @!p1 $0x9  }
0xbe: {  	[spmem:s2] =	stream.indirect.scatter.add.f32 @p1 [tilespmem:s6], [sflag:$0xD], $0x40, s14, s15, $0xb8;
	[tilespmem:$0x1F000] =	vst v63  }
0xbf: {  	s25 =	sshra.s32 @!p1 s25, $0x2;
	_ =	swait.ge @!p1 [sflag:s16], $0x2000  }
0xc0: {  	s9 =	simm.s32 @!p1 $0x5000;
	s17 =	simm.s32 @!p1 $0x5;
	[sflag:s16] =	ssyncset.done @!p1 $0x0  }
0xc1: {  	s7 =	sadd.s32 @!p1 $0x400, s25;
	s14 =	simm.s32 @!p1 $0x80;
	[sflag:s16] =	ssyncadd.s32 @!p1 $0xFFFFE000  }
0xc2: {  	[tilespmem:s9], [sflag:$0x1] =	stream.indirect.gather @!p1 [hbm4b:s4+s14], $0x40, s7, s14, $0xb8;
	[tilespmem:$0x1F000] =	vst v63  }
0xc3: {  	_ =	swait.ge @!p1 [sflag:s17], $0x2000  }
0xc4: {  	s3 =	simm.s32 @!p1 $0xD000;
	[sflag:s17] =	ssyncset.done @!p1 $0x0  }
0xc5: {  	s6 =	sadd.s32 @!p1 $0x2A00, s25;
	[sflag:s17] =	ssyncadd.s32 @!p1 $0xFFFFE000;
	s17 =	simm.s32 @!p1 $0xA  }
0xc6: {  	[spmem:s2] =	stream.indirect.scatter.add.f32 @!p1 [tilespmem:s3], [sflag:$0xD], $0x40, s6, s14, $0xb8;
	[tilespmem:$0x1F000] =	vst v63  }
0xc7: {  	_ =	swait.ge @!p1 [sflag:s17], $0x2000  }
0xc8: {  	[sflag:s17] =	ssyncset.done @!p1 $0x0  }
0xc9: {  	s8 =	sadd.s32 @!p1 $0x480, s25;
	s3 =	simm.s32 @!p1 $0x7000;
	[sflag:s17] =	ssyncadd.s32 @!p1 $0xFFFFE000  }
0xca: {  	[tilespmem:s3], [sflag:$0x2] =	stream.indirect.gather @!p1 [hbm4b:s4+s14], $0x40, s8, s14, $0xb8;
	[tilespmem:$0x1F000] =	vst v63  }
0xcb: {  	_ =	swait.ge [sflag:s20], $0x2000  }
0xcc: {  	[sflag:s20] =	ssyncset.done $0x0  }
0xcd: {  	s6 =	simm.s32 @p1 $0x7;
	s17 =	sadd.s32 $0x2A80, s12;
	[sflag:s20] =	ssyncadd.s32 $0xFFFFE000  }
0xce: {  	[spmem:s2] =	stream.indirect.scatter.add.f32 [tilespmem:s29], [sflag:$0xE], $0x40, s17, s21, $0xb8;
	[tilespmem:$0x1F000] =	vst v63  }
0xcf: {  	_ =	swait.ge @p1 [sflag:s6], $0x2000  }
0xd0: {  	s5 =	sadd.s32 @p1 $0x2B00, s5;
	[sflag:s6] =	ssyncset.done @p1 $0x0  }
0xd1: {  	s3 =	simm.s32 @p1 $0x11000;
	[sflag:s6] =	ssyncadd.s32 @p1 $0xFFFFE000;
	s6 =	simm.s32 @!p1 $0xB  }
0xd2: {  	[spmem:s2] =	stream.indirect.scatter.add.f32 @p1 [tilespmem:s3], [sflag:$0xF], $0x40, s5, s15, $0xb8;
	[tilespmem:$0x1F000] =	vst v63  }
0xd3: {  	_ =	swait.ge @!p1 [sflag:s6], $0x2000  }
0xd4: {  	s7 =	sadd.s32 @!p1 $0x500, s25;
	[sflag:s6] =	ssyncset.done @!p1 $0x0  }
0xd5: {  	s3 =	simm.s32 @!p1 $0x9000;
	s5 =	simm.s32 @!p1 $0x7;
	[sflag:s6] =	ssyncadd.s32 @!p1 $0xFFFFE000  }
0xd6: {  	[tilespmem:s3], [sflag:$0x3] =	stream.indirect.gather @!p1 [hbm4b:s4+s14], $0x40, s7, s14, $0xb8;
	[tilespmem:$0x1F000] =	vst v63  }
0xd7: {  	s13 =	smov.u32 s10;
	s10 =	sadd.s32 $0x1000, s10;
	_ =	swait.ge @!p1 [sflag:s5], $0x2000  }
0xd8: {  	p0 =	sne.s32 s10, $0xA000;
	s9 =	sadd.s32 @!p1 $0x2B00, s25;
	[sflag:s5] =	ssyncset.done @!p1 $0x0  }
0xd9: {  	s3 =	simm.s32 @!p1 $0x11000;
	[sflag:s5] =	ssyncadd.s32 @!p1 $0xFFFFE000;
	s5 =	simm.s32 @!p1 $0xC  }
0xda: {  	[spmem:s2] =	stream.indirect.scatter.add.f32 @!p1 [tilespmem:s3], [sflag:$0xF], $0x40, s9, s14, $0xb8;
	[tilespmem:$0x1F000] =	vst v63  }
.Ltmp1:
0xdb: {  	_ =	swait.ge @!p1 [sflag:s5], $0x2000;
	(pc) =	sbr.rel @p0 .LBB2_4-.Ltmp1, $4  }
0xdc: {  	s16 =	sadd.s32 @!p1 $0x580, s25;
	[sflag:s5] =	ssyncset.done @!p1 $0x0  }
0xdd: {  	s25 =	smov.u32 s13;
	s3 =	simm.s32 @!p1 $0xB000;
	[sflag:s5] =	ssyncadd.s32 @!p1 $0xFFFFE000  }
0xde: {  	[tilespmem:s3], [sflag:$0x4] =	stream.indirect.gather @!p1 [hbm4b:s4+s14], $0x40, s16, s14, $0xb8;
	[tilespmem:$0x1F000] =	vst v63  }
0xdf: {  	s11 =	sadd.s32 $0x2B80, s12;
	p1 =	seq.s32 s25, $0x0;
	_ =	swait.ge [sflag:s23], $0x2000  }
0xe0: {  	[sflag:s23] =	ssyncset.done $0x0  }
0xe1: {  	s3 =	simm.s32 @!p1 $0xD;
	[sflag:s23] =	ssyncadd.s32 $0xFFFFE000  }
0xe2: {  	[spmem:s2] =	stream.indirect.scatter.add.f32 [tilespmem:s1], [sflag:$0x10], $0x40, s11, s21, $0xb8;
	[tilespmem:$0x1F000] =	vst v63  }
0xe3: {  	_ =	swait.ge @!p1 [sflag:s3], $0x2000  }
0xe4: {  	s10 =	sshra.s32 s25, $0x2;
	[sflag:s3] =	ssyncset.done @!p1 $0x0  }
0xe5: {  	s17 =	sadd.s32 $0x200, s10;
	s5 =	rddreg [dreg:$0x3];
	[sflag:s3] =	ssyncadd.s32 @!p1 $0xFFFFE000  }
0xe6: {  	[tilespmem:s5], [sflag:$0x5] =	stream.indirect.gather [hbm4b:s4+s21], $0x40, s17, s21, $0xb8;
	[tilespmem:$0x1F000] =	vst v63  }
0xe7: {  	_ =	swait.ge [sflag:s28], $0x2000  }
0xe8: {  	[sflag:s28] =	ssyncset.done $0x0  }
0xe9: {  	s6 =	sadd.s32 $0x2800, s10;
	s5 =	simm.s32 @!p1 $0xE;
	[sflag:s28] =	ssyncadd.s32 $0xFFFFE000  }
0xea: {  	[spmem:s2] =	stream.indirect.scatter.add.f32 [tilespmem:s18], [sflag:$0x9], $0x40, s6, s21, $0xb8;
	[tilespmem:$0x1F000] =	vst v63  }
0xeb: {  	_ =	swait.ge @!p1 [sflag:s5], $0x2000  }
0xec: {  	[sflag:s5] =	ssyncset.done @!p1 $0x0  }
0xed: {  	s7 =	sadd.s32 $0x280, s10;
	[sflag:s5] =	ssyncadd.s32 @!p1 $0xFFFFE000  }
0xee: {  	[tilespmem:s29], [sflag:$0x6] =	stream.indirect.gather [hbm4b:s4+s21], $0x40, s7, s21, $0xb8;
	[tilespmem:$0x1F000] =	vst v63  }
0xef: {  	_ =	swait.ge [sflag:s30], $0x2000  }
0xf0: {  	[sflag:s30] =	ssyncset.done $0x0  }
0xf1: {  	s8 =	sadd.s32 $0x2880, s10;
	s5 =	simm.s32 @!p1 $0xF;
	[sflag:s30] =	ssyncadd.s32 $0xFFFFE000  }
0xf2: {  	[spmem:s2] =	stream.indirect.scatter.add.f32 [tilespmem:s22], [sflag:$0xA], $0x40, s8, s21, $0xb8;
	[tilespmem:$0x1F000] =	vst v63  }
0xf3: {  	_ =	swait.ge @!p1 [sflag:s5], $0x2000  }
0xf4: {  	[sflag:s5] =	ssyncset.done @!p1 $0x0  }
0xf5: {  	s11 =	sadd.s32 $0x300, s10;
	s9 =	rddreg [dreg:$0x4];
	[sflag:s5] =	ssyncadd.s32 @!p1 $0xFFFFE000  }
0xf6: {  	[tilespmem:s9], [sflag:$0x7] =	stream.indirect.gather [hbm4b:s4+s21], $0x40, s11, s21, $0xb8;
	[tilespmem:$0x1F000] =	vst v63  }
0xf7: {  	_ =	swait.ge [sflag:s31], $0x2000  }
0xf8: {  	[sflag:s31] =	ssyncset.done $0x0  }
0xf9: {  	s12 =	sadd.s32 $0x2900, s10;
	s5 =	simm.s32 @!p1 $0x10;
	[sflag:s31] =	ssyncadd.s32 $0xFFFFE000  }
0xfa: {  	[spmem:s2] =	stream.indirect.scatter.add.f32 [tilespmem:s24], [sflag:$0xB], $0x40, s12, s21, $0xb8;
	[tilespmem:$0x1F000] =	vst v63  }
0xfb: {  	_ =	swait.ge @!p1 [sflag:s5], $0x2000  }
0xfc: {  	[sflag:s5] =	ssyncset.done @!p1 $0x0  }
0xfd: {  	s13 =	sadd.s32 $0x380, s10;
	[sflag:s5] =	ssyncadd.s32 @!p1 $0xFFFFE000  }
0xfe: {  	[tilespmem:s1], [sflag:$0x8] =	stream.indirect.gather [hbm4b:s4+s21], $0x40, s13, s21, $0xb8;
	[tilespmem:$0x1F000] =	vst v63  }
0xff: {  	_ =	swait.ge [sflag:s0], $0x2000  }
0x100: {  	p0 =	seq.s32 s25, $0x9000;
	[sflag:s0] =	ssyncset.done $0x0  }
0x101: {  	s14 =	sadd.s32 $0x2980, s10;
	s5 =	simm.s32 @p0 $0x5;
	[sflag:s0] =	ssyncadd.s32 $0xFFFFE000  }
0x102: {  	[spmem:s2] =	stream.indirect.scatter.add.f32 [tilespmem:s26], [sflag:$0xC], $0x40, s14, s21, $0xb8;
	[tilespmem:$0x1F000] =	vst v63  }
0x103: {  	s3 =	sshra.s32 @p0 s25, $0x2;
	_ =	swait.ge @p0 [sflag:s5], $0x2000  }
0x104: {  	s6 =	sadd.s32 @p0 $0x2A00, s3;
	s7 =	simm.s32 @p0 $0x80;
	[sflag:s5] =	ssyncset.done @p0 $0x0  }
0x105: {  	s8 =	simm.s32 @p0 $0xD000;
	[sflag:s5] =	ssyncadd.s32 @p0 $0xFFFFE000;
	s5 =	simm.s32 @!p0 $0x9  }
0x106: {  	[spmem:s2] =	stream.indirect.scatter.add.f32 @p0 [tilespmem:s8], [sflag:$0xD], $0x40, s6, s7, $0xb8;
	[tilespmem:$0x1F000] =	vst v63  }
0x107: {  	_ =	swait.ge @!p0 [sflag:s5], $0x2000  }
0x108: {  	s9 =	simm.s32 @!p0 $0x80;
	s6 =	sshra.s32 @!p0 s25, $0x2;
	[sflag:s5] =	ssyncset.done @!p0 $0x0  }
0x109: {  	s8 =	sadd.s32 @!p0 $0x400, s6;
	[sflag:s5] =	ssyncadd.s32 @!p0 $0xFFFFE000;
	s5 =	simm.s32 @!p0 $0x5000  }
0x10a: {  	[tilespmem:s5], [sflag:$0x1] =	stream.indirect.gather @!p0 [hbm4b:s4+s9], $0x40, s8, s9, $0xb8;
	[tilespmem:$0x1F000] =	vst v63  }
0x10b: {  	s5 =	simm.s32 @!p0 $0x5  }
0x10c: {  	_ =	swait.ge @!p0 [sflag:s5], $0x2000  }
0x10d: {  	[sflag:s5] =	ssyncset.done @!p0 $0x0  }
0x10e: {  	s8 =	sadd.s32 @!p0 $0x2A00, s6;
	[sflag:s5] =	ssyncadd.s32 @!p0 $0xFFFFE000;
	s5 =	simm.s32 @!p0 $0xD000  }
0x10f: {  	[spmem:s2] =	stream.indirect.scatter.add.f32 @!p0 [tilespmem:s5], [sflag:$0xD], $0x40, s8, s9, $0xb8;
	[tilespmem:$0x1F000] =	vst v63  }
0x110: {  	s5 =	simm.s32 @!p0 $0xA  }
0x111: {  	_ =	swait.ge @!p0 [sflag:s5], $0x2000  }
0x112: {  	[sflag:s5] =	ssyncset.done @!p0 $0x0  }
0x113: {  	s8 =	sadd.s32 @!p0 $0x480, s6;
	[sflag:s5] =	ssyncadd.s32 @!p0 $0xFFFFE000;
	s5 =	simm.s32 @!p0 $0x7000  }
0x114: {  	[tilespmem:s5], [sflag:$0x2] =	stream.indirect.gather @!p0 [hbm4b:s4+s9], $0x40, s8, s9, $0xb8;
	[tilespmem:$0x1F000] =	vst v63  }
0x115: {  	_ =	swait.ge [sflag:s20], $0x2000  }
0x116: {  	[sflag:s20] =	ssyncset.done $0x0  }
0x117: {  	s15 =	sadd.s32 $0x2A80, s10;
	s5 =	simm.s32 @p0 $0x7;
	[sflag:s20] =	ssyncadd.s32 $0xFFFFE000  }
0x118: {  	[spmem:s2] =	stream.indirect.scatter.add.f32 [tilespmem:s29], [sflag:$0xE], $0x40, s15, s21, $0xb8;
	[tilespmem:$0x1F000] =	vst v63  }
0x119: {  	_ =	swait.ge @p0 [sflag:s5], $0x2000  }
0x11a: {  	[sflag:s5] =	ssyncset.done @p0 $0x0  }
0x11b: {  	s3 =	sadd.s32 @p0 $0x2B00, s3;
	[sflag:s5] =	ssyncadd.s32 @p0 $0xFFFFE000;
	s5 =	simm.s32 @p0 $0x11000  }
0x11c: {  	[spmem:s2] =	stream.indirect.scatter.add.f32 @p0 [tilespmem:s5], [sflag:$0xF], $0x40, s3, s7, $0xb8;
	[tilespmem:$0x1F000] =	vst v63  }
0x11d: {  	s3 =	simm.s32 @!p0 $0xB  }
0x11e: {  	_ =	swait.ge @!p0 [sflag:s3], $0x2000  }
0x11f: {  	[sflag:s3] =	ssyncset.done @!p0 $0x0  }
0x120: {  	s5 =	sadd.s32 @!p0 $0x500, s6;
	[sflag:s3] =	ssyncadd.s32 @!p0 $0xFFFFE000;
	s3 =	simm.s32 @!p0 $0x9000  }
0x121: {  	[tilespmem:s3], [sflag:$0x3] =	stream.indirect.gather @!p0 [hbm4b:s4+s9], $0x40, s5, s9, $0xb8;
	[tilespmem:$0x1F000] =	vst v63  }
0x122: {  	s3 =	simm.s32 @!p0 $0x7  }
0x123: {  	_ =	swait.ge @!p0 [sflag:s3], $0x2000  }
0x124: {  	[sflag:s3] =	ssyncset.done @!p0 $0x0  }
0x125: {  	s5 =	sadd.s32 @!p0 $0x2B00, s6;
	[sflag:s3] =	ssyncadd.s32 @!p0 $0xFFFFE000;
	s3 =	simm.s32 @!p0 $0x11000  }
0x126: {  	[spmem:s2] =	stream.indirect.scatter.add.f32 @!p0 [tilespmem:s3], [sflag:$0xF], $0x40, s5, s9, $0xb8;
	[tilespmem:$0x1F000] =	vst v63  }
0x127: {  	s3 =	simm.s32 @!p0 $0xC  }
0x128: {  	_ =	swait.ge @!p0 [sflag:s3], $0x2000  }
0x129: {  	[sflag:s3] =	ssyncset.done @!p0 $0x0  }
0x12a: {  	s5 =	sadd.s32 @!p0 $0x580, s6;
	[sflag:s3] =	ssyncadd.s32 @!p0 $0xFFFFE000;
	s3 =	simm.s32 @!p0 $0xB000  }
0x12b: {  	[tilespmem:s3], [sflag:$0x4] =	stream.indirect.gather @!p0 [hbm4b:s4+s9], $0x40, s5, s9, $0xb8;
	[tilespmem:$0x1F000] =	vst v63  }
0x12c: {  	_ =	swait.ge [sflag:s23], $0x2000  }
0x12d: {  	[sflag:s23] =	ssyncset.done $0x0  }
0x12e: {  	s16 =	sadd.s32 $0x2B80, s10;
	s17 =	simm.s32 $0x9;
	[sflag:s23] =	ssyncadd.s32 $0xFFFFE000  }
0x12f: {  	[spmem:s2] =	stream.indirect.scatter.add.f32 [tilespmem:s1], [sflag:$0x10], $0x40, s16, s21, $0xb8;
	[tilespmem:$0x1F000] =	vst v63  }
0x130: {  	_ =	swait.ge [sflag:s17], $0x2000  }
0x131: {  	[sflag:s17] =	ssyncset.done $0x0  }
0x132: {  	s25 =	simm.s32 $0xA;
	[sflag:s17] =	ssyncadd.s32 $0xFFFFE000  }
0x133: {  	_ =	swait.ge [sflag:s25], $0x2000  }
0x134: {  	[sflag:s25] =	ssyncset.done $0x0  }
0x135: {  	s5 =	simm.s32 $0xB;
	[sflag:s25] =	ssyncadd.s32 $0xFFFFE000  }
0x136: {  	_ =	swait.ge [sflag:s5], $0x2000  }
0x137: {  	[sflag:s5] =	ssyncset.done $0x0  }
0x138: {  	s6 =	simm.s32 $0xC;
	[sflag:s5] =	ssyncadd.s32 $0xFFFFE000  }
0x139: {  	_ =	swait.ge [sflag:s6], $0x2000  }
0x13a: {  	[sflag:s6] =	ssyncset.done $0x0  }
0x13b: {  	s7 =	simm.s32 $0xD;
	[sflag:s6] =	ssyncadd.s32 $0xFFFFE000  }
0x13c: {  	_ =	swait.ge [sflag:s7], $0x2000  }
0x13d: {  	[sflag:s7] =	ssyncset.done $0x0  }
0x13e: {  	s8 =	simm.s32 $0xE;
	[sflag:s7] =	ssyncadd.s32 $0xFFFFE000  }
0x13f: {  	_ =	swait.ge [sflag:s8], $0x2000  }
0x140: {  	[sflag:s8] =	ssyncset.done $0x0  }
0x141: {  	s9 =	simm.s32 $0xF;
	[sflag:s8] =	ssyncadd.s32 $0xFFFFE000  }
0x142: {  	_ =	swait.ge [sflag:s9], $0x2000  }
0x143: {  	[sflag:s9] =	ssyncset.done $0x0  }
0x144: {  	s10 =	simm.s32 $0x10;
	[sflag:s9] =	ssyncadd.s32 $0xFFFFE000  }
0x145: {  	_ =	swait.ge [sflag:s10], $0x2000  }
0x146: {  	[sflag:s10] =	ssyncset.done $0x0  }
0x147: {  	[sflag:s10] =	ssyncadd.s32 $0xFFFFE000  }
0x148: {  	[bflag:$0x0] =	sbarrier.arrive $0xFFFF  }
0x149: {  	s5 =	rddreg [dreg:$0x6]  }
0x14a: {  	[tilespmem:s18], [sflag:$0x11] =	stream.linear.gather [spmem:s5], $0x2000, $0x38;
	[tilespmem:$0x1F000] =	vst v63  }
0x14b: {  	_ =	swait.ge [sflag:s19], $0x2000  }
0x14c: {  	[sflag:s19] =	ssyncset.done $0x0  }
0x14d: {  	s12 =	simm.s32 $0x40;
	s11 =	rddreg [dreg:$0xd];
	[sflag:s19] =	ssyncadd.s32 $0xFFFFE000  }
0x14e: {  	[hbm4b:s11+s12] =	stream.strided.scatter [tilespmem:s18], [sflag:$0x11], $0x2000, s21, s12, $0x38;
	[tilespmem:$0x1F000] =	vst v63  }
0x14f: {  	_ =	swait.ge [sflag:s19], $0x2000  }
0x150: {  	[sflag:s19] =	ssyncset.done $0x0  }
0x151: {  	s6 =	rddreg [dreg:$0x7];
	[sflag:s19] =	ssyncadd.s32 $0xFFFFE000  }
0x152: {  	[tilespmem:s18], [sflag:$0x11] =	stream.linear.gather [spmem:s6], $0x2000, $0x38;
	[tilespmem:$0x1F000] =	vst v63  }
0x153: {  	_ =	swait.ge [sflag:s19], $0x2000  }
0x154: {  	[sflag:s19] =	ssyncset.done $0x0  }
0x155: {  	s13 =	rddreg [dreg:$0xe];
	[sflag:s19] =	ssyncadd.s32 $0xFFFFE000  }
0x156: {  	[hbm4b:s13+s12] =	stream.strided.scatter [tilespmem:s18], [sflag:$0x11], $0x2000, s21, s12, $0x38;
	[tilespmem:$0x1F000] =	vst v63  }
0x157: {  	_ =	swait.ge [sflag:s19], $0x2000  }
0x158: {  	[sflag:s19] =	ssyncset.done $0x0  }
0x159: {  	s7 =	rddreg [dreg:$0x8];
	[sflag:s19] =	ssyncadd.s32 $0xFFFFE000  }
0x15a: {  	[tilespmem:s18], [sflag:$0x11] =	stream.linear.gather [spmem:s7], $0x2000, $0x38;
	[tilespmem:$0x1F000] =	vst v63  }
0x15b: {  	_ =	swait.ge [sflag:s19], $0x2000  }
0x15c: {  	[sflag:s19] =	ssyncset.done $0x0  }
0x15d: {  	s14 =	rddreg [dreg:$0xf];
	[sflag:s19] =	ssyncadd.s32 $0xFFFFE000  }
0x15e: {  	[hbm4b:s14+s12] =	stream.strided.scatter [tilespmem:s18], [sflag:$0x11], $0x2000, s21, s12, $0x38;
	[tilespmem:$0x1F000] =	vst v63  }
0x15f: {  	_ =	swait.ge [sflag:s19], $0x2000  }
0x160: {  	[sflag:s19] =	ssyncset.done $0x0  }
0x161: {  	s8 =	rddreg [dreg:$0x9];
	[sflag:s19] =	ssyncadd.s32 $0xFFFFE000  }
0x162: {  	[tilespmem:s18], [sflag:$0x11] =	stream.linear.gather [spmem:s8], $0x2000, $0x38;
	[tilespmem:$0x1F000] =	vst v63  }
0x163: {  	_ =	swait.ge [sflag:s19], $0x2000  }
0x164: {  	[sflag:s19] =	ssyncset.done $0x0  }
0x165: {  	s15 =	rddreg [dreg:$0x10];
	[sflag:s19] =	ssyncadd.s32 $0xFFFFE000  }
0x166: {  	[hbm4b:s15+s12] =	stream.strided.scatter [tilespmem:s18], [sflag:$0x11], $0x2000, s21, s12, $0x38;
	[tilespmem:$0x1F000] =	vst v63  }
0x167: {  	_ =	swait.ge [sflag:s19], $0x2000  }
0x168: {  	[sflag:s19] =	ssyncset.done $0x0  }
0x169: {  	s9 =	rddreg [dreg:$0xa];
	[sflag:s19] =	ssyncadd.s32 $0xFFFFE000  }
0x16a: {  	[tilespmem:s18], [sflag:$0x11] =	stream.linear.gather [spmem:s9], $0x2000, $0x38;
	[tilespmem:$0x1F000] =	vst v63  }
0x16b: {  	_ =	swait.ge [sflag:s19], $0x2000  }
0x16c: {  	[sflag:s19] =	ssyncset.done $0x0  }
0x16d: {  	s16 =	rddreg [dreg:$0x11];
	[sflag:s19] =	ssyncadd.s32 $0xFFFFE000  }
0x16e: {  	[hbm4b:s16+s12] =	stream.strided.scatter [tilespmem:s18], [sflag:$0x11], $0x2000, s21, s12, $0x38;
	[tilespmem:$0x1F000] =	vst v63  }
0x16f: {  	_ =	swait.ge [sflag:s19], $0x2000  }
0x170: {  	s17 =	rddreg [dreg:$0x5]  }
0x171: {  	s25 =	rddreg [dreg:$0x12];
	s3 =	sadd.s32 $0x1, s17  }
0x172: {  	p0 =	sne.s32 s3, s25  }
.Ltmp2:
0x173: {  	_ = 	snop;
	(pc) =	sbr.rel @p0 .LBB2_1-.Ltmp2, $3  }
0x174: {  	_ =	sdelay $0x1  }
0x175: {  	[sflag:s19] =	ssyncset.done $0x0  }
0x176: {  	[sflag:s19] =	ssyncadd.s32 $0xFFFFE000  }
0x177: {  	_ =	sfence.sel $0x180000  }
0x178: {  	[bflag:$0x0] =	sbarrier.arrive $0xFFFF  }
0x179: {  	_ =	strace $0x9000004A  }
0x17a: {  	s0 =	stileid.u32;
	[bflag:$0x2] =	sbarrier.arrive $0xFFFF  }
0x17b: {  	p0 =	sne.s32 s0, $0x0;
	s0 =	rddreg [dreg:$0x2]  }
0x17c: {  	s0 =	sadd.s32 @!p0 $0x100000, s0  }
0x17d: {  	[sflag:s0] =	ssyncadd.tile.s32 @!p0 $0x1;
	_ =	shalt  }
.Lfunc_end2:
_tile_overlayer_lowered:
.L_overlay_start_2:
0x17e: {  	(tag) =	ssettag $0x2  }
0x17f: {  	s0 =	rddreg [dreg:$0x0];
	s2 =	stileid.u32  }
0x180: {  	s1 =	rddreg [dreg:$0x1];
	p0 =	sne.s32 s2, $0x0  }
0x181: {  	s3 =	rddreg [dreg:$0x2];
	[bflag:$0x3] =	sbarrier.arrive $0xFFFF;
	s2 =	simm.s32 @!p0 $0x1C11  }
0x182: {  	[timem:s3], [sflag:s2] =	dma.local @!p0 [hbm:s0], s1  }
0x183: {  	s0 =	simm.s32 @!p0 $0x11  }
0x184: {  	_ =	swait.ge @!p0 [sflag:s0], s1  }
0x185: {  	s1 =	ssub.s32 @!p0 $0x0, s1;
	[sflag:s0] =	ssyncset.done @!p0 $0x0  }
0x186: {  	[sflag:s0] =	ssyncadd.s32 @!p0 s1  }
0x187: {  	[bflag:$0x3] =	sbarrier.arrive $0xFFFF  }
0x188: {  	_ =	shalt  }

// kernel: kernel.14.cloned.1.call-start
scs
__scs_entry_jumppad:
0x0: {  	(pc) =	sbr.rel $0x88, $3  }
0x1: {  	(tag) =	ssettag $0x0;
	lr =	simm.s32 $0x1  }
0x2: {  	[smem:$0x3F9B] =	sst lr;
	_ =	strace $0xD0000000  }
0x3: {  	_ = 	snop  }
0x4: {  	_ = 	snop  }
0x5: {  	_ = 	snop  }
0x6: {  	_ = 	snop  }
0x7: {  	_ = 	snop  }
__scs_overlays_trampoline_lowered:
0x8: {  	[smem:$0x3FAA] =	sst s0  }
0x9: {  	[smem:$0x3FAB] =	sst s1  }
0xa: {  	[smem:$0x3FAC] =	sst s2  }
0xb: {  	[smem:$0x3FAD] =	sst s3  }
0xc: {  	[smem:$0x3FAE] =	sst s4  }
0xd: {  	[smem:$0x3FAF] =	sst s5  }
0xe: {  	[smem:$0x3FB0] =	sst s6  }
0xf: {  	[smem:$0x3FB1] =	sst s7  }
0x10: {  	[smem:$0x3FB2] =	sst s8  }
0x11: {  	[smem:$0x3FB3] =	sst s9;
	s0 =	simm.s32 @!p0 $0x0  }
0x12: {  	s1 =	sld [smem:$0x3F99];
	s0 =	simm.s32 @p0 $0x1  }
0x13: {  	[smem:$0x3FB4] =	sst s0;
	s0 =	simm.s32 @!p1 $0x0  }
0x14: {  	s2 =	sld [smem:$0x3F98];
	s0 =	simm.s32 @p1 $0x1  }
0x15: {  	[smem:$0x3FB5] =	sst s0;
	s0 =	simm.s32 @!p2 $0x0  }
0x16: {  	s3 =	sld [smem:$0x3FDB];
	s0 =	simm.s32 @p2 $0x1  }
0x17: {  	s4 =	simm.s32 $0x1BF5;
	[smem:$0x3FB7] =	sst s0  }
0x18: {  	s0 =	sld [smem:$0x3F9A];
	_ =	swait.ge [sflag:s4], $0x0  }
0x19: {  	s7 =	sld [smem:$0x3F9B]  }
0x1a: {  	s8 =	sadd.s32 $0xFFFFE003, lr  }
0x1b: {  	s9 =	sadd.s32 $0xFFFFFEF7, lr;
	s5 =	simm.s32 $0xFFFFFFFF;
	p2 =	slt.u32 s8, $0xFFFFF086  }
0x1c: {  	p1 =	slt.u32 s9, $0xF7A;
	s5 =	simm.s32 @!p2 $0x0  }
0x1d: {  	s5 =	simm.s32 @p1 $0x1;
	p0 =	seq.s32 s7, s2  }
0x1e: {  	s7 =	smul.u32 @!p0 $0xF7A, s2;
	p2 =	seq.s32 @!p0 s5, $0x0  }
0x1f: {  	s9 =	smul.u32 $0xF7A, s1;
	s8 =	simm.s32 @!p0 $0x1BF5;
	p2 =	por !p2, p0  }
0x20: {  	[sflag:s8] =	ssyncset.s32 @!p0 $0xFFFFF086;
	s6 =	sadd.s32 @!p0 s3, s7;
	s7 =	simm.s32 @!p0 $0x108  }
0x21: {  	s3 =	sadd.s32 s3, s9;
	s6 =	sadd.s32 @!p0 $0x88, s6;
	s7 =	simm.s32 @p2 $0x1082  }
0x22: {  	[simem:s7], [sflag:s8] =	dma.local @!p0 [hbm:s6], $0xF7A  }
0x23: {  	s9 =	sor.u32 $0xD0000000, s2;
	s6 =	simm.s32 $0x108;
	_ =	swait.ge @!p0 [sflag:s8], $0x0  }
0x24: {  	s3 =	sadd.s32 $0x88, s3;
	s6 =	simm.s32 @!p1 $0x1082;
	[sflag:s4] =	ssyncset.s32 $0xFFFFF086  }
0x25: {  	[simem:s6], [sflag:s4] =	dma.local [hbm:s3], $0xF7A  }
0x26: {  	[smem:$0x3F9B] =	sst s1;
	(tag) =	ssettag s2;
	_ =	strace s9  }
0x27: {  	s1 =	sld [smem:$0x3FAB]  }
0x28: {  	s2 =	sld [smem:$0x3FAC]  }
0x29: {  	s4 =	sld [smem:$0x3FAE]  }
0x2a: {  	p0 =	seq.s32 s5, $0x0;
	s5 =	sld [smem:$0x3FAF]  }
0x2b: {  	s6 =	sld [smem:$0x3FB0]  }
0x2c: {  	s7 =	sld [smem:$0x3FB1]  }
0x2d: {  	s3 =	simm.s32 $0x108;
	s8 =	sld [smem:$0x3FB2]  }
0x2e: {  	s3 =	simm.s32 @!p0 $0x1082;
	s9 =	sld [smem:$0x3FB3]  }
0x2f: {  	lr =	sadd.s32 s0, s3;
	s0 =	sld [smem:$0x3FAA]  }
0x30: {  	s3 =	sld [smem:$0x3FAD]  }
0x31: {  	[smem:$0x3FB6] =	sst s10  }
0x32: {  	s10 =	sld [smem:$0x3FB4];
	_ =	sdelay $0x3  }
0x33: {  	p0 =	seq.s32 s10, $0x1;
	s10 =	sld [smem:$0x3FB6];
	_ =	sdelay $0x3  }
0x34: {  	[smem:$0x3FB6] =	sst s10  }
0x35: {  	s10 =	sld [smem:$0x3FB5];
	_ =	sdelay $0x3  }
0x36: {  	p1 =	seq.s32 s10, $0x1;
	s10 =	sld [smem:$0x3FB6];
	_ =	sdelay $0x3  }
0x37: {  	[smem:$0x3FB6] =	sst s10  }
0x38: {  	s10 =	sld [smem:$0x3FB7]  }
0x39: {  	_ = 	snop;
	(pc) =	sbr.ind lr, $3  }
0x3a: {  	_ = 	snop  }
0x3b: {  	_ = 	snop  }
0x3c: {  	p2 =	seq.s32 s10, $0x1;
	s10 =	sld [smem:$0x3FB6]  }
0x3d: {  	_ =	shalt  }
0x3e: {  	_ =	shalt  }
0x3f: {  	_ =	shalt  }
0x40: {  	_ =	shalt  }
0x41: {  	_ =	shalt  }
0x42: {  	_ =	shalt  }
0x43: {  	_ =	shalt  }
0x44: {  	_ =	shalt  }
0x45: {  	_ =	shalt  }
0x46: {  	_ =	shalt  }
0x47: {  	_ =	shalt  }
0x48: {  	_ =	shalt  }
0x49: {  	_ =	shalt  }
0x4a: {  	_ =	shalt  }
0x4b: {  	_ =	shalt  }
0x4c: {  	_ =	shalt  }
0x4d: {  	_ =	shalt  }
0x4e: {  	_ =	shalt  }
0x4f: {  	_ =	shalt  }
0x50: {  	_ =	shalt  }
0x51: {  	_ =	shalt  }
0x52: {  	_ =	shalt  }
0x53: {  	_ =	shalt  }
0x54: {  	_ =	shalt  }
0x55: {  	_ =	shalt  }
0x56: {  	_ =	shalt  }
0x57: {  	_ =	shalt  }
0x58: {  	_ =	shalt  }
0x59: {  	_ =	shalt  }
0x5a: {  	_ =	shalt  }
0x5b: {  	_ =	shalt  }
0x5c: {  	_ =	shalt  }
0x5d: {  	_ =	shalt  }
0x5e: {  	_ =	shalt  }
0x5f: {  	_ =	shalt  }
0x60: {  	_ =	shalt  }
0x61: {  	_ =	shalt  }
0x62: {  	_ =	shalt  }
0x63: {  	_ =	shalt  }
0x64: {  	_ =	shalt  }
0x65: {  	_ =	shalt  }
0x66: {  	_ =	shalt  }
0x67: {  	_ =	shalt  }
0x68: {  	_ =	shalt  }
0x69: {  	_ =	shalt  }
0x6a: {  	_ =	shalt  }
0x6b: {  	_ =	shalt  }
0x6c: {  	_ =	shalt  }
0x6d: {  	_ =	shalt  }
0x6e: {  	_ =	shalt  }
0x6f: {  	_ =	shalt  }
0x70: {  	_ =	shalt  }
0x71: {  	_ =	shalt  }
0x72: {  	_ =	shalt  }
0x73: {  	_ =	shalt  }
0x74: {  	_ =	shalt  }
0x75: {  	_ =	shalt  }
0x76: {  	_ =	shalt  }
0x77: {  	_ =	shalt  }
0x78: {  	_ =	shalt  }
0x79: {  	_ =	shalt  }
0x7a: {  	_ =	shalt  }
0x7b: {  	_ =	shalt  }
0x7c: {  	_ =	shalt  }
0x7d: {  	_ =	shalt  }
0x7e: {  	_ =	shalt  }
0x7f: {  	_ =	shalt  }
0x80: {  	_ =	shalt  }
0x81: {  	_ =	shalt  }
0x82: {  	_ =	shalt  }
0x83: {  	_ =	shalt  }
0x84: {  	_ =	shalt  }
0x85: {  	_ =	shalt  }
0x86: {  	_ =	shalt  }
0x87: {  	_ =	shalt  }
.Lfunc_end0:
.L_simem_size_0:
called_computation.2_lowered:
.L_overlay_start_0:
0x88: {  	s2 =	sld [smem:$0x3FD9]  }
0x89: {  	s3 =	sld [smem:$0x3FFE];
	_ =	sdelay $0x1  }
0x8a: {  	s1 =	srdreg.scid  }
0x8b: {  	s0 =	sand.u32 $0x1, s1  }
0x8c: {  	s17 =	sshll.u32 s0, $0xA;
	s2 =	sadd.s32 s3, s2  }
0x8d: {  	s2 =	sadd.s32 s2, s17  }
0x8e: {  	[smem:$0x3FC2] =	sst s2  }
0x8f: {  	_ = 	snop  }
0x90: {  	s2 =	sld [smem:$0x3FD0];
	(tm) =	ssettm $0x1  }
0x91: {  	s18 =	sld [smem:$0x3FFB];
	_ =	sdelay $0x3  }
0x92: {  	_ =	strace s18  }
0x93: {  	s3 =	sld [smem:$0x3FFC];
	_ =	sdelay $0x3  }
0x94: {  	_ =	strace s3  }
0x95: {  	s3 =	sld [smem:$0x3FFD];
	_ =	sdelay $0x3  }
0x96: {  	_ =	strace s3  }
0x97: {  	_ =	strace $0x8FFFFFFF  }
0x98: {  	s19 =	sld [smem:$0x3FDB];
	_ =	sdelay $0x1  }
0x99: {  	s4 =	simm.s32 $_scs_section_size  }
0x9a: {  	s5 =	simm.s32 $_size__tile_overlayer_lowered;
	s6 =	simm.s32 $_tile_overlayer_lowered  }
0x9b: {  	s22 =	simm.s32 $0x1BFF;
	s21 =	sshll.u32 s6, $0x1;
	s3 =	sadd.s32 s4, s19  }
0x9c: {  	s7 =	simm.s32 $0x0;
	s20 =	sshll.u32 s5, $0x1;
	s5 =	sadd.s32 s21, s3  }
0x9d: {  	[timem:s7], [sflag:s22] =	dma.local [hbm:s5], s20  }
0x9e: {  	_ =	swait.ge [sflag:s22], s20  }
0x9f: {  	s4 =	ssub.s32 $0x0, s20;
	[sflag:s22] =	ssyncset.done $0x0  }
0xa0: {  	[sflag:s22] =	ssyncadd.s32 s4;
	_ =	sdelay $0x1  }
0xa1: {  	s23 =	simm.s32 $0x1B8B  }
0xa2: {  	_ =	swait.ge [sflag:s23], $0x1  }
0xa3: {  	[sflag:s23] =	ssyncset.done $0x0  }
0xa4: {  	s25 =	simm.s32 $0x1B8E;
	s24 =	sld [smem:$0x3FFE];
	[sflag:s23] =	ssyncadd.s32 $0xFFFFFFFF  }
0xa5: {  	s26 =	simm.s32 $execute0_lowered;
	[smem:$0x3FD2] =	sst s25  }
0xa6: {  	s5 =	sshll.u32 s26, $0x1;
	_ =	strace $0x8000004C;
	[dreg:$0x1] =	wrdreg $0xFFFFFFFF  }
0xa7: {  	s28 =	simm.s32 $_size_execute0_lowered;
	s3 =	sadd.s32 s3, s5;
	[dreg:$0x0] =	wrdreg $0x0  }
0xa8: {  	s5 =	sshll.u32 s28, $0x1;
	[dreg:$0x2] =	wrdreg s3  }
0xa9: {  	[dreg:$0x3] =	wrdreg s5  }
0xaa: {  	[dreg:$0x4] =	wrdreg $0xC0  }
0xab: {  	_ =	task [dreg:s7], $0x5FFFF  }
0xac: {  	[dreg:$0x1] =	wrdreg $0xFFFFFFFF  }
0xad: {  	[dreg:$0x0] =	wrdreg $0x60  }
0xae: {  	[dreg:$0x2] =	wrdreg s2  }
0xaf: {  	[dreg:$0x3] =	wrdreg s24  }
0xb0: {  	[dreg:$0x4] =	wrdreg $0x90000  }
0xb1: {  	[dreg:$0x5] =	wrdreg $0x9  }
0xb2: {  	_ =	task.clear_ibuf [dreg:s7], $0x6FFFF;
	_ =	strace $0x9000004C  }
0xb3: {  	s29 =	simm.s32 $0x9;
	_ =	strace $0x8000004E  }
0xb4: {  	_ =	swait.ge [sflag:s29], $0x1  }
0xb5: {  	[sflag:s29] =	ssyncadd.s32 $0xFFFFFFFF  }
0xb6: {  	_ =	strace $0x9000004E  }
0xb7: {  	_ =	sfence  }
0xb8: {  	s30 =	sld [smem:$0x0];
	_ =	sdelay $0x2  }
0xb9: {  	s31 =	sshll.u32 s1, $0xD;
	s1 =	sshrl.u32 s1, $0x2  }
0xba: {  	s3 =	sand.u32 $0x4000, s31;
	s1 =	sadd.s32 s1, s30  }
0xbb: {  	s0 =	sor.u32 s3, s0;
	s1 =	sshll.u32 s1, $0x11  }
0xbc: {  	s0 =	sor.u32 s1, s0  }
0xbd: {  	s0 =	sadd.s32 $0x8F2B, s0  }
0xbe: {  	[sflag:s0] =	ssyncadd.remote.s32 $0x1  }
0xbf: {  	_ =	sfence.sel $0xFFFF  }
0xc0: {  	[dreg:$0x0] =	wrdreg $0xFFFFFFFF;
	(pc) =	sbr.abs _section_cstart, $3  }
0xc1: {  	[dreg:$0x1] =	wrdreg $0xFFFFFFFF  }
0xc2: {  	_ =	task.clear_ibuf [dreg:s7], $0x2FFFF;
	_ =	strace $0x9FFFFFFF  }
0xc3: {  	(tm) =	ssettm $0x7FFFFFFF  }
tec
execute0_lowered:
.L_overlay_start_1:
0x0: {  	(tag) =	ssettag $0x1  }
0x1: {  	s0 =	rddreg [dreg:$0x0]  }
0x2: {  	s1 =	srdreg.scid;
	s2 =	rddreg [dreg:$0x1]  }
0x3: {  	s3 =	rddreg [dreg:$0x2];
	s4 =	stileid.u32  }
0x4: {  	s25 =	simm.s32 $0x0;
	s28 =	simm.s32 $0x1;
	s29 =	simm.s32 $0x7800  }
0x5: {  	s30 =	simm.s32 $0x2;
	s31 =	simm.s32 $0x3;
	s8 =	smul.u32 $0x280, s4  }
0x6: {  	s1 =	sand.u32 $0x1, s1;
	[smem:$0x7FF] =	sst s25;
	s7 =	smul.u32 $0xA000, s4  }
0x7: {  	s16 =	smul.u32 $0x14000, s4;
	s5 =	sshll.u32 s1, $0x4;
	_ =	strace $0x8000004D  }
0x8: {  	s6 =	ssub.s32 $0x2, s1;
	s1 =	smul.u32 $0x140000, s1;
	s5 =	sor.u32 s4, s5  }
0x9: {  	s18 =	sshrl.u32 s6, $0x1;
	s9 =	sadd.s32 $0x80, s8;
	s19 =	sshrl.u32 s7, $0x2  }
0xa: {  	s12 =	sadd.s32 $0x100, s8;
	s13 =	sadd.s32 $0x180, s8;
	s15 =	sadd.s32 $0x200, s8  }
0xb: {  	s5 =	smul.u32 $0x2800, s5;
	s11 =	ssub.s32 s6, s18;
	s20 =	sshll.u32 s9, $0x4  }
0xc: {  	s21 =	sshll.u32 s12, $0x4;
	s14 =	sshll.u32 s13, $0x4;
	s22 =	sshll.u32 s15, $0x4  }
0xd: {  	s17 =	sshll.u32 s9, $0x7;
	s23 =	sadd.s32 s16, s1;
	s18 =	sshll.u32 s12, $0x7  }
0xe: {  	s4 =	sadd.s32 s14, s3;
	s14 =	sshrl.u32 s23, $0x3;
	s23 =	smax.u32 s11, $0x1  }
0xf: {  	s6 =	sadd.s32 s20, s3;
	s7 =	sadd.s32 s21, s3;
	[dreg:$0x13] =	wrdreg s23  }
0x10: {  	s8 =	sadd.s32 s22, s3;
	s24 =	sadd.s32 s1, s17;
	[dreg:$0x8] =	wrdreg s6  }
0x11: {  	s20 =	sshll.u32 s15, $0x7;
	s5 =	sshrl.u32 s5, $0x3;
	[dreg:$0x9] =	wrdreg s7  }
0x12: {  	s16 =	sshrl.u32 s24, $0x3;
	s24 =	simm.s32 $0x7000;
	[dreg:$0xa] =	wrdreg s4  }
0x13: {  	s23 =	simm.s32 $0x8;
	[dreg:$0xb] =	wrdreg s8;
	s10 =	sadd.s32 s5, s2  }
0x14: {  	s2 =	sadd.s32 $0x16000, s2;
	s5 =	sadd.s32 s19, s3;
	[dreg:$0x4] =	wrdreg s24  }
0x15: {  	s19 =	sshll.u32 s13, $0x7;
	s26 =	sadd.s32 $0x2000, s10;
	[dreg:$0x7] =	wrdreg s5  }
0x16: {  	s24 =	simm.s32 $0x6000;
	s10 =	sadd.s32 $0xC000, s10;
	[dreg:$0xc] =	wrdreg s26  }
0x17: {  	s14 =	sadd.s32 s2, s14;
	s17 =	sadd.s32 s2, s16;
	[dreg:$0xd] =	wrdreg s10  }
0x18: {  	s12 =	sadd.s32 s1, s19;
	s19 =	simm.s32 $0x11;
	[dreg:$0xe] =	wrdreg s14  }
0x19: {  	[dreg:$0xf] =	wrdreg s17;
	s10 =	sadd.s32 s1, s18;
	s1 =	sadd.s32 s1, s20  }
0x1a: {  	s12 =	sshrl.u32 s12, $0x3;
	s18 =	simm.s32 $0x5000;
	s26 =	simm.s32 $0x8000  }
0x1b: {  	s20 =	simm.s32 $0x6;
	s10 =	sshrl.u32 s10, $0x3;
	s1 =	sshrl.u32 s1, $0x3  }
0x1c: {  	s22 =	sadd.s32 s2, s12;
	[dreg:$0x5] =	wrdreg s26;
	s26 =	simm.s32 $0x6800  }
0x1d: {  	s21 =	sadd.s32 s2, s10;
	[dreg:$0x11] =	wrdreg s22;
	s1 =	sadd.s32 s2, s1  }
0x1e: {  	s22 =	simm.s32 $0x5800;
	s2 =	simm.s32 $0x4;
	[dreg:$0x10] =	wrdreg s21  }
0x1f: {  	v0 =	vimm.f32 $0.0e+00;
	[dreg:$0x12] =	wrdreg s1;
	s21 =	simm.s32 $0x80;
	s1 =	simm.s32 $0x8800  }
.LBB2_1:
0x20: {  	[dreg:$0x6] =	wrdreg s25;
	s10 =	simm.s32 $0x40;
	s11 =	simm.s32 $0x0  }
.LBB2_2:
0x21: {  	p0 =	sne.s32 s10, $0x1FC0;
	[tilespmem:s11+$0x5000] =	vst v0;
	s11 =	smov.u32 s10;
	s10 =	sadd.s32 $0x40, s10  }
.Ltmp0:
0x22: {  	(pc) =	sbr.rel @p0 .LBB2_2-.Ltmp0, $2  }
0x23: {  	_ =	sdelay $0x2  }
0x24: {  	s11 =	sshra.s32 s11, $0x2  }
0x25: {  	[tilespmem:s11+$0x5000] =	vst v0  }
0x26: {  	[spmem:s5] =	stream.linear.scatter [tilespmem:s18], [sflag:$0x11], $0x800, $0x38;
	[tilespmem:$0xB800] =	vst v63  }
0x27: {  	_ =	swait.ge [sflag:s19], $0x800  }
0x28: {  	[sflag:s19] =	ssyncset.done $0x0  }
0x29: {  	[sflag:s19] =	ssyncadd.s32 $0xFFFFF800  }
0x2a: {  	[spmem:s6] =	stream.linear.scatter [tilespmem:s18], [sflag:$0x11], $0x800, $0x38;
	[tilespmem:$0xB800] =	vst v63  }
0x2b: {  	_ =	swait.ge [sflag:s19], $0x800  }
0x2c: {  	[sflag:s19] =	ssyncset.done $0x0  }
0x2d: {  	[sflag:s19] =	ssyncadd.s32 $0xFFFFF800  }
0x2e: {  	[spmem:s7] =	stream.linear.scatter [tilespmem:s18], [sflag:$0x11], $0x800, $0x38;
	[tilespmem:$0xB800] =	vst v63  }
0x2f: {  	_ =	swait.ge [sflag:s19], $0x800  }
0x30: {  	[sflag:s19] =	ssyncset.done $0x0  }
0x31: {  	[sflag:s19] =	ssyncadd.s32 $0xFFFFF800  }
0x32: {  	[spmem:s4] =	stream.linear.scatter [tilespmem:s18], [sflag:$0x11], $0x800, $0x38;
	[tilespmem:$0xB800] =	vst v63  }
0x33: {  	_ =	swait.ge [sflag:s19], $0x800  }
0x34: {  	[sflag:s19] =	ssyncset.done $0x0  }
0x35: {  	[sflag:s19] =	ssyncadd.s32 $0xFFFFF800  }
0x36: {  	[spmem:s8] =	stream.linear.scatter [tilespmem:s18], [sflag:$0x11], $0x800, $0x38;
	[tilespmem:$0xB800] =	vst v63  }
0x37: {  	_ =	swait.ge [sflag:s19], $0x800  }
0x38: {  	[sflag:s19] =	ssyncset.done $0x0  }
0x39: {  	[sflag:s19] =	ssyncadd.s32 $0xFFFFF800  }
0x3a: {  	[bflag:$0x0] =	sbarrier.arrive $0xFFFF  }
0x3b: {  	s10 =	simm.s32 $0x0;
	s15 =	rddreg [dreg:$0xc]  }
0x3c: {  	[tilespmem:s10], [sflag:$0x11] =	stream.linear.gather [hbm4b:s15+s10], $0x2800, $0x38;
	[tilespmem:$0xB800] =	vst v63  }
0x3d: {  	_ =	swait.ge [sflag:s19], $0x2800  }
0x3e: {  	[sflag:s19] =	ssyncset.done $0x0  }
0x3f: {  	s17 =	simm.s32 $0x2800;
	s16 =	rddreg [dreg:$0xd];
	[sflag:s19] =	ssyncadd.s32 $0xFFFFD800  }
0x40: {  	[tilespmem:s17], [sflag:$0x11] =	stream.linear.gather [hbm4b:s16+s10], $0x2800, $0x38;
	[tilespmem:$0xB800] =	vst v63  }
0x41: {  	_ =	swait.ge [sflag:s19], $0x2800  }
0x42: {  	[sflag:s19] =	ssyncset.done $0x0  }
0x43: {  	[sflag:s19] =	ssyncadd.s32 $0xFFFFD800  }
0x44: {  	[tilespmem:s18], [sflag:$0x1] =	stream.indirect.gather [hbm4b:s0+s21], $0x10, s10, s21, $0xb8;
	[tilespmem:$0xB800] =	vst v63  }
0x45: {  	_ = 	snop  }
0x46: {  	[tilespmem:s22], [sflag:$0x2] =	stream.indirect.gather [hbm4b:s0+s21], $0x10, s21, s21, $0xb8;
	[tilespmem:$0xB800] =	vst v63  }
0x47: {  	s25 =	simm.s32 $0x100;
	p0 =	por $0x1, $0x1  }
0x48: {  	[tilespmem:s24], [sflag:$0x3] =	stream.indirect.gather [hbm4b:s0+s21], $0x10, s25, s21, $0xb8;
	[tilespmem:$0xB800] =	vst v63  }
0x49: {  	s5 =	simm.s32 $0x180;
	s10 =	simm.s32 @!p0 $0xD  }
0x4a: {  	[tilespmem:s26], [sflag:$0x4] =	stream.indirect.gather [hbm4b:s0+s21], $0x10, s5, s21, $0xb8;
	[tilespmem:$0xB800] =	vst v63  }
0x4b: {  	_ =	swait.ge @!p0 [sflag:s10], $0x800  }
0x4c: {  	[sflag:s10] =	ssyncset.done @!p0 $0x0  }
0x4d: {  	s7 =	simm.s32 $0x200;
	s6 =	rddreg [dreg:$0x4];
	[sflag:s10] =	ssyncadd.s32 @!p0 $0xFFFFF800  }
0x4e: {  	[tilespmem:s6], [sflag:$0x5] =	stream.indirect.gather [hbm4b:s0+s21], $0x10, s7, s21, $0xb8;
	[tilespmem:$0xB800] =	vst v63  }
0x4f: {  	_ =	swait.ge [sflag:s28], $0x800  }
0x50: {  	[sflag:s28] =	ssyncset.done $0x0  }
0x51: {  	s11 =	simm.s32 @!p0 $0xE;
	s8 =	simm.s32 $0x2800;
	[sflag:s28] =	ssyncadd.s32 $0xFFFFF800  }
0x52: {  	[spmem:s3] =	stream.indirect.scatter.add.f32 [tilespmem:s18], [sflag:$0x9], $0x10, s8, s21, $0xb8;
	[tilespmem:$0xB800] =	vst v63  }
0x53: {  	_ =	swait.ge @!p0 [sflag:s11], $0x800  }
0x54: {  	[sflag:s11] =	ssyncset.done @!p0 $0x0  }
0x55: {  	s9 =	simm.s32 $0x280;
	[sflag:s11] =	ssyncadd.s32 @!p0 $0xFFFFF800  }
0x56: {  	[tilespmem:s29], [sflag:$0x6] =	stream.indirect.gather [hbm4b:s0+s21], $0x10, s9, s21, $0xb8;
	[tilespmem:$0xB800] =	vst v63  }
0x57: {  	_ =	swait.ge [sflag:s30], $0x800  }
0x58: {  	[sflag:s30] =	ssyncset.done $0x0  }
0x59: {  	s12 =	simm.s32 $0x2880;
	s11 =	simm.s32 @!p0 $0xF;
	[sflag:s30] =	ssyncadd.s32 $0xFFFFF800  }
0x5a: {  	[spmem:s3] =	stream.indirect.scatter.add.f32 [tilespmem:s22], [sflag:$0xA], $0x10, s12, s21, $0xb8;
	[tilespmem:$0xB800] =	vst v63  }
0x5b: {  	_ =	swait.ge @!p0 [sflag:s11], $0x800  }
0x5c: {  	[sflag:s11] =	ssyncset.done @!p0 $0x0  }
0x5d: {  	s14 =	simm.s32 $0x300;
	s13 =	rddreg [dreg:$0x5];
	[sflag:s11] =	ssyncadd.s32 @!p0 $0xFFFFF800  }
0x5e: {  	[tilespmem:s13], [sflag:$0x7] =	stream.indirect.gather [hbm4b:s0+s21], $0x10, s14, s21, $0xb8;
	[tilespmem:$0xB800] =	vst v63  }
0x5f: {  	_ =	swait.ge [sflag:s31], $0x800  }
0x60: {  	[sflag:s31] =	ssyncset.done $0x0  }
0x61: {  	s15 =	simm.s32 $0x2900;
	s11 =	simm.s32 @!p0 $0x10;
	[sflag:s31] =	ssyncadd.s32 $0xFFFFF800  }
0x62: {  	[spmem:s3] =	stream.indirect.scatter.add.f32 [tilespmem:s24], [sflag:$0xB], $0x10, s15, s21, $0xb8;
	[tilespmem:$0xB800] =	vst v63  }
0x63: {  	_ =	swait.ge @!p0 [sflag:s11], $0x800  }
0x64: {  	[sflag:s11] =	ssyncset.done @!p0 $0x0  }
0x65: {  	s16 =	simm.s32 $0x380;
	[sflag:s11] =	ssyncadd.s32 @!p0 $0xFFFFF800  }
0x66: {  	[tilespmem:s1], [sflag:$0x8] =	stream.indirect.gather [hbm4b:s0+s21], $0x10, s16, s21, $0xb8;
	[tilespmem:$0xB800] =	vst v63  }
0x67: {  	_ =	swait.ge [sflag:s2], $0x800  }
0x68: {  	p0 =	por $0x0, $0x0;
	[sflag:s2] =	ssyncset.done $0x0  }
0x69: {  	s17 =	simm.s32 $0x2980;
	s11 =	simm.s32 @p0 $0x5;
	[sflag:s2] =	ssyncadd.s32 $0xFFFFF800  }
0x6a: {  	[spmem:s3] =	stream.indirect.scatter.add.f32 [tilespmem:s26], [sflag:$0xC], $0x10, s17, s21, $0xb8;
	[tilespmem:$0xB800] =	vst v63  }
0x6b: {  	_ =	swait.ge @p0 [sflag:s11], $0x800  }
0x6c: {  	s10 =	simm.s32 @p0 $0x2A00;
	s12 =	simm.s32 @p0 $0x80;
	[sflag:s11] =	ssyncset.done @p0 $0x0  }
0x6d: {  	s13 =	simm.s32 @p0 $0x7000;
	[sflag:s11] =	ssyncadd.s32 @p0 $0xFFFFF800;
	s11 =	simm.s32 @!p0 $0x9  }
0x6e: {  	[spmem:s3] =	stream.indirect.scatter.add.f32 @p0 [tilespmem:s13], [sflag:$0xD], $0x10, s10, s12, $0xb8;
	[tilespmem:$0xB800] =	vst v63  }
0x6f: {  	_ =	swait.ge @!p0 [sflag:s11], $0x800  }
0x70: {  	s10 =	simm.s32 @!p0 $0x400;
	[sflag:s11] =	ssyncset.done @!p0 $0x0  }
0x71: {  	s13 =	simm.s32 @!p0 $0x80;
	[sflag:s11] =	ssyncadd.s32 @!p0 $0xFFFFF800;
	s11 =	simm.s32 @!p0 $0x5000  }
0x72: {  	[tilespmem:s11], [sflag:$0x1] =	stream.indirect.gather @!p0 [hbm4b:s0+s13], $0x10, s10, s13, $0xb8;
	[tilespmem:$0xB800] =	vst v63  }
0x73: {  	s10 =	simm.s32 @!p0 $0x5  }
0x74: {  	_ =	swait.ge @!p0 [sflag:s10], $0x800  }
0x75: {  	[sflag:s10] =	ssyncset.done @!p0 $0x0  }
0x76: {  	s11 =	simm.s32 @!p0 $0x2A00;
	[sflag:s10] =	ssyncadd.s32 @!p0 $0xFFFFF800;
	s10 =	simm.s32 @!p0 $0x7000  }
0x77: {  	[spmem:s3] =	stream.indirect.scatter.add.f32 @!p0 [tilespmem:s10], [sflag:$0xD], $0x10, s11, s13, $0xb8;
	[tilespmem:$0xB800] =	vst v63  }
0x78: {  	s10 =	simm.s32 @!p0 $0xA  }
0x79: {  	_ =	swait.ge @!p0 [sflag:s10], $0x800  }
0x7a: {  	[sflag:s10] =	ssyncset.done @!p0 $0x0  }
0x7b: {  	s11 =	simm.s32 @!p0 $0x480;
	[sflag:s10] =	ssyncadd.s32 @!p0 $0xFFFFF800;
	s10 =	simm.s32 @!p0 $0x5800  }
0x7c: {  	[tilespmem:s10], [sflag:$0x2] =	stream.indirect.gather @!p0 [hbm4b:s0+s13], $0x10, s11, s13, $0xb8;
	[tilespmem:$0xB800] =	vst v63  }
0x7d: {  	_ =	swait.ge [sflag:s20], $0x800  }
0x7e: {  	[sflag:s20] =	ssyncset.done $0x0  }
0x7f: {  	s25 =	simm.s32 $0x2A80;
	s11 =	simm.s32 @p0 $0x7;
	[sflag:s20] =	ssyncadd.s32 $0xFFFFF800  }
0x80: {  	[spmem:s3] =	stream.indirect.scatter.add.f32 [tilespmem:s29], [sflag:$0xE], $0x10, s25, s21, $0xb8;
	[tilespmem:$0xB800] =	vst v63  }
0x81: {  	_ =	swait.ge @p0 [sflag:s11], $0x800  }
0x82: {  	[sflag:s11] =	ssyncset.done @p0 $0x0  }
0x83: {  	s10 =	simm.s32 @p0 $0x2B00;
	[sflag:s11] =	ssyncadd.s32 @p0 $0xFFFFF800;
	s11 =	simm.s32 @p0 $0x8000  }
0x84: {  	[spmem:s3] =	stream.indirect.scatter.add.f32 @p0 [tilespmem:s11], [sflag:$0xF], $0x10, s10, s12, $0xb8;
	[tilespmem:$0xB800] =	vst v63  }
0x85: {  	s10 =	simm.s32 @!p0 $0xB  }
0x86: {  	_ =	swait.ge @!p0 [sflag:s10], $0x800  }
0x87: {  	[sflag:s10] =	ssyncset.done @!p0 $0x0  }
0x88: {  	s11 =	simm.s32 @!p0 $0x500;
	[sflag:s10] =	ssyncadd.s32 @!p0 $0xFFFFF800;
	s10 =	simm.s32 @!p0 $0x6000  }
0x89: {  	[tilespmem:s10], [sflag:$0x3] =	stream.indirect.gather @!p0 [hbm4b:s0+s13], $0x10, s11, s13, $0xb8;
	[tilespmem:$0xB800] =	vst v63  }
0x8a: {  	s10 =	simm.s32 @!p0 $0x7  }
0x8b: {  	_ =	swait.ge @!p0 [sflag:s10], $0x800  }
0x8c: {  	[sflag:s10] =	ssyncset.done @!p0 $0x0  }
0x8d: {  	s11 =	simm.s32 @!p0 $0x2B00;
	[sflag:s10] =	ssyncadd.s32 @!p0 $0xFFFFF800;
	s10 =	simm.s32 @!p0 $0x8000  }
0x8e: {  	[spmem:s3] =	stream.indirect.scatter.add.f32 @!p0 [tilespmem:s10], [sflag:$0xF], $0x10, s11, s13, $0xb8;
	[tilespmem:$0xB800] =	vst v63  }
0x8f: {  	s10 =	simm.s32 @!p0 $0xC  }
0x90: {  	_ =	swait.ge @!p0 [sflag:s10], $0x800  }
0x91: {  	p1 =	por $0x0, $0x0;
	s17 =	simm.s32 $0x1000;
	[sflag:s10] =	ssyncset.done @!p0 $0x0  }
0x92: {  	s11 =	simm.s32 @!p0 $0x580;
	[sflag:s10] =	ssyncadd.s32 @!p0 $0xFFFFF800;
	s10 =	simm.s32 @!p0 $0x6800  }
0x93: {  	[tilespmem:s10], [sflag:$0x4] =	stream.indirect.gather @!p0 [hbm4b:s0+s13], $0x10, s11, s13, $0xb8;
	[tilespmem:$0xB800] =	vst v63  }
0x94: {  	s25 =	simm.s32 $0x2000;
	s10 =	simm.s32 $0x2B80;
	_ =	swait.ge [sflag:s23], $0x800  }
.LBB2_4:
0x95: {  	[sflag:s23] =	ssyncset.done $0x0  }
0x96: {  	s13 =	simm.s32 @!p1 $0xD;
	[sflag:s23] =	ssyncadd.s32 $0xFFFFF800  }
0x97: {  	[spmem:s3] =	stream.indirect.scatter.add.f32 [tilespmem:s1], [sflag:$0x10], $0x10, s10, s21, $0xb8;
	[tilespmem:$0xB800] =	vst v63  }
0x98: {  	_ =	swait.ge @!p1 [sflag:s13], $0x800  }
0x99: {  	s11 =	sshra.s32 s17, $0x2;
	[sflag:s13] =	ssyncset.done @!p1 $0x0  }
0x9a: {  	s15 =	sadd.s32 $0x200, s11;
	s14 =	rddreg [dreg:$0x4];
	[sflag:s13] =	ssyncadd.s32 @!p1 $0xFFFFF800  }
0x9b: {  	[tilespmem:s14], [sflag:$0x5] =	stream.indirect.gather [hbm4b:s0+s21], $0x10, s15, s21, $0xb8;
	[tilespmem:$0xB800] =	vst v63  }
0x9c: {  	_ =	swait.ge [sflag:s28], $0x800  }
0x9d: {  	[sflag:s28] =	ssyncset.done $0x0  }
0x9e: {  	s16 =	sadd.s32 $0x2800, s11;
	s14 =	simm.s32 @!p1 $0xE;
	[sflag:s28] =	ssyncadd.s32 $0xFFFFF800  }
0x9f: {  	[spmem:s3] =	stream.indirect.scatter.add.f32 [tilespmem:s18], [sflag:$0x9], $0x10, s16, s21, $0xb8;
	[tilespmem:$0xB800] =	vst v63  }
0xa0: {  	_ =	swait.ge @!p1 [sflag:s14], $0x800  }
0xa1: {  	[sflag:s14] =	ssyncset.done @!p1 $0x0  }
0xa2: {  	s4 =	sadd.s32 $0x280, s11;
	[sflag:s14] =	ssyncadd.s32 @!p1 $0xFFFFF800  }
0xa3: {  	[tilespmem:s29], [sflag:$0x6] =	stream.indirect.gather [hbm4b:s0+s21], $0x10, s4, s21, $0xb8;
	[tilespmem:$0xB800] =	vst v63  }
0xa4: {  	_ =	swait.ge [sflag:s30], $0x800  }
0xa5: {  	[sflag:s30] =	ssyncset.done $0x0  }
0xa6: {  	s5 =	sadd.s32 $0x2880, s11;
	s14 =	simm.s32 @!p1 $0xF;
	[sflag:s30] =	ssyncadd.s32 $0xFFFFF800  }
0xa7: {  	[spmem:s3] =	stream.indirect.scatter.add.f32 [tilespmem:s22], [sflag:$0xA], $0x10, s5, s21, $0xb8;
	[tilespmem:$0xB800] =	vst v63  }
0xa8: {  	_ =	swait.ge @!p1 [sflag:s14], $0x800  }
0xa9: {  	[sflag:s14] =	ssyncset.done @!p1 $0x0  }
0xaa: {  	s7 =	sadd.s32 $0x300, s11;
	s6 =	rddreg [dreg:$0x5];
	[sflag:s14] =	ssyncadd.s32 @!p1 $0xFFFFF800  }
0xab: {  	[tilespmem:s6], [sflag:$0x7] =	stream.indirect.gather [hbm4b:s0+s21], $0x10, s7, s21, $0xb8;
	[tilespmem:$0xB800] =	vst v63  }
0xac: {  	_ =	swait.ge [sflag:s31], $0x800  }
0xad: {  	[sflag:s31] =	ssyncset.done $0x0  }
0xae: {  	s8 =	sadd.s32 $0x2900, s11;
	s14 =	simm.s32 @!p1 $0x10;
	[sflag:s31] =	ssyncadd.s32 $0xFFFFF800  }
0xaf: {  	[spmem:s3] =	stream.indirect.scatter.add.f32 [tilespmem:s24], [sflag:$0xB], $0x10, s8, s21, $0xb8;
	[tilespmem:$0xB800] =	vst v63  }
0xb0: {  	_ =	swait.ge @!p1 [sflag:s14], $0x800  }
0xb1: {  	[sflag:s14] =	ssyncset.done @!p1 $0x0  }
0xb2: {  	s9 =	sadd.s32 $0x380, s11;
	[sflag:s14] =	ssyncadd.s32 @!p1 $0xFFFFF800  }
0xb3: {  	[tilespmem:s1], [sflag:$0x8] =	stream.indirect.gather [hbm4b:s0+s21], $0x10, s9, s21, $0xb8;
	[tilespmem:$0xB800] =	vst v63  }
0xb4: {  	_ =	swait.ge [sflag:s2], $0x800  }
0xb5: {  	p1 =	seq.s32 s17, $0x9000;
	[sflag:s2] =	ssyncset.done $0x0  }
0xb6: {  	s14 =	sadd.s32 $0x2980, s11;
	s15 =	simm.s32 @p1 $0x5;
	[sflag:s2] =	ssyncadd.s32 $0xFFFFF800  }
0xb7: {  	[spmem:s3] =	stream.indirect.scatter.add.f32 [tilespmem:s26], [sflag:$0xC], $0x10, s14, s21, $0xb8;
	[tilespmem:$0xB800] =	vst v63  }
0xb8: {  	s5 =	sshra.s32 @p1 s17, $0x2;
	_ =	swait.ge @p1 [sflag:s15], $0x800  }
0xb9: {  	s6 =	simm.s32 @p1 $0x7000;
	s13 =	sadd.s32 @p1 $0x2A00, s5;
	[sflag:s15] =	ssyncset.done @p1 $0x0  }
0xba: {  	s14 =	simm.s32 @p1 $0x80;
	[sflag:s15] =	ssyncadd.s32 @p1 $0xFFFFF800;
	s15 =	simm.s32 @!p1 $0x9  }
0xbb: {  	[spmem:s3] =	stream.indirect.scatter.add.f32 @p1 [tilespmem:s6], [sflag:$0xD], $0x10, s13, s14, $0xb8;
	[tilespmem:$0xB800] =	vst v63  }
0xbc: {  	s17 =	sshra.s32 @!p1 s17, $0x2;
	_ =	swait.ge @!p1 [sflag:s15], $0x800  }
0xbd: {  	s9 =	simm.s32 @!p1 $0x5000;
	s16 =	simm.s32 @!p1 $0x5;
	[sflag:s15] =	ssyncset.done @!p1 $0x0  }
0xbe: {  	s7 =	sadd.s32 @!p1 $0x400, s17;
	s13 =	simm.s32 @!p1 $0x80;
	[sflag:s15] =	ssyncadd.s32 @!p1 $0xFFFFF800  }
0xbf: {  	[tilespmem:s9], [sflag:$0x1] =	stream.indirect.gather @!p1 [hbm4b:s0+s13], $0x10, s7, s13, $0xb8;
	[tilespmem:$0xB800] =	vst v63  }
0xc0: {  	_ =	swait.ge @!p1 [sflag:s16], $0x800  }
0xc1: {  	s4 =	simm.s32 @!p1 $0x7000;
	[sflag:s16] =	ssyncset.done @!p1 $0x0  }
0xc2: {  	s6 =	sadd.s32 @!p1 $0x2A00, s17;
	[sflag:s16] =	ssyncadd.s32 @!p1 $0xFFFFF800;
	s16 =	simm.s32 @!p1 $0xA  }
0xc3: {  	[spmem:s3] =	stream.indirect.scatter.add.f32 @!p1 [tilespmem:s4], [sflag:$0xD], $0x10, s6, s13, $0xb8;
	[tilespmem:$0xB800] =	vst v63  }
0xc4: {  	_ =	swait.ge @!p1 [sflag:s16], $0x800  }
0xc5: {  	[sflag:s16] =	ssyncset.done @!p1 $0x0  }
0xc6: {  	s8 =	sadd.s32 @!p1 $0x480, s17;
	s4 =	simm.s32 @!p1 $0x5800;
	[sflag:s16] =	ssyncadd.s32 @!p1 $0xFFFFF800  }
0xc7: {  	[tilespmem:s4], [sflag:$0x2] =	stream.indirect.gather @!p1 [hbm4b:s0+s13], $0x10, s8, s13, $0xb8;
	[tilespmem:$0xB800] =	vst v63  }
0xc8: {  	_ =	swait.ge [sflag:s20], $0x800  }
0xc9: {  	[sflag:s20] =	ssyncset.done $0x0  }
0xca: {  	s6 =	simm.s32 @p1 $0x7;
	s16 =	sadd.s32 $0x2A80, s11;
	[sflag:s20] =	ssyncadd.s32 $0xFFFFF800  }
0xcb: {  	[spmem:s3] =	stream.indirect.scatter.add.f32 [tilespmem:s29], [sflag:$0xE], $0x10, s16, s21, $0xb8;
	[tilespmem:$0xB800] =	vst v63  }
0xcc: {  	_ =	swait.ge @p1 [sflag:s6], $0x800  }
0xcd: {  	s5 =	sadd.s32 @p1 $0x2B00, s5;
	[sflag:s6] =	ssyncset.done @p1 $0x0  }
0xce: {  	s4 =	simm.s32 @p1 $0x8000;
	[sflag:s6] =	ssyncadd.s32 @p1 $0xFFFFF800;
	s6 =	simm.s32 @!p1 $0xB  }
0xcf: {  	[spmem:s3] =	stream.indirect.scatter.add.f32 @p1 [tilespmem:s4], [sflag:$0xF], $0x10, s5, s14, $0xb8;
	[tilespmem:$0xB800] =	vst v63  }
0xd0: {  	_ =	swait.ge @!p1 [sflag:s6], $0x800  }
0xd1: {  	s7 =	sadd.s32 @!p1 $0x500, s17;
	[sflag:s6] =	ssyncset.done @!p1 $0x0  }
0xd2: {  	s4 =	simm.s32 @!p1 $0x6000;
	s5 =	simm.s32 @!p1 $0x7;
	[sflag:s6] =	ssyncadd.s32 @!p1 $0xFFFFF800  }
0xd3: {  	[tilespmem:s4], [sflag:$0x3] =	stream.indirect.gather @!p1 [hbm4b:s0+s13], $0x10, s7, s13, $0xb8;
	[tilespmem:$0xB800] =	vst v63  }
0xd4: {  	s12 =	smov.u32 s25;
	s25 =	sadd.s32 $0x1000, s25;
	_ =	swait.ge @!p1 [sflag:s5], $0x800  }
0xd5: {  	p0 =	sne.s32 s25, $0xA000;
	s9 =	sadd.s32 @!p1 $0x2B00, s17;
	[sflag:s5] =	ssyncset.done @!p1 $0x0  }
0xd6: {  	s4 =	simm.s32 @!p1 $0x8000;
	[sflag:s5] =	ssyncadd.s32 @!p1 $0xFFFFF800;
	s5 =	simm.s32 @!p1 $0xC  }
0xd7: {  	[spmem:s3] =	stream.indirect.scatter.add.f32 @!p1 [tilespmem:s4], [sflag:$0xF], $0x10, s9, s13, $0xb8;
	[tilespmem:$0xB800] =	vst v63  }
.Ltmp1:
0xd8: {  	_ =	swait.ge @!p1 [sflag:s5], $0x800;
	(pc) =	sbr.rel @p0 .LBB2_4-.Ltmp1, $4  }
0xd9: {  	s15 =	sadd.s32 @!p1 $0x580, s17;
	[sflag:s5] =	ssyncset.done @!p1 $0x0  }
0xda: {  	s17 =	smov.u32 s12;
	s4 =	simm.s32 @!p1 $0x6800;
	[sflag:s5] =	ssyncadd.s32 @!p1 $0xFFFFF800  }
0xdb: {  	[tilespmem:s4], [sflag:$0x4] =	stream.indirect.gather @!p1 [hbm4b:s0+s13], $0x10, s15, s13, $0xb8;
	[tilespmem:$0xB800] =	vst v63  }
0xdc: {  	s10 =	sadd.s32 $0x2B80, s11;
	p1 =	seq.s32 s17, $0x0;
	_ =	swait.ge [sflag:s23], $0x800  }
0xdd: {  	[sflag:s23] =	ssyncset.done $0x0  }
0xde: {  	s4 =	simm.s32 @!p1 $0xD;
	[sflag:s23] =	ssyncadd.s32 $0xFFFFF800  }
0xdf: {  	[spmem:s3] =	stream.indirect.scatter.add.f32 [tilespmem:s1], [sflag:$0x10], $0x10, s10, s21, $0xb8;
	[tilespmem:$0xB800] =	vst v63  }
0xe0: {  	_ =	swait.ge @!p1 [sflag:s4], $0x800  }
0xe1: {  	s25 =	sshra.s32 s17, $0x2;
	[sflag:s4] =	ssyncset.done @!p1 $0x0  }
0xe2: {  	s6 =	sadd.s32 $0x200, s25;
	s5 =	rddreg [dreg:$0x4];
	[sflag:s4] =	ssyncadd.s32 @!p1 $0xFFFFF800  }
0xe3: {  	[tilespmem:s5], [sflag:$0x5] =	stream.indirect.gather [hbm4b:s0+s21], $0x10, s6, s21, $0xb8;
	[tilespmem:$0xB800] =	vst v63  }
0xe4: {  	_ =	swait.ge [sflag:s28], $0x800  }
0xe5: {  	[sflag:s28] =	ssyncset.done $0x0  }
0xe6: {  	s7 =	sadd.s32 $0x2800, s25;
	s5 =	simm.s32 @!p1 $0xE;
	[sflag:s28] =	ssyncadd.s32 $0xFFFFF800  }
0xe7: {  	[spmem:s3] =	stream.indirect.scatter.add.f32 [tilespmem:s18], [sflag:$0x9], $0x10, s7, s21, $0xb8;
	[tilespmem:$0xB800] =	vst v63  }
0xe8: {  	_ =	swait.ge @!p1 [sflag:s5], $0x800  }
0xe9: {  	[sflag:s5] =	ssyncset.done @!p1 $0x0  }
0xea: {  	s8 =	sadd.s32 $0x280, s25;
	[sflag:s5] =	ssyncadd.s32 @!p1 $0xFFFFF800  }
0xeb: {  	[tilespmem:s29], [sflag:$0x6] =	stream.indirect.gather [hbm4b:s0+s21], $0x10, s8, s21, $0xb8;
	[tilespmem:$0xB800] =	vst v63  }
0xec: {  	_ =	swait.ge [sflag:s30], $0x800  }
0xed: {  	[sflag:s30] =	ssyncset.done $0x0  }
0xee: {  	s9 =	sadd.s32 $0x2880, s25;
	s5 =	simm.s32 @!p1 $0xF;
	[sflag:s30] =	ssyncadd.s32 $0xFFFFF800  }
0xef: {  	[spmem:s3] =	stream.indirect.scatter.add.f32 [tilespmem:s22], [sflag:$0xA], $0x10, s9, s21, $0xb8;
	[tilespmem:$0xB800] =	vst v63  }
0xf0: {  	_ =	swait.ge @!p1 [sflag:s5], $0x800  }
0xf1: {  	[sflag:s5] =	ssyncset.done @!p1 $0x0  }
0xf2: {  	s12 =	sadd.s32 $0x300, s25;
	s11 =	rddreg [dreg:$0x5];
	[sflag:s5] =	ssyncadd.s32 @!p1 $0xFFFFF800  }
0xf3: {  	[tilespmem:s11], [sflag:$0x7] =	stream.indirect.gather [hbm4b:s0+s21], $0x10, s12, s21, $0xb8;
	[tilespmem:$0xB800] =	vst v63  }
0xf4: {  	_ =	swait.ge [sflag:s31], $0x800  }
0xf5: {  	[sflag:s31] =	ssyncset.done $0x0  }
0xf6: {  	s13 =	sadd.s32 $0x2900, s25;
	s5 =	simm.s32 @!p1 $0x10;
	[sflag:s31] =	ssyncadd.s32 $0xFFFFF800  }
0xf7: {  	[spmem:s3] =	stream.indirect.scatter.add.f32 [tilespmem:s24], [sflag:$0xB], $0x10, s13, s21, $0xb8;
	[tilespmem:$0xB800] =	vst v63  }
0xf8: {  	_ =	swait.ge @!p1 [sflag:s5], $0x800  }
0xf9: {  	[sflag:s5] =	ssyncset.done @!p1 $0x0  }
0xfa: {  	s14 =	sadd.s32 $0x380, s25;
	[sflag:s5] =	ssyncadd.s32 @!p1 $0xFFFFF800  }
0xfb: {  	[tilespmem:s1], [sflag:$0x8] =	stream.indirect.gather [hbm4b:s0+s21], $0x10, s14, s21, $0xb8;
	[tilespmem:$0xB800] =	vst v63  }
0xfc: {  	_ =	swait.ge [sflag:s2], $0x800  }
0xfd: {  	p0 =	seq.s32 s17, $0x9000;
	[sflag:s2] =	ssyncset.done $0x0  }
0xfe: {  	s15 =	sadd.s32 $0x2980, s25;
	s5 =	simm.s32 @p0 $0x5;
	[sflag:s2] =	ssyncadd.s32 $0xFFFFF800  }
0xff: {  	[spmem:s3] =	stream.indirect.scatter.add.f32 [tilespmem:s26], [sflag:$0xC], $0x10, s15, s21, $0xb8;
	[tilespmem:$0xB800] =	vst v63  }
0x100: {  	s4 =	sshra.s32 @p0 s17, $0x2;
	_ =	swait.ge @p0 [sflag:s5], $0x800  }
0x101: {  	s6 =	sadd.s32 @p0 $0x2A00, s4;
	s7 =	simm.s32 @p0 $0x80;
	[sflag:s5] =	ssyncset.done @p0 $0x0  }
0x102: {  	s8 =	simm.s32 @p0 $0x7000;
	[sflag:s5] =	ssyncadd.s32 @p0 $0xFFFFF800;
	s5 =	simm.s32 @!p0 $0x9  }
0x103: {  	[spmem:s3] =	stream.indirect.scatter.add.f32 @p0 [tilespmem:s8], [sflag:$0xD], $0x10, s6, s7, $0xb8;
	[tilespmem:$0xB800] =	vst v63  }
0x104: {  	_ =	swait.ge @!p0 [sflag:s5], $0x800  }
0x105: {  	s9 =	simm.s32 @!p0 $0x80;
	s6 =	sshra.s32 @!p0 s17, $0x2;
	[sflag:s5] =	ssyncset.done @!p0 $0x0  }
0x106: {  	s8 =	sadd.s32 @!p0 $0x400, s6;
	[sflag:s5] =	ssyncadd.s32 @!p0 $0xFFFFF800;
	s5 =	simm.s32 @!p0 $0x5000  }
0x107: {  	[tilespmem:s5], [sflag:$0x1] =	stream.indirect.gather @!p0 [hbm4b:s0+s9], $0x10, s8, s9, $0xb8;
	[tilespmem:$0xB800] =	vst v63  }
0x108: {  	s5 =	simm.s32 @!p0 $0x5  }
0x109: {  	_ =	swait.ge @!p0 [sflag:s5], $0x800  }
0x10a: {  	[sflag:s5] =	ssyncset.done @!p0 $0x0  }
0x10b: {  	s8 =	sadd.s32 @!p0 $0x2A00, s6;
	[sflag:s5] =	ssyncadd.s32 @!p0 $0xFFFFF800;
	s5 =	simm.s32 @!p0 $0x7000  }
0x10c: {  	[spmem:s3] =	stream.indirect.scatter.add.f32 @!p0 [tilespmem:s5], [sflag:$0xD], $0x10, s8, s9, $0xb8;
	[tilespmem:$0xB800] =	vst v63  }
0x10d: {  	s5 =	simm.s32 @!p0 $0xA  }
0x10e: {  	_ =	swait.ge @!p0 [sflag:s5], $0x800  }
0x10f: {  	[sflag:s5] =	ssyncset.done @!p0 $0x0  }
0x110: {  	s8 =	sadd.s32 @!p0 $0x480, s6;
	[sflag:s5] =	ssyncadd.s32 @!p0 $0xFFFFF800;
	s5 =	simm.s32 @!p0 $0x5800  }
0x111: {  	[tilespmem:s5], [sflag:$0x2] =	stream.indirect.gather @!p0 [hbm4b:s0+s9], $0x10, s8, s9, $0xb8;
	[tilespmem:$0xB800] =	vst v63  }
0x112: {  	_ =	swait.ge [sflag:s20], $0x800  }
0x113: {  	[sflag:s20] =	ssyncset.done $0x0  }
0x114: {  	s16 =	sadd.s32 $0x2A80, s25;
	s5 =	simm.s32 @p0 $0x7;
	[sflag:s20] =	ssyncadd.s32 $0xFFFFF800  }
0x115: {  	[spmem:s3] =	stream.indirect.scatter.add.f32 [tilespmem:s29], [sflag:$0xE], $0x10, s16, s21, $0xb8;
	[tilespmem:$0xB800] =	vst v63  }
0x116: {  	_ =	swait.ge @p0 [sflag:s5], $0x800  }
0x117: {  	[sflag:s5] =	ssyncset.done @p0 $0x0  }
0x118: {  	s4 =	sadd.s32 @p0 $0x2B00, s4;
	[sflag:s5] =	ssyncadd.s32 @p0 $0xFFFFF800;
	s5 =	simm.s32 @p0 $0x8000  }
0x119: {  	[spmem:s3] =	stream.indirect.scatter.add.f32 @p0 [tilespmem:s5], [sflag:$0xF], $0x10, s4, s7, $0xb8;
	[tilespmem:$0xB800] =	vst v63  }
0x11a: {  	s4 =	simm.s32 @!p0 $0xB  }
0x11b: {  	_ =	swait.ge @!p0 [sflag:s4], $0x800  }
0x11c: {  	[sflag:s4] =	ssyncset.done @!p0 $0x0  }
0x11d: {  	s5 =	sadd.s32 @!p0 $0x500, s6;
	[sflag:s4] =	ssyncadd.s32 @!p0 $0xFFFFF800;
	s4 =	simm.s32 @!p0 $0x6000  }
0x11e: {  	[tilespmem:s4], [sflag:$0x3] =	stream.indirect.gather @!p0 [hbm4b:s0+s9], $0x10, s5, s9, $0xb8;
	[tilespmem:$0xB800] =	vst v63  }
0x11f: {  	s4 =	simm.s32 @!p0 $0x7  }
0x120: {  	_ =	swait.ge @!p0 [sflag:s4], $0x800  }
0x121: {  	[sflag:s4] =	ssyncset.done @!p0 $0x0  }
0x122: {  	s5 =	sadd.s32 @!p0 $0x2B00, s6;
	[sflag:s4] =	ssyncadd.s32 @!p0 $0xFFFFF800;
	s4 =	simm.s32 @!p0 $0x8000  }
0x123: {  	[spmem:s3] =	stream.indirect.scatter.add.f32 @!p0 [tilespmem:s4], [sflag:$0xF], $0x10, s5, s9, $0xb8;
	[tilespmem:$0xB800] =	vst v63  }
0x124: {  	s4 =	simm.s32 @!p0 $0xC  }
0x125: {  	_ =	swait.ge @!p0 [sflag:s4], $0x800  }
0x126: {  	[sflag:s4] =	ssyncset.done @!p0 $0x0  }
0x127: {  	s5 =	sadd.s32 @!p0 $0x580, s6;
	[sflag:s4] =	ssyncadd.s32 @!p0 $0xFFFFF800;
	s4 =	simm.s32 @!p0 $0x6800  }
0x128: {  	[tilespmem:s4], [sflag:$0x4] =	stream.indirect.gather @!p0 [hbm4b:s0+s9], $0x10, s5, s9, $0xb8;
	[tilespmem:$0xB800] =	vst v63  }
0x129: {  	_ =	swait.ge [sflag:s23], $0x800  }
0x12a: {  	[sflag:s23] =	ssyncset.done $0x0  }
0x12b: {  	s17 =	sadd.s32 $0x2B80, s25;
	s25 =	simm.s32 $0x9;
	[sflag:s23] =	ssyncadd.s32 $0xFFFFF800  }
0x12c: {  	[spmem:s3] =	stream.indirect.scatter.add.f32 [tilespmem:s1], [sflag:$0x10], $0x10, s17, s21, $0xb8;
	[tilespmem:$0xB800] =	vst v63  }
0x12d: {  	_ =	swait.ge [sflag:s25], $0x800  }
0x12e: {  	[sflag:s25] =	ssyncset.done $0x0  }
0x12f: {  	s5 =	simm.s32 $0xA;
	[sflag:s25] =	ssyncadd.s32 $0xFFFFF800  }
0x130: {  	_ =	swait.ge [sflag:s5], $0x800  }
0x131: {  	[sflag:s5] =	ssyncset.done $0x0  }
0x132: {  	s6 =	simm.s32 $0xB;
	[sflag:s5] =	ssyncadd.s32 $0xFFFFF800  }
0x133: {  	_ =	swait.ge [sflag:s6], $0x800  }
0x134: {  	[sflag:s6] =	ssyncset.done $0x0  }
0x135: {  	s7 =	simm.s32 $0xC;
	[sflag:s6] =	ssyncadd.s32 $0xFFFFF800  }
0x136: {  	_ =	swait.ge [sflag:s7], $0x800  }
0x137: {  	[sflag:s7] =	ssyncset.done $0x0  }
0x138: {  	s8 =	simm.s32 $0xD;
	[sflag:s7] =	ssyncadd.s32 $0xFFFFF800  }
0x139: {  	_ =	swait.ge [sflag:s8], $0x800  }
0x13a: {  	[sflag:s8] =	ssyncset.done $0x0  }
0x13b: {  	s9 =	simm.s32 $0xE;
	[sflag:s8] =	ssyncadd.s32 $0xFFFFF800  }
0x13c: {  	_ =	swait.ge [sflag:s9], $0x800  }
0x13d: {  	[sflag:s9] =	ssyncset.done $0x0  }
0x13e: {  	s10 =	simm.s32 $0xF;
	[sflag:s9] =	ssyncadd.s32 $0xFFFFF800  }
0x13f: {  	_ =	swait.ge [sflag:s10], $0x800  }
0x140: {  	[sflag:s10] =	ssyncset.done $0x0  }
0x141: {  	s11 =	simm.s32 $0x10;
	[sflag:s10] =	ssyncadd.s32 $0xFFFFF800  }
0x142: {  	_ =	swait.ge [sflag:s11], $0x800  }
0x143: {  	[sflag:s11] =	ssyncset.done $0x0  }
0x144: {  	[sflag:s11] =	ssyncadd.s32 $0xFFFFF800  }
0x145: {  	[bflag:$0x0] =	sbarrier.arrive $0xFFFF  }
0x146: {  	s5 =	rddreg [dreg:$0x7]  }
0x147: {  	[tilespmem:s18], [sflag:$0x11] =	stream.linear.gather [spmem:s5], $0x800, $0x38;
	[tilespmem:$0xB800] =	vst v63  }
0x148: {  	_ =	swait.ge [sflag:s19], $0x800  }
0x149: {  	[sflag:s19] =	ssyncset.done $0x0  }
0x14a: {  	s12 =	rddreg [dreg:$0xe];
	[sflag:s19] =	ssyncadd.s32 $0xFFFFF800  }
0x14b: {  	[hbm4b:s12+s11] =	stream.strided.scatter [tilespmem:s18], [sflag:$0x11], $0x800, s21, s11, $0x38;
	[tilespmem:$0xB800] =	vst v63  }
0x14c: {  	_ =	swait.ge [sflag:s19], $0x800  }
0x14d: {  	[sflag:s19] =	ssyncset.done $0x0  }
0x14e: {  	s6 =	rddreg [dreg:$0x8];
	[sflag:s19] =	ssyncadd.s32 $0xFFFFF800  }
0x14f: {  	[tilespmem:s18], [sflag:$0x11] =	stream.linear.gather [spmem:s6], $0x800, $0x38;
	[tilespmem:$0xB800] =	vst v63  }
0x150: {  	_ =	swait.ge [sflag:s19], $0x800  }
0x151: {  	[sflag:s19] =	ssyncset.done $0x0  }
0x152: {  	s13 =	rddreg [dreg:$0xf];
	[sflag:s19] =	ssyncadd.s32 $0xFFFFF800  }
0x153: {  	[hbm4b:s13+s11] =	stream.strided.scatter [tilespmem:s18], [sflag:$0x11], $0x800, s21, s11, $0x38;
	[tilespmem:$0xB800] =	vst v63  }
0x154: {  	_ =	swait.ge [sflag:s19], $0x800  }
0x155: {  	[sflag:s19] =	ssyncset.done $0x0  }
0x156: {  	s7 =	rddreg [dreg:$0x9];
	[sflag:s19] =	ssyncadd.s32 $0xFFFFF800  }
0x157: {  	[tilespmem:s18], [sflag:$0x11] =	stream.linear.gather [spmem:s7], $0x800, $0x38;
	[tilespmem:$0xB800] =	vst v63  }
0x158: {  	_ =	swait.ge [sflag:s19], $0x800  }
0x159: {  	[sflag:s19] =	ssyncset.done $0x0  }
0x15a: {  	s14 =	rddreg [dreg:$0x10];
	[sflag:s19] =	ssyncadd.s32 $0xFFFFF800  }
0x15b: {  	[hbm4b:s14+s11] =	stream.strided.scatter [tilespmem:s18], [sflag:$0x11], $0x800, s21, s11, $0x38;
	[tilespmem:$0xB800] =	vst v63  }
0x15c: {  	_ =	swait.ge [sflag:s19], $0x800  }
0x15d: {  	[sflag:s19] =	ssyncset.done $0x0  }
0x15e: {  	s4 =	rddreg [dreg:$0xa];
	[sflag:s19] =	ssyncadd.s32 $0xFFFFF800  }
0x15f: {  	[tilespmem:s18], [sflag:$0x11] =	stream.linear.gather [spmem:s4], $0x800, $0x38;
	[tilespmem:$0xB800] =	vst v63  }
0x160: {  	_ =	swait.ge [sflag:s19], $0x800  }
0x161: {  	[sflag:s19] =	ssyncset.done $0x0  }
0x162: {  	s15 =	rddreg [dreg:$0x11];
	[sflag:s19] =	ssyncadd.s32 $0xFFFFF800  }
0x163: {  	[hbm4b:s15+s11] =	stream.strided.scatter [tilespmem:s18], [sflag:$0x11], $0x800, s21, s11, $0x38;
	[tilespmem:$0xB800] =	vst v63  }
0x164: {  	_ =	swait.ge [sflag:s19], $0x800  }
0x165: {  	[sflag:s19] =	ssyncset.done $0x0  }
0x166: {  	s8 =	rddreg [dreg:$0xb];
	[sflag:s19] =	ssyncadd.s32 $0xFFFFF800  }
0x167: {  	[tilespmem:s18], [sflag:$0x11] =	stream.linear.gather [spmem:s8], $0x800, $0x38;
	[tilespmem:$0xB800] =	vst v63  }
0x168: {  	_ =	swait.ge [sflag:s19], $0x800  }
0x169: {  	[sflag:s19] =	ssyncset.done $0x0  }
0x16a: {  	s16 =	rddreg [dreg:$0x12];
	[sflag:s19] =	ssyncadd.s32 $0xFFFFF800  }
0x16b: {  	[hbm4b:s16+s11] =	stream.strided.scatter [tilespmem:s18], [sflag:$0x11], $0x800, s21, s11, $0x38;
	[tilespmem:$0xB800] =	vst v63  }
0x16c: {  	_ =	swait.ge [sflag:s19], $0x800  }
0x16d: {  	s25 =	rddreg [dreg:$0x6]  }
0x16e: {  	s17 =	rddreg [dreg:$0x13];
	s25 =	sadd.s32 $0x1, s25  }
0x16f: {  	p0 =	sne.s32 s25, s17  }
.Ltmp2:
0x170: {  	_ = 	snop;
	(pc) =	sbr.rel @p0 .LBB2_1-.Ltmp2, $3  }
0x171: {  	_ =	sdelay $0x1  }
0x172: {  	[sflag:s19] =	ssyncset.done $0x0  }
0x173: {  	[sflag:s19] =	ssyncadd.s32 $0xFFFFF800  }
0x174: {  	_ =	sfence.sel $0x180000  }
0x175: {  	[bflag:$0x0] =	sbarrier.arrive $0xFFFF  }
0x176: {  	_ =	strace $0x9000004D  }
0x177: {  	s0 =	stileid.u32;
	[bflag:$0x2] =	sbarrier.arrive $0xFFFF  }
0x178: {  	p0 =	sne.s32 s0, $0x0;
	s0 =	rddreg [dreg:$0x3]  }
0x179: {  	s0 =	sadd.s32 @!p0 $0x100000, s0  }
0x17a: {  	[sflag:s0] =	ssyncadd.tile.s32 @!p0 $0x1;
	_ =	shalt  }
.Lfunc_end2:
_tile_overlayer_lowered:
.L_overlay_start_2:
0x17b: {  	(tag) =	ssettag $0x2  }
0x17c: {  	s0 =	rddreg [dreg:$0x0];
	s2 =	stileid.u32  }
0x17d: {  	s1 =	rddreg [dreg:$0x1];
	p0 =	sne.s32 s2, $0x0  }
0x17e: {  	s3 =	rddreg [dreg:$0x2];
	[bflag:$0x3] =	sbarrier.arrive $0xFFFF;
	s2 =	simm.s32 @!p0 $0x1C11  }
0x17f: {  	[timem:s3], [sflag:s2] =	dma.local @!p0 [hbm:s0], s1  }
0x180: {  	s0 =	simm.s32 @!p0 $0x11  }
0x181: {  	_ =	swait.ge @!p0 [sflag:s0], s1  }
0x182: {  	s1 =	ssub.s32 @!p0 $0x0, s1;
	[sflag:s0] =	ssyncset.done @!p0 $0x0  }
0x183: {  	[sflag:s0] =	ssyncadd.s32 @!p0 s1  }
0x184: {  	[bflag:$0x3] =	sbarrier.arrive $0xFFFF  }
0x185: {  	_ =	shalt  }

// kernel: kernel.8.cloned.1.call-start
scs
__scs_entry_jumppad:
0x0: {  	(pc) =	sbr.rel $0x88, $3  }
0x1: {  	(tag) =	ssettag $0x0;
	lr =	simm.s32 $0x1  }
0x2: {  	[smem:$0x3F9B] =	sst lr;
	_ =	strace $0xD0000000  }
0x3: {  	_ = 	snop  }
0x4: {  	_ = 	snop  }
0x5: {  	_ = 	snop  }
0x6: {  	_ = 	snop  }
0x7: {  	_ = 	snop  }
__scs_overlays_trampoline_lowered:
0x8: {  	[smem:$0x3FAA] =	sst s0  }
0x9: {  	[smem:$0x3FAB] =	sst s1  }
0xa: {  	[smem:$0x3FAC] =	sst s2  }
0xb: {  	[smem:$0x3FAD] =	sst s3  }
0xc: {  	[smem:$0x3FAE] =	sst s4  }
0xd: {  	[smem:$0x3FAF] =	sst s5  }
0xe: {  	[smem:$0x3FB0] =	sst s6  }
0xf: {  	[smem:$0x3FB1] =	sst s7  }
0x10: {  	[smem:$0x3FB2] =	sst s8  }
0x11: {  	[smem:$0x3FB3] =	sst s9;
	s0 =	simm.s32 @!p0 $0x0  }
0x12: {  	s1 =	sld [smem:$0x3F99];
	s0 =	simm.s32 @p0 $0x1  }
0x13: {  	[smem:$0x3FB4] =	sst s0;
	s0 =	simm.s32 @!p1 $0x0  }
0x14: {  	s2 =	sld [smem:$0x3F98];
	s0 =	simm.s32 @p1 $0x1  }
0x15: {  	[smem:$0x3FB5] =	sst s0;
	s0 =	simm.s32 @!p2 $0x0  }
0x16: {  	s3 =	sld [smem:$0x3FDB];
	s0 =	simm.s32 @p2 $0x1  }
0x17: {  	s4 =	simm.s32 $0x1BF5;
	[smem:$0x3FB7] =	sst s0  }
0x18: {  	s0 =	sld [smem:$0x3F9A];
	_ =	swait.ge [sflag:s4], $0x0  }
0x19: {  	s7 =	sld [smem:$0x3F9B]  }
0x1a: {  	s8 =	sadd.s32 $0xFFFFE003, lr  }
0x1b: {  	s9 =	sadd.s32 $0xFFFFFEF7, lr;
	s5 =	simm.s32 $0xFFFFFFFF;
	p2 =	slt.u32 s8, $0xFFFFF086  }
0x1c: {  	p1 =	slt.u32 s9, $0xF7A;
	s5 =	simm.s32 @!p2 $0x0  }
0x1d: {  	s5 =	simm.s32 @p1 $0x1;
	p0 =	seq.s32 s7, s2  }
0x1e: {  	s7 =	smul.u32 @!p0 $0xF7A, s2;
	p2 =	seq.s32 @!p0 s5, $0x0  }
0x1f: {  	s9 =	smul.u32 $0xF7A, s1;
	s8 =	simm.s32 @!p0 $0x1BF5;
	p2 =	por !p2, p0  }
0x20: {  	[sflag:s8] =	ssyncset.s32 @!p0 $0xFFFFF086;
	s6 =	sadd.s32 @!p0 s3, s7;
	s7 =	simm.s32 @!p0 $0x108  }
0x21: {  	s3 =	sadd.s32 s3, s9;
	s6 =	sadd.s32 @!p0 $0x88, s6;
	s7 =	simm.s32 @p2 $0x1082  }
0x22: {  	[simem:s7], [sflag:s8] =	dma.local @!p0 [hbm:s6], $0xF7A  }
0x23: {  	s9 =	sor.u32 $0xD0000000, s2;
	s6 =	simm.s32 $0x108;
	_ =	swait.ge @!p0 [sflag:s8], $0x0  }
0x24: {  	s3 =	sadd.s32 $0x88, s3;
	s6 =	simm.s32 @!p1 $0x1082;
	[sflag:s4] =	ssyncset.s32 $0xFFFFF086  }
0x25: {  	[simem:s6], [sflag:s4] =	dma.local [hbm:s3], $0xF7A  }
0x26: {  	[smem:$0x3F9B] =	sst s1;
	(tag) =	ssettag s2;
	_ =	strace s9  }
0x27: {  	s1 =	sld [smem:$0x3FAB]  }
0x28: {  	s2 =	sld [smem:$0x3FAC]  }
0x29: {  	s4 =	sld [smem:$0x3FAE]  }
0x2a: {  	p0 =	seq.s32 s5, $0x0;
	s5 =	sld [smem:$0x3FAF]  }
0x2b: {  	s6 =	sld [smem:$0x3FB0]  }
0x2c: {  	s7 =	sld [smem:$0x3FB1]  }
0x2d: {  	s3 =	simm.s32 $0x108;
	s8 =	sld [smem:$0x3FB2]  }
0x2e: {  	s3 =	simm.s32 @!p0 $0x1082;
	s9 =	sld [smem:$0x3FB3]  }
0x2f: {  	lr =	sadd.s32 s0, s3;
	s0 =	sld [smem:$0x3FAA]  }
0x30: {  	s3 =	sld [smem:$0x3FAD]  }
0x31: {  	[smem:$0x3FB6] =	sst s10  }
0x32: {  	s10 =	sld [smem:$0x3FB4];
	_ =	sdelay $0x3  }
0x33: {  	p0 =	seq.s32 s10, $0x1;
	s10 =	sld [smem:$0x3FB6];
	_ =	sdelay $0x3  }
0x34: {  	[smem:$0x3FB6] =	sst s10  }
0x35: {  	s10 =	sld [smem:$0x3FB5];
	_ =	sdelay $0x3  }
0x36: {  	p1 =	seq.s32 s10, $0x1;
	s10 =	sld [smem:$0x3FB6];
	_ =	sdelay $0x3  }
0x37: {  	[smem:$0x3FB6] =	sst s10  }
0x38: {  	s10 =	sld [smem:$0x3FB7]  }
0x39: {  	_ = 	snop;
	(pc) =	sbr.ind lr, $3  }
0x3a: {  	_ = 	snop  }
0x3b: {  	_ = 	snop  }
0x3c: {  	p2 =	seq.s32 s10, $0x1;
	s10 =	sld [smem:$0x3FB6]  }
0x3d: {  	_ =	shalt  }
0x3e: {  	_ =	shalt  }
0x3f: {  	_ =	shalt  }
0x40: {  	_ =	shalt  }
0x41: {  	_ =	shalt  }
0x42: {  	_ =	shalt  }
0x43: {  	_ =	shalt  }
0x44: {  	_ =	shalt  }
0x45: {  	_ =	shalt  }
0x46: {  	_ =	shalt  }
0x47: {  	_ =	shalt  }
0x48: {  	_ =	shalt  }
0x49: {  	_ =	shalt  }
0x4a: {  	_ =	shalt  }
0x4b: {  	_ =	shalt  }
0x4c: {  	_ =	shalt  }
0x4d: {  	_ =	shalt  }
0x4e: {  	_ =	shalt  }
0x4f: {  	_ =	shalt  }
0x50: {  	_ =	shalt  }
0x51: {  	_ =	shalt  }
0x52: {  	_ =	shalt  }
0x53: {  	_ =	shalt  }
0x54: {  	_ =	shalt  }
0x55: {  	_ =	shalt  }
0x56: {  	_ =	shalt  }
0x57: {  	_ =	shalt  }
0x58: {  	_ =	shalt  }
0x59: {  	_ =	shalt  }
0x5a: {  	_ =	shalt  }
0x5b: {  	_ =	shalt  }
0x5c: {  	_ =	shalt  }
0x5d: {  	_ =	shalt  }
0x5e: {  	_ =	shalt  }
0x5f: {  	_ =	shalt  }
0x60: {  	_ =	shalt  }
0x61: {  	_ =	shalt  }
0x62: {  	_ =	shalt  }
0x63: {  	_ =	shalt  }
0x64: {  	_ =	shalt  }
0x65: {  	_ =	shalt  }
0x66: {  	_ =	shalt  }
0x67: {  	_ =	shalt  }
0x68: {  	_ =	shalt  }
0x69: {  	_ =	shalt  }
0x6a: {  	_ =	shalt  }
0x6b: {  	_ =	shalt  }
0x6c: {  	_ =	shalt  }
0x6d: {  	_ =	shalt  }
0x6e: {  	_ =	shalt  }
0x6f: {  	_ =	shalt  }
0x70: {  	_ =	shalt  }
0x71: {  	_ =	shalt  }
0x72: {  	_ =	shalt  }
0x73: {  	_ =	shalt  }
0x74: {  	_ =	shalt  }
0x75: {  	_ =	shalt  }
0x76: {  	_ =	shalt  }
0x77: {  	_ =	shalt  }
0x78: {  	_ =	shalt  }
0x79: {  	_ =	shalt  }
0x7a: {  	_ =	shalt  }
0x7b: {  	_ =	shalt  }
0x7c: {  	_ =	shalt  }
0x7d: {  	_ =	shalt  }
0x7e: {  	_ =	shalt  }
0x7f: {  	_ =	shalt  }
0x80: {  	_ =	shalt  }
0x81: {  	_ =	shalt  }
0x82: {  	_ =	shalt  }
0x83: {  	_ =	shalt  }
0x84: {  	_ =	shalt  }
0x85: {  	_ =	shalt  }
0x86: {  	_ =	shalt  }
0x87: {  	_ =	shalt  }
.Lfunc_end0:
.L_simem_size_0:
called_computation_lowered:
.L_overlay_start_0:
0x88: {  	s2 =	sld [smem:$0x3FD9]  }
0x89: {  	s3 =	sld [smem:$0x3FFE];
	_ =	sdelay $0x1  }
0x8a: {  	s1 =	srdreg.scid  }
0x8b: {  	s0 =	sand.u32 $0x1, s1  }
0x8c: {  	s17 =	sshll.u32 s0, $0xA;
	s2 =	sadd.s32 s3, s2  }
0x8d: {  	s2 =	sadd.s32 s2, s17  }
0x8e: {  	[smem:$0x3FC2] =	sst s2  }
0x8f: {  	_ = 	snop  }
0x90: {  	s2 =	sld [smem:$0x3FD0];
	(tm) =	ssettm $0x1  }
0x91: {  	s18 =	sld [smem:$0x3FFB];
	_ =	sdelay $0x3  }
0x92: {  	_ =	strace s18  }
0x93: {  	s3 =	sld [smem:$0x3FFC];
	_ =	sdelay $0x3  }
0x94: {  	_ =	strace s3  }
0x95: {  	s3 =	sld [smem:$0x3FFD];
	_ =	sdelay $0x3  }
0x96: {  	_ =	strace s3  }
0x97: {  	_ =	strace $0x8FFFFFFF  }
0x98: {  	s19 =	sld [smem:$0x3FDB];
	_ =	sdelay $0x1  }
0x99: {  	s4 =	simm.s32 $_scs_section_size  }
0x9a: {  	s5 =	simm.s32 $_size__tile_overlayer_lowered;
	s6 =	simm.s32 $_tile_overlayer_lowered  }
0x9b: {  	s22 =	simm.s32 $0x1BFF;
	s21 =	sshll.u32 s6, $0x1;
	s3 =	sadd.s32 s4, s19  }
0x9c: {  	s7 =	simm.s32 $0x0;
	s20 =	sshll.u32 s5, $0x1;
	s5 =	sadd.s32 s21, s3  }
0x9d: {  	[timem:s7], [sflag:s22] =	dma.local [hbm:s5], s20  }
0x9e: {  	_ =	swait.ge [sflag:s22], s20  }
0x9f: {  	s4 =	ssub.s32 $0x0, s20;
	[sflag:s22] =	ssyncset.done $0x0  }
0xa0: {  	[sflag:s22] =	ssyncadd.s32 s4;
	_ =	sdelay $0x1  }
0xa1: {  	s23 =	simm.s32 $0x1B8B  }
0xa2: {  	_ =	swait.ge [sflag:s23], $0x1  }
0xa3: {  	[sflag:s23] =	ssyncset.done $0x0  }
0xa4: {  	s25 =	simm.s32 $0x1B8E;
	s24 =	sld [smem:$0x3FFE];
	[sflag:s23] =	ssyncadd.s32 $0xFFFFFFFF  }
0xa5: {  	s26 =	simm.s32 $execute0_lowered;
	[smem:$0x3FD2] =	sst s25  }
0xa6: {  	s5 =	sshll.u32 s26, $0x1;
	_ =	strace $0x80000046;
	[dreg:$0x1] =	wrdreg $0xFFFFFFFF  }
0xa7: {  	s28 =	simm.s32 $_size_execute0_lowered;
	s3 =	sadd.s32 s3, s5;
	[dreg:$0x0] =	wrdreg $0x0  }
0xa8: {  	s5 =	sshll.u32 s28, $0x1;
	[dreg:$0x2] =	wrdreg s3  }
0xa9: {  	[dreg:$0x3] =	wrdreg s5  }
0xaa: {  	[dreg:$0x4] =	wrdreg $0xC0  }
0xab: {  	_ =	task [dreg:s7], $0x5FFFF  }
0xac: {  	[dreg:$0x1] =	wrdreg $0xFFFFFFFF  }
0xad: {  	[dreg:$0x0] =	wrdreg $0x60  }
0xae: {  	[dreg:$0x2] =	wrdreg s24  }
0xaf: {  	[dreg:$0x3] =	wrdreg s2  }
0xb0: {  	[dreg:$0x4] =	wrdreg $0x2B000  }
0xb1: {  	[dreg:$0x5] =	wrdreg $0x9  }
0xb2: {  	_ =	task.clear_ibuf [dreg:s7], $0x6FFFF;
	_ =	strace $0x90000046  }
0xb3: {  	s29 =	simm.s32 $0x9;
	_ =	strace $0x80000048  }
0xb4: {  	_ =	swait.ge [sflag:s29], $0x1  }
0xb5: {  	[sflag:s29] =	ssyncadd.s32 $0xFFFFFFFF  }
0xb6: {  	_ =	strace $0x90000048  }
0xb7: {  	_ =	sfence  }
0xb8: {  	s30 =	sld [smem:$0x0];
	_ =	sdelay $0x2  }
0xb9: {  	s31 =	sshll.u32 s1, $0xD;
	s1 =	sshrl.u32 s1, $0x2  }
0xba: {  	s3 =	sand.u32 $0x4000, s31;
	s1 =	sadd.s32 s1, s30  }
0xbb: {  	s0 =	sor.u32 s3, s0;
	s1 =	sshll.u32 s1, $0x11  }
0xbc: {  	s0 =	sor.u32 s1, s0  }
0xbd: {  	s0 =	sadd.s32 $0x8F2B, s0  }
0xbe: {  	[sflag:s0] =	ssyncadd.remote.s32 $0x1  }
0xbf: {  	_ =	sfence.sel $0xFFFF  }
0xc0: {  	[dreg:$0x0] =	wrdreg $0xFFFFFFFF;
	(pc) =	sbr.abs _section_cstart, $3  }
0xc1: {  	[dreg:$0x1] =	wrdreg $0xFFFFFFFF  }
0xc2: {  	_ =	task.clear_ibuf [dreg:s7], $0x2FFFF;
	_ =	strace $0x9FFFFFFF  }
0xc3: {  	(tm) =	ssettm $0x7FFFFFFF  }
tec
execute0_lowered:
.L_overlay_start_1:
0x0: {  	(tag) =	ssettag $0x1  }
0x1: {  	s5 =	rddreg [dreg:$0x0]  }
0x2: {  	s6 =	rddreg [dreg:$0x1]  }
0x3: {  	s0 =	srdreg.scid;
	s2 =	rddreg [dreg:$0x2];
	s3 =	simm.s32 $0x0  }
0x4: {  	s11 =	simm.s32 $0x2800;
	s12 =	simm.s32 $0x1;
	s13 =	simm.s32 $0x0  }
0x5: {  	s4 =	sand.u32 $0x1, s0;
	s0 =	stileid.u32;
	[smem:$0x7FF] =	sst s3  }
0x6: {  	s1 =	sshll.u32 s4, $0x4;
	s7 =	smul.u32 $0x280, s0;
	s9 =	ssub.s32 $0x2, s4  }
0x7: {  	s4 =	smul.u32 $0x2800, s4;
	s8 =	sor.u32 s0, s1;
	s1 =	rddreg [dreg:$0x3]  }
0x8: {  	_ =	strace $0x80000047;
	s10 =	sshrl.u32 s9, $0x1;
	s8 =	smul.u32 $0x2800, s8  }
0x9: {  	s9 =	ssub.s32 s9, s10;
	s30 =	sadd.s32 s7, s4;
	s4 =	sadd.s32 s7, s2  }
0xa: {  	s10 =	simm.s32 $0x80;
	s31 =	sshrl.u32 s30, $0x3;
	s8 =	sshrl.u32 s8, $0x3  }
0xb: {  	s7 =	smax.u32 s9, $0x1;
	s9 =	simm.s32 $0x2;
	s5 =	sadd.s32 s5, s8  }
0xc: {  	v0 =	vimm.f32 $1.000000000e+00;
	v1 =	vimm.f32 $0.0e+00;
	s6 =	sadd.s32 s6, s31;
	s8 =	simm.s32 $0x2880;
	s5 =	sadd.s32 $0xC000, s5  }
.LBB2_1:
0xd: {  	[tilespmem:$0x2800] =	vst v0  }
0xe: {  	[tilespmem:$0x2810] =	vst v0  }
0xf: {  	[tilespmem:$0x2820] =	vst v0  }
0x10: {  	[tilespmem:$0x2830] =	vst v0  }
0x11: {  	[tilespmem:$0x2840] =	vst v0  }
0x12: {  	[tilespmem:$0x2850] =	vst v0  }
0x13: {  	[tilespmem:$0x2860] =	vst v0  }
0x14: {  	[tilespmem:$0x2870] =	vst v0  }
0x15: {  	[tilespmem:$0x2880] =	vst v1  }
0x16: {  	[tilespmem:$0x2890] =	vst v1  }
0x17: {  	[tilespmem:$0x28A0] =	vst v1  }
0x18: {  	[tilespmem:$0x28B0] =	vst v1  }
0x19: {  	[tilespmem:$0x28C0] =	vst v1  }
0x1a: {  	[tilespmem:$0x28D0] =	vst v1  }
0x1b: {  	[tilespmem:$0x28E0] =	vst v1  }
0x1c: {  	[tilespmem:$0x28F0] =	vst v1  }
0x1d: {  	[tilespmem:$0x2900] =	vst v1  }
0x1e: {  	[tilespmem:$0x2910] =	vst v1  }
0x1f: {  	[tilespmem:$0x2920] =	vst v1  }
0x20: {  	[tilespmem:$0x2930] =	vst v1  }
0x21: {  	[tilespmem:$0x2940] =	vst v1  }
0x22: {  	[tilespmem:$0x2950] =	vst v1  }
0x23: {  	[tilespmem:$0x2960] =	vst v1  }
0x24: {  	[tilespmem:$0x2970] =	vst v1  }
0x25: {  	[tilespmem:$0x2980] =	vst v1  }
0x26: {  	[tilespmem:$0x2990] =	vst v1  }
0x27: {  	[tilespmem:$0x29A0] =	vst v1  }
0x28: {  	[tilespmem:$0x29B0] =	vst v1  }
0x29: {  	[tilespmem:$0x29C0] =	vst v1  }
0x2a: {  	[tilespmem:$0x29D0] =	vst v1  }
0x2b: {  	[tilespmem:$0x29E0] =	vst v1  }
0x2c: {  	[tilespmem:$0x29F0] =	vst v1  }
0x2d: {  	[tilespmem:$0x2A00] =	vst v1  }
0x2e: {  	[tilespmem:$0x2A10] =	vst v1  }
0x2f: {  	[tilespmem:$0x2A20] =	vst v1  }
0x30: {  	[tilespmem:$0x2A30] =	vst v1  }
0x31: {  	[tilespmem:$0x2A40] =	vst v1  }
0x32: {  	[tilespmem:$0x2A50] =	vst v1  }
0x33: {  	[tilespmem:$0x2A60] =	vst v1  }
0x34: {  	[tilespmem:$0x2A70] =	vst v1  }
0x35: {  	[tilespmem:$0x2A80] =	vst v1  }
0x36: {  	[tilespmem:$0x2A90] =	vst v1  }
0x37: {  	[tilespmem:$0x2AA0] =	vst v1  }
0x38: {  	[tilespmem:$0x2AB0] =	vst v1  }
0x39: {  	[tilespmem:$0x2AC0] =	vst v1  }
0x3a: {  	[tilespmem:$0x2AD0] =	vst v1  }
0x3b: {  	[tilespmem:$0x2AE0] =	vst v1  }
0x3c: {  	[tilespmem:$0x2AF0] =	vst v1  }
0x3d: {  	[spmem:s4] =	stream.linear.scatter [tilespmem:s8], [sflag:$0x2], $0x280, $0x38;
	[tilespmem:$0x2D80] =	vst v63  }
0x3e: {  	_ =	swait.ge [sflag:s9], $0x280  }
0x3f: {  	[sflag:s9] =	ssyncset.done $0x0  }
0x40: {  	[sflag:s9] =	ssyncadd.s32 $0xFFFFFD80  }
0x41: {  	[bflag:$0x0] =	sbarrier.arrive $0xFFFF  }
0x42: {  	[tilespmem:s3], [sflag:$0x2] =	stream.linear.gather [hbm4b:s5+s3], $0x2800, $0x38;
	[tilespmem:$0x2D80] =	vst v63  }
0x43: {  	_ =	swait.ge [sflag:s9], $0x2800  }
0x44: {  	p0 =	por $0x1, $0x1;
	[sflag:s9] =	ssyncset.done $0x0  }
0x45: {  	s16 =	simm.s32 @!p0 $0x1;
	[sflag:s9] =	ssyncadd.s32 $0xFFFFD800  }
0x46: {  	[spmem:s2] =	stream.indirect.scatter.add.f32 [tilespmem:s11], [sflag:$0x1], $0x1, s3, s10, $0xb8;
	[tilespmem:$0x2D80] =	vst v63  }
0x47: {  	_ =	swait.ge @!p0 [sflag:s16], $0x80  }
0x48: {  	s14 =	simm.s32 $0x1;
	s15 =	simm.s32 $0x0;
	[sflag:s16] =	ssyncset.done @!p0 $0x0  }
.LBB2_2:
0x49: {  	[sflag:s16] =	ssyncadd.s32 @!p0 $0xFFFFFF80  }
0x4a: {  	s15 =	sadd.s32 $0x80, s15;
	s16 =	smov.u32 s14;
	s14 =	sadd.s32 $0x1, s14  }
0x4b: {  	p1 =	sne.s32 s14, $0x50  }
0x4c: {  	[spmem:s2] =	stream.indirect.scatter.add.f32 [tilespmem:s11], [sflag:$0x1], $0x1, s15, s10, $0xb8;
	[tilespmem:$0x2D80] =	vst v63  }
.Ltmp0:
0x4d: {  	_ = 	snop;
	(pc) =	sbr.rel @p1 .LBB2_2-.Ltmp0, $4  }
0x4e: {  	p0 =	slt.u32 s16, $0x8  }
0x4f: {  	s16 =	simm.s32 @!p0 $0x1  }
0x50: {  	_ =	swait.ge @!p0 [sflag:s16], $0x80  }
0x51: {  	[sflag:s16] =	ssyncset.done @!p0 $0x0  }
0x52: {  	[sflag:s16] =	ssyncadd.s32 @!p0 $0xFFFFFF80  }
0x53: {  	_ =	swait.ge [sflag:s12], $0x80  }
0x54: {  	[sflag:s12] =	ssyncset.done $0x0  }
0x55: {  	[sflag:s12] =	ssyncadd.s32 $0xFFFFFF80  }
0x56: {  	_ =	swait.ge [sflag:s12], $0x80  }
0x57: {  	[sflag:s12] =	ssyncset.done $0x0  }
0x58: {  	[sflag:s12] =	ssyncadd.s32 $0xFFFFFF80  }
0x59: {  	_ =	swait.ge [sflag:s12], $0x80  }
0x5a: {  	[sflag:s12] =	ssyncset.done $0x0  }
0x5b: {  	[sflag:s12] =	ssyncadd.s32 $0xFFFFFF80  }
0x5c: {  	_ =	swait.ge [sflag:s12], $0x80  }
0x5d: {  	[sflag:s12] =	ssyncset.done $0x0  }
0x5e: {  	[sflag:s12] =	ssyncadd.s32 $0xFFFFFF80  }
0x5f: {  	_ =	swait.ge [sflag:s12], $0x80  }
0x60: {  	[sflag:s12] =	ssyncset.done $0x0  }
0x61: {  	[sflag:s12] =	ssyncadd.s32 $0xFFFFFF80  }
0x62: {  	_ =	swait.ge [sflag:s12], $0x80  }
0x63: {  	[sflag:s12] =	ssyncset.done $0x0  }
0x64: {  	[sflag:s12] =	ssyncadd.s32 $0xFFFFFF80  }
0x65: {  	_ =	swait.ge [sflag:s12], $0x80  }
0x66: {  	[sflag:s12] =	ssyncset.done $0x0  }
0x67: {  	[sflag:s12] =	ssyncadd.s32 $0xFFFFFF80  }
0x68: {  	_ =	swait.ge [sflag:s12], $0x80  }
0x69: {  	[sflag:s12] =	ssyncset.done $0x0  }
0x6a: {  	[sflag:s12] =	ssyncadd.s32 $0xFFFFFF80  }
0x6b: {  	[bflag:$0x0] =	sbarrier.arrive $0xFFFF  }
0x6c: {  	[tilespmem:s8], [sflag:$0x2] =	stream.linear.gather [spmem:s4], $0x280, $0x38;
	[tilespmem:$0x2D80] =	vst v63  }
0x6d: {  	s13 =	sadd.s32 $0x1, s13;
	_ =	swait.ge [sflag:s9], $0x280  }
0x6e: {  	p0 =	sne.s32 s13, s7;
	[sflag:s9] =	ssyncset.done $0x0  }
.Ltmp1:
0x6f: {  	[sflag:s9] =	ssyncadd.s32 $0xFFFFFD80;
	(pc) =	sbr.rel @p0 .LBB2_1-.Ltmp1, $4  }
0x70: {  	[hbm4b:s6+s3] =	stream.linear.scatter [tilespmem:s8], [sflag:$0x2], $0x280, $0x38;
	[tilespmem:$0x2D80] =	vst v63  }
0x71: {  	_ =	swait.ge [sflag:s9], $0x280  }
0x72: {  	[sflag:s9] =	ssyncset.done $0x0  }
0x73: {  	[sflag:s9] =	ssyncadd.s32 $0xFFFFFD80  }
0x74: {  	_ =	sfence.sel $0x180000  }
0x75: {  	[bflag:$0x0] =	sbarrier.arrive $0xFFFF  }
0x76: {  	p0 =	sne.s32 s0, $0x0;
	_ =	strace $0x90000047  }
0x77: {  	s0 =	sadd.s32 @!p0 $0x100000, s1;
	[bflag:$0x2] =	sbarrier.arrive $0xFFFF  }
0x78: {  	[sflag:s0] =	ssyncadd.tile.s32 @!p0 $0x1;
	_ =	shalt  }
.Lfunc_end2:
_tile_overlayer_lowered:
.L_overlay_start_2:
0x79: {  	(tag) =	ssettag $0x2  }
0x7a: {  	s0 =	rddreg [dreg:$0x0];
	s2 =	stileid.u32  }
0x7b: {  	s1 =	rddreg [dreg:$0x1];
	p0 =	sne.s32 s2, $0x0  }
0x7c: {  	s3 =	rddreg [dreg:$0x2];
	[bflag:$0x3] =	sbarrier.arrive $0xFFFF;
	s2 =	simm.s32 @!p0 $0x1C02  }
0x7d: {  	[timem:s3], [sflag:s2] =	dma.local @!p0 [hbm:s0], s1  }
0x7e: {  	s0 =	simm.s32 @!p0 $0x2  }
0x7f: {  	_ =	swait.ge @!p0 [sflag:s0], s1  }
0x80: {  	s1 =	ssub.s32 @!p0 $0x0, s1;
	[sflag:s0] =	ssyncset.done @!p0 $0x0  }
0x81: {  	[sflag:s0] =	ssyncadd.s32 @!p0 s1  }
0x82: {  	[bflag:$0x3] =	sbarrier.arrive $0xFFFF  }
0x83: {  	_ =	shalt  }

</sc_bundles>
